<compile_context>
chip_gen: v7x
topology: tpu7x:2x2x1
jax: 0.10.2.dev20260603
libtpu: 0.0.44.dev20260713+nightly
codegen_flags: <defaults>
</compile_context>

<pallas_src>
import functools

import jax
import jax.numpy as jnp
from jax import lax
from jax.experimental import pallas as pl
from jax.experimental.pallas import tpu as pltpu
from jax.experimental.pallas import tpu_sc as plsc

N = 50000
E = 800000
R = 8
D = 64
B = 4096

NC = 2
NS = 16

NP = 52000
RPS = NP // NS
DUMMY = 50100
HD = 32
EPAD = 819200
EPC = EPAD // NS
CH = 2048
NCHUNK = EPC // CH
CHD = 1024
EPCD = EPAD // (NC * NS)
NCHD = EPCD // CHD
BN = 2000
BQ = 512

_SC_PARAMS = pltpu.CompilerParams(use_tc_tiling_on_sc=False)


def _mesh():
    return plsc.VectorSubcoreMesh(core_axis_name="c", subcore_axis_name="s",
                                  num_cores=NC, num_subcores=NS)


def _deg_sc(dst_p):
    @functools.partial(
        pl.kernel,
        out_type=jax.ShapeDtypeStruct((2 * NP, 128), jnp.float32),
        mesh=_mesh(),
        compiler_params=_SC_PARAMS,
        scratch_types=[
            pltpu.VMEM_SHARED((NP, 16), jnp.float32),
            pltpu.VMEM((CHD,), jnp.int32),
            pltpu.VMEM((8, 128), jnp.int32),
            pltpu.VMEM((128, 16), jnp.float32),
            pltpu.VMEM((130, 16), jnp.float32),
        ],
    )
    def k(dst_hbm, deg_hbm, sdeg, dstb, locb, onesb, zb):
        cid = lax.axis_index("c")
        sid = lax.axis_index("s")
        ii = lax.iota(jnp.int32, 16)
        onerow = jnp.where(ii == 0, 1.0, 0.0).astype(jnp.float32)
        zrow = jnp.zeros((16,), jnp.float32)

        @pl.loop(0, 130)
        def _(i):
            zb[i, pl.ds(0, 16)] = zrow

        @pl.loop(0, 128)
        def _(i):
            onesb[i, pl.ds(0, 16)] = onerow

        @pl.loop(0, 25)
        def _(t):
            pltpu.sync_copy(zb, sdeg.at[pl.ds(sid * RPS + t * 130, 130)])

        plsc.subcore_barrier()

        ebase = (cid * NS + sid) * EPCD

        @pl.loop(0, NCHD)
        def _(t):
            pltpu.sync_copy(dst_hbm.at[pl.ds(ebase + t * CHD, CHD)], dstb)

            @pl.loop(0, 8)
            def _(j):
                @pl.loop(0, 8)
                def _(v):
                    dd = dstb[pl.ds(j * 128 + v * 16, 16)]
                    locb[j, pl.ds(v * 16, 16)] = jnp.minimum(dd, DUMMY)

            @pl.loop(0, 8)
            def _(j):
                pltpu.sync_copy(onesb, sdeg.at[locb.at[j]], add=True)

        plsc.subcore_barrier()
        pltpu.sync_copy(sdeg.at[pl.ds(sid * RPS, RPS)],
                        deg_hbm.at[pl.ds(cid * NP + sid * RPS, RPS),
                                   pl.ds(0, 16)])

    return k(dst_p)


def _agg_sc(ytab16, eidx_p):
    NB = CH // 128

    @functools.partial(
        pl.kernel,
        out_type=jax.ShapeDtypeStruct((2 * NP, 128), jnp.float32),
        mesh=_mesh(),
        compiler_params=_SC_PARAMS,
        scratch_types=[
            pltpu.VMEM_SHARED((NP, HD), jnp.float32),
            pltpu.VMEM((3 * CH,), jnp.int32),
            pltpu.VMEM((16, 128), jnp.int32),
            pltpu.VMEM((16, 128), jnp.int32),
            pltpu.VMEM((128, HD), jnp.float32),
            pltpu.VMEM((128, HD), jnp.float32),
            pltpu.VMEM((128, HD), jnp.float32),
            pltpu.SemaphoreType.DMA,
            pltpu.SemaphoreType.DMA,
            pltpu.SemaphoreType.DMA,
            pltpu.SemaphoreType.DMA,
            pltpu.SemaphoreType.DMA,
            pltpu.SemaphoreType.DMA,
        ],
    )
    def k(ytab_hbm, eid_hbm, agg_hbm,
          sagg, eidb, gidx, locb, rowb0, rowb1, rowb2,
          gsem0, gsem1, gsem2, ssem0, ssem1, ssem2):
        cid = lax.axis_index("c")
        sid = lax.axis_index("s")
        zrow = jnp.zeros((16,), jnp.float32)

        @pl.loop(0, 128)
        def _(i):
            @pl.loop(0, HD // 16)
            def _(j):
                rowb0[i, pl.ds(j * 16, 16)] = zrow

        @pl.loop(0, 26)
        def _(t):
            pltpu.sync_copy(rowb0.at[pl.ds(0, 125)],
                            sagg.at[pl.ds(sid * RPS + t * 125, 125)])

        plsc.subcore_barrier()

        @pl.loop(0, NCHUNK)
        def _(t):
            pltpu.sync_copy(
                eid_hbm.at[pl.ds((sid * NCHUNK + t) * 3 * CH, 3 * CH)], eidb)

            @pl.loop(0, 16)
            def _(j):
                @pl.loop(0, 8)
                def _(v):
                    s = eidb[pl.ds(j * 128 + v * 16, 16)]
                    dd = eidb[pl.ds(CH + j * 128 + v * 16, 16)]
                    ty = eidb[pl.ds(2 * CH + j * 128 + v * 16, 16)]
                    u = ty * 2 + cid
                    gidx[j, pl.ds(v * 16, 16)] = (
                        (u >> 2) * (4 * N) + s * 4 + (u & 3))
                    locb[j, pl.ds(v * 16, 16)] = jnp.minimum(dd, DUMMY)

            rbufs = (rowb0, rowb1, rowb2)
            gsems = (gsem0, gsem1, gsem2)
            ssems = (ssem0, ssem1, ssem2)
            gdesc = [None, None, None]
            sdesc = [None, None, None]
            for p in range(2):
                gdesc[p] = pltpu.async_copy(ytab_hbm.at[gidx.at[p]],
                                            rbufs[p], gsems[p])
            for j in range(NB):
                b = j % 3
                gdesc[b].wait()
                sdesc[b] = pltpu.async_copy(rbufs[b], sagg.at[locb.at[j]],
                                            ssems[b], add=True)
                nj = j + 2
                if nj < NB:
                    nb = nj % 3
                    if sdesc[nb] is not None:
                        sdesc[nb].wait()
                        sdesc[nb] = None
                    gdesc[nb] = pltpu.async_copy(ytab_hbm.at[gidx.at[nj]],
                                                 rbufs[nb], gsems[nb])
            for b in range(3):
                if sdesc[b] is not None:
                    sdesc[b].wait()

        plsc.subcore_barrier()
        pltpu.sync_copy(sagg.at[pl.ds(sid * RPS, RPS)],
                        agg_hbm.at[pl.ds(cid * NP + sid * RPS, RPS),
                                   pl.ds(0, HD)])

    return k(ytab16, eidx_p)


def _zgather_sc(x, heads, tails):
    rows = B // (NC * NS)

    @functools.partial(
        pl.kernel,
        out_type=(jax.ShapeDtypeStruct((B, 128), jnp.float32),
                  jax.ShapeDtypeStruct((B, 128), jnp.float32)),
        mesh=_mesh(),
        compiler_params=_SC_PARAMS,
        scratch_types=[
            pltpu.VMEM((rows,), jnp.int32),
            pltpu.VMEM((rows, 128), jnp.float32),
            pltpu.SemaphoreType.DMA,
        ],
    )
    def k(x_hbm, h_hbm, t_hbm, zh_hbm, zt_hbm, idxb, rowb, sem):
        cid = lax.axis_index("c")
        sid = lax.axis_index("s")
        wid = sid * NC + cid
        off = wid * rows
        pltpu.sync_copy(h_hbm.at[pl.ds(off, rows)], idxb)
        pltpu.async_copy(x_hbm.at[idxb], rowb, sem).wait()
        pltpu.sync_copy(rowb, zh_hbm.at[pl.ds(off, rows)])
        pltpu.sync_copy(t_hbm.at[pl.ds(off, rows)], idxb)
        pltpu.async_copy(x_hbm.at[idxb], rowb, sem).wait()
        pltpu.sync_copy(rowb, zt_hbm.at[pl.ds(off, rows)])

    return k(x, heads, tails)


def _ytab_write(x, wc_ref, sw_ref, sb_ref, y_ref, self_ref):
    for q in range(4):
        y_ref[q] = jnp.dot(x, wc_ref[:, 128 * q:128 * (q + 1)],
                           preferred_element_type=jnp.float32)
    self_ref[...] = jnp.dot(x, sw_ref[...],
                            preferred_element_type=jnp.float32) + sb_ref[...]


def _l1_body(nf_ref, wi_ref, bi_ref, wc_ref, sw_ref, sb_ref, y_ref, self_ref):
    nf = nf_ref[...]
    acc = bi_ref[...]
    for kk in range(4):
        acc = acc + nf[:, kk:kk + 1] * wi_ref[kk:kk + 1, :]
    x = jnp.maximum(acc, 0.0)
    _ytab_write(x, wc_ref, sw_ref, sb_ref, y_ref, self_ref)


def _l1_tc(node_feat, W_in, b_in, wcat, sl_w, sl_b):
    return pl.pallas_call(
        _l1_body,
        grid=(N // BN,),
        in_specs=[
            pl.BlockSpec((BN, 4), lambda i: (i, 0)),
            pl.BlockSpec((4, D), lambda i: (0, 0)),
            pl.BlockSpec((1, D), lambda i: (0, 0)),
            pl.BlockSpec((D, R * D), lambda i: (0, 0)),
            pl.BlockSpec((D, D), lambda i: (0, 0)),
            pl.BlockSpec((1, D), lambda i: (0, 0)),
        ],
        out_specs=[
            pl.BlockSpec((4, BN, 128), lambda i: (0, i, 0)),
            pl.BlockSpec((BN, D), lambda i: (i, 0)),
        ],
        out_shape=[
            jax.ShapeDtypeStruct((4, N, 128), jnp.float32),
            jax.ShapeDtypeStruct((N, D), jnp.float32),
        ],
    )(node_feat, W_in, b_in.reshape(1, D), wcat, sl_w, sl_b.reshape(1, D))


def _comb(self_ref, a0_ref, a1_ref, d0_ref, d1_ref):
    deg = d0_ref[:, 0:1] + d1_ref[:, 0:1]
    inv = 1.0 / jnp.maximum(deg, 1.0)
    agg = jnp.concatenate([a0_ref[:, 0:HD], a1_ref[:, 0:HD]], axis=1)
    return jnp.maximum(self_ref[...] + agg * inv, 0.0)


def _l2_body(self_ref, a0_ref, a1_ref, d0_ref, d1_ref, wc_ref, sw_ref, sb_ref,
             y_ref, self2_ref):
    x = _comb(self_ref, a0_ref, a1_ref, d0_ref, d1_ref)
    _ytab_write(x, wc_ref, sw_ref, sb_ref, y_ref, self2_ref)


def _agg_specs():
    return [
        pl.BlockSpec((BN, D), lambda i: (i, 0)),
        pl.BlockSpec((BN, 128), lambda i: (i, 0)),
        pl.BlockSpec((BN, 128), lambda i: (i + NP // BN, 0)),
        pl.BlockSpec((BN, 128), lambda i: (i, 0)),
        pl.BlockSpec((BN, 128), lambda i: (i + NP // BN, 0)),
    ]


def _l2_tc(self_x, agg, degp, wcat, sl_w, sl_b):
    return pl.pallas_call(
        _l2_body,
        grid=(N // BN,),
        in_specs=_agg_specs() + [
            pl.BlockSpec((D, R * D), lambda i: (0, 0)),
            pl.BlockSpec((D, D), lambda i: (0, 0)),
            pl.BlockSpec((1, D), lambda i: (0, 0)),
        ],
        out_specs=[
            pl.BlockSpec((4, BN, 128), lambda i: (0, i, 0)),
            pl.BlockSpec((BN, D), lambda i: (i, 0)),
        ],
        out_shape=[
            jax.ShapeDtypeStruct((4, N, 128), jnp.float32),
            jax.ShapeDtypeStruct((N, D), jnp.float32),
        ],
    )(self_x, agg, agg, degp, degp, wcat, sl_w, sl_b.reshape(1, D))


def _comb2_body(self_ref, a0_ref, a1_ref, d0_ref, d1_ref, o_ref):
    x = _comb(self_ref, a0_ref, a1_ref, d0_ref, d1_ref)
    o_ref[...] = jnp.concatenate(
        [x, jnp.zeros((BN, 128 - D), jnp.float32)], axis=1)


def _comb2_tc(self_x, agg, degp):
    return pl.pallas_call(
        _comb2_body,
        grid=(N // BN,),
        in_specs=_agg_specs(),
        out_specs=pl.BlockSpec((BN, 128), lambda i: (i, 0)),
        out_shape=jax.ShapeDtypeStruct((N, 128), jnp.float32),
    )(self_x, agg, agg, degp, degp)


def _scorer_body(zh_ref, zt_ref, rels_ref, re_ref, w1_ref, b1_ref, w2_ref,
                 b2_ref, o_ref):
    r = rels_ref[0, 0, :]
    oh = (lax.broadcasted_iota(jnp.int32, (BQ, R), 1) == r[:, None])
    re = jnp.dot(oh.astype(jnp.float32), re_ref[...],
                 preferred_element_type=jnp.float32)
    w1 = w1_ref[...]
    h = (jnp.dot(zh_ref[:, 0:D], w1[0:D], preferred_element_type=jnp.float32)
         + jnp.dot(zt_ref[:, 0:D], w1[D:2 * D],
                   preferred_element_type=jnp.float32)
         + jnp.dot(re, w1[2 * D:3 * D], preferred_element_type=jnp.float32)
         + b1_ref[...])
    h = jnp.maximum(h, 0.0)
    s = jnp.sum(h * w2_ref[...], axis=1, keepdims=True) + b2_ref[...]
    o_ref[...] = s


def _scorer_tc(zh, zt, rels3, rel_emb, sc_w1, sc_b1, w2row, sc_b2):
    return pl.pallas_call(
        _scorer_body,
        grid=(B // BQ,),
        in_specs=[
            pl.BlockSpec((BQ, 128), lambda i: (i, 0)),
            pl.BlockSpec((BQ, 128), lambda i: (i, 0)),
            pl.BlockSpec((1, 1, BQ), lambda i: (i, 0, 0)),
            pl.BlockSpec((R, D), lambda i: (0, 0)),
            pl.BlockSpec((3 * D, D), lambda i: (0, 0)),
            pl.BlockSpec((1, D), lambda i: (0, 0)),
            pl.BlockSpec((1, D), lambda i: (0, 0)),
            pl.BlockSpec((1, 1), lambda i: (0, 0)),
        ],
        out_specs=pl.BlockSpec((BQ, 1), lambda i: (i, 0)),
        out_shape=jax.ShapeDtypeStruct((B, 1), jnp.float32),
    )(zh, zt, rels3, rel_emb, sc_w1, sc_b1, w2row, sc_b2)


def kernel(node_feat, edge_index, edge_type, heads, rels, tails,
           W_in, b_in, rel_w0, sl_w0, sl_b0, rel_w1, sl_w1, sl_b1,
           rel_emb, sc_w1, sc_b1, sc_w2, sc_b2):
    src = edge_index[0]
    dst = edge_index[1]
    zpad = jnp.zeros((EPAD - E,), jnp.int32)
    src_p = jnp.concatenate([src, zpad])
    typ_p = jnp.concatenate([edge_type, zpad])
    dst_p = jnp.concatenate([dst, jnp.full((EPAD - E,), 2 * N, jnp.int32)])
    eidx_p = (jnp.stack([src_p, dst_p, typ_p])
              .reshape(3, NS, NCHUNK, CH)
              .transpose(1, 2, 0, 3)
              .reshape(3 * EPAD))

    wcat0 = rel_w0.transpose(1, 0, 2).reshape(D, R * D)
    wcat1 = rel_w1.transpose(1, 0, 2).reshape(D, R * D)

    degp = _deg_sc(dst_p)
    eidx_a = eidx_p + (0.0 * degp[0, 0]).astype(jnp.int32)

    y1, self1 = _l1_tc(node_feat, W_in, b_in, wcat0, sl_w0, sl_b0)
    agg1 = _agg_sc(y1.reshape(16 * N, HD), eidx_a)
    y2, self2 = _l2_tc(self1, agg1, degp, wcat1, sl_w1, sl_b1)
    agg2 = _agg_sc(y2.reshape(16 * N, HD), eidx_p)
    x3 = _comb2_tc(self2, agg2, degp)

    zh, zt = _zgather_sc(x3, heads, tails)
    score = _scorer_tc(zh, zt, rels.reshape(B // BQ, 1, BQ), rel_emb,
                       sc_w1, sc_b1.reshape(1, D), sc_w2.reshape(1, D),
                       sc_b2.reshape(1, 1))
    return score.reshape(B)

# --- scband reference (transcript-rebuilt; emitter-appended) ---
"""Pipeline reference for scband-gra-ilstyle-model-43928925504177 (READ-ONLY COPY).

The authoritative reference and input builder live on the scoring server;
editing this copy changes nothing except your own understanding.
"""

import jax, jax.numpy as jnp
import numpy as np

N = 50000
E = 800000
R = 8
D = 64
FEAT = 4
B = 4096


def setup_inputs(seed: int = 0) -> dict:
    key = jax.random.key(seed)
    ks = jax.random.split(key, 20)
    inp = {}
    inp["node_feat"] = jax.random.normal(ks[0], (N, FEAT), dtype=jnp.float32)
    inp["edge_index"] = jax.random.randint(ks[1], (2, E), 0, N, dtype=jnp.int32)
    inp["edge_type"] = jax.random.randint(ks[2], (E,), 0, R, dtype=jnp.int32)
    inp["heads"] = jax.random.randint(ks[3], (B,), 0, N, dtype=jnp.int32)
    inp["rels"] = jax.random.randint(ks[4], (B,), 0, R, dtype=jnp.int32)
    inp["tails"] = jax.random.randint(ks[5], (B,), 0, N, dtype=jnp.int32)
    # learned parameters (xavier-ish scale)
    inp["W_in"] = jax.random.normal(ks[6], (FEAT, D), dtype=jnp.float32) * 0.5
    inp["b_in"] = jnp.zeros((D,), dtype=jnp.float32)
    inp["rel_w0"] = jax.random.normal(ks[7], (R, D, D), dtype=jnp.float32) * 0.12
    inp["sl_w0"] = jax.random.normal(ks[8], (D, D), dtype=jnp.float32) * 0.12
    inp["sl_b0"] = jnp.zeros((D,), dtype=jnp.float32)
    inp["rel_w1"] = jax.random.normal(ks[9], (R, D, D), dtype=jnp.float32) * 0.12
    inp["sl_w1"] = jax.random.normal(ks[10], (D, D), dtype=jnp.float32) * 0.12
    inp["sl_b1"] = jnp.zeros((D,), dtype=jnp.float32)
    inp["rel_emb"] = jax.random.normal(ks[11], (R, D), dtype=jnp.float32) * 0.3
    inp["sc_w1"] = jax.random.normal(ks[12], (3 * D, D), dtype=jnp.float32) * 0.1
    inp["sc_b1"] = jnp.zeros((D,), dtype=jnp.float32)
    inp["sc_w2"] = jax.random.normal(ks[13], (D, 1), dtype=jnp.float32) * 0.15
    inp["sc_b2"] = jnp.zeros((1,), dtype=jnp.float32)
    return inp


def reference(node_feat, edge_index, edge_type, heads, rels, tails,
              W_in, b_in, rel_w0, sl_w0, sl_b0, rel_w1, sl_w1, sl_b1,
              rel_emb, sc_w1, sc_b1, sc_w2, sc_b2):
    src_all = edge_index[0]
    dst_all = edge_index[1]

    def conv(x, rel_w, sl_w, sl_b):
        out = x @ sl_w + sl_b
        agg = jnp.zeros((N, D), dtype=x.dtype)
        xs = x[src_all]
        for r in range(R):
            m = (edge_type == r).astype(x.dtype)[:, None]
            msg = (xs * m) @ rel_w[r]
            agg = agg.at[dst_all].add(msg)
        deg = jnp.zeros((N,), dtype=x.dtype).at[dst_all].add(1.0)
        deg = jnp.clip(deg, 1.0)[:, None]
        return jax.nn.relu(out + agg / deg)

    x = jax.nn.relu(node_feat @ W_in + b_in)
    x = conv(x, rel_w0, sl_w0, sl_b0)
    x = conv(x, rel_w1, sl_w1, sl_b1)
    # global2local is the identity mapping: heads/tails already local indices
    z_h = x[heads]
    z_t = x[tails]
    r_e = rel_emb[rels]
    combined = jnp.concatenate([z_h, z_t, r_e], axis=-1)
    h = jax.nn.relu(combined @ sc_w1 + sc_b1)
    # dropout is identity at inference
    score = (h @ sc_w2 + sc_b2).squeeze(-1)
    return score

if __name__ == "__main__":
    import jax
    _d = setup_inputs()
    print(jax.jit(kernel)(*tuple(_d.values())))

</pallas_src>

<mosaic_0001>
#map = affine_map<(d0, d1) -> (0)>
#map1 = affine_map<(d0, d1) -> (0, 0)>
module attributes {stable_mosaic.version = 14 : i64} {
  func.func @k(%arg0: i32, %arg1: i32, %arg2: memref<819200xi32, #tpu.memory_space<hbm>>, %arg3: memref<104000x128xf32, #tpu.memory_space<hbm>>, %arg4: memref<52000x16xf32, #tpu.memory_space<vmem_shared>>, %arg5: memref<1024xi32, #tpu.memory_space<vmem>>, %arg6: memref<8x128xi32, #tpu.memory_space<vmem>>, %arg7: memref<128x16xf32, #tpu.memory_space<vmem>>, %arg8: memref<130x16xf32, #tpu.memory_space<vmem>>) attributes {dimension_semantics = [#tpu.dimension_semantics<core_parallel>, #tpu.dimension_semantics<subcore_parallel>], iteration_bounds = array<i64: 2, 16>, scalar_prefetch = 0 : i64, scratch_operands = 5 : i64, tpu.core_type = #tpu.core_type<sc_vector_subcore>, window_params = [{transform_indices = #map}, {transform_indices = #map1}]} {
    %iota3A = tpu.iota {dimensions = array<i32: 0>} : vector<16xi32>
    %eq3A = arith.constant 0 : i32
    %eq3A_0 = vector.broadcast %eq3A : i32 to vector<16xi32>
    %eq3A_1 = arith.cmpi eq, %iota3A, %eq3A_0 : vector<16xi32>
    %jit3A = arith.constant 1.000000e+00 : f32
    %jit3A_2 = arith.constant 0.000000e+00 : f32
    %broadcast_in_dim3A = vector.broadcast %jit3A : f32 to vector<16xf32>
    %broadcast_in_dim3A_3 = vector.broadcast %jit3A_2 : f32 to vector<16xf32>
    %select_n3A = arith.select %eq3A_1, %broadcast_in_dim3A, %broadcast_in_dim3A_3 : vector<16xi1>, vector<16xf32>
    %broadcast_in_dim3A_4 = arith.constant 0.000000e+00 : f32
    %broadcast_in_dim3A_5 = vector.broadcast %broadcast_in_dim3A_4 : f32 to vector<16xf32>
    %scan3A = arith.constant 0 : i32
    %scan3A_6 = arith.constant 130 : i32
    %scan3A_7 = arith.addi %scan3A, %scan3A_6 : i32
    %scan3A_8 = arith.constant 1 : i32
    scf.for %scan3A_36 = %scan3A to %scan3A_7 step %scan3A_8  : i32 {
      %mul3A_37 = arith.constant 1 : i32
      %mul3A_38 = arith.muli %scan3A_36, %mul3A_37 : i32
      %add3A_39 = arith.constant 0 : i32
      %add3A_40 = arith.addi %add3A_39, %mul3A_38 : i32
      %swap3A = arith.index_cast %add3A_40 : i32 to index
      %swap3A_41 = arith.constant 0 : index
      %swap3A_42 = tpu.vector_load %arg8[%swap3A, %swap3A_41] {strides = array<i32>} : memref<130x16xf32, #tpu.memory_space<vmem>>, vector<1x16xf32>,
      %swap3A_43 = vector.shape_cast %swap3A_42 : vector<1x16xf32> to vector<16xf32>
      %swap3A_44 = vector.shape_cast %broadcast_in_dim3A_5 : vector<16xf32> to vector<1x16xf32>
      tpu.vector_store %arg8[%swap3A, %swap3A_41], %swap3A_44 {strides = array<i32>} : memref<130x16xf32, #tpu.memory_space<vmem>>, vector<1x16xf32>,
    }
    %scan3A_9 = arith.constant 130 : i32
    %scan3A_10 = arith.constant 0 : i32
    %scan3A_11 = arith.constant 128 : i32
    %scan3A_12 = arith.addi %scan3A_10, %scan3A_11 : i32
    %scan3A_13 = arith.constant 1 : i32
    scf.for %scan3A_36 = %scan3A_10 to %scan3A_12 step %scan3A_13  : i32 {
      %mul3A_37 = arith.constant 1 : i32
      %mul3A_38 = arith.muli %scan3A_36, %mul3A_37 : i32
      %add3A_39 = arith.constant 0 : i32
      %add3A_40 = arith.addi %add3A_39, %mul3A_38 : i32
      %swap3A = arith.index_cast %add3A_40 : i32 to index
      %swap3A_41 = arith.constant 0 : index
      %swap3A_42 = tpu.vector_load %arg7[%swap3A, %swap3A_41] {strides = array<i32>} : memref<128x16xf32, #tpu.memory_space<vmem>>, vector<1x16xf32>,
      %swap3A_43 = vector.shape_cast %swap3A_42 : vector<1x16xf32> to vector<16xf32>
      %swap3A_44 = vector.shape_cast %select_n3A : vector<16xf32> to vector<1x16xf32>
      tpu.vector_store %arg7[%swap3A, %swap3A_41], %swap3A_44 {strides = array<i32>} : memref<128x16xf32, #tpu.memory_space<vmem>>, vector<1x16xf32>,
    }
    %scan3A_14 = arith.constant 128 : i32
    %scan3A_15 = arith.constant 0 : i32
    %scan3A_16 = arith.constant 25 : i32
    %scan3A_17 = arith.addi %scan3A_15, %scan3A_16 : i32
    %scan3A_18 = arith.constant 1 : i32
    scf.for %scan3A_36 = %scan3A_15 to %scan3A_17 step %scan3A_18  : i32 {
      %mul3A_37 = arith.constant 1 : i32
      %mul3A_38 = arith.muli %scan3A_36, %mul3A_37 : i32
      %add3A_39 = arith.constant 0 : i32
      %add3A_40 = arith.addi %add3A_39, %mul3A_38 : i32
      %mul3A_41 = arith.constant 3250 : i32
      %mul3A_42 = arith.muli %arg1, %mul3A_41 : i32
      %mul3A_43 = arith.constant 130 : i32
      %mul3A_44 = arith.muli %add3A_40, %mul3A_43 : i32
      %add3A_45 = arith.addi %mul3A_42, %mul3A_44 : i32
      "tpu.region"() ({
        %run_scoped3A = tpu.sem_alloc : memref<!tpu.dma_semaphore, #tpu.memory_space<semaphore_mem>>
        %dma_start3A = arith.constant 0 : i32
        %dma_start3A_46 = tpu.memref_slice %arg4[%add3A_45, %dma_start3A] : memref<52000x16xf32, #tpu.memory_space<vmem_shared>> -> memref<130x16xf32, #tpu.memory_space<vmem_shared>>
        %dma_start3A_47 = arith.constant 0 : i32
        %dma_start3A_48 = tpu.memref_slice %arg4[%add3A_45, %dma_start3A_47] : memref<52000x16xf32, #tpu.memory_space<vmem_shared>> -> memref<130x16xf32, #tpu.memory_space<vmem_shared>>
        tpu.enqueue_dma source(%arg8 : memref<130x16xf32, #tpu.memory_space<vmem>>) target(%dma_start3A_48 : memref<130x16xf32, #tpu.memory_space<vmem_shared>>) target_semaphore(%run_scoped3A : memref<!tpu.dma_semaphore, #tpu.memory_space<semaphore_mem>>)
        %dma_wait3A = arith.constant 0 : i32
        %dma_wait3A_49 = tpu.memref_slice %arg4[%add3A_45, %dma_wait3A] : memref<52000x16xf32, #tpu.memory_space<vmem_shared>> -> memref<130x16xf32, #tpu.memory_space<vmem_shared>>
        %dma_wait3A_50 = arith.constant 0 : i32
        %dma_wait3A_51 = tpu.memref_slice %arg4[%add3A_45, %dma_wait3A_50] : memref<52000x16xf32, #tpu.memory_space<vmem_shared>> -> memref<130x16xf32, #tpu.memory_space<vmem_shared>>
        tpu.wait_dma2 semaphore(%run_scoped3A : memref<!tpu.dma_semaphore, #tpu.memory_space<semaphore_mem>>) src(%arg8 : memref<130x16xf32, #tpu.memory_space<vmem>>) dst(%dma_wait3A_51 : memref<130x16xf32, #tpu.memory_space<vmem_shared>>)
        tpu.yield
      }) : () -> ()
    }
    %scan3A_19 = arith.constant 25 : i32
    %barrier3A = arith.constant 0 : index
    tpu.barrier barrier_id(%barrier3A)
    %mul3A = arith.constant 16 : i32
    %mul3A_20 = arith.muli %arg0, %mul3A : i32
    %add3A = arith.addi %mul3A_20, %arg1 : i32
    %mul3A_21 = arith.constant 25600 : i32
    %mul3A_22 = arith.muli %add3A, %mul3A_21 : i32
    %scan3A_23 = arith.constant 0 : i32
    %scan3A_24 = arith.constant 25 : i32
    %scan3A_25 = arith.addi %scan3A_23, %scan3A_24 : i32
    %scan3A_26 = arith.constant 1 : i32
    scf.for %scan3A_36 = %scan3A_23 to %scan3A_25 step %scan3A_26  : i32 {
      %mul3A_37 = arith.constant 1 : i32
      %mul3A_38 = arith.muli %scan3A_36, %mul3A_37 : i32
      %add3A_39 = arith.constant 0 : i32
      %add3A_40 = arith.addi %add3A_39, %mul3A_38 : i32
      %mul3A_41 = arith.constant 1024 : i32
      %mul3A_42 = arith.muli %add3A_40, %mul3A_41 : i32
      %add3A_43 = arith.addi %mul3A_22, %mul3A_42 : i32
      "tpu.region"() ({
        %run_scoped3A = tpu.sem_alloc : memref<!tpu.dma_semaphore, #tpu.memory_space<semaphore_mem>>
        %dma_start3A = tpu.memref_slice %arg2[%add3A_43] : memref<819200xi32, #tpu.memory_space<hbm>> -> memref<1024xi32, #tpu.memory_space<hbm>>
        %dma_start3A_54 = tpu.memref_slice %arg2[%add3A_43] : memref<819200xi32, #tpu.memory_space<hbm>> -> memref<1024xi32, #tpu.memory_space<hbm>>
        tpu.enqueue_dma source(%dma_start3A_54 : memref<1024xi32, #tpu.memory_space<hbm>>) target(%arg5 : memref<1024xi32, #tpu.memory_space<vmem>>) target_semaphore(%run_scoped3A : memref<!tpu.dma_semaphore, #tpu.memory_space<semaphore_mem>>)
        %dma_wait3A = tpu.memref_slice %arg2[%add3A_43] : memref<819200xi32, #tpu.memory_space<hbm>> -> memref<1024xi32, #tpu.memory_space<hbm>>
        %dma_wait3A_55 = tpu.memref_slice %arg2[%add3A_43] : memref<819200xi32, #tpu.memory_space<hbm>> -> memref<1024xi32, #tpu.memory_space<hbm>>
        tpu.wait_dma2 semaphore(%run_scoped3A : memref<!tpu.dma_semaphore, #tpu.memory_space<semaphore_mem>>) src(%dma_wait3A_55 : memref<1024xi32, #tpu.memory_space<hbm>>) dst(%arg5 : memref<1024xi32, #tpu.memory_space<vmem>>)
        tpu.yield
      }) : () -> ()
      %scan3A_44 = arith.constant 0 : i32
      %scan3A_45 = arith.constant 8 : i32
      %scan3A_46 = arith.addi %scan3A_44, %scan3A_45 : i32
      %scan3A_47 = arith.constant 1 : i32
      scf.for %scan3A_54 = %scan3A_44 to %scan3A_46 step %scan3A_47  : i32 {
        %mul3A_55 = arith.constant 1 : i32
        %mul3A_56 = arith.muli %scan3A_54, %mul3A_55 : i32
        %add3A_57 = arith.constant 0 : i32
        %add3A_58 = arith.addi %add3A_57, %mul3A_56 : i32
        %scan3A_59 = arith.constant 0 : i32
        %scan3A_60 = arith.constant 8 : i32
        %scan3A_61 = arith.addi %scan3A_59, %scan3A_60 : i32
        %scan3A_62 = arith.constant 1 : i32
        scf.for %scan3A_64 = %scan3A_59 to %scan3A_61 step %scan3A_62  : i32 {
          %mul3A_65 = arith.constant 1 : i32
          %mul3A_66 = arith.muli %scan3A_64, %mul3A_65 : i32
          %add3A_67 = arith.constant 0 : i32
          %add3A_68 = arith.addi %add3A_67, %mul3A_66 : i32
          %mul3A_69 = arith.constant 128 : i32
          %mul3A_70 = arith.muli %add3A_58, %mul3A_69 : i32
          %mul3A_71 = arith.constant 16 : i32
          %mul3A_72 = arith.muli %add3A_68, %mul3A_71 : i32
          %add3A_73 = arith.addi %mul3A_70, %mul3A_72 : i32
          %get3A = arith.index_cast %add3A_73 : i32 to index
          %get3A_74 = tpu.vector_load %arg5[%get3A] {strides = array<i32>} : memref<1024xi32, #tpu.memory_space<vmem>>, vector<16xi32>,
          %get3A_75 = vector.shape_cast %get3A_74 : vector<16xi32> to vector<16xi32>
          %min3A = arith.constant 50100 : i32
          %min3A_76 = vector.broadcast %min3A : i32 to vector<16xi32>
          %min3A_77 = arith.minsi %get3A_75, %min3A_76 : vector<16xi32>
          %mul3A_78 = arith.constant 16 : i32
          %mul3A_79 = arith.muli %add3A_68, %mul3A_78 : i32
          %swap3A = arith.index_cast %add3A_58 : i32 to index
          %swap3A_80 = arith.index_cast %mul3A_79 : i32 to index
          %swap3A_81 = tpu.vector_load %arg6[%swap3A, %swap3A_80] {strides = array<i32>} : memref<8x128xi32, #tpu.memory_space<vmem>>, vector<1x16xi32>,
          %swap3A_82 = vector.shape_cast %swap3A_81 : vector<1x16xi32> to vector<16xi32>
          %swap3A_83 = vector.shape_cast %min3A_77 : vector<16xi32> to vector<1x16xi32>
          tpu.vector_store %arg6[%swap3A, %swap3A_80], %swap3A_83 {strides = array<i32>} : memref<8x128xi32, #tpu.memory_space<vmem>>, vector<1x16xi32>,
        }
        %scan3A_63 = arith.constant 8 : i32
      }
      %scan3A_48 = arith.constant 8 : i32
      %scan3A_49 = arith.constant 0 : i32
      %scan3A_50 = arith.constant 8 : i32
      %scan3A_51 = arith.addi %scan3A_49, %scan3A_50 : i32
      %scan3A_52 = arith.constant 1 : i32
      scf.for %scan3A_54 = %scan3A_49 to %scan3A_51 step %scan3A_52  : i32 {
        %mul3A_55 = arith.constant 1 : i32
        %mul3A_56 = arith.muli %scan3A_54, %mul3A_55 : i32
        %add3A_57 = arith.constant 0 : i32
        %add3A_58 = arith.addi %add3A_57, %mul3A_56 : i32
        "tpu.region"() ({
          %run_scoped3A = tpu.sem_alloc : memref<!tpu.dma_semaphore, #tpu.memory_space<semaphore_mem>>
          %dma_start3A = arith.constant 0 : i32
          %dma_start3A_59 = tpu.memref_slice %arg6[%add3A_58, %dma_start3A] : memref<8x128xi32, #tpu.memory_space<vmem>> -> memref<1x128xi32, #tpu.memory_space<vmem>>
          %dma_start3A_60 = tpu.memref_squeeze %dma_start3A_59 : memref<1x128xi32, #tpu.memory_space<vmem>> -> memref<128xi32, #tpu.memory_space<vmem>>
          %dma_start3A_61 = arith.constant 0 : i32
          %dma_start3A_62 = arith.constant 0 : i32
          %dma_start3A_63 = tpu.memref_slice %arg4[%dma_start3A_61, %dma_start3A_62] : memref<52000x16xf32, #tpu.memory_space<vmem_shared>> -> memref<52000x16xf32, #tpu.memory_space<vmem_shared>>
          tpu.enqueue_indirect_dma source(%arg7 : memref<128x16xf32, #tpu.memory_space<vmem>>) target(%dma_start3A_63 : memref<52000x16xf32, #tpu.memory_space<vmem_shared>>) offsets(%dma_start3A_60 : memref<128xi32, #tpu.memory_space<vmem>>) semaphore(%run_scoped3A : memref<!tpu.dma_semaphore, #tpu.memory_space<semaphore_mem>>) {add = true}
          %dma_wait3A = arith.constant 0 : i32
          %dma_wait3A_64 = tpu.memref_slice %arg6[%add3A_58, %dma_wait3A] : memref<8x128xi32, #tpu.memory_space<vmem>> -> memref<1x128xi32, #tpu.memory_space<vmem>>
          %dma_wait3A_65 = tpu.memref_squeeze %dma_wait3A_64 : memref<1x128xi32, #tpu.memory_space<vmem>> -> memref<128xi32, #tpu.memory_space<vmem>>
          %dma_wait3A_66 = arith.constant 0 : i32
          %dma_wait3A_67 = arith.constant 0 : i32
          %dma_wait3A_68 = tpu.memref_slice %arg4[%dma_wait3A_66, %dma_wait3A_67] : memref<52000x16xf32, #tpu.memory_space<vmem_shared>> -> memref<52000x16xf32, #tpu.memory_space<vmem_shared>>
          tpu.wait_indirect_dma semaphore(%run_scoped3A : memref<!tpu.dma_semaphore, #tpu.memory_space<semaphore_mem>>) src(%arg7 : memref<128x16xf32, #tpu.memory_space<vmem>>) dst(%dma_wait3A_68 : memref<52000x16xf32, #tpu.memory_space<vmem_shared>>)
          tpu.yield
        }) : () -> ()
      }
      %scan3A_53 = arith.constant 8 : i32
    }
    %scan3A_27 = arith.constant 25 : i32
    %barrier3A_28 = arith.constant 0 : index
    tpu.barrier barrier_id(%barrier3A_28)
    %mul3A_29 = arith.constant 3250 : i32
    %mul3A_30 = arith.muli %arg1, %mul3A_29 : i32
    %mul3A_31 = arith.constant 52000 : i32
    %mul3A_32 = arith.muli %arg0, %mul3A_31 : i32
    %mul3A_33 = arith.constant 3250 : i32
    %mul3A_34 = arith.muli %arg1, %mul3A_33 : i32
    %add3A_35 = arith.addi %mul3A_32, %mul3A_34 : i32
    "tpu.region"() ({
      %run_scoped3A = tpu.sem_alloc : memref<!tpu.dma_semaphore, #tpu.memory_space<semaphore_mem>>
      %dma_start3A = arith.constant 0 : i32
      %dma_start3A_36 = tpu.memref_slice %arg3[%add3A_35, %dma_start3A] : memref<104000x128xf32, #tpu.memory_space<hbm>> -> memref<3250x16xf32, #tpu.memory_space<hbm>>
      %dma_start3A_37 = arith.constant 0 : i32
      %dma_start3A_38 = tpu.memref_slice %arg4[%mul3A_30, %dma_start3A_37] : memref<52000x16xf32, #tpu.memory_space<vmem_shared>> -> memref<3250x16xf32, #tpu.memory_space<vmem_shared>>
      tpu.enqueue_dma source(%dma_start3A_38 : memref<3250x16xf32, #tpu.memory_space<vmem_shared>>) target(%dma_start3A_36 : memref<3250x16xf32, #tpu.memory_space<hbm>>) target_semaphore(%run_scoped3A : memref<!tpu.dma_semaphore, #tpu.memory_space<semaphore_mem>>)
      %dma_wait3A = arith.constant 0 : i32
      %dma_wait3A_39 = tpu.memref_slice %arg3[%add3A_35, %dma_wait3A] : memref<104000x128xf32, #tpu.memory_space<hbm>> -> memref<3250x16xf32, #tpu.memory_space<hbm>>
      %dma_wait3A_40 = arith.constant 0 : i32
      %dma_wait3A_41 = tpu.memref_slice %arg4[%mul3A_30, %dma_wait3A_40] : memref<52000x16xf32, #tpu.memory_space<vmem_shared>> -> memref<3250x16xf32, #tpu.memory_space<vmem_shared>>
      tpu.wait_dma2 semaphore(%run_scoped3A : memref<!tpu.dma_semaphore, #tpu.memory_space<semaphore_mem>>) src(%dma_wait3A_41 : memref<3250x16xf32, #tpu.memory_space<vmem_shared>>) dst(%dma_wait3A_39 : memref<3250x16xf32, #tpu.memory_space<hbm>>)
      tpu.yield
    }) : () -> ()
    return
  }
}

#map = affine_map<(d0, d1) -> (0, 0)>
#map1 = affine_map<(d0, d1) -> (0)>
module attributes {stable_mosaic.version = 14 : i64} {
  func.func @k(%arg0: i32, %arg1: i32, %arg2: memref<800000x32xf32, #tpu.memory_space<hbm>>, %arg3: memref<2457600xi32, #tpu.memory_space<hbm>>, %arg4: memref<104000x128xf32, #tpu.memory_space<hbm>>, %arg5: memref<52000x32xf32, #tpu.memory_space<vmem_shared>>, %arg6: memref<6144xi32, #tpu.memory_space<vmem>>, %arg7: memref<16x128xi32, #tpu.memory_space<vmem>>, %arg8: memref<16x128xi32, #tpu.memory_space<vmem>>, %arg9: memref<128x32xf32, #tpu.memory_space<vmem>>, %arg10: memref<128x32xf32, #tpu.memory_space<vmem>>, %arg11: memref<128x32xf32, #tpu.memory_space<vmem>>, %arg12: memref<!tpu.dma_semaphore, #tpu.memory_space<semaphore_mem>>, %arg13: memref<!tpu.dma_semaphore, #tpu.memory_space<semaphore_mem>>, %arg14: memref<!tpu.dma_semaphore, #tpu.memory_space<semaphore_mem>>, %arg15: memref<!tpu.dma_semaphore, #tpu.memory_space<semaphore_mem>>, %arg16: memref<!tpu.dma_semaphore, #tpu.memory_space<semaphore_mem>>, %arg17: memref<!tpu.dma_semaphore, #tpu.memory_space<semaphore_mem>>) attributes {dimension_semantics = [#tpu.dimension_semantics<core_parallel>, #tpu.dimension_semantics<subcore_parallel>], iteration_bounds = array<i64: 2, 16>, scalar_prefetch = 0 : i64, scratch_operands = 13 : i64, tpu.core_type = #tpu.core_type<sc_vector_subcore>, window_params = [{transform_indices = #map}, {transform_indices = #map1}, {transform_indices = #map}]} {
    %broadcast_in_dim3A = arith.constant 0.000000e+00 : f32
    %broadcast_in_dim3A_0 = vector.broadcast %broadcast_in_dim3A : f32 to vector<16xf32>
    %scan3A = arith.constant 0 : i32
    %scan3A_1 = arith.constant 128 : i32
    %scan3A_2 = arith.addi %scan3A, %scan3A_1 : i32
    %scan3A_3 = arith.constant 1 : i32
    scf.for %scan3A_21 = %scan3A to %scan3A_2 step %scan3A_3  : i32 {
      %mul3A_22 = arith.constant 1 : i32
      %mul3A_23 = arith.muli %scan3A_21, %mul3A_22 : i32
      %add3A_24 = arith.constant 0 : i32
      %add3A_25 = arith.addi %add3A_24, %mul3A_23 : i32
      %scan3A_26 = arith.constant 0 : i32
      %scan3A_27 = arith.constant 2 : i32
      %scan3A_28 = arith.addi %scan3A_26, %scan3A_27 : i32
      %scan3A_29 = arith.constant 1 : i32
      scf.for %scan3A_31 = %scan3A_26 to %scan3A_28 step %scan3A_29  : i32 {
        %mul3A_32 = arith.constant 1 : i32
        %mul3A_33 = arith.muli %scan3A_31, %mul3A_32 : i32
        %add3A_34 = arith.constant 0 : i32
        %add3A_35 = arith.addi %add3A_34, %mul3A_33 : i32
        %mul3A_36 = arith.constant 16 : i32
        %mul3A_37 = arith.muli %add3A_35, %mul3A_36 : i32
        %swap3A = arith.index_cast %add3A_25 : i32 to index
        %swap3A_38 = arith.index_cast %mul3A_37 : i32 to index
        %swap3A_39 = tpu.vector_load %arg9[%swap3A, %swap3A_38] {strides = array<i32>} : memref<128x32xf32, #tpu.memory_space<vmem>>, vector<1x16xf32>,
        %swap3A_40 = vector.shape_cast %swap3A_39 : vector<1x16xf32> to vector<16xf32>
        %swap3A_41 = vector.shape_cast %broadcast_in_dim3A_0 : vector<16xf32> to vector<1x16xf32>
        tpu.vector_store %arg9[%swap3A, %swap3A_38], %swap3A_41 {strides = array<i32>} : memref<128x32xf32, #tpu.memory_space<vmem>>, vector<1x16xf32>,
      }
      %scan3A_30 = arith.constant 2 : i32
    }
    %scan3A_4 = arith.constant 128 : i32
    %scan3A_5 = arith.constant 0 : i32
    %scan3A_6 = arith.constant 26 : i32
    %scan3A_7 = arith.addi %scan3A_5, %scan3A_6 : i32
    %scan3A_8 = arith.constant 1 : i32
    scf.for %scan3A_21 = %scan3A_5 to %scan3A_7 step %scan3A_8  : i32 {
      %mul3A_22 = arith.constant 1 : i32
      %mul3A_23 = arith.muli %scan3A_21, %mul3A_22 : i32
      %add3A_24 = arith.constant 0 : i32
      %add3A_25 = arith.addi %add3A_24, %mul3A_23 : i32
      %mul3A_26 = arith.constant 3250 : i32
      %mul3A_27 = arith.muli %arg1, %mul3A_26 : i32
      %mul3A_28 = arith.constant 125 : i32
      %mul3A_29 = arith.muli %add3A_25, %mul3A_28 : i32
      %add3A_30 = arith.addi %mul3A_27, %mul3A_29 : i32
      "tpu.region"() ({
        %run_scoped3A = tpu.sem_alloc : memref<!tpu.dma_semaphore, #tpu.memory_space<semaphore_mem>>
        %dma_start3A = arith.constant 0 : i32
        %dma_start3A_31 = arith.constant 0 : i32
        %dma_start3A_32 = tpu.memref_slice %arg9[%dma_start3A, %dma_start3A_31] : memref<128x32xf32, #tpu.memory_space<vmem>> -> memref<125x32xf32, #tpu.memory_space<vmem>>
        %dma_start3A_33 = arith.constant 0 : i32
        %dma_start3A_34 = tpu.memref_slice %arg5[%add3A_30, %dma_start3A_33] : memref<52000x32xf32, #tpu.memory_space<vmem_shared>> -> memref<125x32xf32, #tpu.memory_space<vmem_shared>>
        %dma_start3A_35 = arith.constant 0 : i32
        %dma_start3A_36 = tpu.memref_slice %arg5[%add3A_30, %dma_start3A_35] : memref<52000x32xf32, #tpu.memory_space<vmem_shared>> -> memref<125x32xf32, #tpu.memory_space<vmem_shared>>
        %dma_start3A_37 = arith.constant 0 : i32
        %dma_start3A_38 = arith.constant 0 : i32
        %dma_start3A_39 = tpu.memref_slice %arg9[%dma_start3A_37, %dma_start3A_38] : memref<128x32xf32, #tpu.memory_space<vmem>> -> memref<125x32xf32, #tpu.memory_space<vmem>>
        tpu.enqueue_dma source(%dma_start3A_39 : memref<125x32xf32, #tpu.memory_space<vmem>>) target(%dma_start3A_36 : memref<125x32xf32, #tpu.memory_space<vmem_shared>>) target_semaphore(%run_scoped3A : memref<!tpu.dma_semaphore, #tpu.memory_space<semaphore_mem>>)
        %dma_wait3A = arith.constant 0 : i32
        %dma_wait3A_40 = arith.constant 0 : i32
        %dma_wait3A_41 = tpu.memref_slice %arg9[%dma_wait3A, %dma_wait3A_40] : memref<128x32xf32, #tpu.memory_space<vmem>> -> memref<125x32xf32, #tpu.memory_space<vmem>>
        %dma_wait3A_42 = arith.constant 0 : i32
        %dma_wait3A_43 = tpu.memref_slice %arg5[%add3A_30, %dma_wait3A_42] : memref<52000x32xf32, #tpu.memory_space<vmem_shared>> -> memref<125x32xf32, #tpu.memory_space<vmem_shared>>
        %dma_wait3A_44 = arith.constant 0 : i32
        %dma_wait3A_45 = tpu.memref_slice %arg5[%add3A_30, %dma_wait3A_44] : memref<52000x32xf32, #tpu.memory_space<vmem_shared>> -> memref<125x32xf32, #tpu.memory_space<vmem_shared>>
        %dma_wait3A_46 = arith.constant 0 : i32
        %dma_wait3A_47 = arith.constant 0 : i32
        %dma_wait3A_48 = tpu.memref_slice %arg9[%dma_wait3A_46, %dma_wait3A_47] : memref<128x32xf32, #tpu.memory_space<vmem>> -> memref<125x32xf32, #tpu.memory_space<vmem>>
        tpu.wait_dma2 semaphore(%run_scoped3A : memref<!tpu.dma_semaphore, #tpu.memory_space<semaphore_mem>>) src(%dma_wait3A_48 : memref<125x32xf32, #tpu.memory_space<vmem>>) dst(%dma_wait3A_45 : memref<125x32xf32, #tpu.memory_space<vmem_shared>>)
        tpu.yield
      }) : () -> ()
    }
    %scan3A_9 = arith.constant 26 : i32
    %barrier3A = arith.constant 0 : index
    tpu.barrier barrier_id(%barrier3A)
    %scan3A_10 = arith.constant 0 : i32
    %scan3A_11 = arith.constant 25 : i32
    %scan3A_12 = arith.addi %scan3A_10, %scan3A_11 : i32
    %scan3A_13 = arith.constant 1 : i32
    scf.for %scan3A_21 = %scan3A_10 to %scan3A_12 step %scan3A_13  : i32 {
      %mul3A_22 = arith.constant 1 : i32
      %mul3A_23 = arith.muli %scan3A_21, %mul3A_22 : i32
      %add3A_24 = arith.constant 0 : i32
      %add3A_25 = arith.addi %add3A_24, %mul3A_23 : i32
      %mul3A_26 = arith.constant 25 : i32
      %mul3A_27 = arith.muli %arg1, %mul3A_26 : i32
      %add3A_28 = arith.addi %mul3A_27, %add3A_25 : i32
      %mul3A_29 = arith.constant 3 : i32
      %mul3A_30 = arith.muli %add3A_28, %mul3A_29 : i32
      %mul3A_31 = arith.constant 2048 : i32
      %mul3A_32 = arith.muli %mul3A_30, %mul3A_31 : i32
      "tpu.region"() ({
        %run_scoped3A = tpu.sem_alloc : memref<!tpu.dma_semaphore, #tpu.memory_space<semaphore_mem>>
        %dma_start3A_484 = tpu.memref_slice %arg3[%mul3A_32] : memref<2457600xi32, #tpu.memory_space<hbm>> -> memref<6144xi32, #tpu.memory_space<hbm>>
        %dma_start3A_485 = tpu.memref_slice %arg3[%mul3A_32] : memref<2457600xi32, #tpu.memory_space<hbm>> -> memref<6144xi32, #tpu.memory_space<hbm>>
        tpu.enqueue_dma source(%dma_start3A_485 : memref<6144xi32, #tpu.memory_space<hbm>>) target(%arg6 : memref<6144xi32, #tpu.memory_space<vmem>>) target_semaphore(%run_scoped3A : memref<!tpu.dma_semaphore, #tpu.memory_space<semaphore_mem>>)
        %dma_wait3A_486 = tpu.memref_slice %arg3[%mul3A_32] : memref<2457600xi32, #tpu.memory_space<hbm>> -> memref<6144xi32, #tpu.memory_space<hbm>>
        %dma_wait3A_487 = tpu.memref_slice %arg3[%mul3A_32] : memref<2457600xi32, #tpu.memory_space<hbm>> -> memref<6144xi32, #tpu.memory_space<hbm>>
        tpu.wait_dma2 semaphore(%run_scoped3A : memref<!tpu.dma_semaphore, #tpu.memory_space<semaphore_mem>>) src(%dma_wait3A_487 : memref<6144xi32, #tpu.memory_space<hbm>>) dst(%arg6 : memref<6144xi32, #tpu.memory_space<vmem>>)
        tpu.yield
      }) : () -> ()
      %scan3A_33 = arith.constant 0 : i32
      %scan3A_34 = arith.constant 16 : i32
      %scan3A_35 = arith.addi %scan3A_33, %scan3A_34 : i32
      %scan3A_36 = arith.constant 1 : i32
      scf.for %scan3A_484 = %scan3A_33 to %scan3A_35 step %scan3A_36  : i32 {
        %mul3A_485 = arith.constant 1 : i32
        %mul3A_486 = arith.muli %scan3A_484, %mul3A_485 : i32
        %add3A_487 = arith.constant 0 : i32
        %add3A_488 = arith.addi %add3A_487, %mul3A_486 : i32
        %scan3A_489 = arith.constant 0 : i32
        %scan3A_490 = arith.constant 8 : i32
        %scan3A_491 = arith.addi %scan3A_489, %scan3A_490 : i32
        %scan3A_492 = arith.constant 1 : i32
        scf.for %scan3A_494 = %scan3A_489 to %scan3A_491 step %scan3A_492  : i32 {
          %mul3A_495 = arith.constant 1 : i32
          %mul3A_496 = arith.muli %scan3A_494, %mul3A_495 : i32
          %add3A_497 = arith.constant 0 : i32
          %add3A_498 = arith.addi %add3A_497, %mul3A_496 : i32
          %mul3A_499 = arith.constant 128 : i32
          %mul3A_500 = arith.muli %add3A_488, %mul3A_499 : i32
          %mul3A_501 = arith.constant 16 : i32
          %mul3A_502 = arith.muli %add3A_498, %mul3A_501 : i32
          %add3A_503 = arith.addi %mul3A_500, %mul3A_502 : i32
          %get3A = arith.index_cast %add3A_503 : i32 to index
          %get3A_504 = tpu.vector_load %arg6[%get3A] {strides = array<i32>} : memref<6144xi32, #tpu.memory_space<vmem>>, vector<16xi32>,
          %get3A_505 = vector.shape_cast %get3A_504 : vector<16xi32> to vector<16xi32>
          %mul3A_506 = arith.constant 128 : i32
          %mul3A_507 = arith.muli %add3A_488, %mul3A_506 : i32
          %add3A_508 = arith.constant 2048 : i32
          %add3A_509 = arith.addi %add3A_508, %mul3A_507 : i32
          %mul3A_510 = arith.constant 16 : i32
          %mul3A_511 = arith.muli %add3A_498, %mul3A_510 : i32
          %add3A_512 = arith.addi %add3A_509, %mul3A_511 : i32
          %get3A_513 = arith.index_cast %add3A_512 : i32 to index
          %get3A_514 = tpu.vector_load %arg6[%get3A_513] {strides = array<i32>} : memref<6144xi32, #tpu.memory_space<vmem>>, vector<16xi32>,
          %get3A_515 = vector.shape_cast %get3A_514 : vector<16xi32> to vector<16xi32>
          %mul3A_516 = arith.constant 128 : i32
          %mul3A_517 = arith.muli %add3A_488, %mul3A_516 : i32
          %add3A_518 = arith.constant 4096 : i32
          %add3A_519 = arith.addi %add3A_518, %mul3A_517 : i32
          %mul3A_520 = arith.constant 16 : i32
          %mul3A_521 = arith.muli %add3A_498, %mul3A_520 : i32
          %add3A_522 = arith.addi %add3A_519, %mul3A_521 : i32
          %get3A_523 = arith.index_cast %add3A_522 : i32 to index
          %get3A_524 = tpu.vector_load %arg6[%get3A_523] {strides = array<i32>} : memref<6144xi32, #tpu.memory_space<vmem>>, vector<16xi32>,
          %get3A_525 = vector.shape_cast %get3A_524 : vector<16xi32> to vector<16xi32>
          %mul3A_526 = arith.constant 2 : i32
          %mul3A_527 = vector.broadcast %mul3A_526 : i32 to vector<16xi32>
          %mul3A_528 = arith.muli %get3A_525, %mul3A_527 : vector<16xi32>
          %add3A_529 = vector.broadcast %arg0 : i32 to vector<16xi32>
          %add3A_530 = arith.addi %mul3A_528, %add3A_529 : vector<16xi32>
          %shift_right_arithmetic3A = arith.constant 2 : i32
          %shift_right_arithmetic3A_531 = vector.broadcast %shift_right_arithmetic3A : i32 to vector<16xi32>
          %shift_right_arithmetic3A_532 = arith.shrsi %add3A_530, %shift_right_arithmetic3A_531 : vector<16xi32>
          %mul3A_533 = arith.constant 200000 : i32
          %mul3A_534 = vector.broadcast %mul3A_533 : i32 to vector<16xi32>
          %mul3A_535 = arith.muli %shift_right_arithmetic3A_532, %mul3A_534 : vector<16xi32>
          %mul3A_536 = arith.constant 4 : i32
          %mul3A_537 = vector.broadcast %mul3A_536 : i32 to vector<16xi32>
          %mul3A_538 = arith.muli %get3A_505, %mul3A_537 : vector<16xi32>
          %add3A_539 = arith.addi %mul3A_535, %mul3A_538 : vector<16xi32>
          %and3A = arith.constant 3 : i32
          %and3A_540 = vector.broadcast %and3A : i32 to vector<16xi32>
          %and3A_541 = arith.andi %add3A_530, %and3A_540 : vector<16xi32>
          %add3A_542 = arith.addi %add3A_539, %and3A_541 : vector<16xi32>
          %mul3A_543 = arith.constant 16 : i32
          %mul3A_544 = arith.muli %add3A_498, %mul3A_543 : i32
          %swap3A = arith.index_cast %add3A_488 : i32 to index
          %swap3A_545 = arith.index_cast %mul3A_544 : i32 to index
          %swap3A_546 = tpu.vector_load %arg7[%swap3A, %swap3A_545] {strides = array<i32>} : memref<16x128xi32, #tpu.memory_space<vmem>>, vector<1x16xi32>,
          %swap3A_547 = vector.shape_cast %swap3A_546 : vector<1x16xi32> to vector<16xi32>
          %swap3A_548 = vector.shape_cast %add3A_542 : vector<16xi32> to vector<1x16xi32>
          tpu.vector_store %arg7[%swap3A, %swap3A_545], %swap3A_548 {strides = array<i32>} : memref<16x128xi32, #tpu.memory_space<vmem>>, vector<1x16xi32>,
          %min3A = arith.constant 50100 : i32
          %min3A_549 = vector.broadcast %min3A : i32 to vector<16xi32>
          %min3A_550 = arith.minsi %get3A_515, %min3A_549 : vector<16xi32>
          %mul3A_551 = arith.constant 16 : i32
          %mul3A_552 = arith.muli %add3A_498, %mul3A_551 : i32
          %swap3A_553 = arith.index_cast %add3A_488 : i32 to index
          %swap3A_554 = arith.index_cast %mul3A_552 : i32 to index
          %swap3A_555 = tpu.vector_load %arg8[%swap3A_553, %swap3A_554] {strides = array<i32>} : memref<16x128xi32, #tpu.memory_space<vmem>>, vector<1x16xi32>,
          %swap3A_556 = vector.shape_cast %swap3A_555 : vector<1x16xi32> to vector<16xi32>
          %swap3A_557 = vector.shape_cast %min3A_550 : vector<16xi32> to vector<1x16xi32>
          tpu.vector_store %arg8[%swap3A_553, %swap3A_554], %swap3A_557 {strides = array<i32>} : memref<16x128xi32, #tpu.memory_space<vmem>>, vector<1x16xi32>,
        }
        %scan3A_493 = arith.constant 8 : i32
      }
      %scan3A_37 = arith.constant 16 : i32
      %dma_start3A = arith.constant 0 : i32
      %dma_start3A_38 = arith.constant 0 : i32
      %dma_start3A_39 = tpu.memref_slice %arg7[%dma_start3A, %dma_start3A_38] : memref<16x128xi32, #tpu.memory_space<vmem>> -> memref<1x128xi32, #tpu.memory_space<vmem>>
      %dma_start3A_40 = tpu.memref_squeeze %dma_start3A_39 : memref<1x128xi32, #tpu.memory_space<vmem>> -> memref<128xi32, #tpu.memory_space<vmem>>
      %dma_start3A_41 = arith.constant 0 : i32
      %dma_start3A_42 = arith.constant 0 : i32
      %dma_start3A_43 = tpu.memref_slice %arg2[%dma_start3A_41, %dma_start3A_42] : memref<800000x32xf32, #tpu.memory_space<hbm>> -> memref<800000x32xf32, #tpu.memory_space<hbm>>
      tpu.enqueue_indirect_dma source(%dma_start3A_43 : memref<800000x32xf32, #tpu.memory_space<hbm>>) target(%arg9 : memref<128x32xf32, #tpu.memory_space<vmem>>) offsets(%dma_start3A_40 : memref<128xi32, #tpu.memory_space<vmem>>) semaphore(%arg12 : memref<!tpu.dma_semaphore, #tpu.memory_space<semaphore_mem>>)
      %dma_start3A_44 = arith.constant 1 : i32
      %dma_start3A_45 = arith.constant 0 : i32
      %dma_start3A_46 = tpu.memref_slice %arg7[%dma_start3A_44, %dma_start3A_45] : memref<16x128xi32, #tpu.memory_space<vmem>> -> memref<1x128xi32, #tpu.memory_space<vmem>>
      %dma_start3A_47 = tpu.memref_squeeze %dma_start3A_46 : memref<1x128xi32, #tpu.memory_space<vmem>> -> memref<128xi32, #tpu.memory_space<vmem>>
      %dma_start3A_48 = arith.constant 0 : i32
      %dma_start3A_49 = arith.constant 0 : i32
      %dma_start3A_50 = tpu.memref_slice %arg2[%dma_start3A_48, %dma_start3A_49] : memref<800000x32xf32, #tpu.memory_space<hbm>> -> memref<800000x32xf32, #tpu.memory_space<hbm>>
      tpu.enqueue_indirect_dma source(%dma_start3A_50 : memref<800000x32xf32, #tpu.memory_space<hbm>>) target(%arg10 : memref<128x32xf32, #tpu.memory_space<vmem>>) offsets(%dma_start3A_47 : memref<128xi32, #tpu.memory_space<vmem>>) semaphore(%arg13 : memref<!tpu.dma_semaphore, #tpu.memory_space<semaphore_mem>>)
      %dma_wait3A = arith.constant 0 : i32
      %dma_wait3A_51 = arith.constant 0 : i32
      %dma_wait3A_52 = tpu.memref_slice %arg7[%dma_wait3A, %dma_wait3A_51] : memref<16x128xi32, #tpu.memory_space<vmem>> -> memref<1x128xi32, #tpu.memory_space<vmem>>
      %dma_wait3A_53 = tpu.memref_squeeze %dma_wait3A_52 : memref<1x128xi32, #tpu.memory_space<vmem>> -> memref<128xi32, #tpu.memory_space<vmem>>
      %dma_wait3A_54 = arith.constant 0 : i32
      %dma_wait3A_55 = arith.constant 0 : i32
      %dma_wait3A_56 = tpu.memref_slice %arg2[%dma_wait3A_54, %dma_wait3A_55] : memref<800000x32xf32, #tpu.memory_space<hbm>> -> memref<800000x32xf32, #tpu.memory_space<hbm>>
      tpu.wait_indirect_dma semaphore(%arg12 : memref<!tpu.dma_semaphore, #tpu.memory_space<semaphore_mem>>) src(%dma_wait3A_56 : memref<800000x32xf32, #tpu.memory_space<hbm>>) dst(%arg9 : memref<128x32xf32, #tpu.memory_space<vmem>>)
      %dma_start3A_57 = arith.constant 0 : i32
      %dma_start3A_58 = arith.constant 0 : i32
      %dma_start3A_59 = tpu.memref_slice %arg8[%dma_start3A_57, %dma_start3A_58] : memref<16x128xi32, #tpu.memory_space<vmem>> -> memref<1x128xi32, #tpu.memory_space<vmem>>
      %dma_start3A_60 = tpu.memref_squeeze %dma_start3A_59 : memref<1x128xi32, #tpu.memory_space<vmem>> -> memref<128xi32, #tpu.memory_space<vmem>>
      %dma_start3A_61 = arith.constant 0 : i32
      %dma_start3A_62 = arith.constant 0 : i32
      %dma_start3A_63 = tpu.memref_slice %arg5[%dma_start3A_61, %dma_start3A_62] : memref<52000x32xf32, #tpu.memory_space<vmem_shared>> -> memref<52000x32xf32, #tpu.memory_space<vmem_shared>>
      tpu.enqueue_indirect_dma source(%arg9 : memref<128x32xf32, #tpu.memory_space<vmem>>) target(%dma_start3A_63 : memref<52000x32xf32, #tpu.memory_space<vmem_shared>>) offsets(%dma_start3A_60 : memref<128xi32, #tpu.memory_space<vmem>>) semaphore(%arg15 : memref<!tpu.dma_semaphore, #tpu.memory_space<semaphore_mem>>) {add = true}
      %dma_start3A_64 = arith.constant 2 : i32
      %dma_start3A_65 = arith.constant 0 : i32
      %dma_start3A_66 = tpu.memref_slice %arg7[%dma_start3A_64, %dma_start3A_65] : memref<16x128xi32, #tpu.memory_space<vmem>> -> memref<1x128xi32, #tpu.memory_space<vmem>>
      %dma_start3A_67 = tpu.memref_squeeze %dma_start3A_66 : memref<1x128xi32, #tpu.memory_space<vmem>> -> memref<128xi32, #tpu.memory_space<vmem>>
      %dma_start3A_68 = arith.constant 0 : i32
      %dma_start3A_69 = arith.constant 0 : i32
      %dma_start3A_70 = tpu.memref_slice %arg2[%dma_start3A_68, %dma_start3A_69] : memref<800000x32xf32, #tpu.memory_space<hbm>> -> memref<800000x32xf32, #tpu.memory_space<hbm>>
      tpu.enqueue_indirect_dma source(%dma_start3A_70 : memref<800000x32xf32, #tpu.memory_space<hbm>>) target(%arg11 : memref<128x32xf32, #tpu.memory_space<vmem>>) offsets(%dma_start3A_67 : memref<128xi32, #tpu.memory_space<vmem>>) semaphore(%arg14 : memref<!tpu.dma_semaphore, #tpu.memory_space<semaphore_mem>>)
      %dma_wait3A_71 = arith.constant 1 : i32
      %dma_wait3A_72 = arith.constant 0 : i32
      %dma_wait3A_73 = tpu.memref_slice %arg7[%dma_wait3A_71, %dma_wait3A_72] : memref<16x128xi32, #tpu.memory_space<vmem>> -> memref<1x128xi32, #tpu.memory_space<vmem>>
      %dma_wait3A_74 = tpu.memref_squeeze %dma_wait3A_73 : memref<1x128xi32, #tpu.memory_space<vmem>> -> memref<128xi32, #tpu.memory_space<vmem>>
      %dma_wait3A_75 = arith.constant 0 : i32
      %dma_wait3A_76 = arith.constant 0 : i32
      %dma_wait3A_77 = tpu.memref_slice %arg2[%dma_wait3A_75, %dma_wait3A_76] : memref<800000x32xf32, #tpu.memory_space<hbm>> -> memref<800000x32xf32, #tpu.memory_space<hbm>>
      tpu.wait_indirect_dma semaphore(%arg13 : memref<!tpu.dma_semaphore, #tpu.memory_space<semaphore_mem>>) src(%dma_wait3A_77 : memref<800000x32xf32, #tpu.memory_space<hbm>>) dst(%arg10 : memref<128x32xf32, #tpu.memory_space<vmem>>)
      %dma_start3A_78 = arith.constant 1 : i32
      %dma_start3A_79 = arith.constant 0 : i32
      %dma_start3A_80 = tpu.memref_slice %arg8[%dma_start3A_78, %dma_start3A_79] : memref<16x128xi32, #tpu.memory_space<vmem>> -> memref<1x128xi32, #tpu.memory_space<vmem>>
      %dma_start3A_81 = tpu.memref_squeeze %dma_start3A_80 : memref<1x128xi32, #tpu.memory_space<vmem>> -> memref<128xi32, #tpu.memory_space<vmem>>
      %dma_start3A_82 = arith.constant 0 : i32
      %dma_start3A_83 = arith.constant 0 : i32
      %dma_start3A_84 = tpu.memref_slice %arg5[%dma_start3A_82, %dma_start3A_83] : memref<52000x32xf32, #tpu.memory_space<vmem_shared>> -> memref<52000x32xf32, #tpu.memory_space<vmem_shared>>
      tpu.enqueue_indirect_dma source(%arg10 : memref<128x32xf32, #tpu.memory_space<vmem>>) target(%dma_start3A_84 : memref<52000x32xf32, #tpu.memory_space<vmem_shared>>) offsets(%dma_start3A_81 : memref<128xi32, #tpu.memory_space<vmem>>) semaphore(%arg16 : memref<!tpu.dma_semaphore, #tpu.memory_space<semaphore_mem>>) {add = true}
      %dma_wait3A_85 = arith.constant 0 : i32
      %dma_wait3A_86 = arith.constant 0 : i32
      %dma_wait3A_87 = tpu.memref_slice %arg8[%dma_wait3A_85, %dma_wait3A_86] : memref<16x128xi32, #tpu.memory_space<vmem>> -> memref<1x128xi32, #tpu.memory_space<vmem>>
      %dma_wait3A_88 = tpu.memref_squeeze %dma_wait3A_87 : memref<1x128xi32, #tpu.memory_space<vmem>> -> memref<128xi32, #tpu.memory_space<vmem>>
      %dma_wait3A_89 = arith.constant 0 : i32
      %dma_wait3A_90 = arith.constant 0 : i32
      %dma_wait3A_91 = tpu.memref_slice %arg5[%dma_wait3A_89, %dma_wait3A_90] : memref<52000x32xf32, #tpu.memory_space<vmem_shared>> -> memref<52000x32xf32, #tpu.memory_space<vmem_shared>>
      tpu.wait_indirect_dma semaphore(%arg15 : memref<!tpu.dma_semaphore, #tpu.memory_space<semaphore_mem>>) src(%arg9 : memref<128x32xf32, #tpu.memory_space<vmem>>) dst(%dma_wait3A_91 : memref<52000x32xf32, #tpu.memory_space<vmem_shared>>)
      %dma_start3A_92 = arith.constant 3 : i32
      %dma_start3A_93 = arith.constant 0 : i32
      %dma_start3A_94 = tpu.memref_slice %arg7[%dma_start3A_92, %dma_start3A_93] : memref<16x128xi32, #tpu.memory_space<vmem>> -> memref<1x128xi32, #tpu.memory_space<vmem>>
      %dma_start3A_95 = tpu.memref_squeeze %dma_start3A_94 : memref<1x128xi32, #tpu.memory_space<vmem>> -> memref<128xi32, #tpu.memory_space<vmem>>
      %dma_start3A_96 = arith.constant 0 : i32
      %dma_start3A_97 = arith.constant 0 : i32
      %dma_start3A_98 = tpu.memref_slice %arg2[%dma_start3A_96, %dma_start3A_97] : memref<800000x32xf32, #tpu.memory_space<hbm>> -> memref<800000x32xf32, #tpu.memory_space<hbm>>
      tpu.enqueue_indirect_dma source(%dma_start3A_98 : memref<800000x32xf32, #tpu.memory_space<hbm>>) target(%arg9 : memref<128x32xf32, #tpu.memory_space<vmem>>) offsets(%dma_start3A_95 : memref<128xi32, #tpu.memory_space<vmem>>) semaphore(%arg12 : memref<!tpu.dma_semaphore, #tpu.memory_space<semaphore_mem>>)
      %dma_wait3A_99 = arith.constant 2 : i32
      %dma_wait3A_100 = arith.constant 0 : i32
      %dma_wait3A_101 = tpu.memref_slice %arg7[%dma_wait3A_99, %dma_wait3A_100] : memref<16x128xi32, #tpu.memory_space<vmem>> -> memref<1x128xi32, #tpu.memory_space<vmem>>
      %dma_wait3A_102 = tpu.memref_squeeze %dma_wait3A_101 : memref<1x128xi32, #tpu.memory_space<vmem>> -> memref<128xi32, #tpu.memory_space<vmem>>
      %dma_wait3A_103 = arith.constant 0 : i32
      %dma_wait3A_104 = arith.constant 0 : i32
      %dma_wait3A_105 = tpu.memref_slice %arg2[%dma_wait3A_103, %dma_wait3A_104] : memref<800000x32xf32, #tpu.memory_space<hbm>> -> memref<800000x32xf32, #tpu.memory_space<hbm>>
      tpu.wait_indirect_dma semaphore(%arg14 : memref<!tpu.dma_semaphore, #tpu.memory_space<semaphore_mem>>) src(%dma_wait3A_105 : memref<800000x32xf32, #tpu.memory_space<hbm>>) dst(%arg11 : memref<128x32xf32, #tpu.memory_space<vmem>>)
      %dma_start3A_106 = arith.constant 2 : i32
      %dma_start3A_107 = arith.constant 0 : i32
      %dma_start3A_108 = tpu.memref_slice %arg8[%dma_start3A_106, %dma_start3A_107] : memref<16x128xi32, #tpu.memory_space<vmem>> -> memref<1x128xi32, #tpu.memory_space<vmem>>
      %dma_start3A_109 = tpu.memref_squeeze %dma_start3A_108 : memref<1x128xi32, #tpu.memory_space<vmem>> -> memref<128xi32, #tpu.memory_space<vmem>>
      %dma_start3A_110 = arith.constant 0 : i32
      %dma_start3A_111 = arith.constant 0 : i32
      %dma_start3A_112 = tpu.memref_slice %arg5[%dma_start3A_110, %dma_start3A_111] : memref<52000x32xf32, #tpu.memory_space<vmem_shared>> -> memref<52000x32xf32, #tpu.memory_space<vmem_shared>>
      tpu.enqueue_indirect_dma source(%arg11 : memref<128x32xf32, #tpu.memory_space<vmem>>) target(%dma_start3A_112 : memref<52000x32xf32, #tpu.memory_space<vmem_shared>>) offsets(%dma_start3A_109 : memref<128xi32, #tpu.memory_space<vmem>>) semaphore(%arg17 : memref<!tpu.dma_semaphore, #tpu.memory_space<semaphore_mem>>) {add = true}
      %dma_wait3A_113 = arith.constant 1 : i32
      %dma_wait3A_114 = arith.constant 0 : i32
      %dma_wait3A_115 = tpu.memref_slice %arg8[%dma_wait3A_113, %dma_wait3A_114] : memref<16x128xi32, #tpu.memory_space<vmem>> -> memref<1x128xi32, #tpu.memory_space<vmem>>
      %dma_wait3A_116 = tpu.memref_squeeze %dma_wait3A_115 : memref<1x128xi32, #tpu.memory_space<vmem>> -> memref<128xi32, #tpu.memory_space<vmem>>
      %dma_wait3A_117 = arith.constant 0 : i32
      %dma_wait3A_118 = arith.constant 0 : i32
      %dma_wait3A_119 = tpu.memref_slice %arg5[%dma_wait3A_117, %dma_wait3A_118] : memref<52000x32xf32, #tpu.memory_space<vmem_shared>> -> memref<52000x32xf32, #tpu.memory_space<vmem_shared>>
      tpu.wait_indirect_dma semaphore(%arg16 : memref<!tpu.dma_semaphore, #tpu.memory_space<semaphore_mem>>) src(%arg10 : memref<128x32xf32, #tpu.memory_space<vmem>>) dst(%dma_wait3A_119 : memref<52000x32xf32, #tpu.memory_space<vmem_shared>>)
      %dma_start3A_120 = arith.constant 4 : i32
      %dma_start3A_121 = arith.constant 0 : i32
      %dma_start3A_122 = tpu.memref_slice %arg7[%dma_start3A_120, %dma_start3A_121] : memref<16x128xi32, #tpu.memory_space<vmem>> -> memref<1x128xi32, #tpu.memory_space<vmem>>
      %dma_start3A_123 = tpu.memref_squeeze %dma_start3A_122 : memref<1x128xi32, #tpu.memory_space<vmem>> -> memref<128xi32, #tpu.memory_space<vmem>>
      %dma_start3A_124 = arith.constant 0 : i32
      %dma_start3A_125 = arith.constant 0 : i32
      %dma_start3A_126 = tpu.memref_slice %arg2[%dma_start3A_124, %dma_start3A_125] : memref<800000x32xf32, #tpu.memory_space<hbm>> -> memref<800000x32xf32, #tpu.memory_space<hbm>>
      tpu.enqueue_indirect_dma source(%dma_start3A_126 : memref<800000x32xf32, #tpu.memory_space<hbm>>) target(%arg10 : memref<128x32xf32, #tpu.memory_space<vmem>>) offsets(%dma_start3A_123 : memref<128xi32, #tpu.memory_space<vmem>>) semaphore(%arg13 : memref<!tpu.dma_semaphore, #tpu.memory_space<semaphore_mem>>)
      %dma_wait3A_127 = arith.constant 3 : i32
      %dma_wait3A_128 = arith.constant 0 : i32
      %dma_wait3A_129 = tpu.memref_slice %arg7[%dma_wait3A_127, %dma_wait3A_128] : memref<16x128xi32, #tpu.memory_space<vmem>> -> memref<1x128xi32, #tpu.memory_space<vmem>>
      %dma_wait3A_130 = tpu.memref_squeeze %dma_wait3A_129 : memref<1x128xi32, #tpu.memory_space<vmem>> -> memref<128xi32, #tpu.memory_space<vmem>>
      %dma_wait3A_131 = arith.constant 0 : i32
      %dma_wait3A_132 = arith.constant 0 : i32
      %dma_wait3A_133 = tpu.memref_slice %arg2[%dma_wait3A_131, %dma_wait3A_132] : memref<800000x32xf32, #tpu.memory_space<hbm>> -> memref<800000x32xf32, #tpu.memory_space<hbm>>
      tpu.wait_indirect_dma semaphore(%arg12 : memref<!tpu.dma_semaphore, #tpu.memory_space<semaphore_mem>>) src(%dma_wait3A_133 : memref<800000x32xf32, #tpu.memory_space<hbm>>) dst(%arg9 : memref<128x32xf32, #tpu.memory_space<vmem>>)
      %dma_start3A_134 = arith.constant 3 : i32
      %dma_start3A_135 = arith.constant 0 : i32
      %dma_start3A_136 = tpu.memref_slice %arg8[%dma_start3A_134, %dma_start3A_135] : memref<16x128xi32, #tpu.memory_space<vmem>> -> memref<1x128xi32, #tpu.memory_space<vmem>>
      %dma_start3A_137 = tpu.memref_squeeze %dma_start3A_136 : memref<1x128xi32, #tpu.memory_space<vmem>> -> memref<128xi32, #tpu.memory_space<vmem>>
      %dma_start3A_138 = arith.constant 0 : i32
      %dma_start3A_139 = arith.constant 0 : i32
      %dma_start3A_140 = tpu.memref_slice %arg5[%dma_start3A_138, %dma_start3A_139] : memref<52000x32xf32, #tpu.memory_space<vmem_shared>> -> memref<52000x32xf32, #tpu.memory_space<vmem_shared>>
      tpu.enqueue_indirect_dma source(%arg9 : memref<128x32xf32, #tpu.memory_space<vmem>>) target(%dma_start3A_140 : memref<52000x32xf32, #tpu.memory_space<vmem_shared>>) offsets(%dma_start3A_137 : memref<128xi32, #tpu.memory_space<vmem>>) semaphore(%arg15 : memref<!tpu.dma_semaphore, #tpu.memory_space<semaphore_mem>>) {add = true}
      %dma_wait3A_141 = arith.constant 2 : i32
      %dma_wait3A_142 = arith.constant 0 : i32
      %dma_wait3A_143 = tpu.memref_slice %arg8[%dma_wait3A_141, %dma_wait3A_142] : memref<16x128xi32, #tpu.memory_space<vmem>> -> memref<1x128xi32, #tpu.memory_space<vmem>>
      %dma_wait3A_144 = tpu.memref_squeeze %dma_wait3A_143 : memref<1x128xi32, #tpu.memory_space<vmem>> -> memref<128xi32, #tpu.memory_space<vmem>>
      %dma_wait3A_145 = arith.constant 0 : i32
      %dma_wait3A_146 = arith.constant 0 : i32
      %dma_wait3A_147 = tpu.memref_slice %arg5[%dma_wait3A_145, %dma_wait3A_146] : memref<52000x32xf32, #tpu.memory_space<vmem_shared>> -> memref<52000x32xf32, #tpu.memory_space<vmem_shared>>
      tpu.wait_indirect_dma semaphore(%arg17 : memref<!tpu.dma_semaphore, #tpu.memory_space<semaphore_mem>>) src(%arg11 : memref<128x32xf32, #tpu.memory_space<vmem>>) dst(%dma_wait3A_147 : memref<52000x32xf32, #tpu.memory_space<vmem_shared>>)
      %dma_start3A_148 = arith.constant 5 : i32
      %dma_start3A_149 = arith.constant 0 : i32
      %dma_start3A_150 = tpu.memref_slice %arg7[%dma_start3A_148, %dma_start3A_149] : memref<16x128xi32, #tpu.memory_space<vmem>> -> memref<1x128xi32, #tpu.memory_space<vmem>>
      %dma_start3A_151 = tpu.memref_squeeze %dma_start3A_150 : memref<1x128xi32, #tpu.memory_space<vmem>> -> memref<128xi32, #tpu.memory_space<vmem>>
      %dma_start3A_152 = arith.constant 0 : i32
      %dma_start3A_153 = arith.constant 0 : i32
      %dma_start3A_154 = tpu.memref_slice %arg2[%dma_start3A_152, %dma_start3A_153] : memref<800000x32xf32, #tpu.memory_space<hbm>> -> memref<800000x32xf32, #tpu.memory_space<hbm>>
      tpu.enqueue_indirect_dma source(%dma_start3A_154 : memref<800000x32xf32, #tpu.memory_space<hbm>>) target(%arg11 : memref<128x32xf32, #tpu.memory_space<vmem>>) offsets(%dma_start3A_151 : memref<128xi32, #tpu.memory_space<vmem>>) semaphore(%arg14 : memref<!tpu.dma_semaphore, #tpu.memory_space<semaphore_mem>>)
      %dma_wait3A_155 = arith.constant 4 : i32
      %dma_wait3A_156 = arith.constant 0 : i32
      %dma_wait3A_157 = tpu.memref_slice %arg7[%dma_wait3A_155, %dma_wait3A_156] : memref<16x128xi32, #tpu.memory_space<vmem>> -> memref<1x128xi32, #tpu.memory_space<vmem>>
      %dma_wait3A_158 = tpu.memref_squeeze %dma_wait3A_157 : memref<1x128xi32, #tpu.memory_space<vmem>> -> memref<128xi32, #tpu.memory_space<vmem>>
      %dma_wait3A_159 = arith.constant 0 : i32
      %dma_wait3A_160 = arith.constant 0 : i32
      %dma_wait3A_161 = tpu.memref_slice %arg2[%dma_wait3A_159, %dma_wait3A_160] : memref<800000x32xf32, #tpu.memory_space<hbm>> -> memref<800000x32xf32, #tpu.memory_space<hbm>>
      tpu.wait_indirect_dma semaphore(%arg13 : memref<!tpu.dma_semaphore, #tpu.memory_space<semaphore_mem>>) src(%dma_wait3A_161 : memref<800000x32xf32, #tpu.memory_space<hbm>>) dst(%arg10 : memref<128x32xf32, #tpu.memory_space<vmem>>)
      %dma_start3A_162 = arith.constant 4 : i32
      %dma_start3A_163 = arith.constant 0 : i32
      %dma_start3A_164 = tpu.memref_slice %arg8[%dma_start3A_162, %dma_start3A_163] : memref<16x128xi32, #tpu.memory_space<vmem>> -> memref<1x128xi32, #tpu.memory_space<vmem>>
      %dma_start3A_165 = tpu.memref_squeeze %dma_start3A_164 : memref<1x128xi32, #tpu.memory_space<vmem>> -> memref<128xi32, #tpu.memory_space<vmem>>
      %dma_start3A_166 = arith.constant 0 : i32
      %dma_start3A_167 = arith.constant 0 : i32
      %dma_start3A_168 = tpu.memref_slice %arg5[%dma_start3A_166, %dma_start3A_167] : memref<52000x32xf32, #tpu.memory_space<vmem_shared>> -> memref<52000x32xf32, #tpu.memory_space<vmem_shared>>
      tpu.enqueue_indirect_dma source(%arg10 : memref<128x32xf32, #tpu.memory_space<vmem>>) target(%dma_start3A_168 : memref<52000x32xf32, #tpu.memory_space<vmem_shared>>) offsets(%dma_start3A_165 : memref<128xi32, #tpu.memory_space<vmem>>) semaphore(%arg16 : memref<!tpu.dma_semaphore, #tpu.memory_space<semaphore_mem>>) {add = true}
      %dma_wait3A_169 = arith.constant 3 : i32
      %dma_wait3A_170 = arith.constant 0 : i32
      %dma_wait3A_171 = tpu.memref_slice %arg8[%dma_wait3A_169, %dma_wait3A_170] : memref<16x128xi32, #tpu.memory_space<vmem>> -> memref<1x128xi32, #tpu.memory_space<vmem>>
      %dma_wait3A_172 = tpu.memref_squeeze %dma_wait3A_171 : memref<1x128xi32, #tpu.memory_space<vmem>> -> memref<128xi32, #tpu.memory_space<vmem>>
      %dma_wait3A_173 = arith.constant 0 : i32
      %dma_wait3A_174 = arith.constant 0 : i32
      %dma_wait3A_175 = tpu.memref_slice %arg5[%dma_wait3A_173, %dma_wait3A_174] : memref<52000x32xf32, #tpu.memory_space<vmem_shared>> -> memref<52000x32xf32, #tpu.memory_space<vmem_shared>>
      tpu.wait_indirect_dma semaphore(%arg15 : memref<!tpu.dma_semaphore, #tpu.memory_space<semaphore_mem>>) src(%arg9 : memref<128x32xf32, #tpu.memory_space<vmem>>) dst(%dma_wait3A_175 : memref<52000x32xf32, #tpu.memory_space<vmem_shared>>)
      %dma_start3A_176 = arith.constant 6 : i32
      %dma_start3A_177 = arith.constant 0 : i32
      %dma_start3A_178 = tpu.memref_slice %arg7[%dma_start3A_176, %dma_start3A_177] : memref<16x128xi32, #tpu.memory_space<vmem>> -> memref<1x128xi32, #tpu.memory_space<vmem>>
      %dma_start3A_179 = tpu.memref_squeeze %dma_start3A_178 : memref<1x128xi32, #tpu.memory_space<vmem>> -> memref<128xi32, #tpu.memory_space<vmem>>
      %dma_start3A_180 = arith.constant 0 : i32
      %dma_start3A_181 = arith.constant 0 : i32
      %dma_start3A_182 = tpu.memref_slice %arg2[%dma_start3A_180, %dma_start3A_181] : memref<800000x32xf32, #tpu.memory_space<hbm>> -> memref<800000x32xf32, #tpu.memory_space<hbm>>
      tpu.enqueue_indirect_dma source(%dma_start3A_182 : memref<800000x32xf32, #tpu.memory_space<hbm>>) target(%arg9 : memref<128x32xf32, #tpu.memory_space<vmem>>) offsets(%dma_start3A_179 : memref<128xi32, #tpu.memory_space<vmem>>) semaphore(%arg12 : memref<!tpu.dma_semaphore, #tpu.memory_space<semaphore_mem>>)
      %dma_wait3A_183 = arith.constant 5 : i32
      %dma_wait3A_184 = arith.constant 0 : i32
      %dma_wait3A_185 = tpu.memref_slice %arg7[%dma_wait3A_183, %dma_wait3A_184] : memref<16x128xi32, #tpu.memory_space<vmem>> -> memref<1x128xi32, #tpu.memory_space<vmem>>
      %dma_wait3A_186 = tpu.memref_squeeze %dma_wait3A_185 : memref<1x128xi32, #tpu.memory_space<vmem>> -> memref<128xi32, #tpu.memory_space<vmem>>
      %dma_wait3A_187 = arith.constant 0 : i32
      %dma_wait3A_188 = arith.constant 0 : i32
      %dma_wait3A_189 = tpu.memref_slice %arg2[%dma_wait3A_187, %dma_wait3A_188] : memref<800000x32xf32, #tpu.memory_space<hbm>> -> memref<800000x32xf32, #tpu.memory_space<hbm>>
      tpu.wait_indirect_dma semaphore(%arg14 : memref<!tpu.dma_semaphore, #tpu.memory_space<semaphore_mem>>) src(%dma_wait3A_189 : memref<800000x32xf32, #tpu.memory_space<hbm>>) dst(%arg11 : memref<128x32xf32, #tpu.memory_space<vmem>>)
      %dma_start3A_190 = arith.constant 5 : i32
      %dma_start3A_191 = arith.constant 0 : i32
      %dma_start3A_192 = tpu.memref_slice %arg8[%dma_start3A_190, %dma_start3A_191] : memref<16x128xi32, #tpu.memory_space<vmem>> -> memref<1x128xi32, #tpu.memory_space<vmem>>
      %dma_start3A_193 = tpu.memref_squeeze %dma_start3A_192 : memref<1x128xi32, #tpu.memory_space<vmem>> -> memref<128xi32, #tpu.memory_space<vmem>>
      %dma_start3A_194 = arith.constant 0 : i32
      %dma_start3A_195 = arith.constant 0 : i32
      %dma_start3A_196 = tpu.memref_slice %arg5[%dma_start3A_194, %dma_start3A_195] : memref<52000x32xf32, #tpu.memory_space<vmem_shared>> -> memref<52000x32xf32, #tpu.memory_space<vmem_shared>>
      tpu.enqueue_indirect_dma source(%arg11 : memref<128x32xf32, #tpu.memory_space<vmem>>) target(%dma_start3A_196 : memref<52000x32xf32, #tpu.memory_space<vmem_shared>>) offsets(%dma_start3A_193 : memref<128xi32, #tpu.memory_space<vmem>>) semaphore(%arg17 : memref<!tpu.dma_semaphore, #tpu.memory_space<semaphore_mem>>) {add = true}
      %dma_wait3A_197 = arith.constant 4 : i32
      %dma_wait3A_198 = arith.constant 0 : i32
      %dma_wait3A_199 = tpu.memref_slice %arg8[%dma_wait3A_197, %dma_wait3A_198] : memref<16x128xi32, #tpu.memory_space<vmem>> -> memref<1x128xi32, #tpu.memory_space<vmem>>
      %dma_wait3A_200 = tpu.memref_squeeze %dma_wait3A_199 : memref<1x128xi32, #tpu.memory_space<vmem>> -> memref<128xi32, #tpu.memory_space<vmem>>
      %dma_wait3A_201 = arith.constant 0 : i32
      %dma_wait3A_202 = arith.constant 0 : i32
      %dma_wait3A_203 = tpu.memref_slice %arg5[%dma_wait3A_201, %dma_wait3A_202] : memref<52000x32xf32, #tpu.memory_space<vmem_shared>> -> memref<52000x32xf32, #tpu.memory_space<vmem_shared>>
      tpu.wait_indirect_dma semaphore(%arg16 : memref<!tpu.dma_semaphore, #tpu.memory_space<semaphore_mem>>) src(%arg10 : memref<128x32xf32, #tpu.memory_space<vmem>>) dst(%dma_wait3A_203 : memref<52000x32xf32, #tpu.memory_space<vmem_shared>>)
      %dma_start3A_204 = arith.constant 7 : i32
      %dma_start3A_205 = arith.constant 0 : i32
      %dma_start3A_206 = tpu.memref_slice %arg7[%dma_start3A_204, %dma_start3A_205] : memref<16x128xi32, #tpu.memory_space<vmem>> -> memref<1x128xi32, #tpu.memory_space<vmem>>
      %dma_start3A_207 = tpu.memref_squeeze %dma_start3A_206 : memref<1x128xi32, #tpu.memory_space<vmem>> -> memref<128xi32, #tpu.memory_space<vmem>>
      %dma_start3A_208 = arith.constant 0 : i32
      %dma_start3A_209 = arith.constant 0 : i32
      %dma_start3A_210 = tpu.memref_slice %arg2[%dma_start3A_208, %dma_start3A_209] : memref<800000x32xf32, #tpu.memory_space<hbm>> -> memref<800000x32xf32, #tpu.memory_space<hbm>>
      tpu.enqueue_indirect_dma source(%dma_start3A_210 : memref<800000x32xf32, #tpu.memory_space<hbm>>) target(%arg10 : memref<128x32xf32, #tpu.memory_space<vmem>>) offsets(%dma_start3A_207 : memref<128xi32, #tpu.memory_space<vmem>>) semaphore(%arg13 : memref<!tpu.dma_semaphore, #tpu.memory_space<semaphore_mem>>)
      %dma_wait3A_211 = arith.constant 6 : i32
      %dma_wait3A_212 = arith.constant 0 : i32
      %dma_wait3A_213 = tpu.memref_slice %arg7[%dma_wait3A_211, %dma_wait3A_212] : memref<16x128xi32, #tpu.memory_space<vmem>> -> memref<1x128xi32, #tpu.memory_space<vmem>>
      %dma_wait3A_214 = tpu.memref_squeeze %dma_wait3A_213 : memref<1x128xi32, #tpu.memory_space<vmem>> -> memref<128xi32, #tpu.memory_space<vmem>>
      %dma_wait3A_215 = arith.constant 0 : i32
      %dma_wait3A_216 = arith.constant 0 : i32
      %dma_wait3A_217 = tpu.memref_slice %arg2[%dma_wait3A_215, %dma_wait3A_216] : memref<800000x32xf32, #tpu.memory_space<hbm>> -> memref<800000x32xf32, #tpu.memory_space<hbm>>
      tpu.wait_indirect_dma semaphore(%arg12 : memref<!tpu.dma_semaphore, #tpu.memory_space<semaphore_mem>>) src(%dma_wait3A_217 : memref<800000x32xf32, #tpu.memory_space<hbm>>) dst(%arg9 : memref<128x32xf32, #tpu.memory_space<vmem>>)
      %dma_start3A_218 = arith.constant 6 : i32
      %dma_start3A_219 = arith.constant 0 : i32
      %dma_start3A_220 = tpu.memref_slice %arg8[%dma_start3A_218, %dma_start3A_219] : memref<16x128xi32, #tpu.memory_space<vmem>> -> memref<1x128xi32, #tpu.memory_space<vmem>>
      %dma_start3A_221 = tpu.memref_squeeze %dma_start3A_220 : memref<1x128xi32, #tpu.memory_space<vmem>> -> memref<128xi32, #tpu.memory_space<vmem>>
      %dma_start3A_222 = arith.constant 0 : i32
      %dma_start3A_223 = arith.constant 0 : i32
      %dma_start3A_224 = tpu.memref_slice %arg5[%dma_start3A_222, %dma_start3A_223] : memref<52000x32xf32, #tpu.memory_space<vmem_shared>> -> memref<52000x32xf32, #tpu.memory_space<vmem_shared>>
      tpu.enqueue_indirect_dma source(%arg9 : memref<128x32xf32, #tpu.memory_space<vmem>>) target(%dma_start3A_224 : memref<52000x32xf32, #tpu.memory_space<vmem_shared>>) offsets(%dma_start3A_221 : memref<128xi32, #tpu.memory_space<vmem>>) semaphore(%arg15 : memref<!tpu.dma_semaphore, #tpu.memory_space<semaphore_mem>>) {add = true}
      %dma_wait3A_225 = arith.constant 5 : i32
      %dma_wait3A_226 = arith.constant 0 : i32
      %dma_wait3A_227 = tpu.memref_slice %arg8[%dma_wait3A_225, %dma_wait3A_226] : memref<16x128xi32, #tpu.memory_space<vmem>> -> memref<1x128xi32, #tpu.memory_space<vmem>>
      %dma_wait3A_228 = tpu.memref_squeeze %dma_wait3A_227 : memref<1x128xi32, #tpu.memory_space<vmem>> -> memref<128xi32, #tpu.memory_space<vmem>>
      %dma_wait3A_229 = arith.constant 0 : i32
      %dma_wait3A_230 = arith.constant 0 : i32
      %dma_wait3A_231 = tpu.memref_slice %arg5[%dma_wait3A_229, %dma_wait3A_230] : memref<52000x32xf32, #tpu.memory_space<vmem_shared>> -> memref<52000x32xf32, #tpu.memory_space<vmem_shared>>
      tpu.wait_indirect_dma semaphore(%arg17 : memref<!tpu.dma_semaphore, #tpu.memory_space<semaphore_mem>>) src(%arg11 : memref<128x32xf32, #tpu.memory_space<vmem>>) dst(%dma_wait3A_231 : memref<52000x32xf32, #tpu.memory_space<vmem_shared>>)
      %dma_start3A_232 = arith.constant 8 : i32
      %dma_start3A_233 = arith.constant 0 : i32
      %dma_start3A_234 = tpu.memref_slice %arg7[%dma_start3A_232, %dma_start3A_233] : memref<16x128xi32, #tpu.memory_space<vmem>> -> memref<1x128xi32, #tpu.memory_space<vmem>>
      %dma_start3A_235 = tpu.memref_squeeze %dma_start3A_234 : memref<1x128xi32, #tpu.memory_space<vmem>> -> memref<128xi32, #tpu.memory_space<vmem>>
      %dma_start3A_236 = arith.constant 0 : i32
      %dma_start3A_237 = arith.constant 0 : i32
      %dma_start3A_238 = tpu.memref_slice %arg2[%dma_start3A_236, %dma_start3A_237] : memref<800000x32xf32, #tpu.memory_space<hbm>> -> memref<800000x32xf32, #tpu.memory_space<hbm>>
      tpu.enqueue_indirect_dma source(%dma_start3A_238 : memref<800000x32xf32, #tpu.memory_space<hbm>>) target(%arg11 : memref<128x32xf32, #tpu.memory_space<vmem>>) offsets(%dma_start3A_235 : memref<128xi32, #tpu.memory_space<vmem>>) semaphore(%arg14 : memref<!tpu.dma_semaphore, #tpu.memory_space<semaphore_mem>>)
      %dma_wait3A_239 = arith.constant 7 : i32
      %dma_wait3A_240 = arith.constant 0 : i32
      %dma_wait3A_241 = tpu.memref_slice %arg7[%dma_wait3A_239, %dma_wait3A_240] : memref<16x128xi32, #tpu.memory_space<vmem>> -> memref<1x128xi32, #tpu.memory_space<vmem>>
      %dma_wait3A_242 = tpu.memref_squeeze %dma_wait3A_241 : memref<1x128xi32, #tpu.memory_space<vmem>> -> memref<128xi32, #tpu.memory_space<vmem>>
      %dma_wait3A_243 = arith.constant 0 : i32
      %dma_wait3A_244 = arith.constant 0 : i32
      %dma_wait3A_245 = tpu.memref_slice %arg2[%dma_wait3A_243, %dma_wait3A_244] : memref<800000x32xf32, #tpu.memory_space<hbm>> -> memref<800000x32xf32, #tpu.memory_space<hbm>>
      tpu.wait_indirect_dma semaphore(%arg13 : memref<!tpu.dma_semaphore, #tpu.memory_space<semaphore_mem>>) src(%dma_wait3A_245 : memref<800000x32xf32, #tpu.memory_space<hbm>>) dst(%arg10 : memref<128x32xf32, #tpu.memory_space<vmem>>)
      %dma_start3A_246 = arith.constant 7 : i32
      %dma_start3A_247 = arith.constant 0 : i32
      %dma_start3A_248 = tpu.memref_slice %arg8[%dma_start3A_246, %dma_start3A_247] : memref<16x128xi32, #tpu.memory_space<vmem>> -> memref<1x128xi32, #tpu.memory_space<vmem>>
      %dma_start3A_249 = tpu.memref_squeeze %dma_start3A_248 : memref<1x128xi32, #tpu.memory_space<vmem>> -> memref<128xi32, #tpu.memory_space<vmem>>
      %dma_start3A_250 = arith.constant 0 : i32
      %dma_start3A_251 = arith.constant 0 : i32
      %dma_start3A_252 = tpu.memref_slice %arg5[%dma_start3A_250, %dma_start3A_251] : memref<52000x32xf32, #tpu.memory_space<vmem_shared>> -> memref<52000x32xf32, #tpu.memory_space<vmem_shared>>
      tpu.enqueue_indirect_dma source(%arg10 : memref<128x32xf32, #tpu.memory_space<vmem>>) target(%dma_start3A_252 : memref<52000x32xf32, #tpu.memory_space<vmem_shared>>) offsets(%dma_start3A_249 : memref<128xi32, #tpu.memory_space<vmem>>) semaphore(%arg16 : memref<!tpu.dma_semaphore, #tpu.memory_space<semaphore_mem>>) {add = true}
      %dma_wait3A_253 = arith.constant 6 : i32
      %dma_wait3A_254 = arith.constant 0 : i32
      %dma_wait3A_255 = tpu.memref_slice %arg8[%dma_wait3A_253, %dma_wait3A_254] : memref<16x128xi32, #tpu.memory_space<vmem>> -> memref<1x128xi32, #tpu.memory_space<vmem>>
      %dma_wait3A_256 = tpu.memref_squeeze %dma_wait3A_255 : memref<1x128xi32, #tpu.memory_space<vmem>> -> memref<128xi32, #tpu.memory_space<vmem>>
      %dma_wait3A_257 = arith.constant 0 : i32
      %dma_wait3A_258 = arith.constant 0 : i32
      %dma_wait3A_259 = tpu.memref_slice %arg5[%dma_wait3A_257, %dma_wait3A_258] : memref<52000x32xf32, #tpu.memory_space<vmem_shared>> -> memref<52000x32xf32, #tpu.memory_space<vmem_shared>>
      tpu.wait_indirect_dma semaphore(%arg15 : memref<!tpu.dma_semaphore, #tpu.memory_space<semaphore_mem>>) src(%arg9 : memref<128x32xf32, #tpu.memory_space<vmem>>) dst(%dma_wait3A_259 : memref<52000x32xf32, #tpu.memory_space<vmem_shared>>)
      %dma_start3A_260 = arith.constant 9 : i32
      %dma_start3A_261 = arith.constant 0 : i32
      %dma_start3A_262 = tpu.memref_slice %arg7[%dma_start3A_260, %dma_start3A_261] : memref<16x128xi32, #tpu.memory_space<vmem>> -> memref<1x128xi32, #tpu.memory_space<vmem>>
      %dma_start3A_263 = tpu.memref_squeeze %dma_start3A_262 : memref<1x128xi32, #tpu.memory_space<vmem>> -> memref<128xi32, #tpu.memory_space<vmem>>
      %dma_start3A_264 = arith.constant 0 : i32
      %dma_start3A_265 = arith.constant 0 : i32
      %dma_start3A_266 = tpu.memref_slice %arg2[%dma_start3A_264, %dma_start3A_265] : memref<800000x32xf32, #tpu.memory_space<hbm>> -> memref<800000x32xf32, #tpu.memory_space<hbm>>
      tpu.enqueue_indirect_dma source(%dma_start3A_266 : memref<800000x32xf32, #tpu.memory_space<hbm>>) target(%arg9 : memref<128x32xf32, #tpu.memory_space<vmem>>) offsets(%dma_start3A_263 : memref<128xi32, #tpu.memory_space<vmem>>) semaphore(%arg12 : memref<!tpu.dma_semaphore, #tpu.memory_space<semaphore_mem>>)
      %dma_wait3A_267 = arith.constant 8 : i32
      %dma_wait3A_268 = arith.constant 0 : i32
      %dma_wait3A_269 = tpu.memref_slice %arg7[%dma_wait3A_267, %dma_wait3A_268] : memref<16x128xi32, #tpu.memory_space<vmem>> -> memref<1x128xi32, #tpu.memory_space<vmem>>
      %dma_wait3A_270 = tpu.memref_squeeze %dma_wait3A_269 : memref<1x128xi32, #tpu.memory_space<vmem>> -> memref<128xi32, #tpu.memory_space<vmem>>
      %dma_wait3A_271 = arith.constant 0 : i32
      %dma_wait3A_272 = arith.constant 0 : i32
      %dma_wait3A_273 = tpu.memref_slice %arg2[%dma_wait3A_271, %dma_wait3A_272] : memref<800000x32xf32, #tpu.memory_space<hbm>> -> memref<800000x32xf32, #tpu.memory_space<hbm>>
      tpu.wait_indirect_dma semaphore(%arg14 : memref<!tpu.dma_semaphore, #tpu.memory_space<semaphore_mem>>) src(%dma_wait3A_273 : memref<800000x32xf32, #tpu.memory_space<hbm>>) dst(%arg11 : memref<128x32xf32, #tpu.memory_space<vmem>>)
      %dma_start3A_274 = arith.constant 8 : i32
      %dma_start3A_275 = arith.constant 0 : i32
      %dma_start3A_276 = tpu.memref_slice %arg8[%dma_start3A_274, %dma_start3A_275] : memref<16x128xi32, #tpu.memory_space<vmem>> -> memref<1x128xi32, #tpu.memory_space<vmem>>
      %dma_start3A_277 = tpu.memref_squeeze %dma_start3A_276 : memref<1x128xi32, #tpu.memory_space<vmem>> -> memref<128xi32, #tpu.memory_space<vmem>>
      %dma_start3A_278 = arith.constant 0 : i32
      %dma_start3A_279 = arith.constant 0 : i32
      %dma_start3A_280 = tpu.memref_slice %arg5[%dma_start3A_278, %dma_start3A_279] : memref<52000x32xf32, #tpu.memory_space<vmem_shared>> -> memref<52000x32xf32, #tpu.memory_space<vmem_shared>>
      tpu.enqueue_indirect_dma source(%arg11 : memref<128x32xf32, #tpu.memory_space<vmem>>) target(%dma_start3A_280 : memref<52000x32xf32, #tpu.memory_space<vmem_shared>>) offsets(%dma_start3A_277 : memref<128xi32, #tpu.memory_space<vmem>>) semaphore(%arg17 : memref<!tpu.dma_semaphore, #tpu.memory_space<semaphore_mem>>) {add = true}
      %dma_wait3A_281 = arith.constant 7 : i32
      %dma_wait3A_282 = arith.constant 0 : i32
      %dma_wait3A_283 = tpu.memref_slice %arg8[%dma_wait3A_281, %dma_wait3A_282] : memref<16x128xi32, #tpu.memory_space<vmem>> -> memref<1x128xi32, #tpu.memory_space<vmem>>
      %dma_wait3A_284 = tpu.memref_squeeze %dma_wait3A_283 : memref<1x128xi32, #tpu.memory_space<vmem>> -> memref<128xi32, #tpu.memory_space<vmem>>
      %dma_wait3A_285 = arith.constant 0 : i32
      %dma_wait3A_286 = arith.constant 0 : i32
      %dma_wait3A_287 = tpu.memref_slice %arg5[%dma_wait3A_285, %dma_wait3A_286] : memref<52000x32xf32, #tpu.memory_space<vmem_shared>> -> memref<52000x32xf32, #tpu.memory_space<vmem_shared>>
      tpu.wait_indirect_dma semaphore(%arg16 : memref<!tpu.dma_semaphore, #tpu.memory_space<semaphore_mem>>) src(%arg10 : memref<128x32xf32, #tpu.memory_space<vmem>>) dst(%dma_wait3A_287 : memref<52000x32xf32, #tpu.memory_space<vmem_shared>>)
      %dma_start3A_288 = arith.constant 10 : i32
      %dma_start3A_289 = arith.constant 0 : i32
      %dma_start3A_290 = tpu.memref_slice %arg7[%dma_start3A_288, %dma_start3A_289] : memref<16x128xi32, #tpu.memory_space<vmem>> -> memref<1x128xi32, #tpu.memory_space<vmem>>
      %dma_start3A_291 = tpu.memref_squeeze %dma_start3A_290 : memref<1x128xi32, #tpu.memory_space<vmem>> -> memref<128xi32, #tpu.memory_space<vmem>>
      %dma_start3A_292 = arith.constant 0 : i32
      %dma_start3A_293 = arith.constant 0 : i32
      %dma_start3A_294 = tpu.memref_slice %arg2[%dma_start3A_292, %dma_start3A_293] : memref<800000x32xf32, #tpu.memory_space<hbm>> -> memref<800000x32xf32, #tpu.memory_space<hbm>>
      tpu.enqueue_indirect_dma source(%dma_start3A_294 : memref<800000x32xf32, #tpu.memory_space<hbm>>) target(%arg10 : memref<128x32xf32, #tpu.memory_space<vmem>>) offsets(%dma_start3A_291 : memref<128xi32, #tpu.memory_space<vmem>>) semaphore(%arg13 : memref<!tpu.dma_semaphore, #tpu.memory_space<semaphore_mem>>)
      %dma_wait3A_295 = arith.constant 9 : i32
      %dma_wait3A_296 = arith.constant 0 : i32
      %dma_wait3A_297 = tpu.memref_slice %arg7[%dma_wait3A_295, %dma_wait3A_296] : memref<16x128xi32, #tpu.memory_space<vmem>> -> memref<1x128xi32, #tpu.memory_space<vmem>>
      %dma_wait3A_298 = tpu.memref_squeeze %dma_wait3A_297 : memref<1x128xi32, #tpu.memory_space<vmem>> -> memref<128xi32, #tpu.memory_space<vmem>>
      %dma_wait3A_299 = arith.constant 0 : i32
      %dma_wait3A_300 = arith.constant 0 : i32
      %dma_wait3A_301 = tpu.memref_slice %arg2[%dma_wait3A_299, %dma_wait3A_300] : memref<800000x32xf32, #tpu.memory_space<hbm>> -> memref<800000x32xf32, #tpu.memory_space<hbm>>
      tpu.wait_indirect_dma semaphore(%arg12 : memref<!tpu.dma_semaphore, #tpu.memory_space<semaphore_mem>>) src(%dma_wait3A_301 : memref<800000x32xf32, #tpu.memory_space<hbm>>) dst(%arg9 : memref<128x32xf32, #tpu.memory_space<vmem>>)
      %dma_start3A_302 = arith.constant 9 : i32
      %dma_start3A_303 = arith.constant 0 : i32
      %dma_start3A_304 = tpu.memref_slice %arg8[%dma_start3A_302, %dma_start3A_303] : memref<16x128xi32, #tpu.memory_space<vmem>> -> memref<1x128xi32, #tpu.memory_space<vmem>>
      %dma_start3A_305 = tpu.memref_squeeze %dma_start3A_304 : memref<1x128xi32, #tpu.memory_space<vmem>> -> memref<128xi32, #tpu.memory_space<vmem>>
      %dma_start3A_306 = arith.constant 0 : i32
      %dma_start3A_307 = arith.constant 0 : i32
      %dma_start3A_308 = tpu.memref_slice %arg5[%dma_start3A_306, %dma_start3A_307] : memref<52000x32xf32, #tpu.memory_space<vmem_shared>> -> memref<52000x32xf32, #tpu.memory_space<vmem_shared>>
      tpu.enqueue_indirect_dma source(%arg9 : memref<128x32xf32, #tpu.memory_space<vmem>>) target(%dma_start3A_308 : memref<52000x32xf32, #tpu.memory_space<vmem_shared>>) offsets(%dma_start3A_305 : memref<128xi32, #tpu.memory_space<vmem>>) semaphore(%arg15 : memref<!tpu.dma_semaphore, #tpu.memory_space<semaphore_mem>>) {add = true}
      %dma_wait3A_309 = arith.constant 8 : i32
      %dma_wait3A_310 = arith.constant 0 : i32
      %dma_wait3A_311 = tpu.memref_slice %arg8[%dma_wait3A_309, %dma_wait3A_310] : memref<16x128xi32, #tpu.memory_space<vmem>> -> memref<1x128xi32, #tpu.memory_space<vmem>>
      %dma_wait3A_312 = tpu.memref_squeeze %dma_wait3A_311 : memref<1x128xi32, #tpu.memory_space<vmem>> -> memref<128xi32, #tpu.memory_space<vmem>>
      %dma_wait3A_313 = arith.constant 0 : i32
      %dma_wait3A_314 = arith.constant 0 : i32
      %dma_wait3A_315 = tpu.memref_slice %arg5[%dma_wait3A_313, %dma_wait3A_314] : memref<52000x32xf32, #tpu.memory_space<vmem_shared>> -> memref<52000x32xf32, #tpu.memory_space<vmem_shared>>
      tpu.wait_indirect_dma semaphore(%arg17 : memref<!tpu.dma_semaphore, #tpu.memory_space<semaphore_mem>>) src(%arg11 : memref<128x32xf32, #tpu.memory_space<vmem>>) dst(%dma_wait3A_315 : memref<52000x32xf32, #tpu.memory_space<vmem_shared>>)
      %dma_start3A_316 = arith.constant 11 : i32
      %dma_start3A_317 = arith.constant 0 : i32
      %dma_start3A_318 = tpu.memref_slice %arg7[%dma_start3A_316, %dma_start3A_317] : memref<16x128xi32, #tpu.memory_space<vmem>> -> memref<1x128xi32, #tpu.memory_space<vmem>>
      %dma_start3A_319 = tpu.memref_squeeze %dma_start3A_318 : memref<1x128xi32, #tpu.memory_space<vmem>> -> memref<128xi32, #tpu.memory_space<vmem>>
      %dma_start3A_320 = arith.constant 0 : i32
      %dma_start3A_321 = arith.constant 0 : i32
      %dma_start3A_322 = tpu.memref_slice %arg2[%dma_start3A_320, %dma_start3A_321] : memref<800000x32xf32, #tpu.memory_space<hbm>> -> memref<800000x32xf32, #tpu.memory_space<hbm>>
      tpu.enqueue_indirect_dma source(%dma_start3A_322 : memref<800000x32xf32, #tpu.memory_space<hbm>>) target(%arg11 : memref<128x32xf32, #tpu.memory_space<vmem>>) offsets(%dma_start3A_319 : memref<128xi32, #tpu.memory_space<vmem>>) semaphore(%arg14 : memref<!tpu.dma_semaphore, #tpu.memory_space<semaphore_mem>>)
      %dma_wait3A_323 = arith.constant 10 : i32
      %dma_wait3A_324 = arith.constant 0 : i32
      %dma_wait3A_325 = tpu.memref_slice %arg7[%dma_wait3A_323, %dma_wait3A_324] : memref<16x128xi32, #tpu.memory_space<vmem>> -> memref<1x128xi32, #tpu.memory_space<vmem>>
      %dma_wait3A_326 = tpu.memref_squeeze %dma_wait3A_325 : memref<1x128xi32, #tpu.memory_space<vmem>> -> memref<128xi32, #tpu.memory_space<vmem>>
      %dma_wait3A_327 = arith.constant 0 : i32
      %dma_wait3A_328 = arith.constant 0 : i32
      %dma_wait3A_329 = tpu.memref_slice %arg2[%dma_wait3A_327, %dma_wait3A_328] : memref<800000x32xf32, #tpu.memory_space<hbm>> -> memref<800000x32xf32, #tpu.memory_space<hbm>>
      tpu.wait_indirect_dma semaphore(%arg13 : memref<!tpu.dma_semaphore, #tpu.memory_space<semaphore_mem>>) src(%dma_wait3A_329 : memref<800000x32xf32, #tpu.memory_space<hbm>>) dst(%arg10 : memref<128x32xf32, #tpu.memory_space<vmem>>)
      %dma_start3A_330 = arith.constant 10 : i32
      %dma_start3A_331 = arith.constant 0 : i32
      %dma_start3A_332 = tpu.memref_slice %arg8[%dma_start3A_330, %dma_start3A_331] : memref<16x128xi32, #tpu.memory_space<vmem>> -> memref<1x128xi32, #tpu.memory_space<vmem>>
      %dma_start3A_333 = tpu.memref_squeeze %dma_start3A_332 : memref<1x128xi32, #tpu.memory_space<vmem>> -> memref<128xi32, #tpu.memory_space<vmem>>
      %dma_start3A_334 = arith.constant 0 : i32
      %dma_start3A_335 = arith.constant 0 : i32
      %dma_start3A_336 = tpu.memref_slice %arg5[%dma_start3A_334, %dma_start3A_335] : memref<52000x32xf32, #tpu.memory_space<vmem_shared>> -> memref<52000x32xf32, #tpu.memory_space<vmem_shared>>
      tpu.enqueue_indirect_dma source(%arg10 : memref<128x32xf32, #tpu.memory_space<vmem>>) target(%dma_start3A_336 : memref<52000x32xf32, #tpu.memory_space<vmem_shared>>) offsets(%dma_start3A_333 : memref<128xi32, #tpu.memory_space<vmem>>) semaphore(%arg16 : memref<!tpu.dma_semaphore, #tpu.memory_space<semaphore_mem>>) {add = true}
      %dma_wait3A_337 = arith.constant 9 : i32
      %dma_wait3A_338 = arith.constant 0 : i32
      %dma_wait3A_339 = tpu.memref_slice %arg8[%dma_wait3A_337, %dma_wait3A_338] : memref<16x128xi32, #tpu.memory_space<vmem>> -> memref<1x128xi32, #tpu.memory_space<vmem>>
      %dma_wait3A_340 = tpu.memref_squeeze %dma_wait3A_339 : memref<1x128xi32, #tpu.memory_space<vmem>> -> memref<128xi32, #tpu.memory_space<vmem>>
      %dma_wait3A_341 = arith.constant 0 : i32
      %dma_wait3A_342 = arith.constant 0 : i32
      %dma_wait3A_343 = tpu.memref_slice %arg5[%dma_wait3A_341, %dma_wait3A_342] : memref<52000x32xf32, #tpu.memory_space<vmem_shared>> -> memref<52000x32xf32, #tpu.memory_space<vmem_shared>>
      tpu.wait_indirect_dma semaphore(%arg15 : memref<!tpu.dma_semaphore, #tpu.memory_space<semaphore_mem>>) src(%arg9 : memref<128x32xf32, #tpu.memory_space<vmem>>) dst(%dma_wait3A_343 : memref<52000x32xf32, #tpu.memory_space<vmem_shared>>)
      %dma_start3A_344 = arith.constant 12 : i32
      %dma_start3A_345 = arith.constant 0 : i32
      %dma_start3A_346 = tpu.memref_slice %arg7[%dma_start3A_344, %dma_start3A_345] : memref<16x128xi32, #tpu.memory_space<vmem>> -> memref<1x128xi32, #tpu.memory_space<vmem>>
      %dma_start3A_347 = tpu.memref_squeeze %dma_start3A_346 : memref<1x128xi32, #tpu.memory_space<vmem>> -> memref<128xi32, #tpu.memory_space<vmem>>
      %dma_start3A_348 = arith.constant 0 : i32
      %dma_start3A_349 = arith.constant 0 : i32
      %dma_start3A_350 = tpu.memref_slice %arg2[%dma_start3A_348, %dma_start3A_349] : memref<800000x32xf32, #tpu.memory_space<hbm>> -> memref<800000x32xf32, #tpu.memory_space<hbm>>
      tpu.enqueue_indirect_dma source(%dma_start3A_350 : memref<800000x32xf32, #tpu.memory_space<hbm>>) target(%arg9 : memref<128x32xf32, #tpu.memory_space<vmem>>) offsets(%dma_start3A_347 : memref<128xi32, #tpu.memory_space<vmem>>) semaphore(%arg12 : memref<!tpu.dma_semaphore, #tpu.memory_space<semaphore_mem>>)
      %dma_wait3A_351 = arith.constant 11 : i32
      %dma_wait3A_352 = arith.constant 0 : i32
      %dma_wait3A_353 = tpu.memref_slice %arg7[%dma_wait3A_351, %dma_wait3A_352] : memref<16x128xi32, #tpu.memory_space<vmem>> -> memref<1x128xi32, #tpu.memory_space<vmem>>
      %dma_wait3A_354 = tpu.memref_squeeze %dma_wait3A_353 : memref<1x128xi32, #tpu.memory_space<vmem>> -> memref<128xi32, #tpu.memory_space<vmem>>
      %dma_wait3A_355 = arith.constant 0 : i32
      %dma_wait3A_356 = arith.constant 0 : i32
      %dma_wait3A_357 = tpu.memref_slice %arg2[%dma_wait3A_355, %dma_wait3A_356] : memref<800000x32xf32, #tpu.memory_space<hbm>> -> memref<800000x32xf32, #tpu.memory_space<hbm>>
      tpu.wait_indirect_dma semaphore(%arg14 : memref<!tpu.dma_semaphore, #tpu.memory_space<semaphore_mem>>) src(%dma_wait3A_357 : memref<800000x32xf32, #tpu.memory_space<hbm>>) dst(%arg11 : memref<128x32xf32, #tpu.memory_space<vmem>>)
      %dma_start3A_358 = arith.constant 11 : i32
      %dma_start3A_359 = arith.constant 0 : i32
      %dma_start3A_360 = tpu.memref_slice %arg8[%dma_start3A_358, %dma_start3A_359] : memref<16x128xi32, #tpu.memory_space<vmem>> -> memref<1x128xi32, #tpu.memory_space<vmem>>
      %dma_start3A_361 = tpu.memref_squeeze %dma_start3A_360 : memref<1x128xi32, #tpu.memory_space<vmem>> -> memref<128xi32, #tpu.memory_space<vmem>>
      %dma_start3A_362 = arith.constant 0 : i32
      %dma_start3A_363 = arith.constant 0 : i32
      %dma_start3A_364 = tpu.memref_slice %arg5[%dma_start3A_362, %dma_start3A_363] : memref<52000x32xf32, #tpu.memory_space<vmem_shared>> -> memref<52000x32xf32, #tpu.memory_space<vmem_shared>>
      tpu.enqueue_indirect_dma source(%arg11 : memref<128x32xf32, #tpu.memory_space<vmem>>) target(%dma_start3A_364 : memref<52000x32xf32, #tpu.memory_space<vmem_shared>>) offsets(%dma_start3A_361 : memref<128xi32, #tpu.memory_space<vmem>>) semaphore(%arg17 : memref<!tpu.dma_semaphore, #tpu.memory_space<semaphore_mem>>) {add = true}
      %dma_wait3A_365 = arith.constant 10 : i32
      %dma_wait3A_366 = arith.constant 0 : i32
      %dma_wait3A_367 = tpu.memref_slice %arg8[%dma_wait3A_365, %dma_wait3A_366] : memref<16x128xi32, #tpu.memory_space<vmem>> -> memref<1x128xi32, #tpu.memory_space<vmem>>
      %dma_wait3A_368 = tpu.memref_squeeze %dma_wait3A_367 : memref<1x128xi32, #tpu.memory_space<vmem>> -> memref<128xi32, #tpu.memory_space<vmem>>
      %dma_wait3A_369 = arith.constant 0 : i32
      %dma_wait3A_370 = arith.constant 0 : i32
      %dma_wait3A_371 = tpu.memref_slice %arg5[%dma_wait3A_369, %dma_wait3A_370] : memref<52000x32xf32, #tpu.memory_space<vmem_shared>> -> memref<52000x32xf32, #tpu.memory_space<vmem_shared>>
      tpu.wait_indirect_dma semaphore(%arg16 : memref<!tpu.dma_semaphore, #tpu.memory_space<semaphore_mem>>) src(%arg10 : memref<128x32xf32, #tpu.memory_space<vmem>>) dst(%dma_wait3A_371 : memref<52000x32xf32, #tpu.memory_space<vmem_shared>>)
      %dma_start3A_372 = arith.constant 13 : i32
      %dma_start3A_373 = arith.constant 0 : i32
      %dma_start3A_374 = tpu.memref_slice %arg7[%dma_start3A_372, %dma_start3A_373] : memref<16x128xi32, #tpu.memory_space<vmem>> -> memref<1x128xi32, #tpu.memory_space<vmem>>
      %dma_start3A_375 = tpu.memref_squeeze %dma_start3A_374 : memref<1x128xi32, #tpu.memory_space<vmem>> -> memref<128xi32, #tpu.memory_space<vmem>>
      %dma_start3A_376 = arith.constant 0 : i32
      %dma_start3A_377 = arith.constant 0 : i32
      %dma_start3A_378 = tpu.memref_slice %arg2[%dma_start3A_376, %dma_start3A_377] : memref<800000x32xf32, #tpu.memory_space<hbm>> -> memref<800000x32xf32, #tpu.memory_space<hbm>>
      tpu.enqueue_indirect_dma source(%dma_start3A_378 : memref<800000x32xf32, #tpu.memory_space<hbm>>) target(%arg10 : memref<128x32xf32, #tpu.memory_space<vmem>>) offsets(%dma_start3A_375 : memref<128xi32, #tpu.memory_space<vmem>>) semaphore(%arg13 : memref<!tpu.dma_semaphore, #tpu.memory_space<semaphore_mem>>)
      %dma_wait3A_379 = arith.constant 12 : i32
      %dma_wait3A_380 = arith.constant 0 : i32
      %dma_wait3A_381 = tpu.memref_slice %arg7[%dma_wait3A_379, %dma_wait3A_380] : memref<16x128xi32, #tpu.memory_space<vmem>> -> memref<1x128xi32, #tpu.memory_space<vmem>>
      %dma_wait3A_382 = tpu.memref_squeeze %dma_wait3A_381 : memref<1x128xi32, #tpu.memory_space<vmem>> -> memref<128xi32, #tpu.memory_space<vmem>>
      %dma_wait3A_383 = arith.constant 0 : i32
      %dma_wait3A_384 = arith.constant 0 : i32
      %dma_wait3A_385 = tpu.memref_slice %arg2[%dma_wait3A_383, %dma_wait3A_384] : memref<800000x32xf32, #tpu.memory_space<hbm>> -> memref<800000x32xf32, #tpu.memory_space<hbm>>
      tpu.wait_indirect_dma semaphore(%arg12 : memref<!tpu.dma_semaphore, #tpu.memory_space<semaphore_mem>>) src(%dma_wait3A_385 : memref<800000x32xf32, #tpu.memory_space<hbm>>) dst(%arg9 : memref<128x32xf32, #tpu.memory_space<vmem>>)
      %dma_start3A_386 = arith.constant 12 : i32
      %dma_start3A_387 = arith.constant 0 : i32
      %dma_start3A_388 = tpu.memref_slice %arg8[%dma_start3A_386, %dma_start3A_387] : memref<16x128xi32, #tpu.memory_space<vmem>> -> memref<1x128xi32, #tpu.memory_space<vmem>>
      %dma_start3A_389 = tpu.memref_squeeze %dma_start3A_388 : memref<1x128xi32, #tpu.memory_space<vmem>> -> memref<128xi32, #tpu.memory_space<vmem>>
      %dma_start3A_390 = arith.constant 0 : i32
      %dma_start3A_391 = arith.constant 0 : i32
      %dma_start3A_392 = tpu.memref_slice %arg5[%dma_start3A_390, %dma_start3A_391] : memref<52000x32xf32, #tpu.memory_space<vmem_shared>> -> memref<52000x32xf32, #tpu.memory_space<vmem_shared>>
      tpu.enqueue_indirect_dma source(%arg9 : memref<128x32xf32, #tpu.memory_space<vmem>>) target(%dma_start3A_392 : memref<52000x32xf32, #tpu.memory_space<vmem_shared>>) offsets(%dma_start3A_389 : memref<128xi32, #tpu.memory_space<vmem>>) semaphore(%arg15 : memref<!tpu.dma_semaphore, #tpu.memory_space<semaphore_mem>>) {add = true}
      %dma_wait3A_393 = arith.constant 11 : i32
      %dma_wait3A_394 = arith.constant 0 : i32
      %dma_wait3A_395 = tpu.memref_slice %arg8[%dma_wait3A_393, %dma_wait3A_394] : memref<16x128xi32, #tpu.memory_space<vmem>> -> memref<1x128xi32, #tpu.memory_space<vmem>>
      %dma_wait3A_396 = tpu.memref_squeeze %dma_wait3A_395 : memref<1x128xi32, #tpu.memory_space<vmem>> -> memref<128xi32, #tpu.memory_space<vmem>>
      %dma_wait3A_397 = arith.constant 0 : i32
      %dma_wait3A_398 = arith.constant 0 : i32
      %dma_wait3A_399 = tpu.memref_slice %arg5[%dma_wait3A_397, %dma_wait3A_398] : memref<52000x32xf32, #tpu.memory_space<vmem_shared>> -> memref<52000x32xf32, #tpu.memory_space<vmem_shared>>
      tpu.wait_indirect_dma semaphore(%arg17 : memref<!tpu.dma_semaphore, #tpu.memory_space<semaphore_mem>>) src(%arg11 : memref<128x32xf32, #tpu.memory_space<vmem>>) dst(%dma_wait3A_399 : memref<52000x32xf32, #tpu.memory_space<vmem_shared>>)
      %dma_start3A_400 = arith.constant 14 : i32
      %dma_start3A_401 = arith.constant 0 : i32
      %dma_start3A_402 = tpu.memref_slice %arg7[%dma_start3A_400, %dma_start3A_401] : memref<16x128xi32, #tpu.memory_space<vmem>> -> memref<1x128xi32, #tpu.memory_space<vmem>>
      %dma_start3A_403 = tpu.memref_squeeze %dma_start3A_402 : memref<1x128xi32, #tpu.memory_space<vmem>> -> memref<128xi32, #tpu.memory_space<vmem>>
      %dma_start3A_404 = arith.constant 0 : i32
      %dma_start3A_405 = arith.constant 0 : i32
      %dma_start3A_406 = tpu.memref_slice %arg2[%dma_start3A_404, %dma_start3A_405] : memref<800000x32xf32, #tpu.memory_space<hbm>> -> memref<800000x32xf32, #tpu.memory_space<hbm>>
      tpu.enqueue_indirect_dma source(%dma_start3A_406 : memref<800000x32xf32, #tpu.memory_space<hbm>>) target(%arg11 : memref<128x32xf32, #tpu.memory_space<vmem>>) offsets(%dma_start3A_403 : memref<128xi32, #tpu.memory_space<vmem>>) semaphore(%arg14 : memref<!tpu.dma_semaphore, #tpu.memory_space<semaphore_mem>>)
      %dma_wait3A_407 = arith.constant 13 : i32
      %dma_wait3A_408 = arith.constant 0 : i32
      %dma_wait3A_409 = tpu.memref_slice %arg7[%dma_wait3A_407, %dma_wait3A_408] : memref<16x128xi32, #tpu.memory_space<vmem>> -> memref<1x128xi32, #tpu.memory_space<vmem>>
      %dma_wait3A_410 = tpu.memref_squeeze %dma_wait3A_409 : memref<1x128xi32, #tpu.memory_space<vmem>> -> memref<128xi32, #tpu.memory_space<vmem>>
      %dma_wait3A_411 = arith.constant 0 : i32
      %dma_wait3A_412 = arith.constant 0 : i32
      %dma_wait3A_413 = tpu.memref_slice %arg2[%dma_wait3A_411, %dma_wait3A_412] : memref<800000x32xf32, #tpu.memory_space<hbm>> -> memref<800000x32xf32, #tpu.memory_space<hbm>>
      tpu.wait_indirect_dma semaphore(%arg13 : memref<!tpu.dma_semaphore, #tpu.memory_space<semaphore_mem>>) src(%dma_wait3A_413 : memref<800000x32xf32, #tpu.memory_space<hbm>>) dst(%arg10 : memref<128x32xf32, #tpu.memory_space<vmem>>)
      %dma_start3A_414 = arith.constant 13 : i32
      %dma_start3A_415 = arith.constant 0 : i32
      %dma_start3A_416 = tpu.memref_slice %arg8[%dma_start3A_414, %dma_start3A_415] : memref<16x128xi32, #tpu.memory_space<vmem>> -> memref<1x128xi32, #tpu.memory_space<vmem>>
      %dma_start3A_417 = tpu.memref_squeeze %dma_start3A_416 : memref<1x128xi32, #tpu.memory_space<vmem>> -> memref<128xi32, #tpu.memory_space<vmem>>
      %dma_start3A_418 = arith.constant 0 : i32
      %dma_start3A_419 = arith.constant 0 : i32
      %dma_start3A_420 = tpu.memref_slice %arg5[%dma_start3A_418, %dma_start3A_419] : memref<52000x32xf32, #tpu.memory_space<vmem_shared>> -> memref<52000x32xf32, #tpu.memory_space<vmem_shared>>
      tpu.enqueue_indirect_dma source(%arg10 : memref<128x32xf32, #tpu.memory_space<vmem>>) target(%dma_start3A_420 : memref<52000x32xf32, #tpu.memory_space<vmem_shared>>) offsets(%dma_start3A_417 : memref<128xi32, #tpu.memory_space<vmem>>) semaphore(%arg16 : memref<!tpu.dma_semaphore, #tpu.memory_space<semaphore_mem>>) {add = true}
      %dma_wait3A_421 = arith.constant 12 : i32
      %dma_wait3A_422 = arith.constant 0 : i32
      %dma_wait3A_423 = tpu.memref_slice %arg8[%dma_wait3A_421, %dma_wait3A_422] : memref<16x128xi32, #tpu.memory_space<vmem>> -> memref<1x128xi32, #tpu.memory_space<vmem>>
      %dma_wait3A_424 = tpu.memref_squeeze %dma_wait3A_423 : memref<1x128xi32, #tpu.memory_space<vmem>> -> memref<128xi32, #tpu.memory_space<vmem>>
      %dma_wait3A_425 = arith.constant 0 : i32
      %dma_wait3A_426 = arith.constant 0 : i32
      %dma_wait3A_427 = tpu.memref_slice %arg5[%dma_wait3A_425, %dma_wait3A_426] : memref<52000x32xf32, #tpu.memory_space<vmem_shared>> -> memref<52000x32xf32, #tpu.memory_space<vmem_shared>>
      tpu.wait_indirect_dma semaphore(%arg15 : memref<!tpu.dma_semaphore, #tpu.memory_space<semaphore_mem>>) src(%arg9 : memref<128x32xf32, #tpu.memory_space<vmem>>) dst(%dma_wait3A_427 : memref<52000x32xf32, #tpu.memory_space<vmem_shared>>)
      %dma_start3A_428 = arith.constant 15 : i32
      %dma_start3A_429 = arith.constant 0 : i32
      %dma_start3A_430 = tpu.memref_slice %arg7[%dma_start3A_428, %dma_start3A_429] : memref<16x128xi32, #tpu.memory_space<vmem>> -> memref<1x128xi32, #tpu.memory_space<vmem>>
      %dma_start3A_431 = tpu.memref_squeeze %dma_start3A_430 : memref<1x128xi32, #tpu.memory_space<vmem>> -> memref<128xi32, #tpu.memory_space<vmem>>
      %dma_start3A_432 = arith.constant 0 : i32
      %dma_start3A_433 = arith.constant 0 : i32
      %dma_start3A_434 = tpu.memref_slice %arg2[%dma_start3A_432, %dma_start3A_433] : memref<800000x32xf32, #tpu.memory_space<hbm>> -> memref<800000x32xf32, #tpu.memory_space<hbm>>
      tpu.enqueue_indirect_dma source(%dma_start3A_434 : memref<800000x32xf32, #tpu.memory_space<hbm>>) target(%arg9 : memref<128x32xf32, #tpu.memory_space<vmem>>) offsets(%dma_start3A_431 : memref<128xi32, #tpu.memory_space<vmem>>) semaphore(%arg12 : memref<!tpu.dma_semaphore, #tpu.memory_space<semaphore_mem>>)
      %dma_wait3A_435 = arith.constant 14 : i32
      %dma_wait3A_436 = arith.constant 0 : i32
      %dma_wait3A_437 = tpu.memref_slice %arg7[%dma_wait3A_435, %dma_wait3A_436] : memref<16x128xi32, #tpu.memory_space<vmem>> -> memref<1x128xi32, #tpu.memory_space<vmem>>
      %dma_wait3A_438 = tpu.memref_squeeze %dma_wait3A_437 : memref<1x128xi32, #tpu.memory_space<vmem>> -> memref<128xi32, #tpu.memory_space<vmem>>
      %dma_wait3A_439 = arith.constant 0 : i32
      %dma_wait3A_440 = arith.constant 0 : i32
      %dma_wait3A_441 = tpu.memref_slice %arg2[%dma_wait3A_439, %dma_wait3A_440] : memref<800000x32xf32, #tpu.memory_space<hbm>> -> memref<800000x32xf32, #tpu.memory_space<hbm>>
      tpu.wait_indirect_dma semaphore(%arg14 : memref<!tpu.dma_semaphore, #tpu.memory_space<semaphore_mem>>) src(%dma_wait3A_441 : memref<800000x32xf32, #tpu.memory_space<hbm>>) dst(%arg11 : memref<128x32xf32, #tpu.memory_space<vmem>>)
      %dma_start3A_442 = arith.constant 14 : i32
      %dma_start3A_443 = arith.constant 0 : i32
      %dma_start3A_444 = tpu.memref_slice %arg8[%dma_start3A_442, %dma_start3A_443] : memref<16x128xi32, #tpu.memory_space<vmem>> -> memref<1x128xi32, #tpu.memory_space<vmem>>
      %dma_start3A_445 = tpu.memref_squeeze %dma_start3A_444 : memref<1x128xi32, #tpu.memory_space<vmem>> -> memref<128xi32, #tpu.memory_space<vmem>>
      %dma_start3A_446 = arith.constant 0 : i32
      %dma_start3A_447 = arith.constant 0 : i32
      %dma_start3A_448 = tpu.memref_slice %arg5[%dma_start3A_446, %dma_start3A_447] : memref<52000x32xf32, #tpu.memory_space<vmem_shared>> -> memref<52000x32xf32, #tpu.memory_space<vmem_shared>>
      tpu.enqueue_indirect_dma source(%arg11 : memref<128x32xf32, #tpu.memory_space<vmem>>) target(%dma_start3A_448 : memref<52000x32xf32, #tpu.memory_space<vmem_shared>>) offsets(%dma_start3A_445 : memref<128xi32, #tpu.memory_space<vmem>>) semaphore(%arg17 : memref<!tpu.dma_semaphore, #tpu.memory_space<semaphore_mem>>) {add = true}
      %dma_wait3A_449 = arith.constant 15 : i32
      %dma_wait3A_450 = arith.constant 0 : i32
      %dma_wait3A_451 = tpu.memref_slice %arg7[%dma_wait3A_449, %dma_wait3A_450] : memref<16x128xi32, #tpu.memory_space<vmem>> -> memref<1x128xi32, #tpu.memory_space<vmem>>
      %dma_wait3A_452 = tpu.memref_squeeze %dma_wait3A_451 : memref<1x128xi32, #tpu.memory_space<vmem>> -> memref<128xi32, #tpu.memory_space<vmem>>
      %dma_wait3A_453 = arith.constant 0 : i32
      %dma_wait3A_454 = arith.constant 0 : i32
      %dma_wait3A_455 = tpu.memref_slice %arg2[%dma_wait3A_453, %dma_wait3A_454] : memref<800000x32xf32, #tpu.memory_space<hbm>> -> memref<800000x32xf32, #tpu.memory_space<hbm>>
      tpu.wait_indirect_dma semaphore(%arg12 : memref<!tpu.dma_semaphore, #tpu.memory_space<semaphore_mem>>) src(%dma_wait3A_455 : memref<800000x32xf32, #tpu.memory_space<hbm>>) dst(%arg9 : memref<128x32xf32, #tpu.memory_space<vmem>>)
      %dma_start3A_456 = arith.constant 15 : i32
      %dma_start3A_457 = arith.constant 0 : i32
      %dma_start3A_458 = tpu.memref_slice %arg8[%dma_start3A_456, %dma_start3A_457] : memref<16x128xi32, #tpu.memory_space<vmem>> -> memref<1x128xi32, #tpu.memory_space<vmem>>
      %dma_start3A_459 = tpu.memref_squeeze %dma_start3A_458 : memref<1x128xi32, #tpu.memory_space<vmem>> -> memref<128xi32, #tpu.memory_space<vmem>>
      %dma_start3A_460 = arith.constant 0 : i32
      %dma_start3A_461 = arith.constant 0 : i32
      %dma_start3A_462 = tpu.memref_slice %arg5[%dma_start3A_460, %dma_start3A_461] : memref<52000x32xf32, #tpu.memory_space<vmem_shared>> -> memref<52000x32xf32, #tpu.memory_space<vmem_shared>>
      tpu.enqueue_indirect_dma source(%arg9 : memref<128x32xf32, #tpu.memory_space<vmem>>) target(%dma_start3A_462 : memref<52000x32xf32, #tpu.memory_space<vmem_shared>>) offsets(%dma_start3A_459 : memref<128xi32, #tpu.memory_space<vmem>>) semaphore(%arg15 : memref<!tpu.dma_semaphore, #tpu.memory_space<semaphore_mem>>) {add = true}
      %dma_wait3A_463 = arith.constant 15 : i32
      %dma_wait3A_464 = arith.constant 0 : i32
      %dma_wait3A_465 = tpu.memref_slice %arg8[%dma_wait3A_463, %dma_wait3A_464] : memref<16x128xi32, #tpu.memory_space<vmem>> -> memref<1x128xi32, #tpu.memory_space<vmem>>
      %dma_wait3A_466 = tpu.memref_squeeze %dma_wait3A_465 : memref<1x128xi32, #tpu.memory_space<vmem>> -> memref<128xi32, #tpu.memory_space<vmem>>
      %dma_wait3A_467 = arith.constant 0 : i32
      %dma_wait3A_468 = arith.constant 0 : i32
      %dma_wait3A_469 = tpu.memref_slice %arg5[%dma_wait3A_467, %dma_wait3A_468] : memref<52000x32xf32, #tpu.memory_space<vmem_shared>> -> memref<52000x32xf32, #tpu.memory_space<vmem_shared>>
      tpu.wait_indirect_dma semaphore(%arg15 : memref<!tpu.dma_semaphore, #tpu.memory_space<semaphore_mem>>) src(%arg9 : memref<128x32xf32, #tpu.memory_space<vmem>>) dst(%dma_wait3A_469 : memref<52000x32xf32, #tpu.memory_space<vmem_shared>>)
      %dma_wait3A_470 = arith.constant 13 : i32
      %dma_wait3A_471 = arith.constant 0 : i32
      %dma_wait3A_472 = tpu.memref_slice %arg8[%dma_wait3A_470, %dma_wait3A_471] : memref<16x128xi32, #tpu.memory_space<vmem>> -> memref<1x128xi32, #tpu.memory_space<vmem>>
      %dma_wait3A_473 = tpu.memref_squeeze %dma_wait3A_472 : memref<1x128xi32, #tpu.memory_space<vmem>> -> memref<128xi32, #tpu.memory_space<vmem>>
      %dma_wait3A_474 = arith.constant 0 : i32
      %dma_wait3A_475 = arith.constant 0 : i32
      %dma_wait3A_476 = tpu.memref_slice %arg5[%dma_wait3A_474, %dma_wait3A_475] : memref<52000x32xf32, #tpu.memory_space<vmem_shared>> -> memref<52000x32xf32, #tpu.memory_space<vmem_shared>>
      tpu.wait_indirect_dma semaphore(%arg16 : memref<!tpu.dma_semaphore, #tpu.memory_space<semaphore_mem>>) src(%arg10 : memref<128x32xf32, #tpu.memory_space<vmem>>) dst(%dma_wait3A_476 : memref<52000x32xf32, #tpu.memory_space<vmem_shared>>)
      %dma_wait3A_477 = arith.constant 14 : i32
      %dma_wait3A_478 = arith.constant 0 : i32
      %dma_wait3A_479 = tpu.memref_slice %arg8[%dma_wait3A_477, %dma_wait3A_478] : memref<16x128xi32, #tpu.memory_space<vmem>> -> memref<1x128xi32, #tpu.memory_space<vmem>>
      %dma_wait3A_480 = tpu.memref_squeeze %dma_wait3A_479 : memref<1x128xi32, #tpu.memory_space<vmem>> -> memref<128xi32, #tpu.memory_space<vmem>>
      %dma_wait3A_481 = arith.constant 0 : i32
      %dma_wait3A_482 = arith.constant 0 : i32
      %dma_wait3A_483 = tpu.memref_slice %arg5[%dma_wait3A_481, %dma_wait3A_482] : memref<52000x32xf32, #tpu.memory_space<vmem_shared>> -> memref<52000x32xf32, #tpu.memory_space<vmem_shared>>
      tpu.wait_indirect_dma semaphore(%arg17 : memref<!tpu.dma_semaphore, #tpu.memory_space<semaphore_mem>>) src(%arg11 : memref<128x32xf32, #tpu.memory_space<vmem>>) dst(%dma_wait3A_483 : memref<52000x32xf32, #tpu.memory_space<vmem_shared>>)
    }
    %scan3A_14 = arith.constant 25 : i32
    %barrier3A_15 = arith.constant 0 : index
    tpu.barrier barrier_id(%barrier3A_15)
    %mul3A = arith.constant 3250 : i32
    %mul3A_16 = arith.muli %arg1, %mul3A : i32
    %mul3A_17 = arith.constant 52000 : i32
    %mul3A_18 = arith.muli %arg0, %mul3A_17 : i32
    %mul3A_19 = arith.constant 3250 : i32
    %mul3A_20 = arith.muli %arg1, %mul3A_19 : i32
    %add3A = arith.addi %mul3A_18, %mul3A_20 : i32
    "tpu.region"() ({
      %run_scoped3A = tpu.sem_alloc : memref<!tpu.dma_semaphore, #tpu.memory_space<semaphore_mem>>
      %dma_start3A = arith.constant 0 : i32
      %dma_start3A_21 = tpu.memref_slice %arg4[%add3A, %dma_start3A] : memref<104000x128xf32, #tpu.memory_space<hbm>> -> memref<3250x32xf32, #tpu.memory_space<hbm>>
      %dma_start3A_22 = arith.constant 0 : i32
      %dma_start3A_23 = tpu.memref_slice %arg5[%mul3A_16, %dma_start3A_22] : memref<52000x32xf32, #tpu.memory_space<vmem_shared>> -> memref<3250x32xf32, #tpu.memory_space<vmem_shared>>
      tpu.enqueue_dma source(%dma_start3A_23 : memref<3250x32xf32, #tpu.memory_space<vmem_shared>>) target(%dma_start3A_21 : memref<3250x32xf32, #tpu.memory_space<hbm>>) target_semaphore(%run_scoped3A : memref<!tpu.dma_semaphore, #tpu.memory_space<semaphore_mem>>)
      %dma_wait3A = arith.constant 0 : i32
      %dma_wait3A_24 = tpu.memref_slice %arg4[%add3A, %dma_wait3A] : memref<104000x128xf32, #tpu.memory_space<hbm>> -> memref<3250x32xf32, #tpu.memory_space<hbm>>
      %dma_wait3A_25 = arith.constant 0 : i32
      %dma_wait3A_26 = tpu.memref_slice %arg5[%mul3A_16, %dma_wait3A_25] : memref<52000x32xf32, #tpu.memory_space<vmem_shared>> -> memref<3250x32xf32, #tpu.memory_space<vmem_shared>>
      tpu.wait_dma2 semaphore(%run_scoped3A : memref<!tpu.dma_semaphore, #tpu.memory_space<semaphore_mem>>) src(%dma_wait3A_26 : memref<3250x32xf32, #tpu.memory_space<vmem_shared>>) dst(%dma_wait3A_24 : memref<3250x32xf32, #tpu.memory_space<hbm>>)
      tpu.yield
    }) : () -> ()
    return
  }
}

#map = affine_map<(d0, d1) -> (0, 0)>
#map1 = affine_map<(d0, d1) -> (0)>
module attributes {stable_mosaic.version = 14 : i64} {
  func.func @k(%arg0: i32, %arg1: i32, %arg2: memref<50000x128xf32, #tpu.memory_space<hbm>>, %arg3: memref<4096xi32, #tpu.memory_space<hbm>>, %arg4: memref<4096xi32, #tpu.memory_space<hbm>>, %arg5: memref<4096x128xf32, #tpu.memory_space<hbm>>, %arg6: memref<4096x128xf32, #tpu.memory_space<hbm>>, %arg7: memref<128xi32, #tpu.memory_space<vmem>>, %arg8: memref<128x128xf32, #tpu.memory_space<vmem>>, %arg9: memref<!tpu.dma_semaphore, #tpu.memory_space<semaphore_mem>>) attributes {dimension_semantics = [#tpu.dimension_semantics<core_parallel>, #tpu.dimension_semantics<subcore_parallel>], iteration_bounds = array<i64: 2, 16>, scalar_prefetch = 0 : i64, scratch_operands = 3 : i64, tpu.core_type = #tpu.core_type<sc_vector_subcore>, window_params = [{transform_indices = #map}, {transform_indices = #map1}, {transform_indices = #map1}, {transform_indices = #map}, {transform_indices = #map}]} {
    %mul3A = arith.constant 2 : i32
    %mul3A_0 = arith.muli %arg1, %mul3A : i32
    %add3A = arith.addi %mul3A_0, %arg0 : i32
    %mul3A_1 = arith.constant 128 : i32
    %mul3A_2 = arith.muli %add3A, %mul3A_1 : i32
    "tpu.region"() ({
      %run_scoped3A = tpu.sem_alloc : memref<!tpu.dma_semaphore, #tpu.memory_space<semaphore_mem>>
      %dma_start3A_13 = tpu.memref_slice %arg3[%mul3A_2] : memref<4096xi32, #tpu.memory_space<hbm>> -> memref<128xi32, #tpu.memory_space<hbm>>
      %dma_start3A_14 = tpu.memref_slice %arg3[%mul3A_2] : memref<4096xi32, #tpu.memory_space<hbm>> -> memref<128xi32, #tpu.memory_space<hbm>>
      tpu.enqueue_dma source(%dma_start3A_14 : memref<128xi32, #tpu.memory_space<hbm>>) target(%arg7 : memref<128xi32, #tpu.memory_space<vmem>>) target_semaphore(%run_scoped3A : memref<!tpu.dma_semaphore, #tpu.memory_space<semaphore_mem>>)
      %dma_wait3A_15 = tpu.memref_slice %arg3[%mul3A_2] : memref<4096xi32, #tpu.memory_space<hbm>> -> memref<128xi32, #tpu.memory_space<hbm>>
      %dma_wait3A_16 = tpu.memref_slice %arg3[%mul3A_2] : memref<4096xi32, #tpu.memory_space<hbm>> -> memref<128xi32, #tpu.memory_space<hbm>>
      tpu.wait_dma2 semaphore(%run_scoped3A : memref<!tpu.dma_semaphore, #tpu.memory_space<semaphore_mem>>) src(%dma_wait3A_16 : memref<128xi32, #tpu.memory_space<hbm>>) dst(%arg7 : memref<128xi32, #tpu.memory_space<vmem>>)
      tpu.yield
    }) : () -> ()
    %dma_start3A = arith.constant 0 : i32
    %dma_start3A_3 = arith.constant 0 : i32
    %dma_start3A_4 = tpu.memref_slice %arg2[%dma_start3A, %dma_start3A_3] : memref<50000x128xf32, #tpu.memory_space<hbm>> -> memref<50000x128xf32, #tpu.memory_space<hbm>>
    tpu.enqueue_indirect_dma source(%dma_start3A_4 : memref<50000x128xf32, #tpu.memory_space<hbm>>) target(%arg8 : memref<128x128xf32, #tpu.memory_space<vmem>>) offsets(%arg7 : memref<128xi32, #tpu.memory_space<vmem>>) semaphore(%arg9 : memref<!tpu.dma_semaphore, #tpu.memory_space<semaphore_mem>>)
    %dma_wait3A = arith.constant 0 : i32
    %dma_wait3A_5 = arith.constant 0 : i32
    %dma_wait3A_6 = tpu.memref_slice %arg2[%dma_wait3A, %dma_wait3A_5] : memref<50000x128xf32, #tpu.memory_space<hbm>> -> memref<50000x128xf32, #tpu.memory_space<hbm>>
    tpu.wait_indirect_dma semaphore(%arg9 : memref<!tpu.dma_semaphore, #tpu.memory_space<semaphore_mem>>) src(%dma_wait3A_6 : memref<50000x128xf32, #tpu.memory_space<hbm>>) dst(%arg8 : memref<128x128xf32, #tpu.memory_space<vmem>>)
    "tpu.region"() ({
      %run_scoped3A = tpu.sem_alloc : memref<!tpu.dma_semaphore, #tpu.memory_space<semaphore_mem>>
      %dma_start3A_13 = arith.constant 0 : i32
      %dma_start3A_14 = tpu.memref_slice %arg5[%mul3A_2, %dma_start3A_13] : memref<4096x128xf32, #tpu.memory_space<hbm>> -> memref<128x128xf32, #tpu.memory_space<hbm>>
      %dma_start3A_15 = arith.constant 0 : i32
      %dma_start3A_16 = tpu.memref_slice %arg5[%mul3A_2, %dma_start3A_15] : memref<4096x128xf32, #tpu.memory_space<hbm>> -> memref<128x128xf32, #tpu.memory_space<hbm>>
      tpu.enqueue_dma source(%arg8 : memref<128x128xf32, #tpu.memory_space<vmem>>) target(%dma_start3A_16 : memref<128x128xf32, #tpu.memory_space<hbm>>) target_semaphore(%run_scoped3A : memref<!tpu.dma_semaphore, #tpu.memory_space<semaphore_mem>>)
      %dma_wait3A_17 = arith.constant 0 : i32
      %dma_wait3A_18 = tpu.memref_slice %arg5[%mul3A_2, %dma_wait3A_17] : memref<4096x128xf32, #tpu.memory_space<hbm>> -> memref<128x128xf32, #tpu.memory_space<hbm>>
      %dma_wait3A_19 = arith.constant 0 : i32
      %dma_wait3A_20 = tpu.memref_slice %arg5[%mul3A_2, %dma_wait3A_19] : memref<4096x128xf32, #tpu.memory_space<hbm>> -> memref<128x128xf32, #tpu.memory_space<hbm>>
      tpu.wait_dma2 semaphore(%run_scoped3A : memref<!tpu.dma_semaphore, #tpu.memory_space<semaphore_mem>>) src(%arg8 : memref<128x128xf32, #tpu.memory_space<vmem>>) dst(%dma_wait3A_20 : memref<128x128xf32, #tpu.memory_space<hbm>>)
      tpu.yield
    }) : () -> ()
    "tpu.region"() ({
      %run_scoped3A = tpu.sem_alloc : memref<!tpu.dma_semaphore, #tpu.memory_space<semaphore_mem>>
      %dma_start3A_13 = tpu.memref_slice %arg4[%mul3A_2] : memref<4096xi32, #tpu.memory_space<hbm>> -> memref<128xi32, #tpu.memory_space<hbm>>
      %dma_start3A_14 = tpu.memref_slice %arg4[%mul3A_2] : memref<4096xi32, #tpu.memory_space<hbm>> -> memref<128xi32, #tpu.memory_space<hbm>>
      tpu.enqueue_dma source(%dma_start3A_14 : memref<128xi32, #tpu.memory_space<hbm>>) target(%arg7 : memref<128xi32, #tpu.memory_space<vmem>>) target_semaphore(%run_scoped3A : memref<!tpu.dma_semaphore, #tpu.memory_space<semaphore_mem>>)
      %dma_wait3A_15 = tpu.memref_slice %arg4[%mul3A_2] : memref<4096xi32, #tpu.memory_space<hbm>> -> memref<128xi32, #tpu.memory_space<hbm>>
      %dma_wait3A_16 = tpu.memref_slice %arg4[%mul3A_2] : memref<4096xi32, #tpu.memory_space<hbm>> -> memref<128xi32, #tpu.memory_space<hbm>>
      tpu.wait_dma2 semaphore(%run_scoped3A : memref<!tpu.dma_semaphore, #tpu.memory_space<semaphore_mem>>) src(%dma_wait3A_16 : memref<128xi32, #tpu.memory_space<hbm>>) dst(%arg7 : memref<128xi32, #tpu.memory_space<vmem>>)
      tpu.yield
    }) : () -> ()
    %dma_start3A_7 = arith.constant 0 : i32
    %dma_start3A_8 = arith.constant 0 : i32
    %dma_start3A_9 = tpu.memref_slice %arg2[%dma_start3A_7, %dma_start3A_8] : memref<50000x128xf32, #tpu.memory_space<hbm>> -> memref<50000x128xf32, #tpu.memory_space<hbm>>
    tpu.enqueue_indirect_dma source(%dma_start3A_9 : memref<50000x128xf32, #tpu.memory_space<hbm>>) target(%arg8 : memref<128x128xf32, #tpu.memory_space<vmem>>) offsets(%arg7 : memref<128xi32, #tpu.memory_space<vmem>>) semaphore(%arg9 : memref<!tpu.dma_semaphore, #tpu.memory_space<semaphore_mem>>)
    %dma_wait3A_10 = arith.constant 0 : i32
    %dma_wait3A_11 = arith.constant 0 : i32
    %dma_wait3A_12 = tpu.memref_slice %arg2[%dma_wait3A_10, %dma_wait3A_11] : memref<50000x128xf32, #tpu.memory_space<hbm>> -> memref<50000x128xf32, #tpu.memory_space<hbm>>
    tpu.wait_indirect_dma semaphore(%arg9 : memref<!tpu.dma_semaphore, #tpu.memory_space<semaphore_mem>>) src(%dma_wait3A_12 : memref<50000x128xf32, #tpu.memory_space<hbm>>) dst(%arg8 : memref<128x128xf32, #tpu.memory_space<vmem>>)
    "tpu.region"() ({
      %run_scoped3A = tpu.sem_alloc : memref<!tpu.dma_semaphore, #tpu.memory_space<semaphore_mem>>
      %dma_start3A_13 = arith.constant 0 : i32
      %dma_start3A_14 = tpu.memref_slice %arg6[%mul3A_2, %dma_start3A_13] : memref<4096x128xf32, #tpu.memory_space<hbm>> -> memref<128x128xf32, #tpu.memory_space<hbm>>
      %dma_start3A_15 = arith.constant 0 : i32
      %dma_start3A_16 = tpu.memref_slice %arg6[%mul3A_2, %dma_start3A_15] : memref<4096x128xf32, #tpu.memory_space<hbm>> -> memref<128x128xf32, #tpu.memory_space<hbm>>
      tpu.enqueue_dma source(%arg8 : memref<128x128xf32, #tpu.memory_space<vmem>>) target(%dma_start3A_16 : memref<128x128xf32, #tpu.memory_space<hbm>>) target_semaphore(%run_scoped3A : memref<!tpu.dma_semaphore, #tpu.memory_space<semaphore_mem>>)
      %dma_wait3A_17 = arith.constant 0 : i32
      %dma_wait3A_18 = tpu.memref_slice %arg6[%mul3A_2, %dma_wait3A_17] : memref<4096x128xf32, #tpu.memory_space<hbm>> -> memref<128x128xf32, #tpu.memory_space<hbm>>
      %dma_wait3A_19 = arith.constant 0 : i32
      %dma_wait3A_20 = tpu.memref_slice %arg6[%mul3A_2, %dma_wait3A_19] : memref<4096x128xf32, #tpu.memory_space<hbm>> -> memref<128x128xf32, #tpu.memory_space<hbm>>
      tpu.wait_dma2 semaphore(%run_scoped3A : memref<!tpu.dma_semaphore, #tpu.memory_space<semaphore_mem>>) src(%arg8 : memref<128x128xf32, #tpu.memory_space<vmem>>) dst(%dma_wait3A_20 : memref<128x128xf32, #tpu.memory_space<hbm>>)
      tpu.yield
    }) : () -> ()
    return
  }
}

#map = affine_map<(d0, d1) -> (0, 0)>
#map1 = affine_map<(d0, d1) -> (0)>
module attributes {stable_mosaic.version = 14 : i64} {
  func.func @k(%arg0: i32, %arg1: i32, %arg2: memref<800000x32xf32, #tpu.memory_space<hbm>>, %arg3: memref<2457600xi32, #tpu.memory_space<hbm>>, %arg4: memref<104000x128xf32, #tpu.memory_space<hbm>>, %arg5: memref<52000x32xf32, #tpu.memory_space<vmem_shared>>, %arg6: memref<6144xi32, #tpu.memory_space<vmem>>, %arg7: memref<16x128xi32, #tpu.memory_space<vmem>>, %arg8: memref<16x128xi32, #tpu.memory_space<vmem>>, %arg9: memref<128x32xf32, #tpu.memory_space<vmem>>, %arg10: memref<128x32xf32, #tpu.memory_space<vmem>>, %arg11: memref<128x32xf32, #tpu.memory_space<vmem>>, %arg12: memref<!tpu.dma_semaphore, #tpu.memory_space<semaphore_mem>>, %arg13: memref<!tpu.dma_semaphore, #tpu.memory_space<semaphore_mem>>, %arg14: memref<!tpu.dma_semaphore, #tpu.memory_space<semaphore_mem>>, %arg15: memref<!tpu.dma_semaphore, #tpu.memory_space<semaphore_mem>>, %arg16: memref<!tpu.dma_semaphore, #tpu.memory_space<semaphore_mem>>, %arg17: memref<!tpu.dma_semaphore, #tpu.memory_space<semaphore_mem>>) attributes {dimension_semantics = [#tpu.dimension_semantics<core_parallel>, #tpu.dimension_semantics<subcore_parallel>], iteration_bounds = array<i64: 2, 16>, scalar_prefetch = 0 : i64, scratch_operands = 13 : i64, tpu.core_type = #tpu.core_type<sc_vector_subcore>, window_params = [{transform_indices = #map}, {transform_indices = #map1}, {transform_indices = #map}]} {
    %broadcast_in_dim3A = arith.constant 0.000000e+00 : f32
    %broadcast_in_dim3A_0 = vector.broadcast %broadcast_in_dim3A : f32 to vector<16xf32>
    %scan3A = arith.constant 0 : i32
    %scan3A_1 = arith.constant 128 : i32
    %scan3A_2 = arith.addi %scan3A, %scan3A_1 : i32
    %scan3A_3 = arith.constant 1 : i32
    scf.for %scan3A_21 = %scan3A to %scan3A_2 step %scan3A_3  : i32 {
      %mul3A_22 = arith.constant 1 : i32
      %mul3A_23 = arith.muli %scan3A_21, %mul3A_22 : i32
      %add3A_24 = arith.constant 0 : i32
      %add3A_25 = arith.addi %add3A_24, %mul3A_23 : i32
      %scan3A_26 = arith.constant 0 : i32
      %scan3A_27 = arith.constant 2 : i32
      %scan3A_28 = arith.addi %scan3A_26, %scan3A_27 : i32
      %scan3A_29 = arith.constant 1 : i32
      scf.for %scan3A_31 = %scan3A_26 to %scan3A_28 step %scan3A_29  : i32 {
        %mul3A_32 = arith.constant 1 : i32
        %mul3A_33 = arith.muli %scan3A_31, %mul3A_32 : i32
        %add3A_34 = arith.constant 0 : i32
        %add3A_35 = arith.addi %add3A_34, %mul3A_33 : i32
        %mul3A_36 = arith.constant 16 : i32
        %mul3A_37 = arith.muli %add3A_35, %mul3A_36 : i32
        %swap3A = arith.index_cast %add3A_25 : i32 to index
        %swap3A_38 = arith.index_cast %mul3A_37 : i32 to index
        %swap3A_39 = tpu.vector_load %arg9[%swap3A, %swap3A_38] {strides = array<i32>} : memref<128x32xf32, #tpu.memory_space<vmem>>, vector<1x16xf32>,
        %swap3A_40 = vector.shape_cast %swap3A_39 : vector<1x16xf32> to vector<16xf32>
        %swap3A_41 = vector.shape_cast %broadcast_in_dim3A_0 : vector<16xf32> to vector<1x16xf32>
        tpu.vector_store %arg9[%swap3A, %swap3A_38], %swap3A_41 {strides = array<i32>} : memref<128x32xf32, #tpu.memory_space<vmem>>, vector<1x16xf32>,
      }
      %scan3A_30 = arith.constant 2 : i32
    }
    %scan3A_4 = arith.constant 128 : i32
    %scan3A_5 = arith.constant 0 : i32
    %scan3A_6 = arith.constant 26 : i32
    %scan3A_7 = arith.addi %scan3A_5, %scan3A_6 : i32
    %scan3A_8 = arith.constant 1 : i32
    scf.for %scan3A_21 = %scan3A_5 to %scan3A_7 step %scan3A_8  : i32 {
      %mul3A_22 = arith.constant 1 : i32
      %mul3A_23 = arith.muli %scan3A_21, %mul3A_22 : i32
      %add3A_24 = arith.constant 0 : i32
      %add3A_25 = arith.addi %add3A_24, %mul3A_23 : i32
      %mul3A_26 = arith.constant 3250 : i32
      %mul3A_27 = arith.muli %arg1, %mul3A_26 : i32
      %mul3A_28 = arith.constant 125 : i32
      %mul3A_29 = arith.muli %add3A_25, %mul3A_28 : i32
      %add3A_30 = arith.addi %mul3A_27, %mul3A_29 : i32
      "tpu.region"() ({
        %run_scoped3A = tpu.sem_alloc : memref<!tpu.dma_semaphore, #tpu.memory_space<semaphore_mem>>
        %dma_start3A = arith.constant 0 : i32
        %dma_start3A_31 = arith.constant 0 : i32
        %dma_start3A_32 = tpu.memref_slice %arg9[%dma_start3A, %dma_start3A_31] : memref<128x32xf32, #tpu.memory_space<vmem>> -> memref<125x32xf32, #tpu.memory_space<vmem>>
        %dma_start3A_33 = arith.constant 0 : i32
        %dma_start3A_34 = tpu.memref_slice %arg5[%add3A_30, %dma_start3A_33] : memref<52000x32xf32, #tpu.memory_space<vmem_shared>> -> memref<125x32xf32, #tpu.memory_space<vmem_shared>>
        %dma_start3A_35 = arith.constant 0 : i32
        %dma_start3A_36 = tpu.memref_slice %arg5[%add3A_30, %dma_start3A_35] : memref<52000x32xf32, #tpu.memory_space<vmem_shared>> -> memref<125x32xf32, #tpu.memory_space<vmem_shared>>
        %dma_start3A_37 = arith.constant 0 : i32
        %dma_start3A_38 = arith.constant 0 : i32
        %dma_start3A_39 = tpu.memref_slice %arg9[%dma_start3A_37, %dma_start3A_38] : memref<128x32xf32, #tpu.memory_space<vmem>> -> memref<125x32xf32, #tpu.memory_space<vmem>>
        tpu.enqueue_dma source(%dma_start3A_39 : memref<125x32xf32, #tpu.memory_space<vmem>>) target(%dma_start3A_36 : memref<125x32xf32, #tpu.memory_space<vmem_shared>>) target_semaphore(%run_scoped3A : memref<!tpu.dma_semaphore, #tpu.memory_space<semaphore_mem>>)
        %dma_wait3A = arith.constant 0 : i32
        %dma_wait3A_40 = arith.constant 0 : i32
        %dma_wait3A_41 = tpu.memref_slice %arg9[%dma_wait3A, %dma_wait3A_40] : memref<128x32xf32, #tpu.memory_space<vmem>> -> memref<125x32xf32, #tpu.memory_space<vmem>>
        %dma_wait3A_42 = arith.constant 0 : i32
        %dma_wait3A_43 = tpu.memref_slice %arg5[%add3A_30, %dma_wait3A_42] : memref<52000x32xf32, #tpu.memory_space<vmem_shared>> -> memref<125x32xf32, #tpu.memory_space<vmem_shared>>
        %dma_wait3A_44 = arith.constant 0 : i32
        %dma_wait3A_45 = tpu.memref_slice %arg5[%add3A_30, %dma_wait3A_44] : memref<52000x32xf32, #tpu.memory_space<vmem_shared>> -> memref<125x32xf32, #tpu.memory_space<vmem_shared>>
        %dma_wait3A_46 = arith.constant 0 : i32
        %dma_wait3A_47 = arith.constant 0 : i32
        %dma_wait3A_48 = tpu.memref_slice %arg9[%dma_wait3A_46, %dma_wait3A_47] : memref<128x32xf32, #tpu.memory_space<vmem>> -> memref<125x32xf32, #tpu.memory_space<vmem>>
        tpu.wait_dma2 semaphore(%run_scoped3A : memref<!tpu.dma_semaphore, #tpu.memory_space<semaphore_mem>>) src(%dma_wait3A_48 : memref<125x32xf32, #tpu.memory_space<vmem>>) dst(%dma_wait3A_45 : memref<125x32xf32, #tpu.memory_space<vmem_shared>>)
        tpu.yield
      }) : () -> ()
    }
    %scan3A_9 = arith.constant 26 : i32
    %barrier3A = arith.constant 0 : index
    tpu.barrier barrier_id(%barrier3A)
    %scan3A_10 = arith.constant 0 : i32
    %scan3A_11 = arith.constant 25 : i32
    %scan3A_12 = arith.addi %scan3A_10, %scan3A_11 : i32
    %scan3A_13 = arith.constant 1 : i32
    scf.for %scan3A_21 = %scan3A_10 to %scan3A_12 step %scan3A_13  : i32 {
      %mul3A_22 = arith.constant 1 : i32
      %mul3A_23 = arith.muli %scan3A_21, %mul3A_22 : i32
      %add3A_24 = arith.constant 0 : i32
      %add3A_25 = arith.addi %add3A_24, %mul3A_23 : i32
      %mul3A_26 = arith.constant 25 : i32
      %mul3A_27 = arith.muli %arg1, %mul3A_26 : i32
      %add3A_28 = arith.addi %mul3A_27, %add3A_25 : i32
      %mul3A_29 = arith.constant 3 : i32
      %mul3A_30 = arith.muli %add3A_28, %mul3A_29 : i32
      %mul3A_31 = arith.constant 2048 : i32
      %mul3A_32 = arith.muli %mul3A_30, %mul3A_31 : i32
      "tpu.region"() ({
        %run_scoped3A = tpu.sem_alloc : memref<!tpu.dma_semaphore, #tpu.memory_space<semaphore_mem>>
        %dma_start3A_484 = tpu.memref_slice %arg3[%mul3A_32] : memref<2457600xi32, #tpu.memory_space<hbm>> -> memref<6144xi32, #tpu.memory_space<hbm>>
        %dma_start3A_485 = tpu.memref_slice %arg3[%mul3A_32] : memref<2457600xi32, #tpu.memory_space<hbm>> -> memref<6144xi32, #tpu.memory_space<hbm>>
        tpu.enqueue_dma source(%dma_start3A_485 : memref<6144xi32, #tpu.memory_space<hbm>>) target(%arg6 : memref<6144xi32, #tpu.memory_space<vmem>>) target_semaphore(%run_scoped3A : memref<!tpu.dma_semaphore, #tpu.memory_space<semaphore_mem>>)
        %dma_wait3A_486 = tpu.memref_slice %arg3[%mul3A_32] : memref<2457600xi32, #tpu.memory_space<hbm>> -> memref<6144xi32, #tpu.memory_space<hbm>>
        %dma_wait3A_487 = tpu.memref_slice %arg3[%mul3A_32] : memref<2457600xi32, #tpu.memory_space<hbm>> -> memref<6144xi32, #tpu.memory_space<hbm>>
        tpu.wait_dma2 semaphore(%run_scoped3A : memref<!tpu.dma_semaphore, #tpu.memory_space<semaphore_mem>>) src(%dma_wait3A_487 : memref<6144xi32, #tpu.memory_space<hbm>>) dst(%arg6 : memref<6144xi32, #tpu.memory_space<vmem>>)
        tpu.yield
      }) : () -> ()
      %scan3A_33 = arith.constant 0 : i32
      %scan3A_34 = arith.constant 16 : i32
      %scan3A_35 = arith.addi %scan3A_33, %scan3A_34 : i32
      %scan3A_36 = arith.constant 1 : i32
      scf.for %scan3A_484 = %scan3A_33 to %scan3A_35 step %scan3A_36  : i32 {
        %mul3A_485 = arith.constant 1 : i32
        %mul3A_486 = arith.muli %scan3A_484, %mul3A_485 : i32
        %add3A_487 = arith.constant 0 : i32
        %add3A_488 = arith.addi %add3A_487, %mul3A_486 : i32
        %scan3A_489 = arith.constant 0 : i32
        %scan3A_490 = arith.constant 8 : i32
        %scan3A_491 = arith.addi %scan3A_489, %scan3A_490 : i32
        %scan3A_492 = arith.constant 1 : i32
        scf.for %scan3A_494 = %scan3A_489 to %scan3A_491 step %scan3A_492  : i32 {
          %mul3A_495 = arith.constant 1 : i32
          %mul3A_496 = arith.muli %scan3A_494, %mul3A_495 : i32
          %add3A_497 = arith.constant 0 : i32
          %add3A_498 = arith.addi %add3A_497, %mul3A_496 : i32
          %mul3A_499 = arith.constant 128 : i32
          %mul3A_500 = arith.muli %add3A_488, %mul3A_499 : i32
          %mul3A_501 = arith.constant 16 : i32
          %mul3A_502 = arith.muli %add3A_498, %mul3A_501 : i32
          %add3A_503 = arith.addi %mul3A_500, %mul3A_502 : i32
          %get3A = arith.index_cast %add3A_503 : i32 to index
          %get3A_504 = tpu.vector_load %arg6[%get3A] {strides = array<i32>} : memref<6144xi32, #tpu.memory_space<vmem>>, vector<16xi32>,
          %get3A_505 = vector.shape_cast %get3A_504 : vector<16xi32> to vector<16xi32>
          %mul3A_506 = arith.constant 128 : i32
          %mul3A_507 = arith.muli %add3A_488, %mul3A_506 : i32
          %add3A_508 = arith.constant 2048 : i32
          %add3A_509 = arith.addi %add3A_508, %mul3A_507 : i32
          %mul3A_510 = arith.constant 16 : i32
          %mul3A_511 = arith.muli %add3A_498, %mul3A_510 : i32
          %add3A_512 = arith.addi %add3A_509, %mul3A_511 : i32
          %get3A_513 = arith.index_cast %add3A_512 : i32 to index
          %get3A_514 = tpu.vector_load %arg6[%get3A_513] {strides = array<i32>} : memref<6144xi32, #tpu.memory_space<vmem>>, vector<16xi32>,
          %get3A_515 = vector.shape_cast %get3A_514 : vector<16xi32> to vector<16xi32>
          %mul3A_516 = arith.constant 128 : i32
          %mul3A_517 = arith.muli %add3A_488, %mul3A_516 : i32
          %add3A_518 = arith.constant 4096 : i32
          %add3A_519 = arith.addi %add3A_518, %mul3A_517 : i32
          %mul3A_520 = arith.constant 16 : i32
          %mul3A_521 = arith.muli %add3A_498, %mul3A_520 : i32
          %add3A_522 = arith.addi %add3A_519, %mul3A_521 : i32
          %get3A_523 = arith.index_cast %add3A_522 : i32 to index
          %get3A_524 = tpu.vector_load %arg6[%get3A_523] {strides = array<i32>} : memref<6144xi32, #tpu.memory_space<vmem>>, vector<16xi32>,
          %get3A_525 = vector.shape_cast %get3A_524 : vector<16xi32> to vector<16xi32>
          %mul3A_526 = arith.constant 2 : i32
          %mul3A_527 = vector.broadcast %mul3A_526 : i32 to vector<16xi32>
          %mul3A_528 = arith.muli %get3A_525, %mul3A_527 : vector<16xi32>
          %add3A_529 = vector.broadcast %arg0 : i32 to vector<16xi32>
          %add3A_530 = arith.addi %mul3A_528, %add3A_529 : vector<16xi32>
          %shift_right_arithmetic3A = arith.constant 2 : i32
          %shift_right_arithmetic3A_531 = vector.broadcast %shift_right_arithmetic3A : i32 to vector<16xi32>
          %shift_right_arithmetic3A_532 = arith.shrsi %add3A_530, %shift_right_arithmetic3A_531 : vector<16xi32>
          %mul3A_533 = arith.constant 200000 : i32
          %mul3A_534 = vector.broadcast %mul3A_533 : i32 to vector<16xi32>
          %mul3A_535 = arith.muli %shift_right_arithmetic3A_532, %mul3A_534 : vector<16xi32>
          %mul3A_536 = arith.constant 4 : i32
          %mul3A_537 = vector.broadcast %mul3A_536 : i32 to vector<16xi32>
          %mul3A_538 = arith.muli %get3A_505, %mul3A_537 : vector<16xi32>
          %add3A_539 = arith.addi %mul3A_535, %mul3A_538 : vector<16xi32>
          %and3A = arith.constant 3 : i32
          %and3A_540 = vector.broadcast %and3A : i32 to vector<16xi32>
          %and3A_541 = arith.andi %add3A_530, %and3A_540 : vector<16xi32>
          %add3A_542 = arith.addi %add3A_539, %and3A_541 : vector<16xi32>
          %mul3A_543 = arith.constant 16 : i32
          %mul3A_544 = arith.muli %add3A_498, %mul3A_543 : i32
          %swap3A = arith.index_cast %add3A_488 : i32 to index
          %swap3A_545 = arith.index_cast %mul3A_544 : i32 to index
          %swap3A_546 = tpu.vector_load %arg7[%swap3A, %swap3A_545] {strides = array<i32>} : memref<16x128xi32, #tpu.memory_space<vmem>>, vector<1x16xi32>,
          %swap3A_547 = vector.shape_cast %swap3A_546 : vector<1x16xi32> to vector<16xi32>
          %swap3A_548 = vector.shape_cast %add3A_542 : vector<16xi32> to vector<1x16xi32>
          tpu.vector_store %arg7[%swap3A, %swap3A_545], %swap3A_548 {strides = array<i32>} : memref<16x128xi32, #tpu.memory_space<vmem>>, vector<1x16xi32>,
          %min3A = arith.constant 50100 : i32
          %min3A_549 = vector.broadcast %min3A : i32 to vector<16xi32>
          %min3A_550 = arith.minsi %get3A_515, %min3A_549 : vector<16xi32>
          %mul3A_551 = arith.constant 16 : i32
          %mul3A_552 = arith.muli %add3A_498, %mul3A_551 : i32
          %swap3A_553 = arith.index_cast %add3A_488 : i32 to index
          %swap3A_554 = arith.index_cast %mul3A_552 : i32 to index
          %swap3A_555 = tpu.vector_load %arg8[%swap3A_553, %swap3A_554] {strides = array<i32>} : memref<16x128xi32, #tpu.memory_space<vmem>>, vector<1x16xi32>,
          %swap3A_556 = vector.shape_cast %swap3A_555 : vector<1x16xi32> to vector<16xi32>
          %swap3A_557 = vector.shape_cast %min3A_550 : vector<16xi32> to vector<1x16xi32>
          tpu.vector_store %arg8[%swap3A_553, %swap3A_554], %swap3A_557 {strides = array<i32>} : memref<16x128xi32, #tpu.memory_space<vmem>>, vector<1x16xi32>,
        }
        %scan3A_493 = arith.constant 8 : i32
      }
      %scan3A_37 = arith.constant 16 : i32
      %dma_start3A = arith.constant 0 : i32
      %dma_start3A_38 = arith.constant 0 : i32
      %dma_start3A_39 = tpu.memref_slice %arg7[%dma_start3A, %dma_start3A_38] : memref<16x128xi32, #tpu.memory_space<vmem>> -> memref<1x128xi32, #tpu.memory_space<vmem>>
      %dma_start3A_40 = tpu.memref_squeeze %dma_start3A_39 : memref<1x128xi32, #tpu.memory_space<vmem>> -> memref<128xi32, #tpu.memory_space<vmem>>
      %dma_start3A_41 = arith.constant 0 : i32
      %dma_start3A_42 = arith.constant 0 : i32
      %dma_start3A_43 = tpu.memref_slice %arg2[%dma_start3A_41, %dma_start3A_42] : memref<800000x32xf32, #tpu.memory_space<hbm>> -> memref<800000x32xf32, #tpu.memory_space<hbm>>
      tpu.enqueue_indirect_dma source(%dma_start3A_43 : memref<800000x32xf32, #tpu.memory_space<hbm>>) target(%arg9 : memref<128x32xf32, #tpu.memory_space<vmem>>) offsets(%dma_start3A_40 : memref<128xi32, #tpu.memory_space<vmem>>) semaphore(%arg12 : memref<!tpu.dma_semaphore, #tpu.memory_space<semaphore_mem>>)
      %dma_start3A_44 = arith.constant 1 : i32
      %dma_start3A_45 = arith.constant 0 : i32
      %dma_start3A_46 = tpu.memref_slice %arg7[%dma_start3A_44, %dma_start3A_45] : memref<16x128xi32, #tpu.memory_space<vmem>> -> memref<1x128xi32, #tpu.memory_space<vmem>>
      %dma_start3A_47 = tpu.memref_squeeze %dma_start3A_46 : memref<1x128xi32, #tpu.memory_space<vmem>> -> memref<128xi32, #tpu.memory_space<vmem>>
      %dma_start3A_48 = arith.constant 0 : i32
      %dma_start3A_49 = arith.constant 0 : i32
      %dma_start3A_50 = tpu.memref_slice %arg2[%dma_start3A_48, %dma_start3A_49] : memref<800000x32xf32, #tpu.memory_space<hbm>> -> memref<800000x32xf32, #tpu.memory_space<hbm>>
      tpu.enqueue_indirect_dma source(%dma_start3A_50 : memref<800000x32xf32, #tpu.memory_space<hbm>>) target(%arg10 : memref<128x32xf32, #tpu.memory_space<vmem>>) offsets(%dma_start3A_47 : memref<128xi32, #tpu.memory_space<vmem>>) semaphore(%arg13 : memref<!tpu.dma_semaphore, #tpu.memory_space<semaphore_mem>>)
      %dma_wait3A = arith.constant 0 : i32
      %dma_wait3A_51 = arith.constant 0 : i32
      %dma_wait3A_52 = tpu.memref_slice %arg7[%dma_wait3A, %dma_wait3A_51] : memref<16x128xi32, #tpu.memory_space<vmem>> -> memref<1x128xi32, #tpu.memory_space<vmem>>
      %dma_wait3A_53 = tpu.memref_squeeze %dma_wait3A_52 : memref<1x128xi32, #tpu.memory_space<vmem>> -> memref<128xi32, #tpu.memory_space<vmem>>
      %dma_wait3A_54 = arith.constant 0 : i32
      %dma_wait3A_55 = arith.constant 0 : i32
      %dma_wait3A_56 = tpu.memref_slice %arg2[%dma_wait3A_54, %dma_wait3A_55] : memref<800000x32xf32, #tpu.memory_space<hbm>> -> memref<800000x32xf32, #tpu.memory_space<hbm>>
      tpu.wait_indirect_dma semaphore(%arg12 : memref<!tpu.dma_semaphore, #tpu.memory_space<semaphore_mem>>) src(%dma_wait3A_56 : memref<800000x32xf32, #tpu.memory_space<hbm>>) dst(%arg9 : memref<128x32xf32, #tpu.memory_space<vmem>>)
      %dma_start3A_57 = arith.constant 0 : i32
      %dma_start3A_58 = arith.constant 0 : i32
      %dma_start3A_59 = tpu.memref_slice %arg8[%dma_start3A_57, %dma_start3A_58] : memref<16x128xi32, #tpu.memory_space<vmem>> -> memref<1x128xi32, #tpu.memory_space<vmem>>
      %dma_start3A_60 = tpu.memref_squeeze %dma_start3A_59 : memref<1x128xi32, #tpu.memory_space<vmem>> -> memref<128xi32, #tpu.memory_space<vmem>>
      %dma_start3A_61 = arith.constant 0 : i32
      %dma_start3A_62 = arith.constant 0 : i32
      %dma_start3A_63 = tpu.memref_slice %arg5[%dma_start3A_61, %dma_start3A_62] : memref<52000x32xf32, #tpu.memory_space<vmem_shared>> -> memref<52000x32xf32, #tpu.memory_space<vmem_shared>>
      tpu.enqueue_indirect_dma source(%arg9 : memref<128x32xf32, #tpu.memory_space<vmem>>) target(%dma_start3A_63 : memref<52000x32xf32, #tpu.memory_space<vmem_shared>>) offsets(%dma_start3A_60 : memref<128xi32, #tpu.memory_space<vmem>>) semaphore(%arg15 : memref<!tpu.dma_semaphore, #tpu.memory_space<semaphore_mem>>) {add = true}
      %dma_start3A_64 = arith.constant 2 : i32
      %dma_start3A_65 = arith.constant 0 : i32
      %dma_start3A_66 = tpu.memref_slice %arg7[%dma_start3A_64, %dma_start3A_65] : memref<16x128xi32, #tpu.memory_space<vmem>> -> memref<1x128xi32, #tpu.memory_space<vmem>>
      %dma_start3A_67 = tpu.memref_squeeze %dma_start3A_66 : memref<1x128xi32, #tpu.memory_space<vmem>> -> memref<128xi32, #tpu.memory_space<vmem>>
      %dma_start3A_68 = arith.constant 0 : i32
      %dma_start3A_69 = arith.constant 0 : i32
      %dma_start3A_70 = tpu.memref_slice %arg2[%dma_start3A_68, %dma_start3A_69] : memref<800000x32xf32, #tpu.memory_space<hbm>> -> memref<800000x32xf32, #tpu.memory_space<hbm>>
      tpu.enqueue_indirect_dma source(%dma_start3A_70 : memref<800000x32xf32, #tpu.memory_space<hbm>>) target(%arg11 : memref<128x32xf32, #tpu.memory_space<vmem>>) offsets(%dma_start3A_67 : memref<128xi32, #tpu.memory_space<vmem>>) semaphore(%arg14 : memref<!tpu.dma_semaphore, #tpu.memory_space<semaphore_mem>>)
      %dma_wait3A_71 = arith.constant 1 : i32
      %dma_wait3A_72 = arith.constant 0 : i32
      %dma_wait3A_73 = tpu.memref_slice %arg7[%dma_wait3A_71, %dma_wait3A_72] : memref<16x128xi32, #tpu.memory_space<vmem>> -> memref<1x128xi32, #tpu.memory_space<vmem>>
      %dma_wait3A_74 = tpu.memref_squeeze %dma_wait3A_73 : memref<1x128xi32, #tpu.memory_space<vmem>> -> memref<128xi32, #tpu.memory_space<vmem>>
      %dma_wait3A_75 = arith.constant 0 : i32
      %dma_wait3A_76 = arith.constant 0 : i32
      %dma_wait3A_77 = tpu.memref_slice %arg2[%dma_wait3A_75, %dma_wait3A_76] : memref<800000x32xf32, #tpu.memory_space<hbm>> -> memref<800000x32xf32, #tpu.memory_space<hbm>>
      tpu.wait_indirect_dma semaphore(%arg13 : memref<!tpu.dma_semaphore, #tpu.memory_space<semaphore_mem>>) src(%dma_wait3A_77 : memref<800000x32xf32, #tpu.memory_space<hbm>>) dst(%arg10 : memref<128x32xf32, #tpu.memory_space<vmem>>)
      %dma_start3A_78 = arith.constant 1 : i32
      %dma_start3A_79 = arith.constant 0 : i32
      %dma_start3A_80 = tpu.memref_slice %arg8[%dma_start3A_78, %dma_start3A_79] : memref<16x128xi32, #tpu.memory_space<vmem>> -> memref<1x128xi32, #tpu.memory_space<vmem>>
      %dma_start3A_81 = tpu.memref_squeeze %dma_start3A_80 : memref<1x128xi32, #tpu.memory_space<vmem>> -> memref<128xi32, #tpu.memory_space<vmem>>
      %dma_start3A_82 = arith.constant 0 : i32
      %dma_start3A_83 = arith.constant 0 : i32
      %dma_start3A_84 = tpu.memref_slice %arg5[%dma_start3A_82, %dma_start3A_83] : memref<52000x32xf32, #tpu.memory_space<vmem_shared>> -> memref<52000x32xf32, #tpu.memory_space<vmem_shared>>
      tpu.enqueue_indirect_dma source(%arg10 : memref<128x32xf32, #tpu.memory_space<vmem>>) target(%dma_start3A_84 : memref<52000x32xf32, #tpu.memory_space<vmem_shared>>) offsets(%dma_start3A_81 : memref<128xi32, #tpu.memory_space<vmem>>) semaphore(%arg16 : memref<!tpu.dma_semaphore, #tpu.memory_space<semaphore_mem>>) {add = true}
      %dma_wait3A_85 = arith.constant 0 : i32
      %dma_wait3A_86 = arith.constant 0 : i32
      %dma_wait3A_87 = tpu.memref_slice %arg8[%dma_wait3A_85, %dma_wait3A_86] : memref<16x128xi32, #tpu.memory_space<vmem>> -> memref<1x128xi32, #tpu.memory_space<vmem>>
      %dma_wait3A_88 = tpu.memref_squeeze %dma_wait3A_87 : memref<1x128xi32, #tpu.memory_space<vmem>> -> memref<128xi32, #tpu.memory_space<vmem>>
      %dma_wait3A_89 = arith.constant 0 : i32
      %dma_wait3A_90 = arith.constant 0 : i32
      %dma_wait3A_91 = tpu.memref_slice %arg5[%dma_wait3A_89, %dma_wait3A_90] : memref<52000x32xf32, #tpu.memory_space<vmem_shared>> -> memref<52000x32xf32, #tpu.memory_space<vmem_shared>>
      tpu.wait_indirect_dma semaphore(%arg15 : memref<!tpu.dma_semaphore, #tpu.memory_space<semaphore_mem>>) src(%arg9 : memref<128x32xf32, #tpu.memory_space<vmem>>) dst(%dma_wait3A_91 : memref<52000x32xf32, #tpu.memory_space<vmem_shared>>)
      %dma_start3A_92 = arith.constant 3 : i32
      %dma_start3A_93 = arith.constant 0 : i32
      %dma_start3A_94 = tpu.memref_slice %arg7[%dma_start3A_92, %dma_start3A_93] : memref<16x128xi32, #tpu.memory_space<vmem>> -> memref<1x128xi32, #tpu.memory_space<vmem>>
      %dma_start3A_95 = tpu.memref_squeeze %dma_start3A_94 : memref<1x128xi32, #tpu.memory_space<vmem>> -> memref<128xi32, #tpu.memory_space<vmem>>
      %dma_start3A_96 = arith.constant 0 : i32
      %dma_start3A_97 = arith.constant 0 : i32
      %dma_start3A_98 = tpu.memref_slice %arg2[%dma_start3A_96, %dma_start3A_97] : memref<800000x32xf32, #tpu.memory_space<hbm>> -> memref<800000x32xf32, #tpu.memory_space<hbm>>
      tpu.enqueue_indirect_dma source(%dma_start3A_98 : memref<800000x32xf32, #tpu.memory_space<hbm>>) target(%arg9 : memref<128x32xf32, #tpu.memory_space<vmem>>) offsets(%dma_start3A_95 : memref<128xi32, #tpu.memory_space<vmem>>) semaphore(%arg12 : memref<!tpu.dma_semaphore, #tpu.memory_space<semaphore_mem>>)
      %dma_wait3A_99 = arith.constant 2 : i32
      %dma_wait3A_100 = arith.constant 0 : i32
      %dma_wait3A_101 = tpu.memref_slice %arg7[%dma_wait3A_99, %dma_wait3A_100] : memref<16x128xi32, #tpu.memory_space<vmem>> -> memref<1x128xi32, #tpu.memory_space<vmem>>
      %dma_wait3A_102 = tpu.memref_squeeze %dma_wait3A_101 : memref<1x128xi32, #tpu.memory_space<vmem>> -> memref<128xi32, #tpu.memory_space<vmem>>
      %dma_wait3A_103 = arith.constant 0 : i32
      %dma_wait3A_104 = arith.constant 0 : i32
      %dma_wait3A_105 = tpu.memref_slice %arg2[%dma_wait3A_103, %dma_wait3A_104] : memref<800000x32xf32, #tpu.memory_space<hbm>> -> memref<800000x32xf32, #tpu.memory_space<hbm>>
      tpu.wait_indirect_dma semaphore(%arg14 : memref<!tpu.dma_semaphore, #tpu.memory_space<semaphore_mem>>) src(%dma_wait3A_105 : memref<800000x32xf32, #tpu.memory_space<hbm>>) dst(%arg11 : memref<128x32xf32, #tpu.memory_space<vmem>>)
      %dma_start3A_106 = arith.constant 2 : i32
      %dma_start3A_107 = arith.constant 0 : i32
      %dma_start3A_108 = tpu.memref_slice %arg8[%dma_start3A_106, %dma_start3A_107] : memref<16x128xi32, #tpu.memory_space<vmem>> -> memref<1x128xi32, #tpu.memory_space<vmem>>
      %dma_start3A_109 = tpu.memref_squeeze %dma_start3A_108 : memref<1x128xi32, #tpu.memory_space<vmem>> -> memref<128xi32, #tpu.memory_space<vmem>>
      %dma_start3A_110 = arith.constant 0 : i32
      %dma_start3A_111 = arith.constant 0 : i32
      %dma_start3A_112 = tpu.memref_slice %arg5[%dma_start3A_110, %dma_start3A_111] : memref<52000x32xf32, #tpu.memory_space<vmem_shared>> -> memref<52000x32xf32, #tpu.memory_space<vmem_shared>>
      tpu.enqueue_indirect_dma source(%arg11 : memref<128x32xf32, #tpu.memory_space<vmem>>) target(%dma_start3A_112 : memref<52000x32xf32, #tpu.memory_space<vmem_shared>>) offsets(%dma_start3A_109 : memref<128xi32, #tpu.memory_space<vmem>>) semaphore(%arg17 : memref<!tpu.dma_semaphore, #tpu.memory_space<semaphore_mem>>) {add = true}
      %dma_wait3A_113 = arith.constant 1 : i32
      %dma_wait3A_114 = arith.constant 0 : i32
      %dma_wait3A_115 = tpu.memref_slice %arg8[%dma_wait3A_113, %dma_wait3A_114] : memref<16x128xi32, #tpu.memory_space<vmem>> -> memref<1x128xi32, #tpu.memory_space<vmem>>
      %dma_wait3A_116 = tpu.memref_squeeze %dma_wait3A_115 : memref<1x128xi32, #tpu.memory_space<vmem>> -> memref<128xi32, #tpu.memory_space<vmem>>
      %dma_wait3A_117 = arith.constant 0 : i32
      %dma_wait3A_118 = arith.constant 0 : i32
      %dma_wait3A_119 = tpu.memref_slice %arg5[%dma_wait3A_117, %dma_wait3A_118] : memref<52000x32xf32, #tpu.memory_space<vmem_shared>> -> memref<52000x32xf32, #tpu.memory_space<vmem_shared>>
      tpu.wait_indirect_dma semaphore(%arg16 : memref<!tpu.dma_semaphore, #tpu.memory_space<semaphore_mem>>) src(%arg10 : memref<128x32xf32, #tpu.memory_space<vmem>>) dst(%dma_wait3A_119 : memref<52000x32xf32, #tpu.memory_space<vmem_shared>>)
      %dma_start3A_120 = arith.constant 4 : i32
      %dma_start3A_121 = arith.constant 0 : i32
      %dma_start3A_122 = tpu.memref_slice %arg7[%dma_start3A_120, %dma_start3A_121] : memref<16x128xi32, #tpu.memory_space<vmem>> -> memref<1x128xi32, #tpu.memory_space<vmem>>
      %dma_start3A_123 = tpu.memref_squeeze %dma_start3A_122 : memref<1x128xi32, #tpu.memory_space<vmem>> -> memref<128xi32, #tpu.memory_space<vmem>>
      %dma_start3A_124 = arith.constant 0 : i32
      %dma_start3A_125 = arith.constant 0 : i32
      %dma_start3A_126 = tpu.memref_slice %arg2[%dma_start3A_124, %dma_start3A_125] : memref<800000x32xf32, #tpu.memory_space<hbm>> -> memref<800000x32xf32, #tpu.memory_space<hbm>>
      tpu.enqueue_indirect_dma source(%dma_start3A_126 : memref<800000x32xf32, #tpu.memory_space<hbm>>) target(%arg10 : memref<128x32xf32, #tpu.memory_space<vmem>>) offsets(%dma_start3A_123 : memref<128xi32, #tpu.memory_space<vmem>>) semaphore(%arg13 : memref<!tpu.dma_semaphore, #tpu.memory_space<semaphore_mem>>)
      %dma_wait3A_127 = arith.constant 3 : i32
      %dma_wait3A_128 = arith.constant 0 : i32
      %dma_wait3A_129 = tpu.memref_slice %arg7[%dma_wait3A_127, %dma_wait3A_128] : memref<16x128xi32, #tpu.memory_space<vmem>> -> memref<1x128xi32, #tpu.memory_space<vmem>>
      %dma_wait3A_130 = tpu.memref_squeeze %dma_wait3A_129 : memref<1x128xi32, #tpu.memory_space<vmem>> -> memref<128xi32, #tpu.memory_space<vmem>>
      %dma_wait3A_131 = arith.constant 0 : i32
      %dma_wait3A_132 = arith.constant 0 : i32
      %dma_wait3A_133 = tpu.memref_slice %arg2[%dma_wait3A_131, %dma_wait3A_132] : memref<800000x32xf32, #tpu.memory_space<hbm>> -> memref<800000x32xf32, #tpu.memory_space<hbm>>
      tpu.wait_indirect_dma semaphore(%arg12 : memref<!tpu.dma_semaphore, #tpu.memory_space<semaphore_mem>>) src(%dma_wait3A_133 : memref<800000x32xf32, #tpu.memory_space<hbm>>) dst(%arg9 : memref<128x32xf32, #tpu.memory_space<vmem>>)
      %dma_start3A_134 = arith.constant 3 : i32
      %dma_start3A_135 = arith.constant 0 : i32
      %dma_start3A_136 = tpu.memref_slice %arg8[%dma_start3A_134, %dma_start3A_135] : memref<16x128xi32, #tpu.memory_space<vmem>> -> memref<1x128xi32, #tpu.memory_space<vmem>>
      %dma_start3A_137 = tpu.memref_squeeze %dma_start3A_136 : memref<1x128xi32, #tpu.memory_space<vmem>> -> memref<128xi32, #tpu.memory_space<vmem>>
      %dma_start3A_138 = arith.constant 0 : i32
      %dma_start3A_139 = arith.constant 0 : i32
      %dma_start3A_140 = tpu.memref_slice %arg5[%dma_start3A_138, %dma_start3A_139] : memref<52000x32xf32, #tpu.memory_space<vmem_shared>> -> memref<52000x32xf32, #tpu.memory_space<vmem_shared>>
      tpu.enqueue_indirect_dma source(%arg9 : memref<128x32xf32, #tpu.memory_space<vmem>>) target(%dma_start3A_140 : memref<52000x32xf32, #tpu.memory_space<vmem_shared>>) offsets(%dma_start3A_137 : memref<128xi32, #tpu.memory_space<vmem>>) semaphore(%arg15 : memref<!tpu.dma_semaphore, #tpu.memory_space<semaphore_mem>>) {add = true}
      %dma_wait3A_141 = arith.constant 2 : i32
      %dma_wait3A_142 = arith.constant 0 : i32
      %dma_wait3A_143 = tpu.memref_slice %arg8[%dma_wait3A_141, %dma_wait3A_142] : memref<16x128xi32, #tpu.memory_space<vmem>> -> memref<1x128xi32, #tpu.memory_space<vmem>>
      %dma_wait3A_144 = tpu.memref_squeeze %dma_wait3A_143 : memref<1x128xi32, #tpu.memory_space<vmem>> -> memref<128xi32, #tpu.memory_space<vmem>>
      %dma_wait3A_145 = arith.constant 0 : i32
      %dma_wait3A_146 = arith.constant 0 : i32
      %dma_wait3A_147 = tpu.memref_slice %arg5[%dma_wait3A_145, %dma_wait3A_146] : memref<52000x32xf32, #tpu.memory_space<vmem_shared>> -> memref<52000x32xf32, #tpu.memory_space<vmem_shared>>
      tpu.wait_indirect_dma semaphore(%arg17 : memref<!tpu.dma_semaphore, #tpu.memory_space<semaphore_mem>>) src(%arg11 : memref<128x32xf32, #tpu.memory_space<vmem>>) dst(%dma_wait3A_147 : memref<52000x32xf32, #tpu.memory_space<vmem_shared>>)
      %dma_start3A_148 = arith.constant 5 : i32
      %dma_start3A_149 = arith.constant 0 : i32
      %dma_start3A_150 = tpu.memref_slice %arg7[%dma_start3A_148, %dma_start3A_149] : memref<16x128xi32, #tpu.memory_space<vmem>> -> memref<1x128xi32, #tpu.memory_space<vmem>>
      %dma_start3A_151 = tpu.memref_squeeze %dma_start3A_150 : memref<1x128xi32, #tpu.memory_space<vmem>> -> memref<128xi32, #tpu.memory_space<vmem>>
      %dma_start3A_152 = arith.constant 0 : i32
      %dma_start3A_153 = arith.constant 0 : i32
      %dma_start3A_154 = tpu.memref_slice %arg2[%dma_start3A_152, %dma_start3A_153] : memref<800000x32xf32, #tpu.memory_space<hbm>> -> memref<800000x32xf32, #tpu.memory_space<hbm>>
      tpu.enqueue_indirect_dma source(%dma_start3A_154 : memref<800000x32xf32, #tpu.memory_space<hbm>>) target(%arg11 : memref<128x32xf32, #tpu.memory_space<vmem>>) offsets(%dma_start3A_151 : memref<128xi32, #tpu.memory_space<vmem>>) semaphore(%arg14 : memref<!tpu.dma_semaphore, #tpu.memory_space<semaphore_mem>>)
      %dma_wait3A_155 = arith.constant 4 : i32
      %dma_wait3A_156 = arith.constant 0 : i32
      %dma_wait3A_157 = tpu.memref_slice %arg7[%dma_wait3A_155, %dma_wait3A_156] : memref<16x128xi32, #tpu.memory_space<vmem>> -> memref<1x128xi32, #tpu.memory_space<vmem>>
      %dma_wait3A_158 = tpu.memref_squeeze %dma_wait3A_157 : memref<1x128xi32, #tpu.memory_space<vmem>> -> memref<128xi32, #tpu.memory_space<vmem>>
      %dma_wait3A_159 = arith.constant 0 : i32
      %dma_wait3A_160 = arith.constant 0 : i32
      %dma_wait3A_161 = tpu.memref_slice %arg2[%dma_wait3A_159, %dma_wait3A_160] : memref<800000x32xf32, #tpu.memory_space<hbm>> -> memref<800000x32xf32, #tpu.memory_space<hbm>>
      tpu.wait_indirect_dma semaphore(%arg13 : memref<!tpu.dma_semaphore, #tpu.memory_space<semaphore_mem>>) src(%dma_wait3A_161 : memref<800000x32xf32, #tpu.memory_space<hbm>>) dst(%arg10 : memref<128x32xf32, #tpu.memory_space<vmem>>)
      %dma_start3A_162 = arith.constant 4 : i32
      %dma_start3A_163 = arith.constant 0 : i32
      %dma_start3A_164 = tpu.memref_slice %arg8[%dma_start3A_162, %dma_start3A_163] : memref<16x128xi32, #tpu.memory_space<vmem>> -> memref<1x128xi32, #tpu.memory_space<vmem>>
      %dma_start3A_165 = tpu.memref_squeeze %dma_start3A_164 : memref<1x128xi32, #tpu.memory_space<vmem>> -> memref<128xi32, #tpu.memory_space<vmem>>
      %dma_start3A_166 = arith.constant 0 : i32
      %dma_start3A_167 = arith.constant 0 : i32
      %dma_start3A_168 = tpu.memref_slice %arg5[%dma_start3A_166, %dma_start3A_167] : memref<52000x32xf32, #tpu.memory_space<vmem_shared>> -> memref<52000x32xf32, #tpu.memory_space<vmem_shared>>
      tpu.enqueue_indirect_dma source(%arg10 : memref<128x32xf32, #tpu.memory_space<vmem>>) target(%dma_start3A_168 : memref<52000x32xf32, #tpu.memory_space<vmem_shared>>) offsets(%dma_start3A_165 : memref<128xi32, #tpu.memory_space<vmem>>) semaphore(%arg16 : memref<!tpu.dma_semaphore, #tpu.memory_space<semaphore_mem>>) {add = true}
      %dma_wait3A_169 = arith.constant 3 : i32
      %dma_wait3A_170 = arith.constant 0 : i32
      %dma_wait3A_171 = tpu.memref_slice %arg8[%dma_wait3A_169, %dma_wait3A_170] : memref<16x128xi32, #tpu.memory_space<vmem>> -> memref<1x128xi32, #tpu.memory_space<vmem>>
      %dma_wait3A_172 = tpu.memref_squeeze %dma_wait3A_171 : memref<1x128xi32, #tpu.memory_space<vmem>> -> memref<128xi32, #tpu.memory_space<vmem>>
      %dma_wait3A_173 = arith.constant 0 : i32
      %dma_wait3A_174 = arith.constant 0 : i32
      %dma_wait3A_175 = tpu.memref_slice %arg5[%dma_wait3A_173, %dma_wait3A_174] : memref<52000x32xf32, #tpu.memory_space<vmem_shared>> -> memref<52000x32xf32, #tpu.memory_space<vmem_shared>>
      tpu.wait_indirect_dma semaphore(%arg15 : memref<!tpu.dma_semaphore, #tpu.memory_space<semaphore_mem>>) src(%arg9 : memref<128x32xf32, #tpu.memory_space<vmem>>) dst(%dma_wait3A_175 : memref<52000x32xf32, #tpu.memory_space<vmem_shared>>)
      %dma_start3A_176 = arith.constant 6 : i32
      %dma_start3A_177 = arith.constant 0 : i32
      %dma_start3A_178 = tpu.memref_slice %arg7[%dma_start3A_176, %dma_start3A_177] : memref<16x128xi32, #tpu.memory_space<vmem>> -> memref<1x128xi32, #tpu.memory_space<vmem>>
      %dma_start3A_179 = tpu.memref_squeeze %dma_start3A_178 : memref<1x128xi32, #tpu.memory_space<vmem>> -> memref<128xi32, #tpu.memory_space<vmem>>
      %dma_start3A_180 = arith.constant 0 : i32
      %dma_start3A_181 = arith.constant 0 : i32
      %dma_start3A_182 = tpu.memref_slice %arg2[%dma_start3A_180, %dma_start3A_181] : memref<800000x32xf32, #tpu.memory_space<hbm>> -> memref<800000x32xf32, #tpu.memory_space<hbm>>
      tpu.enqueue_indirect_dma source(%dma_start3A_182 : memref<800000x32xf32, #tpu.memory_space<hbm>>) target(%arg9 : memref<128x32xf32, #tpu.memory_space<vmem>>) offsets(%dma_start3A_179 : memref<128xi32, #tpu.memory_space<vmem>>) semaphore(%arg12 : memref<!tpu.dma_semaphore, #tpu.memory_space<semaphore_mem>>)
      %dma_wait3A_183 = arith.constant 5 : i32
      %dma_wait3A_184 = arith.constant 0 : i32
      %dma_wait3A_185 = tpu.memref_slice %arg7[%dma_wait3A_183, %dma_wait3A_184] : memref<16x128xi32, #tpu.memory_space<vmem>> -> memref<1x128xi32, #tpu.memory_space<vmem>>
      %dma_wait3A_186 = tpu.memref_squeeze %dma_wait3A_185 : memref<1x128xi32, #tpu.memory_space<vmem>> -> memref<128xi32, #tpu.memory_space<vmem>>
      %dma_wait3A_187 = arith.constant 0 : i32
      %dma_wait3A_188 = arith.constant 0 : i32
      %dma_wait3A_189 = tpu.memref_slice %arg2[%dma_wait3A_187, %dma_wait3A_188] : memref<800000x32xf32, #tpu.memory_space<hbm>> -> memref<800000x32xf32, #tpu.memory_space<hbm>>
      tpu.wait_indirect_dma semaphore(%arg14 : memref<!tpu.dma_semaphore, #tpu.memory_space<semaphore_mem>>) src(%dma_wait3A_189 : memref<800000x32xf32, #tpu.memory_space<hbm>>) dst(%arg11 : memref<128x32xf32, #tpu.memory_space<vmem>>)
      %dma_start3A_190 = arith.constant 5 : i32
      %dma_start3A_191 = arith.constant 0 : i32
      %dma_start3A_192 = tpu.memref_slice %arg8[%dma_start3A_190, %dma_start3A_191] : memref<16x128xi32, #tpu.memory_space<vmem>> -> memref<1x128xi32, #tpu.memory_space<vmem>>
      %dma_start3A_193 = tpu.memref_squeeze %dma_start3A_192 : memref<1x128xi32, #tpu.memory_space<vmem>> -> memref<128xi32, #tpu.memory_space<vmem>>
      %dma_start3A_194 = arith.constant 0 : i32
      %dma_start3A_195 = arith.constant 0 : i32
      %dma_start3A_196 = tpu.memref_slice %arg5[%dma_start3A_194, %dma_start3A_195] : memref<52000x32xf32, #tpu.memory_space<vmem_shared>> -> memref<52000x32xf32, #tpu.memory_space<vmem_shared>>
      tpu.enqueue_indirect_dma source(%arg11 : memref<128x32xf32, #tpu.memory_space<vmem>>) target(%dma_start3A_196 : memref<52000x32xf32, #tpu.memory_space<vmem_shared>>) offsets(%dma_start3A_193 : memref<128xi32, #tpu.memory_space<vmem>>) semaphore(%arg17 : memref<!tpu.dma_semaphore, #tpu.memory_space<semaphore_mem>>) {add = true}
      %dma_wait3A_197 = arith.constant 4 : i32
      %dma_wait3A_198 = arith.constant 0 : i32
      %dma_wait3A_199 = tpu.memref_slice %arg8[%dma_wait3A_197, %dma_wait3A_198] : memref<16x128xi32, #tpu.memory_space<vmem>> -> memref<1x128xi32, #tpu.memory_space<vmem>>
      %dma_wait3A_200 = tpu.memref_squeeze %dma_wait3A_199 : memref<1x128xi32, #tpu.memory_space<vmem>> -> memref<128xi32, #tpu.memory_space<vmem>>
      %dma_wait3A_201 = arith.constant 0 : i32
      %dma_wait3A_202 = arith.constant 0 : i32
      %dma_wait3A_203 = tpu.memref_slice %arg5[%dma_wait3A_201, %dma_wait3A_202] : memref<52000x32xf32, #tpu.memory_space<vmem_shared>> -> memref<52000x32xf32, #tpu.memory_space<vmem_shared>>
      tpu.wait_indirect_dma semaphore(%arg16 : memref<!tpu.dma_semaphore, #tpu.memory_space<semaphore_mem>>) src(%arg10 : memref<128x32xf32, #tpu.memory_space<vmem>>) dst(%dma_wait3A_203 : memref<52000x32xf32, #tpu.memory_space<vmem_shared>>)
      %dma_start3A_204 = arith.constant 7 : i32
      %dma_start3A_205 = arith.constant 0 : i32
      %dma_start3A_206 = tpu.memref_slice %arg7[%dma_start3A_204, %dma_start3A_205] : memref<16x128xi32, #tpu.memory_space<vmem>> -> memref<1x128xi32, #tpu.memory_space<vmem>>
      %dma_start3A_207 = tpu.memref_squeeze %dma_start3A_206 : memref<1x128xi32, #tpu.memory_space<vmem>> -> memref<128xi32, #tpu.memory_space<vmem>>
      %dma_start3A_208 = arith.constant 0 : i32
      %dma_start3A_209 = arith.constant 0 : i32
      %dma_start3A_210 = tpu.memref_slice %arg2[%dma_start3A_208, %dma_start3A_209] : memref<800000x32xf32, #tpu.memory_space<hbm>> -> memref<800000x32xf32, #tpu.memory_space<hbm>>
      tpu.enqueue_indirect_dma source(%dma_start3A_210 : memref<800000x32xf32, #tpu.memory_space<hbm>>) target(%arg10 : memref<128x32xf32, #tpu.memory_space<vmem>>) offsets(%dma_start3A_207 : memref<128xi32, #tpu.memory_space<vmem>>) semaphore(%arg13 : memref<!tpu.dma_semaphore, #tpu.memory_space<semaphore_mem>>)
      %dma_wait3A_211 = arith.constant 6 : i32
      %dma_wait3A_212 = arith.constant 0 : i32
      %dma_wait3A_213 = tpu.memref_slice %arg7[%dma_wait3A_211, %dma_wait3A_212] : memref<16x128xi32, #tpu.memory_space<vmem>> -> memref<1x128xi32, #tpu.memory_space<vmem>>
      %dma_wait3A_214 = tpu.memref_squeeze %dma_wait3A_213 : memref<1x128xi32, #tpu.memory_space<vmem>> -> memref<128xi32, #tpu.memory_space<vmem>>
      %dma_wait3A_215 = arith.constant 0 : i32
      %dma_wait3A_216 = arith.constant 0 : i32
      %dma_wait3A_217 = tpu.memref_slice %arg2[%dma_wait3A_215, %dma_wait3A_216] : memref<800000x32xf32, #tpu.memory_space<hbm>> -> memref<800000x32xf32, #tpu.memory_space<hbm>>
      tpu.wait_indirect_dma semaphore(%arg12 : memref<!tpu.dma_semaphore, #tpu.memory_space<semaphore_mem>>) src(%dma_wait3A_217 : memref<800000x32xf32, #tpu.memory_space<hbm>>) dst(%arg9 : memref<128x32xf32, #tpu.memory_space<vmem>>)
      %dma_start3A_218 = arith.constant 6 : i32
      %dma_start3A_219 = arith.constant 0 : i32
      %dma_start3A_220 = tpu.memref_slice %arg8[%dma_start3A_218, %dma_start3A_219] : memref<16x128xi32, #tpu.memory_space<vmem>> -> memref<1x128xi32, #tpu.memory_space<vmem>>
      %dma_start3A_221 = tpu.memref_squeeze %dma_start3A_220 : memref<1x128xi32, #tpu.memory_space<vmem>> -> memref<128xi32, #tpu.memory_space<vmem>>
      %dma_start3A_222 = arith.constant 0 : i32
      %dma_start3A_223 = arith.constant 0 : i32
      %dma_start3A_224 = tpu.memref_slice %arg5[%dma_start3A_222, %dma_start3A_223] : memref<52000x32xf32, #tpu.memory_space<vmem_shared>> -> memref<52000x32xf32, #tpu.memory_space<vmem_shared>>
      tpu.enqueue_indirect_dma source(%arg9 : memref<128x32xf32, #tpu.memory_space<vmem>>) target(%dma_start3A_224 : memref<52000x32xf32, #tpu.memory_space<vmem_shared>>) offsets(%dma_start3A_221 : memref<128xi32, #tpu.memory_space<vmem>>) semaphore(%arg15 : memref<!tpu.dma_semaphore, #tpu.memory_space<semaphore_mem>>) {add = true}
      %dma_wait3A_225 = arith.constant 5 : i32
      %dma_wait3A_226 = arith.constant 0 : i32
      %dma_wait3A_227 = tpu.memref_slice %arg8[%dma_wait3A_225, %dma_wait3A_226] : memref<16x128xi32, #tpu.memory_space<vmem>> -> memref<1x128xi32, #tpu.memory_space<vmem>>
      %dma_wait3A_228 = tpu.memref_squeeze %dma_wait3A_227 : memref<1x128xi32, #tpu.memory_space<vmem>> -> memref<128xi32, #tpu.memory_space<vmem>>
      %dma_wait3A_229 = arith.constant 0 : i32
      %dma_wait3A_230 = arith.constant 0 : i32
      %dma_wait3A_231 = tpu.memref_slice %arg5[%dma_wait3A_229, %dma_wait3A_230] : memref<52000x32xf32, #tpu.memory_space<vmem_shared>> -> memref<52000x32xf32, #tpu.memory_space<vmem_shared>>
      tpu.wait_indirect_dma semaphore(%arg17 : memref<!tpu.dma_semaphore, #tpu.memory_space<semaphore_mem>>) src(%arg11 : memref<128x32xf32, #tpu.memory_space<vmem>>) dst(%dma_wait3A_231 : memref<52000x32xf32, #tpu.memory_space<vmem_shared>>)
      %dma_start3A_232 = arith.constant 8 : i32
      %dma_start3A_233 = arith.constant 0 : i32
      %dma_start3A_234 = tpu.memref_slice %arg7[%dma_start3A_232, %dma_start3A_233] : memref<16x128xi32, #tpu.memory_space<vmem>> -> memref<1x128xi32, #tpu.memory_space<vmem>>
      %dma_start3A_235 = tpu.memref_squeeze %dma_start3A_234 : memref<1x128xi32, #tpu.memory_space<vmem>> -> memref<128xi32, #tpu.memory_space<vmem>>
      %dma_start3A_236 = arith.constant 0 : i32
      %dma_start3A_237 = arith.constant 0 : i32
      %dma_start3A_238 = tpu.memref_slice %arg2[%dma_start3A_236, %dma_start3A_237] : memref<800000x32xf32, #tpu.memory_space<hbm>> -> memref<800000x32xf32, #tpu.memory_space<hbm>>
      tpu.enqueue_indirect_dma source(%dma_start3A_238 : memref<800000x32xf32, #tpu.memory_space<hbm>>) target(%arg11 : memref<128x32xf32, #tpu.memory_space<vmem>>) offsets(%dma_start3A_235 : memref<128xi32, #tpu.memory_space<vmem>>) semaphore(%arg14 : memref<!tpu.dma_semaphore, #tpu.memory_space<semaphore_mem>>)
      %dma_wait3A_239 = arith.constant 7 : i32
      %dma_wait3A_240 = arith.constant 0 : i32
      %dma_wait3A_241 = tpu.memref_slice %arg7[%dma_wait3A_239, %dma_wait3A_240] : memref<16x128xi32, #tpu.memory_space<vmem>> -> memref<1x128xi32, #tpu.memory_space<vmem>>
      %dma_wait3A_242 = tpu.memref_squeeze %dma_wait3A_241 : memref<1x128xi32, #tpu.memory_space<vmem>> -> memref<128xi32, #tpu.memory_space<vmem>>
      %dma_wait3A_243 = arith.constant 0 : i32
      %dma_wait3A_244 = arith.constant 0 : i32
      %dma_wait3A_245 = tpu.memref_slice %arg2[%dma_wait3A_243, %dma_wait3A_244] : memref<800000x32xf32, #tpu.memory_space<hbm>> -> memref<800000x32xf32, #tpu.memory_space<hbm>>
      tpu.wait_indirect_dma semaphore(%arg13 : memref<!tpu.dma_semaphore, #tpu.memory_space<semaphore_mem>>) src(%dma_wait3A_245 : memref<800000x32xf32, #tpu.memory_space<hbm>>) dst(%arg10 : memref<128x32xf32, #tpu.memory_space<vmem>>)
      %dma_start3A_246 = arith.constant 7 : i32
      %dma_start3A_247 = arith.constant 0 : i32
      %dma_start3A_248 = tpu.memref_slice %arg8[%dma_start3A_246, %dma_start3A_247] : memref<16x128xi32, #tpu.memory_space<vmem>> -> memref<1x128xi32, #tpu.memory_space<vmem>>
      %dma_start3A_249 = tpu.memref_squeeze %dma_start3A_248 : memref<1x128xi32, #tpu.memory_space<vmem>> -> memref<128xi32, #tpu.memory_space<vmem>>
      %dma_start3A_250 = arith.constant 0 : i32
      %dma_start3A_251 = arith.constant 0 : i32
      %dma_start3A_252 = tpu.memref_slice %arg5[%dma_start3A_250, %dma_start3A_251] : memref<52000x32xf32, #tpu.memory_space<vmem_shared>> -> memref<52000x32xf32, #tpu.memory_space<vmem_shared>>
      tpu.enqueue_indirect_dma source(%arg10 : memref<128x32xf32, #tpu.memory_space<vmem>>) target(%dma_start3A_252 : memref<52000x32xf32, #tpu.memory_space<vmem_shared>>) offsets(%dma_start3A_249 : memref<128xi32, #tpu.memory_space<vmem>>) semaphore(%arg16 : memref<!tpu.dma_semaphore, #tpu.memory_space<semaphore_mem>>) {add = true}
      %dma_wait3A_253 = arith.constant 6 : i32
      %dma_wait3A_254 = arith.constant 0 : i32
      %dma_wait3A_255 = tpu.memref_slice %arg8[%dma_wait3A_253, %dma_wait3A_254] : memref<16x128xi32, #tpu.memory_space<vmem>> -> memref<1x128xi32, #tpu.memory_space<vmem>>
      %dma_wait3A_256 = tpu.memref_squeeze %dma_wait3A_255 : memref<1x128xi32, #tpu.memory_space<vmem>> -> memref<128xi32, #tpu.memory_space<vmem>>
      %dma_wait3A_257 = arith.constant 0 : i32
      %dma_wait3A_258 = arith.constant 0 : i32
      %dma_wait3A_259 = tpu.memref_slice %arg5[%dma_wait3A_257, %dma_wait3A_258] : memref<52000x32xf32, #tpu.memory_space<vmem_shared>> -> memref<52000x32xf32, #tpu.memory_space<vmem_shared>>
      tpu.wait_indirect_dma semaphore(%arg15 : memref<!tpu.dma_semaphore, #tpu.memory_space<semaphore_mem>>) src(%arg9 : memref<128x32xf32, #tpu.memory_space<vmem>>) dst(%dma_wait3A_259 : memref<52000x32xf32, #tpu.memory_space<vmem_shared>>)
      %dma_start3A_260 = arith.constant 9 : i32
      %dma_start3A_261 = arith.constant 0 : i32
      %dma_start3A_262 = tpu.memref_slice %arg7[%dma_start3A_260, %dma_start3A_261] : memref<16x128xi32, #tpu.memory_space<vmem>> -> memref<1x128xi32, #tpu.memory_space<vmem>>
      %dma_start3A_263 = tpu.memref_squeeze %dma_start3A_262 : memref<1x128xi32, #tpu.memory_space<vmem>> -> memref<128xi32, #tpu.memory_space<vmem>>
      %dma_start3A_264 = arith.constant 0 : i32
      %dma_start3A_265 = arith.constant 0 : i32
      %dma_start3A_266 = tpu.memref_slice %arg2[%dma_start3A_264, %dma_start3A_265] : memref<800000x32xf32, #tpu.memory_space<hbm>> -> memref<800000x32xf32, #tpu.memory_space<hbm>>
      tpu.enqueue_indirect_dma source(%dma_start3A_266 : memref<800000x32xf32, #tpu.memory_space<hbm>>) target(%arg9 : memref<128x32xf32, #tpu.memory_space<vmem>>) offsets(%dma_start3A_263 : memref<128xi32, #tpu.memory_space<vmem>>) semaphore(%arg12 : memref<!tpu.dma_semaphore, #tpu.memory_space<semaphore_mem>>)
      %dma_wait3A_267 = arith.constant 8 : i32
      %dma_wait3A_268 = arith.constant 0 : i32
      %dma_wait3A_269 = tpu.memref_slice %arg7[%dma_wait3A_267, %dma_wait3A_268] : memref<16x128xi32, #tpu.memory_space<vmem>> -> memref<1x128xi32, #tpu.memory_space<vmem>>
      %dma_wait3A_270 = tpu.memref_squeeze %dma_wait3A_269 : memref<1x128xi32, #tpu.memory_space<vmem>> -> memref<128xi32, #tpu.memory_space<vmem>>
      %dma_wait3A_271 = arith.constant 0 : i32
      %dma_wait3A_272 = arith.constant 0 : i32
      %dma_wait3A_273 = tpu.memref_slice %arg2[%dma_wait3A_271, %dma_wait3A_272] : memref<800000x32xf32, #tpu.memory_space<hbm>> -> memref<800000x32xf32, #tpu.memory_space<hbm>>
      tpu.wait_indirect_dma semaphore(%arg14 : memref<!tpu.dma_semaphore, #tpu.memory_space<semaphore_mem>>) src(%dma_wait3A_273 : memref<800000x32xf32, #tpu.memory_space<hbm>>) dst(%arg11 : memref<128x32xf32, #tpu.memory_space<vmem>>)
      %dma_start3A_274 = arith.constant 8 : i32
      %dma_start3A_275 = arith.constant 0 : i32
      %dma_start3A_276 = tpu.memref_slice %arg8[%dma_start3A_274, %dma_start3A_275] : memref<16x128xi32, #tpu.memory_space<vmem>> -> memref<1x128xi32, #tpu.memory_space<vmem>>
      %dma_start3A_277 = tpu.memref_squeeze %dma_start3A_276 : memref<1x128xi32, #tpu.memory_space<vmem>> -> memref<128xi32, #tpu.memory_space<vmem>>
      %dma_start3A_278 = arith.constant 0 : i32
      %dma_start3A_279 = arith.constant 0 : i32
      %dma_start3A_280 = tpu.memref_slice %arg5[%dma_start3A_278, %dma_start3A_279] : memref<52000x32xf32, #tpu.memory_space<vmem_shared>> -> memref<52000x32xf32, #tpu.memory_space<vmem_shared>>
      tpu.enqueue_indirect_dma source(%arg11 : memref<128x32xf32, #tpu.memory_space<vmem>>) target(%dma_start3A_280 : memref<52000x32xf32, #tpu.memory_space<vmem_shared>>) offsets(%dma_start3A_277 : memref<128xi32, #tpu.memory_space<vmem>>) semaphore(%arg17 : memref<!tpu.dma_semaphore, #tpu.memory_space<semaphore_mem>>) {add = true}
      %dma_wait3A_281 = arith.constant 7 : i32
      %dma_wait3A_282 = arith.constant 0 : i32
      %dma_wait3A_283 = tpu.memref_slice %arg8[%dma_wait3A_281, %dma_wait3A_282] : memref<16x128xi32, #tpu.memory_space<vmem>> -> memref<1x128xi32, #tpu.memory_space<vmem>>
      %dma_wait3A_284 = tpu.memref_squeeze %dma_wait3A_283 : memref<1x128xi32, #tpu.memory_space<vmem>> -> memref<128xi32, #tpu.memory_space<vmem>>
      %dma_wait3A_285 = arith.constant 0 : i32
      %dma_wait3A_286 = arith.constant 0 : i32
      %dma_wait3A_287 = tpu.memref_slice %arg5[%dma_wait3A_285, %dma_wait3A_286] : memref<52000x32xf32, #tpu.memory_space<vmem_shared>> -> memref<52000x32xf32, #tpu.memory_space<vmem_shared>>
      tpu.wait_indirect_dma semaphore(%arg16 : memref<!tpu.dma_semaphore, #tpu.memory_space<semaphore_mem>>) src(%arg10 : memref<128x32xf32, #tpu.memory_space<vmem>>) dst(%dma_wait3A_287 : memref<52000x32xf32, #tpu.memory_space<vmem_shared>>)
      %dma_start3A_288 = arith.constant 10 : i32
      %dma_start3A_289 = arith.constant 0 : i32
      %dma_start3A_290 = tpu.memref_slice %arg7[%dma_start3A_288, %dma_start3A_289] : memref<16x128xi32, #tpu.memory_space<vmem>> -> memref<1x128xi32, #tpu.memory_space<vmem>>
      %dma_start3A_291 = tpu.memref_squeeze %dma_start3A_290 : memref<1x128xi32, #tpu.memory_space<vmem>> -> memref<128xi32, #tpu.memory_space<vmem>>
      %dma_start3A_292 = arith.constant 0 : i32
      %dma_start3A_293 = arith.constant 0 : i32
      %dma_start3A_294 = tpu.memref_slice %arg2[%dma_start3A_292, %dma_start3A_293] : memref<800000x32xf32, #tpu.memory_space<hbm>> -> memref<800000x32xf32, #tpu.memory_space<hbm>>
      tpu.enqueue_indirect_dma source(%dma_start3A_294 : memref<800000x32xf32, #tpu.memory_space<hbm>>) target(%arg10 : memref<128x32xf32, #tpu.memory_space<vmem>>) offsets(%dma_start3A_291 : memref<128xi32, #tpu.memory_space<vmem>>) semaphore(%arg13 : memref<!tpu.dma_semaphore, #tpu.memory_space<semaphore_mem>>)
      %dma_wait3A_295 = arith.constant 9 : i32
      %dma_wait3A_296 = arith.constant 0 : i32
      %dma_wait3A_297 = tpu.memref_slice %arg7[%dma_wait3A_295, %dma_wait3A_296] : memref<16x128xi32, #tpu.memory_space<vmem>> -> memref<1x128xi32, #tpu.memory_space<vmem>>
      %dma_wait3A_298 = tpu.memref_squeeze %dma_wait3A_297 : memref<1x128xi32, #tpu.memory_space<vmem>> -> memref<128xi32, #tpu.memory_space<vmem>>
      %dma_wait3A_299 = arith.constant 0 : i32
      %dma_wait3A_300 = arith.constant 0 : i32
      %dma_wait3A_301 = tpu.memref_slice %arg2[%dma_wait3A_299, %dma_wait3A_300] : memref<800000x32xf32, #tpu.memory_space<hbm>> -> memref<800000x32xf32, #tpu.memory_space<hbm>>
      tpu.wait_indirect_dma semaphore(%arg12 : memref<!tpu.dma_semaphore, #tpu.memory_space<semaphore_mem>>) src(%dma_wait3A_301 : memref<800000x32xf32, #tpu.memory_space<hbm>>) dst(%arg9 : memref<128x32xf32, #tpu.memory_space<vmem>>)
      %dma_start3A_302 = arith.constant 9 : i32
      %dma_start3A_303 = arith.constant 0 : i32
      %dma_start3A_304 = tpu.memref_slice %arg8[%dma_start3A_302, %dma_start3A_303] : memref<16x128xi32, #tpu.memory_space<vmem>> -> memref<1x128xi32, #tpu.memory_space<vmem>>
      %dma_start3A_305 = tpu.memref_squeeze %dma_start3A_304 : memref<1x128xi32, #tpu.memory_space<vmem>> -> memref<128xi32, #tpu.memory_space<vmem>>
      %dma_start3A_306 = arith.constant 0 : i32
      %dma_start3A_307 = arith.constant 0 : i32
      %dma_start3A_308 = tpu.memref_slice %arg5[%dma_start3A_306, %dma_start3A_307] : memref<52000x32xf32, #tpu.memory_space<vmem_shared>> -> memref<52000x32xf32, #tpu.memory_space<vmem_shared>>
      tpu.enqueue_indirect_dma source(%arg9 : memref<128x32xf32, #tpu.memory_space<vmem>>) target(%dma_start3A_308 : memref<52000x32xf32, #tpu.memory_space<vmem_shared>>) offsets(%dma_start3A_305 : memref<128xi32, #tpu.memory_space<vmem>>) semaphore(%arg15 : memref<!tpu.dma_semaphore, #tpu.memory_space<semaphore_mem>>) {add = true}
      %dma_wait3A_309 = arith.constant 8 : i32
      %dma_wait3A_310 = arith.constant 0 : i32
      %dma_wait3A_311 = tpu.memref_slice %arg8[%dma_wait3A_309, %dma_wait3A_310] : memref<16x128xi32, #tpu.memory_space<vmem>> -> memref<1x128xi32, #tpu.memory_space<vmem>>
      %dma_wait3A_312 = tpu.memref_squeeze %dma_wait3A_311 : memref<1x128xi32, #tpu.memory_space<vmem>> -> memref<128xi32, #tpu.memory_space<vmem>>
      %dma_wait3A_313 = arith.constant 0 : i32
      %dma_wait3A_314 = arith.constant 0 : i32
      %dma_wait3A_315 = tpu.memref_slice %arg5[%dma_wait3A_313, %dma_wait3A_314] : memref<52000x32xf32, #tpu.memory_space<vmem_shared>> -> memref<52000x32xf32, #tpu.memory_space<vmem_shared>>
      tpu.wait_indirect_dma semaphore(%arg17 : memref<!tpu.dma_semaphore, #tpu.memory_space<semaphore_mem>>) src(%arg11 : memref<128x32xf32, #tpu.memory_space<vmem>>) dst(%dma_wait3A_315 : memref<52000x32xf32, #tpu.memory_space<vmem_shared>>)
      %dma_start3A_316 = arith.constant 11 : i32
      %dma_start3A_317 = arith.constant 0 : i32
      %dma_start3A_318 = tpu.memref_slice %arg7[%dma_start3A_316, %dma_start3A_317] : memref<16x128xi32, #tpu.memory_space<vmem>> -> memref<1x128xi32, #tpu.memory_space<vmem>>
      %dma_start3A_319 = tpu.memref_squeeze %dma_start3A_318 : memref<1x128xi32, #tpu.memory_space<vmem>> -> memref<128xi32, #tpu.memory_space<vmem>>
      %dma_start3A_320 = arith.constant 0 : i32
      %dma_start3A_321 = arith.constant 0 : i32
      %dma_start3A_322 = tpu.memref_slice %arg2[%dma_start3A_320, %dma_start3A_321] : memref<800000x32xf32, #tpu.memory_space<hbm>> -> memref<800000x32xf32, #tpu.memory_space<hbm>>
      tpu.enqueue_indirect_dma source(%dma_start3A_322 : memref<800000x32xf32, #tpu.memory_space<hbm>>) target(%arg11 : memref<128x32xf32, #tpu.memory_space<vmem>>) offsets(%dma_start3A_319 : memref<128xi32, #tpu.memory_space<vmem>>) semaphore(%arg14 : memref<!tpu.dma_semaphore, #tpu.memory_space<semaphore_mem>>)
      %dma_wait3A_323 = arith.constant 10 : i32
      %dma_wait3A_324 = arith.constant 0 : i32
      %dma_wait3A_325 = tpu.memref_slice %arg7[%dma_wait3A_323, %dma_wait3A_324] : memref<16x128xi32, #tpu.memory_space<vmem>> -> memref<1x128xi32, #tpu.memory_space<vmem>>
      %dma_wait3A_326 = tpu.memref_squeeze %dma_wait3A_325 : memref<1x128xi32, #tpu.memory_space<vmem>> -> memref<128xi32, #tpu.memory_space<vmem>>
      %dma_wait3A_327 = arith.constant 0 : i32
      %dma_wait3A_328 = arith.constant 0 : i32
      %dma_wait3A_329 = tpu.memref_slice %arg2[%dma_wait3A_327, %dma_wait3A_328] : memref<800000x32xf32, #tpu.memory_space<hbm>> -> memref<800000x32xf32, #tpu.memory_space<hbm>>
      tpu.wait_indirect_dma semaphore(%arg13 : memref<!tpu.dma_semaphore, #tpu.memory_space<semaphore_mem>>) src(%dma_wait3A_329 : memref<800000x32xf32, #tpu.memory_space<hbm>>) dst(%arg10 : memref<128x32xf32, #tpu.memory_space<vmem>>)
      %dma_start3A_330 = arith.constant 10 : i32
      %dma_start3A_331 = arith.constant 0 : i32
      %dma_start3A_332 = tpu.memref_slice %arg8[%dma_start3A_330, %dma_start3A_331] : memref<16x128xi32, #tpu.memory_space<vmem>> -> memref<1x128xi32, #tpu.memory_space<vmem>>
      %dma_start3A_333 = tpu.memref_squeeze %dma_start3A_332 : memref<1x128xi32, #tpu.memory_space<vmem>> -> memref<128xi32, #tpu.memory_space<vmem>>
      %dma_start3A_334 = arith.constant 0 : i32
      %dma_start3A_335 = arith.constant 0 : i32
      %dma_start3A_336 = tpu.memref_slice %arg5[%dma_start3A_334, %dma_start3A_335] : memref<52000x32xf32, #tpu.memory_space<vmem_shared>> -> memref<52000x32xf32, #tpu.memory_space<vmem_shared>>
      tpu.enqueue_indirect_dma source(%arg10 : memref<128x32xf32, #tpu.memory_space<vmem>>) target(%dma_start3A_336 : memref<52000x32xf32, #tpu.memory_space<vmem_shared>>) offsets(%dma_start3A_333 : memref<128xi32, #tpu.memory_space<vmem>>) semaphore(%arg16 : memref<!tpu.dma_semaphore, #tpu.memory_space<semaphore_mem>>) {add = true}
      %dma_wait3A_337 = arith.constant 9 : i32
      %dma_wait3A_338 = arith.constant 0 : i32
      %dma_wait3A_339 = tpu.memref_slice %arg8[%dma_wait3A_337, %dma_wait3A_338] : memref<16x128xi32, #tpu.memory_space<vmem>> -> memref<1x128xi32, #tpu.memory_space<vmem>>
      %dma_wait3A_340 = tpu.memref_squeeze %dma_wait3A_339 : memref<1x128xi32, #tpu.memory_space<vmem>> -> memref<128xi32, #tpu.memory_space<vmem>>
      %dma_wait3A_341 = arith.constant 0 : i32
      %dma_wait3A_342 = arith.constant 0 : i32
      %dma_wait3A_343 = tpu.memref_slice %arg5[%dma_wait3A_341, %dma_wait3A_342] : memref<52000x32xf32, #tpu.memory_space<vmem_shared>> -> memref<52000x32xf32, #tpu.memory_space<vmem_shared>>
      tpu.wait_indirect_dma semaphore(%arg15 : memref<!tpu.dma_semaphore, #tpu.memory_space<semaphore_mem>>) src(%arg9 : memref<128x32xf32, #tpu.memory_space<vmem>>) dst(%dma_wait3A_343 : memref<52000x32xf32, #tpu.memory_space<vmem_shared>>)
      %dma_start3A_344 = arith.constant 12 : i32
      %dma_start3A_345 = arith.constant 0 : i32
      %dma_start3A_346 = tpu.memref_slice %arg7[%dma_start3A_344, %dma_start3A_345] : memref<16x128xi32, #tpu.memory_space<vmem>> -> memref<1x128xi32, #tpu.memory_space<vmem>>
      %dma_start3A_347 = tpu.memref_squeeze %dma_start3A_346 : memref<1x128xi32, #tpu.memory_space<vmem>> -> memref<128xi32, #tpu.memory_space<vmem>>
      %dma_start3A_348 = arith.constant 0 : i32
      %dma_start3A_349 = arith.constant 0 : i32
      %dma_start3A_350 = tpu.memref_slice %arg2[%dma_start3A_348, %dma_start3A_349] : memref<800000x32xf32, #tpu.memory_space<hbm>> -> memref<800000x32xf32, #tpu.memory_space<hbm>>
      tpu.enqueue_indirect_dma source(%dma_start3A_350 : memref<800000x32xf32, #tpu.memory_space<hbm>>) target(%arg9 : memref<128x32xf32, #tpu.memory_space<vmem>>) offsets(%dma_start3A_347 : memref<128xi32, #tpu.memory_space<vmem>>) semaphore(%arg12 : memref<!tpu.dma_semaphore, #tpu.memory_space<semaphore_mem>>)
      %dma_wait3A_351 = arith.constant 11 : i32
      %dma_wait3A_352 = arith.constant 0 : i32
      %dma_wait3A_353 = tpu.memref_slice %arg7[%dma_wait3A_351, %dma_wait3A_352] : memref<16x128xi32, #tpu.memory_space<vmem>> -> memref<1x128xi32, #tpu.memory_space<vmem>>
      %dma_wait3A_354 = tpu.memref_squeeze %dma_wait3A_353 : memref<1x128xi32, #tpu.memory_space<vmem>> -> memref<128xi32, #tpu.memory_space<vmem>>
      %dma_wait3A_355 = arith.constant 0 : i32
      %dma_wait3A_356 = arith.constant 0 : i32
      %dma_wait3A_357 = tpu.memref_slice %arg2[%dma_wait3A_355, %dma_wait3A_356] : memref<800000x32xf32, #tpu.memory_space<hbm>> -> memref<800000x32xf32, #tpu.memory_space<hbm>>
      tpu.wait_indirect_dma semaphore(%arg14 : memref<!tpu.dma_semaphore, #tpu.memory_space<semaphore_mem>>) src(%dma_wait3A_357 : memref<800000x32xf32, #tpu.memory_space<hbm>>) dst(%arg11 : memref<128x32xf32, #tpu.memory_space<vmem>>)
      %dma_start3A_358 = arith.constant 11 : i32
      %dma_start3A_359 = arith.constant 0 : i32
      %dma_start3A_360 = tpu.memref_slice %arg8[%dma_start3A_358, %dma_start3A_359] : memref<16x128xi32, #tpu.memory_space<vmem>> -> memref<1x128xi32, #tpu.memory_space<vmem>>
      %dma_start3A_361 = tpu.memref_squeeze %dma_start3A_360 : memref<1x128xi32, #tpu.memory_space<vmem>> -> memref<128xi32, #tpu.memory_space<vmem>>
      %dma_start3A_362 = arith.constant 0 : i32
      %dma_start3A_363 = arith.constant 0 : i32
      %dma_start3A_364 = tpu.memref_slice %arg5[%dma_start3A_362, %dma_start3A_363] : memref<52000x32xf32, #tpu.memory_space<vmem_shared>> -> memref<52000x32xf32, #tpu.memory_space<vmem_shared>>
      tpu.enqueue_indirect_dma source(%arg11 : memref<128x32xf32, #tpu.memory_space<vmem>>) target(%dma_start3A_364 : memref<52000x32xf32, #tpu.memory_space<vmem_shared>>) offsets(%dma_start3A_361 : memref<128xi32, #tpu.memory_space<vmem>>) semaphore(%arg17 : memref<!tpu.dma_semaphore, #tpu.memory_space<semaphore_mem>>) {add = true}
      %dma_wait3A_365 = arith.constant 10 : i32
      %dma_wait3A_366 = arith.constant 0 : i32
      %dma_wait3A_367 = tpu.memref_slice %arg8[%dma_wait3A_365, %dma_wait3A_366] : memref<16x128xi32, #tpu.memory_space<vmem>> -> memref<1x128xi32, #tpu.memory_space<vmem>>
      %dma_wait3A_368 = tpu.memref_squeeze %dma_wait3A_367 : memref<1x128xi32, #tpu.memory_space<vmem>> -> memref<128xi32, #tpu.memory_space<vmem>>
      %dma_wait3A_369 = arith.constant 0 : i32
      %dma_wait3A_370 = arith.constant 0 : i32
      %dma_wait3A_371 = tpu.memref_slice %arg5[%dma_wait3A_369, %dma_wait3A_370] : memref<52000x32xf32, #tpu.memory_space<vmem_shared>> -> memref<52000x32xf32, #tpu.memory_space<vmem_shared>>
      tpu.wait_indirect_dma semaphore(%arg16 : memref<!tpu.dma_semaphore, #tpu.memory_space<semaphore_mem>>) src(%arg10 : memref<128x32xf32, #tpu.memory_space<vmem>>) dst(%dma_wait3A_371 : memref<52000x32xf32, #tpu.memory_space<vmem_shared>>)
      %dma_start3A_372 = arith.constant 13 : i32
      %dma_start3A_373 = arith.constant 0 : i32
      %dma_start3A_374 = tpu.memref_slice %arg7[%dma_start3A_372, %dma_start3A_373] : memref<16x128xi32, #tpu.memory_space<vmem>> -> memref<1x128xi32, #tpu.memory_space<vmem>>
      %dma_start3A_375 = tpu.memref_squeeze %dma_start3A_374 : memref<1x128xi32, #tpu.memory_space<vmem>> -> memref<128xi32, #tpu.memory_space<vmem>>
      %dma_start3A_376 = arith.constant 0 : i32
      %dma_start3A_377 = arith.constant 0 : i32
      %dma_start3A_378 = tpu.memref_slice %arg2[%dma_start3A_376, %dma_start3A_377] : memref<800000x32xf32, #tpu.memory_space<hbm>> -> memref<800000x32xf32, #tpu.memory_space<hbm>>
      tpu.enqueue_indirect_dma source(%dma_start3A_378 : memref<800000x32xf32, #tpu.memory_space<hbm>>) target(%arg10 : memref<128x32xf32, #tpu.memory_space<vmem>>) offsets(%dma_start3A_375 : memref<128xi32, #tpu.memory_space<vmem>>) semaphore(%arg13 : memref<!tpu.dma_semaphore, #tpu.memory_space<semaphore_mem>>)
      %dma_wait3A_379 = arith.constant 12 : i32
      %dma_wait3A_380 = arith.constant 0 : i32
      %dma_wait3A_381 = tpu.memref_slice %arg7[%dma_wait3A_379, %dma_wait3A_380] : memref<16x128xi32, #tpu.memory_space<vmem>> -> memref<1x128xi32, #tpu.memory_space<vmem>>
      %dma_wait3A_382 = tpu.memref_squeeze %dma_wait3A_381 : memref<1x128xi32, #tpu.memory_space<vmem>> -> memref<128xi32, #tpu.memory_space<vmem>>
      %dma_wait3A_383 = arith.constant 0 : i32
      %dma_wait3A_384 = arith.constant 0 : i32
      %dma_wait3A_385 = tpu.memref_slice %arg2[%dma_wait3A_383, %dma_wait3A_384] : memref<800000x32xf32, #tpu.memory_space<hbm>> -> memref<800000x32xf32, #tpu.memory_space<hbm>>
      tpu.wait_indirect_dma semaphore(%arg12 : memref<!tpu.dma_semaphore, #tpu.memory_space<semaphore_mem>>) src(%dma_wait3A_385 : memref<800000x32xf32, #tpu.memory_space<hbm>>) dst(%arg9 : memref<128x32xf32, #tpu.memory_space<vmem>>)
      %dma_start3A_386 = arith.constant 12 : i32
      %dma_start3A_387 = arith.constant 0 : i32
      %dma_start3A_388 = tpu.memref_slice %arg8[%dma_start3A_386, %dma_start3A_387] : memref<16x128xi32, #tpu.memory_space<vmem>> -> memref<1x128xi32, #tpu.memory_space<vmem>>
      %dma_start3A_389 = tpu.memref_squeeze %dma_start3A_388 : memref<1x128xi32, #tpu.memory_space<vmem>> -> memref<128xi32, #tpu.memory_space<vmem>>
      %dma_start3A_390 = arith.constant 0 : i32
      %dma_start3A_391 = arith.constant 0 : i32
      %dma_start3A_392 = tpu.memref_slice %arg5[%dma_start3A_390, %dma_start3A_391] : memref<52000x32xf32, #tpu.memory_space<vmem_shared>> -> memref<52000x32xf32, #tpu.memory_space<vmem_shared>>
      tpu.enqueue_indirect_dma source(%arg9 : memref<128x32xf32, #tpu.memory_space<vmem>>) target(%dma_start3A_392 : memref<52000x32xf32, #tpu.memory_space<vmem_shared>>) offsets(%dma_start3A_389 : memref<128xi32, #tpu.memory_space<vmem>>) semaphore(%arg15 : memref<!tpu.dma_semaphore, #tpu.memory_space<semaphore_mem>>) {add = true}
      %dma_wait3A_393 = arith.constant 11 : i32
      %dma_wait3A_394 = arith.constant 0 : i32
      %dma_wait3A_395 = tpu.memref_slice %arg8[%dma_wait3A_393, %dma_wait3A_394] : memref<16x128xi32, #tpu.memory_space<vmem>> -> memref<1x128xi32, #tpu.memory_space<vmem>>
      %dma_wait3A_396 = tpu.memref_squeeze %dma_wait3A_395 : memref<1x128xi32, #tpu.memory_space<vmem>> -> memref<128xi32, #tpu.memory_space<vmem>>
      %dma_wait3A_397 = arith.constant 0 : i32
      %dma_wait3A_398 = arith.constant 0 : i32
      %dma_wait3A_399 = tpu.memref_slice %arg5[%dma_wait3A_397, %dma_wait3A_398] : memref<52000x32xf32, #tpu.memory_space<vmem_shared>> -> memref<52000x32xf32, #tpu.memory_space<vmem_shared>>
      tpu.wait_indirect_dma semaphore(%arg17 : memref<!tpu.dma_semaphore, #tpu.memory_space<semaphore_mem>>) src(%arg11 : memref<128x32xf32, #tpu.memory_space<vmem>>) dst(%dma_wait3A_399 : memref<52000x32xf32, #tpu.memory_space<vmem_shared>>)
      %dma_start3A_400 = arith.constant 14 : i32
      %dma_start3A_401 = arith.constant 0 : i32
      %dma_start3A_402 = tpu.memref_slice %arg7[%dma_start3A_400, %dma_start3A_401] : memref<16x128xi32, #tpu.memory_space<vmem>> -> memref<1x128xi32, #tpu.memory_space<vmem>>
      %dma_start3A_403 = tpu.memref_squeeze %dma_start3A_402 : memref<1x128xi32, #tpu.memory_space<vmem>> -> memref<128xi32, #tpu.memory_space<vmem>>
      %dma_start3A_404 = arith.constant 0 : i32
      %dma_start3A_405 = arith.constant 0 : i32
      %dma_start3A_406 = tpu.memref_slice %arg2[%dma_start3A_404, %dma_start3A_405] : memref<800000x32xf32, #tpu.memory_space<hbm>> -> memref<800000x32xf32, #tpu.memory_space<hbm>>
      tpu.enqueue_indirect_dma source(%dma_start3A_406 : memref<800000x32xf32, #tpu.memory_space<hbm>>) target(%arg11 : memref<128x32xf32, #tpu.memory_space<vmem>>) offsets(%dma_start3A_403 : memref<128xi32, #tpu.memory_space<vmem>>) semaphore(%arg14 : memref<!tpu.dma_semaphore, #tpu.memory_space<semaphore_mem>>)
      %dma_wait3A_407 = arith.constant 13 : i32
      %dma_wait3A_408 = arith.constant 0 : i32
      %dma_wait3A_409 = tpu.memref_slice %arg7[%dma_wait3A_407, %dma_wait3A_408] : memref<16x128xi32, #tpu.memory_space<vmem>> -> memref<1x128xi32, #tpu.memory_space<vmem>>
      %dma_wait3A_410 = tpu.memref_squeeze %dma_wait3A_409 : memref<1x128xi32, #tpu.memory_space<vmem>> -> memref<128xi32, #tpu.memory_space<vmem>>
      %dma_wait3A_411 = arith.constant 0 : i32
      %dma_wait3A_412 = arith.constant 0 : i32
      %dma_wait3A_413 = tpu.memref_slice %arg2[%dma_wait3A_411, %dma_wait3A_412] : memref<800000x32xf32, #tpu.memory_space<hbm>> -> memref<800000x32xf32, #tpu.memory_space<hbm>>
      tpu.wait_indirect_dma semaphore(%arg13 : memref<!tpu.dma_semaphore, #tpu.memory_space<semaphore_mem>>) src(%dma_wait3A_413 : memref<800000x32xf32, #tpu.memory_space<hbm>>) dst(%arg10 : memref<128x32xf32, #tpu.memory_space<vmem>>)
      %dma_start3A_414 = arith.constant 13 : i32
      %dma_start3A_415 = arith.constant 0 : i32
      %dma_start3A_416 = tpu.memref_slice %arg8[%dma_start3A_414, %dma_start3A_415] : memref<16x128xi32, #tpu.memory_space<vmem>> -> memref<1x128xi32, #tpu.memory_space<vmem>>
      %dma_start3A_417 = tpu.memref_squeeze %dma_start3A_416 : memref<1x128xi32, #tpu.memory_space<vmem>> -> memref<128xi32, #tpu.memory_space<vmem>>
      %dma_start3A_418 = arith.constant 0 : i32
      %dma_start3A_419 = arith.constant 0 : i32
      %dma_start3A_420 = tpu.memref_slice %arg5[%dma_start3A_418, %dma_start3A_419] : memref<52000x32xf32, #tpu.memory_space<vmem_shared>> -> memref<52000x32xf32, #tpu.memory_space<vmem_shared>>
      tpu.enqueue_indirect_dma source(%arg10 : memref<128x32xf32, #tpu.memory_space<vmem>>) target(%dma_start3A_420 : memref<52000x32xf32, #tpu.memory_space<vmem_shared>>) offsets(%dma_start3A_417 : memref<128xi32, #tpu.memory_space<vmem>>) semaphore(%arg16 : memref<!tpu.dma_semaphore, #tpu.memory_space<semaphore_mem>>) {add = true}
      %dma_wait3A_421 = arith.constant 12 : i32
      %dma_wait3A_422 = arith.constant 0 : i32
      %dma_wait3A_423 = tpu.memref_slice %arg8[%dma_wait3A_421, %dma_wait3A_422] : memref<16x128xi32, #tpu.memory_space<vmem>> -> memref<1x128xi32, #tpu.memory_space<vmem>>
      %dma_wait3A_424 = tpu.memref_squeeze %dma_wait3A_423 : memref<1x128xi32, #tpu.memory_space<vmem>> -> memref<128xi32, #tpu.memory_space<vmem>>
      %dma_wait3A_425 = arith.constant 0 : i32
      %dma_wait3A_426 = arith.constant 0 : i32
      %dma_wait3A_427 = tpu.memref_slice %arg5[%dma_wait3A_425, %dma_wait3A_426] : memref<52000x32xf32, #tpu.memory_space<vmem_shared>> -> memref<52000x32xf32, #tpu.memory_space<vmem_shared>>
      tpu.wait_indirect_dma semaphore(%arg15 : memref<!tpu.dma_semaphore, #tpu.memory_space<semaphore_mem>>) src(%arg9 : memref<128x32xf32, #tpu.memory_space<vmem>>) dst(%dma_wait3A_427 : memref<52000x32xf32, #tpu.memory_space<vmem_shared>>)
      %dma_start3A_428 = arith.constant 15 : i32
      %dma_start3A_429 = arith.constant 0 : i32
      %dma_start3A_430 = tpu.memref_slice %arg7[%dma_start3A_428, %dma_start3A_429] : memref<16x128xi32, #tpu.memory_space<vmem>> -> memref<1x128xi32, #tpu.memory_space<vmem>>
      %dma_start3A_431 = tpu.memref_squeeze %dma_start3A_430 : memref<1x128xi32, #tpu.memory_space<vmem>> -> memref<128xi32, #tpu.memory_space<vmem>>
      %dma_start3A_432 = arith.constant 0 : i32
      %dma_start3A_433 = arith.constant 0 : i32
      %dma_start3A_434 = tpu.memref_slice %arg2[%dma_start3A_432, %dma_start3A_433] : memref<800000x32xf32, #tpu.memory_space<hbm>> -> memref<800000x32xf32, #tpu.memory_space<hbm>>
      tpu.enqueue_indirect_dma source(%dma_start3A_434 : memref<800000x32xf32, #tpu.memory_space<hbm>>) target(%arg9 : memref<128x32xf32, #tpu.memory_space<vmem>>) offsets(%dma_start3A_431 : memref<128xi32, #tpu.memory_space<vmem>>) semaphore(%arg12 : memref<!tpu.dma_semaphore, #tpu.memory_space<semaphore_mem>>)
      %dma_wait3A_435 = arith.constant 14 : i32
      %dma_wait3A_436 = arith.constant 0 : i32
      %dma_wait3A_437 = tpu.memref_slice %arg7[%dma_wait3A_435, %dma_wait3A_436] : memref<16x128xi32, #tpu.memory_space<vmem>> -> memref<1x128xi32, #tpu.memory_space<vmem>>
      %dma_wait3A_438 = tpu.memref_squeeze %dma_wait3A_437 : memref<1x128xi32, #tpu.memory_space<vmem>> -> memref<128xi32, #tpu.memory_space<vmem>>
      %dma_wait3A_439 = arith.constant 0 : i32
      %dma_wait3A_440 = arith.constant 0 : i32
      %dma_wait3A_441 = tpu.memref_slice %arg2[%dma_wait3A_439, %dma_wait3A_440] : memref<800000x32xf32, #tpu.memory_space<hbm>> -> memref<800000x32xf32, #tpu.memory_space<hbm>>
      tpu.wait_indirect_dma semaphore(%arg14 : memref<!tpu.dma_semaphore, #tpu.memory_space<semaphore_mem>>) src(%dma_wait3A_441 : memref<800000x32xf32, #tpu.memory_space<hbm>>) dst(%arg11 : memref<128x32xf32, #tpu.memory_space<vmem>>)
      %dma_start3A_442 = arith.constant 14 : i32
      %dma_start3A_443 = arith.constant 0 : i32
      %dma_start3A_444 = tpu.memref_slice %arg8[%dma_start3A_442, %dma_start3A_443] : memref<16x128xi32, #tpu.memory_space<vmem>> -> memref<1x128xi32, #tpu.memory_space<vmem>>
      %dma_start3A_445 = tpu.memref_squeeze %dma_start3A_444 : memref<1x128xi32, #tpu.memory_space<vmem>> -> memref<128xi32, #tpu.memory_space<vmem>>
      %dma_start3A_446 = arith.constant 0 : i32
      %dma_start3A_447 = arith.constant 0 : i32
      %dma_start3A_448 = tpu.memref_slice %arg5[%dma_start3A_446, %dma_start3A_447] : memref<52000x32xf32, #tpu.memory_space<vmem_shared>> -> memref<52000x32xf32, #tpu.memory_space<vmem_shared>>
      tpu.enqueue_indirect_dma source(%arg11 : memref<128x32xf32, #tpu.memory_space<vmem>>) target(%dma_start3A_448 : memref<52000x32xf32, #tpu.memory_space<vmem_shared>>) offsets(%dma_start3A_445 : memref<128xi32, #tpu.memory_space<vmem>>) semaphore(%arg17 : memref<!tpu.dma_semaphore, #tpu.memory_space<semaphore_mem>>) {add = true}
      %dma_wait3A_449 = arith.constant 15 : i32
      %dma_wait3A_450 = arith.constant 0 : i32
      %dma_wait3A_451 = tpu.memref_slice %arg7[%dma_wait3A_449, %dma_wait3A_450] : memref<16x128xi32, #tpu.memory_space<vmem>> -> memref<1x128xi32, #tpu.memory_space<vmem>>
      %dma_wait3A_452 = tpu.memref_squeeze %dma_wait3A_451 : memref<1x128xi32, #tpu.memory_space<vmem>> -> memref<128xi32, #tpu.memory_space<vmem>>
      %dma_wait3A_453 = arith.constant 0 : i32
      %dma_wait3A_454 = arith.constant 0 : i32
      %dma_wait3A_455 = tpu.memref_slice %arg2[%dma_wait3A_453, %dma_wait3A_454] : memref<800000x32xf32, #tpu.memory_space<hbm>> -> memref<800000x32xf32, #tpu.memory_space<hbm>>
      tpu.wait_indirect_dma semaphore(%arg12 : memref<!tpu.dma_semaphore, #tpu.memory_space<semaphore_mem>>) src(%dma_wait3A_455 : memref<800000x32xf32, #tpu.memory_space<hbm>>) dst(%arg9 : memref<128x32xf32, #tpu.memory_space<vmem>>)
      %dma_start3A_456 = arith.constant 15 : i32
      %dma_start3A_457 = arith.constant 0 : i32
      %dma_start3A_458 = tpu.memref_slice %arg8[%dma_start3A_456, %dma_start3A_457] : memref<16x128xi32, #tpu.memory_space<vmem>> -> memref<1x128xi32, #tpu.memory_space<vmem>>
      %dma_start3A_459 = tpu.memref_squeeze %dma_start3A_458 : memref<1x128xi32, #tpu.memory_space<vmem>> -> memref<128xi32, #tpu.memory_space<vmem>>
      %dma_start3A_460 = arith.constant 0 : i32
      %dma_start3A_461 = arith.constant 0 : i32
      %dma_start3A_462 = tpu.memref_slice %arg5[%dma_start3A_460, %dma_start3A_461] : memref<52000x32xf32, #tpu.memory_space<vmem_shared>> -> memref<52000x32xf32, #tpu.memory_space<vmem_shared>>
      tpu.enqueue_indirect_dma source(%arg9 : memref<128x32xf32, #tpu.memory_space<vmem>>) target(%dma_start3A_462 : memref<52000x32xf32, #tpu.memory_space<vmem_shared>>) offsets(%dma_start3A_459 : memref<128xi32, #tpu.memory_space<vmem>>) semaphore(%arg15 : memref<!tpu.dma_semaphore, #tpu.memory_space<semaphore_mem>>) {add = true}
      %dma_wait3A_463 = arith.constant 15 : i32
      %dma_wait3A_464 = arith.constant 0 : i32
      %dma_wait3A_465 = tpu.memref_slice %arg8[%dma_wait3A_463, %dma_wait3A_464] : memref<16x128xi32, #tpu.memory_space<vmem>> -> memref<1x128xi32, #tpu.memory_space<vmem>>
      %dma_wait3A_466 = tpu.memref_squeeze %dma_wait3A_465 : memref<1x128xi32, #tpu.memory_space<vmem>> -> memref<128xi32, #tpu.memory_space<vmem>>
      %dma_wait3A_467 = arith.constant 0 : i32
      %dma_wait3A_468 = arith.constant 0 : i32
      %dma_wait3A_469 = tpu.memref_slice %arg5[%dma_wait3A_467, %dma_wait3A_468] : memref<52000x32xf32, #tpu.memory_space<vmem_shared>> -> memref<52000x32xf32, #tpu.memory_space<vmem_shared>>
      tpu.wait_indirect_dma semaphore(%arg15 : memref<!tpu.dma_semaphore, #tpu.memory_space<semaphore_mem>>) src(%arg9 : memref<128x32xf32, #tpu.memory_space<vmem>>) dst(%dma_wait3A_469 : memref<52000x32xf32, #tpu.memory_space<vmem_shared>>)
      %dma_wait3A_470 = arith.constant 13 : i32
      %dma_wait3A_471 = arith.constant 0 : i32
      %dma_wait3A_472 = tpu.memref_slice %arg8[%dma_wait3A_470, %dma_wait3A_471] : memref<16x128xi32, #tpu.memory_space<vmem>> -> memref<1x128xi32, #tpu.memory_space<vmem>>
      %dma_wait3A_473 = tpu.memref_squeeze %dma_wait3A_472 : memref<1x128xi32, #tpu.memory_space<vmem>> -> memref<128xi32, #tpu.memory_space<vmem>>
      %dma_wait3A_474 = arith.constant 0 : i32
      %dma_wait3A_475 = arith.constant 0 : i32
      %dma_wait3A_476 = tpu.memref_slice %arg5[%dma_wait3A_474, %dma_wait3A_475] : memref<52000x32xf32, #tpu.memory_space<vmem_shared>> -> memref<52000x32xf32, #tpu.memory_space<vmem_shared>>
      tpu.wait_indirect_dma semaphore(%arg16 : memref<!tpu.dma_semaphore, #tpu.memory_space<semaphore_mem>>) src(%arg10 : memref<128x32xf32, #tpu.memory_space<vmem>>) dst(%dma_wait3A_476 : memref<52000x32xf32, #tpu.memory_space<vmem_shared>>)
      %dma_wait3A_477 = arith.constant 14 : i32
      %dma_wait3A_478 = arith.constant 0 : i32
      %dma_wait3A_479 = tpu.memref_slice %arg8[%dma_wait3A_477, %dma_wait3A_478] : memref<16x128xi32, #tpu.memory_space<vmem>> -> memref<1x128xi32, #tpu.memory_space<vmem>>
      %dma_wait3A_480 = tpu.memref_squeeze %dma_wait3A_479 : memref<1x128xi32, #tpu.memory_space<vmem>> -> memref<128xi32, #tpu.memory_space<vmem>>
      %dma_wait3A_481 = arith.constant 0 : i32
      %dma_wait3A_482 = arith.constant 0 : i32
      %dma_wait3A_483 = tpu.memref_slice %arg5[%dma_wait3A_481, %dma_wait3A_482] : memref<52000x32xf32, #tpu.memory_space<vmem_shared>> -> memref<52000x32xf32, #tpu.memory_space<vmem_shared>>
      tpu.wait_indirect_dma semaphore(%arg17 : memref<!tpu.dma_semaphore, #tpu.memory_space<semaphore_mem>>) src(%arg11 : memref<128x32xf32, #tpu.memory_space<vmem>>) dst(%dma_wait3A_483 : memref<52000x32xf32, #tpu.memory_space<vmem_shared>>)
    }
    %scan3A_14 = arith.constant 25 : i32
    %barrier3A_15 = arith.constant 0 : index
    tpu.barrier barrier_id(%barrier3A_15)
    %mul3A = arith.constant 3250 : i32
    %mul3A_16 = arith.muli %arg1, %mul3A : i32
    %mul3A_17 = arith.constant 52000 : i32
    %mul3A_18 = arith.muli %arg0, %mul3A_17 : i32
    %mul3A_19 = arith.constant 3250 : i32
    %mul3A_20 = arith.muli %arg1, %mul3A_19 : i32
    %add3A = arith.addi %mul3A_18, %mul3A_20 : i32
    "tpu.region"() ({
      %run_scoped3A = tpu.sem_alloc : memref<!tpu.dma_semaphore, #tpu.memory_space<semaphore_mem>>
      %dma_start3A = arith.constant 0 : i32
      %dma_start3A_21 = tpu.memref_slice %arg4[%add3A, %dma_start3A] : memref<104000x128xf32, #tpu.memory_space<hbm>> -> memref<3250x32xf32, #tpu.memory_space<hbm>>
      %dma_start3A_22 = arith.constant 0 : i32
      %dma_start3A_23 = tpu.memref_slice %arg5[%mul3A_16, %dma_start3A_22] : memref<52000x32xf32, #tpu.memory_space<vmem_shared>> -> memref<3250x32xf32, #tpu.memory_space<vmem_shared>>
      tpu.enqueue_dma source(%dma_start3A_23 : memref<3250x32xf32, #tpu.memory_space<vmem_shared>>) target(%dma_start3A_21 : memref<3250x32xf32, #tpu.memory_space<hbm>>) target_semaphore(%run_scoped3A : memref<!tpu.dma_semaphore, #tpu.memory_space<semaphore_mem>>)
      %dma_wait3A = arith.constant 0 : i32
      %dma_wait3A_24 = tpu.memref_slice %arg4[%add3A, %dma_wait3A] : memref<104000x128xf32, #tpu.memory_space<hbm>> -> memref<3250x32xf32, #tpu.memory_space<hbm>>
      %dma_wait3A_25 = arith.constant 0 : i32
      %dma_wait3A_26 = tpu.memref_slice %arg5[%mul3A_16, %dma_wait3A_25] : memref<52000x32xf32, #tpu.memory_space<vmem_shared>> -> memref<3250x32xf32, #tpu.memory_space<vmem_shared>>
      tpu.wait_dma2 semaphore(%run_scoped3A : memref<!tpu.dma_semaphore, #tpu.memory_space<semaphore_mem>>) src(%dma_wait3A_26 : memref<3250x32xf32, #tpu.memory_space<vmem_shared>>) dst(%dma_wait3A_24 : memref<3250x32xf32, #tpu.memory_space<hbm>>)
      tpu.yield
    }) : () -> ()
    return
  }
}

module attributes {stable_mosaic.version = 14 : i64} {
  func.func @_l1_body(%arg0: i32, %arg1: memref<2000x4xf32, #tpu.memory_space<vmem>>, %arg2: memref<4x64xf32, #tpu.memory_space<vmem>>, %arg3: memref<1x64xf32, #tpu.memory_space<vmem>>, %arg4: memref<64x512xf32, #tpu.memory_space<vmem>>, %arg5: memref<64x64xf32, #tpu.memory_space<vmem>>, %arg6: memref<1x64xf32, #tpu.memory_space<vmem>>, %arg7: memref<4x2000x128xf32, #tpu.memory_space<vmem>>, %arg8: memref<2000x64xf32, #tpu.memory_space<vmem>>) attributes {dimension_semantics = [#tpu.dimension_semantics<arbitrary>], iteration_bounds = array<i64: 25>, scalar_prefetch = 0 : i64, scratch_operands = 0 : i64, tpu.core_type = #tpu.core_type<tc>, window_params = [{transform_indices = @transform_0, window_bounds = array<i64: 2000, 4>}, {pipeline_mode = #tpu.pipeline_mode<synchronous>, transform_indices = @transform_1, window_bounds = array<i64: 4, 64>}, {pipeline_mode = #tpu.pipeline_mode<synchronous>, transform_indices = @transform_2, window_bounds = array<i64: 1, 64>}, {pipeline_mode = #tpu.pipeline_mode<synchronous>, transform_indices = @transform_3, window_bounds = array<i64: 64, 512>}, {pipeline_mode = #tpu.pipeline_mode<synchronous>, transform_indices = @transform_4, window_bounds = array<i64: 64, 64>}, {pipeline_mode = #tpu.pipeline_mode<synchronous>, transform_indices = @transform_5, window_bounds = array<i64: 1, 64>}, {transform_indices = @transform_6, window_bounds = array<i64: 4, 2000, 128>}, {transform_indices = @transform_7, window_bounds = array<i64: 2000, 64>}]} {
    %get3A = arith.constant 0 : index
    %get3A_0 = arith.constant 0 : index
    %get3A_1 = vector.load %arg1[%get3A, %get3A_0] : memref<2000x4xf32, #tpu.memory_space<vmem>>, vector<2000x4xf32>
    %get3A_2 = arith.constant 0 : index
    %get3A_3 = arith.constant 0 : index
    %get3A_4 = vector.load %arg3[%get3A_2, %get3A_3] : memref<1x64xf32, #tpu.memory_space<vmem>>, vector<1x64xf32>
    %slice3A = vector.extract_strided_slice %get3A_1 {offsets = [0, 0], sizes = [2000, 1], strides = [1, 1]} : vector<2000x4xf32> to vector<2000x1xf32>
    %get3A_5 = arith.constant 0 : index
    %get3A_6 = arith.constant 0 : index
    %get3A_7 = vector.load %arg2[%get3A_5, %get3A_6] : memref<4x64xf32, #tpu.memory_space<vmem>>, vector<1x64xf32>
    %mul3A = vector.broadcast %slice3A : vector<2000x1xf32> to vector<2000x64xf32>
    %mul3A_8 = vector.broadcast %get3A_7 : vector<1x64xf32> to vector<2000x64xf32>
    %mul3A_9 = arith.mulf %mul3A, %mul3A_8 : vector<2000x64xf32>
    %add3A = vector.broadcast %get3A_4 : vector<1x64xf32> to vector<2000x64xf32>
    %add3A_10 = arith.addf %add3A, %mul3A_9 : vector<2000x64xf32>
    %slice3A_11 = vector.extract_strided_slice %get3A_1 {offsets = [0, 1], sizes = [2000, 1], strides = [1, 1]} : vector<2000x4xf32> to vector<2000x1xf32>
    %get3A_12 = arith.constant 1 : index
    %get3A_13 = arith.constant 0 : index
    %get3A_14 = vector.load %arg2[%get3A_12, %get3A_13] : memref<4x64xf32, #tpu.memory_space<vmem>>, vector<1x64xf32>
    %mul3A_15 = vector.broadcast %slice3A_11 : vector<2000x1xf32> to vector<2000x64xf32>
    %mul3A_16 = vector.broadcast %get3A_14 : vector<1x64xf32> to vector<2000x64xf32>
    %mul3A_17 = arith.mulf %mul3A_15, %mul3A_16 : vector<2000x64xf32>
    %add3A_18 = arith.addf %add3A_10, %mul3A_17 : vector<2000x64xf32>
    %slice3A_19 = vector.extract_strided_slice %get3A_1 {offsets = [0, 2], sizes = [2000, 1], strides = [1, 1]} : vector<2000x4xf32> to vector<2000x1xf32>
    %get3A_20 = arith.constant 2 : index
    %get3A_21 = arith.constant 0 : index
    %get3A_22 = vector.load %arg2[%get3A_20, %get3A_21] : memref<4x64xf32, #tpu.memory_space<vmem>>, vector<1x64xf32>
    %mul3A_23 = vector.broadcast %slice3A_19 : vector<2000x1xf32> to vector<2000x64xf32>
    %mul3A_24 = vector.broadcast %get3A_22 : vector<1x64xf32> to vector<2000x64xf32>
    %mul3A_25 = arith.mulf %mul3A_23, %mul3A_24 : vector<2000x64xf32>
    %add3A_26 = arith.addf %add3A_18, %mul3A_25 : vector<2000x64xf32>
    %slice3A_27 = vector.extract_strided_slice %get3A_1 {offsets = [0, 3], sizes = [2000, 1], strides = [1, 1]} : vector<2000x4xf32> to vector<2000x1xf32>
    %get3A_28 = arith.constant 3 : index
    %get3A_29 = arith.constant 0 : index
    %get3A_30 = vector.load %arg2[%get3A_28, %get3A_29] : memref<4x64xf32, #tpu.memory_space<vmem>>, vector<1x64xf32>
    %mul3A_31 = vector.broadcast %slice3A_27 : vector<2000x1xf32> to vector<2000x64xf32>
    %mul3A_32 = vector.broadcast %get3A_30 : vector<1x64xf32> to vector<2000x64xf32>
    %mul3A_33 = arith.mulf %mul3A_31, %mul3A_32 : vector<2000x64xf32>
    %add3A_34 = arith.addf %add3A_26, %mul3A_33 : vector<2000x64xf32>
    %max3A = arith.constant 0.000000e+00 : f32
    %max3A_35 = vector.broadcast %max3A : f32 to vector<2000x64xf32>
    %max3A_36 = arith.maximumf %add3A_34, %max3A_35 : vector<2000x64xf32>
    %get3A_37 = arith.constant 0 : index
    %get3A_38 = arith.constant 0 : index
    %get3A_39 = vector.load %arg4[%get3A_37, %get3A_38] : memref<64x512xf32, #tpu.memory_space<vmem>>, vector<64x128xf32>
    %dot_general3A = arith.constant dense<0.000000e+00> : vector<2000x128xf32>
    %dot_general3A_40 = tpu.matmul %max3A_36, %get3A_39, %dot_general3A {dimension_numbers = #tpu.dot_dimension_numbers<[1], [0], [0], [1], [0, 0, 1, 1], [], []>, transpose_lhs_hint = false} : vector<2000x64xf32>, vector<64x128xf32>, vector<2000x128xf32> -> vector<2000x128xf32>
    %swap3A = arith.constant 0 : index
    %swap3A_41 = arith.constant 0 : index
    %swap3A_42 = arith.constant 0 : index
    %swap3A_43 = vector.load %arg7[%swap3A, %swap3A_41, %swap3A_42] : memref<4x2000x128xf32, #tpu.memory_space<vmem>>, vector<1x2000x128xf32>
    %swap3A_44 = vector.shape_cast %swap3A_43 : vector<1x2000x128xf32> to vector<2000x128xf32>
    %swap3A_45 = vector.shape_cast %dot_general3A_40 : vector<2000x128xf32> to vector<1x2000x128xf32>
    tpu.vector_store %arg7[%swap3A, %swap3A_41, %swap3A_42], %swap3A_45 {strides = array<i32>} : memref<4x2000x128xf32, #tpu.memory_space<vmem>>, vector<1x2000x128xf32>,
    %get3A_46 = arith.constant 0 : index
    %get3A_47 = arith.constant 128 : index
    %get3A_48 = vector.load %arg4[%get3A_46, %get3A_47] : memref<64x512xf32, #tpu.memory_space<vmem>>, vector<64x128xf32>
    %dot_general3A_49 = arith.constant dense<0.000000e+00> : vector<2000x128xf32>
    %dot_general3A_50 = tpu.matmul %max3A_36, %get3A_48, %dot_general3A_49 {dimension_numbers = #tpu.dot_dimension_numbers<[1], [0], [0], [1], [0, 0, 1, 1], [], []>, transpose_lhs_hint = false} : vector<2000x64xf32>, vector<64x128xf32>, vector<2000x128xf32> -> vector<2000x128xf32>
    %swap3A_51 = arith.constant 1 : index
    %swap3A_52 = arith.constant 0 : index
    %swap3A_53 = arith.constant 0 : index
    %swap3A_54 = vector.load %arg7[%swap3A_51, %swap3A_52, %swap3A_53] : memref<4x2000x128xf32, #tpu.memory_space<vmem>>, vector<1x2000x128xf32>
    %swap3A_55 = vector.shape_cast %swap3A_54 : vector<1x2000x128xf32> to vector<2000x128xf32>
    %swap3A_56 = vector.shape_cast %dot_general3A_50 : vector<2000x128xf32> to vector<1x2000x128xf32>
    tpu.vector_store %arg7[%swap3A_51, %swap3A_52, %swap3A_53], %swap3A_56 {strides = array<i32>} : memref<4x2000x128xf32, #tpu.memory_space<vmem>>, vector<1x2000x128xf32>,
    %get3A_57 = arith.constant 0 : index
    %get3A_58 = arith.constant 256 : index
    %get3A_59 = vector.load %arg4[%get3A_57, %get3A_58] : memref<64x512xf32, #tpu.memory_space<vmem>>, vector<64x128xf32>
    %dot_general3A_60 = arith.constant dense<0.000000e+00> : vector<2000x128xf32>
    %dot_general3A_61 = tpu.matmul %max3A_36, %get3A_59, %dot_general3A_60 {dimension_numbers = #tpu.dot_dimension_numbers<[1], [0], [0], [1], [0, 0, 1, 1], [], []>, transpose_lhs_hint = false} : vector<2000x64xf32>, vector<64x128xf32>, vector<2000x128xf32> -> vector<2000x128xf32>
    %swap3A_62 = arith.constant 2 : index
    %swap3A_63 = arith.constant 0 : index
    %swap3A_64 = arith.constant 0 : index
    %swap3A_65 = vector.load %arg7[%swap3A_62, %swap3A_63, %swap3A_64] : memref<4x2000x128xf32, #tpu.memory_space<vmem>>, vector<1x2000x128xf32>
    %swap3A_66 = vector.shape_cast %swap3A_65 : vector<1x2000x128xf32> to vector<2000x128xf32>
    %swap3A_67 = vector.shape_cast %dot_general3A_61 : vector<2000x128xf32> to vector<1x2000x128xf32>
    tpu.vector_store %arg7[%swap3A_62, %swap3A_63, %swap3A_64], %swap3A_67 {strides = array<i32>} : memref<4x2000x128xf32, #tpu.memory_space<vmem>>, vector<1x2000x128xf32>,
    %get3A_68 = arith.constant 0 : index
    %get3A_69 = arith.constant 384 : index
    %get3A_70 = vector.load %arg4[%get3A_68, %get3A_69] : memref<64x512xf32, #tpu.memory_space<vmem>>, vector<64x128xf32>
    %dot_general3A_71 = arith.constant dense<0.000000e+00> : vector<2000x128xf32>
    %dot_general3A_72 = tpu.matmul %max3A_36, %get3A_70, %dot_general3A_71 {dimension_numbers = #tpu.dot_dimension_numbers<[1], [0], [0], [1], [0, 0, 1, 1], [], []>, transpose_lhs_hint = false} : vector<2000x64xf32>, vector<64x128xf32>, vector<2000x128xf32> -> vector<2000x128xf32>
    %swap3A_73 = arith.constant 3 : index
    %swap3A_74 = arith.constant 0 : index
    %swap3A_75 = arith.constant 0 : index
    %swap3A_76 = vector.load %arg7[%swap3A_73, %swap3A_74, %swap3A_75] : memref<4x2000x128xf32, #tpu.memory_space<vmem>>, vector<1x2000x128xf32>
    %swap3A_77 = vector.shape_cast %swap3A_76 : vector<1x2000x128xf32> to vector<2000x128xf32>
    %swap3A_78 = vector.shape_cast %dot_general3A_72 : vector<2000x128xf32> to vector<1x2000x128xf32>
    tpu.vector_store %arg7[%swap3A_73, %swap3A_74, %swap3A_75], %swap3A_78 {strides = array<i32>} : memref<4x2000x128xf32, #tpu.memory_space<vmem>>, vector<1x2000x128xf32>,
    %get3A_79 = arith.constant 0 : index
    %get3A_80 = arith.constant 0 : index
    %get3A_81 = vector.load %arg5[%get3A_79, %get3A_80] : memref<64x64xf32, #tpu.memory_space<vmem>>, vector<64x64xf32>
    %dot_general3A_82 = arith.constant dense<0.000000e+00> : vector<2000x64xf32>
    %dot_general3A_83 = tpu.matmul %max3A_36, %get3A_81, %dot_general3A_82 {dimension_numbers = #tpu.dot_dimension_numbers<[1], [0], [0], [1], [0, 0, 1, 1], [], []>, transpose_lhs_hint = false} : vector<2000x64xf32>, vector<64x64xf32>, vector<2000x64xf32> -> vector<2000x64xf32>
    %get3A_84 = arith.constant 0 : index
    %get3A_85 = arith.constant 0 : index
    %get3A_86 = vector.load %arg6[%get3A_84, %get3A_85] : memref<1x64xf32, #tpu.memory_space<vmem>>, vector<1x64xf32>
    %add3A_87 = vector.broadcast %get3A_86 : vector<1x64xf32> to vector<2000x64xf32>
    %add3A_88 = arith.addf %dot_general3A_83, %add3A_87 : vector<2000x64xf32>
    %swap3A_89 = arith.constant 0 : index
    %swap3A_90 = arith.constant 0 : index
    %swap3A_91 = vector.load %arg8[%swap3A_89, %swap3A_90] : memref<2000x64xf32, #tpu.memory_space<vmem>>, vector<2000x64xf32>
    tpu.vector_store %arg8[%swap3A_89, %swap3A_90], %add3A_88 {strides = array<i32>} : memref<2000x64xf32, #tpu.memory_space<vmem>>, vector<2000x64xf32>,
    return
  }
  func.func @transform_0(%arg0: i32) -> (i32, i32) {
    %c0_i32 = arith.constant 0 : i32
    %c0_i32_0 = arith.constant 0 : i32
    return %arg0, %c0_i32 : i32, i32
  }
  func.func @transform_1(%arg0: i32) -> (i32, i32) {
    %c0_i32 = arith.constant 0 : i32
    %c0_i32_0 = arith.constant 0 : i32
    %c0_i32_1 = arith.constant 0 : i32
    return %c0_i32, %c0_i32_0 : i32, i32
  }
  func.func @transform_2(%arg0: i32) -> (i32, i32) {
    %c0_i32 = arith.constant 0 : i32
    %c0_i32_0 = arith.constant 0 : i32
    %c0_i32_1 = arith.constant 0 : i32
    return %c0_i32, %c0_i32_0 : i32, i32
  }
  func.func @transform_3(%arg0: i32) -> (i32, i32) {
    %c0_i32 = arith.constant 0 : i32
    %c0_i32_0 = arith.constant 0 : i32
    %c0_i32_1 = arith.constant 0 : i32
    return %c0_i32, %c0_i32_0 : i32, i32
  }
  func.func @transform_4(%arg0: i32) -> (i32, i32) {
    %c0_i32 = arith.constant 0 : i32
    %c0_i32_0 = arith.constant 0 : i32
    %c0_i32_1 = arith.constant 0 : i32
    return %c0_i32, %c0_i32_0 : i32, i32
  }
  func.func @transform_5(%arg0: i32) -> (i32, i32) {
    %c0_i32 = arith.constant 0 : i32
    %c0_i32_0 = arith.constant 0 : i32
    %c0_i32_1 = arith.constant 0 : i32
    return %c0_i32, %c0_i32_0 : i32, i32
  }
  func.func @transform_6(%arg0: i32) -> (i32, i32, i32) {
    %c0_i32 = arith.constant 0 : i32
    %c0_i32_0 = arith.constant 0 : i32
    %c0_i32_1 = arith.constant 0 : i32
    return %c0_i32, %arg0, %c0_i32_0 : i32, i32, i32
  }
  func.func @transform_7(%arg0: i32) -> (i32, i32) {
    %c0_i32 = arith.constant 0 : i32
    %c0_i32_0 = arith.constant 0 : i32
    return %arg0, %c0_i32 : i32, i32
  }
}

module attributes {stable_mosaic.version = 14 : i64} {
  func.func @_l2_body(%arg0: i32, %arg1: memref<2000x64xf32, #tpu.memory_space<vmem>>, %arg2: memref<2000x128xf32, #tpu.memory_space<vmem>>, %arg3: memref<2000x128xf32, #tpu.memory_space<vmem>>, %arg4: memref<2000x128xf32, #tpu.memory_space<vmem>>, %arg5: memref<2000x128xf32, #tpu.memory_space<vmem>>, %arg6: memref<64x512xf32, #tpu.memory_space<vmem>>, %arg7: memref<64x64xf32, #tpu.memory_space<vmem>>, %arg8: memref<1x64xf32, #tpu.memory_space<vmem>>, %arg9: memref<4x2000x128xf32, #tpu.memory_space<vmem>>, %arg10: memref<2000x64xf32, #tpu.memory_space<vmem>>) attributes {dimension_semantics = [#tpu.dimension_semantics<arbitrary>], iteration_bounds = array<i64: 25>, scalar_prefetch = 0 : i64, scratch_operands = 0 : i64, tpu.core_type = #tpu.core_type<tc>, window_params = [{transform_indices = @transform_0, window_bounds = array<i64: 2000, 64>}, {transform_indices = @transform_1, window_bounds = array<i64: 2000, 128>}, {transform_indices = @transform_2, window_bounds = array<i64: 2000, 128>}, {transform_indices = @transform_3, window_bounds = array<i64: 2000, 128>}, {transform_indices = @transform_4, window_bounds = array<i64: 2000, 128>}, {pipeline_mode = #tpu.pipeline_mode<synchronous>, transform_indices = @transform_5, window_bounds = array<i64: 64, 512>}, {pipeline_mode = #tpu.pipeline_mode<synchronous>, transform_indices = @transform_6, window_bounds = array<i64: 64, 64>}, {pipeline_mode = #tpu.pipeline_mode<synchronous>, transform_indices = @transform_7, window_bounds = array<i64: 1, 64>}, {transform_indices = @transform_8, window_bounds = array<i64: 4, 2000, 128>}, {transform_indices = @transform_9, window_bounds = array<i64: 2000, 64>}]} {
    %get3A = arith.constant 0 : index
    %get3A_0 = arith.constant 0 : index
    %get3A_1 = vector.load %arg4[%get3A, %get3A_0] : memref<2000x128xf32, #tpu.memory_space<vmem>>, vector<2000x1xf32>
    %get3A_2 = arith.constant 0 : index
    %get3A_3 = arith.constant 0 : index
    %get3A_4 = vector.load %arg5[%get3A_2, %get3A_3] : memref<2000x128xf32, #tpu.memory_space<vmem>>, vector<2000x1xf32>
    %add3A = arith.addf %get3A_1, %get3A_4 : vector<2000x1xf32>
    %max3A = arith.constant 1.000000e+00 : f32
    %max3A_5 = vector.broadcast %max3A : f32 to vector<2000x1xf32>
    %max3A_6 = arith.maximumf %add3A, %max3A_5 : vector<2000x1xf32>
    %div3A = arith.constant 1.000000e+00 : f32
    %div3A_7 = vector.broadcast %div3A : f32 to vector<2000x1xf32>
    %div3A_8 = arith.divf %div3A_7, %max3A_6 : vector<2000x1xf32>
    %get3A_9 = arith.constant 0 : index
    %get3A_10 = arith.constant 0 : index
    %get3A_11 = vector.load %arg2[%get3A_9, %get3A_10] : memref<2000x128xf32, #tpu.memory_space<vmem>>, vector<2000x32xf32>
    %get3A_12 = arith.constant 0 : index
    %get3A_13 = arith.constant 0 : index
    %get3A_14 = vector.load %arg3[%get3A_12, %get3A_13] : memref<2000x128xf32, #tpu.memory_space<vmem>>, vector<2000x32xf32>
    %concatenate3A = tpu.concatenate %get3A_11, %get3A_14 in 1 : vector<2000x32xf32>, vector<2000x32xf32> -> vector<2000x64xf32>
    %get3A_15 = arith.constant 0 : index
    %get3A_16 = arith.constant 0 : index
    %get3A_17 = vector.load %arg1[%get3A_15, %get3A_16] : memref<2000x64xf32, #tpu.memory_space<vmem>>, vector<2000x64xf32>
    %mul3A = vector.broadcast %div3A_8 : vector<2000x1xf32> to vector<2000x64xf32>
    %mul3A_18 = arith.mulf %concatenate3A, %mul3A : vector<2000x64xf32>
    %add3A_19 = arith.addf %get3A_17, %mul3A_18 : vector<2000x64xf32>
    %max3A_20 = arith.constant 0.000000e+00 : f32
    %max3A_21 = vector.broadcast %max3A_20 : f32 to vector<2000x64xf32>
    %max3A_22 = arith.maximumf %add3A_19, %max3A_21 : vector<2000x64xf32>
    %get3A_23 = arith.constant 0 : index
    %get3A_24 = arith.constant 0 : index
    %get3A_25 = vector.load %arg6[%get3A_23, %get3A_24] : memref<64x512xf32, #tpu.memory_space<vmem>>, vector<64x128xf32>
    %dot_general3A = arith.constant dense<0.000000e+00> : vector<2000x128xf32>
    %dot_general3A_26 = tpu.matmul %max3A_22, %get3A_25, %dot_general3A {dimension_numbers = #tpu.dot_dimension_numbers<[1], [0], [0], [1], [0, 0, 1, 1], [], []>, transpose_lhs_hint = false} : vector<2000x64xf32>, vector<64x128xf32>, vector<2000x128xf32> -> vector<2000x128xf32>
    %swap3A = arith.constant 0 : index
    %swap3A_27 = arith.constant 0 : index
    %swap3A_28 = arith.constant 0 : index
    %swap3A_29 = vector.load %arg9[%swap3A, %swap3A_27, %swap3A_28] : memref<4x2000x128xf32, #tpu.memory_space<vmem>>, vector<1x2000x128xf32>
    %swap3A_30 = vector.shape_cast %swap3A_29 : vector<1x2000x128xf32> to vector<2000x128xf32>
    %swap3A_31 = vector.shape_cast %dot_general3A_26 : vector<2000x128xf32> to vector<1x2000x128xf32>
    tpu.vector_store %arg9[%swap3A, %swap3A_27, %swap3A_28], %swap3A_31 {strides = array<i32>} : memref<4x2000x128xf32, #tpu.memory_space<vmem>>, vector<1x2000x128xf32>,
    %get3A_32 = arith.constant 0 : index
    %get3A_33 = arith.constant 128 : index
    %get3A_34 = vector.load %arg6[%get3A_32, %get3A_33] : memref<64x512xf32, #tpu.memory_space<vmem>>, vector<64x128xf32>
    %dot_general3A_35 = arith.constant dense<0.000000e+00> : vector<2000x128xf32>
    %dot_general3A_36 = tpu.matmul %max3A_22, %get3A_34, %dot_general3A_35 {dimension_numbers = #tpu.dot_dimension_numbers<[1], [0], [0], [1], [0, 0, 1, 1], [], []>, transpose_lhs_hint = false} : vector<2000x64xf32>, vector<64x128xf32>, vector<2000x128xf32> -> vector<2000x128xf32>
    %swap3A_37 = arith.constant 1 : index
    %swap3A_38 = arith.constant 0 : index
    %swap3A_39 = arith.constant 0 : index
    %swap3A_40 = vector.load %arg9[%swap3A_37, %swap3A_38, %swap3A_39] : memref<4x2000x128xf32, #tpu.memory_space<vmem>>, vector<1x2000x128xf32>
    %swap3A_41 = vector.shape_cast %swap3A_40 : vector<1x2000x128xf32> to vector<2000x128xf32>
    %swap3A_42 = vector.shape_cast %dot_general3A_36 : vector<2000x128xf32> to vector<1x2000x128xf32>
    tpu.vector_store %arg9[%swap3A_37, %swap3A_38, %swap3A_39], %swap3A_42 {strides = array<i32>} : memref<4x2000x128xf32, #tpu.memory_space<vmem>>, vector<1x2000x128xf32>,
    %get3A_43 = arith.constant 0 : index
    %get3A_44 = arith.constant 256 : index
    %get3A_45 = vector.load %arg6[%get3A_43, %get3A_44] : memref<64x512xf32, #tpu.memory_space<vmem>>, vector<64x128xf32>
    %dot_general3A_46 = arith.constant dense<0.000000e+00> : vector<2000x128xf32>
    %dot_general3A_47 = tpu.matmul %max3A_22, %get3A_45, %dot_general3A_46 {dimension_numbers = #tpu.dot_dimension_numbers<[1], [0], [0], [1], [0, 0, 1, 1], [], []>, transpose_lhs_hint = false} : vector<2000x64xf32>, vector<64x128xf32>, vector<2000x128xf32> -> vector<2000x128xf32>
    %swap3A_48 = arith.constant 2 : index
    %swap3A_49 = arith.constant 0 : index
    %swap3A_50 = arith.constant 0 : index
    %swap3A_51 = vector.load %arg9[%swap3A_48, %swap3A_49, %swap3A_50] : memref<4x2000x128xf32, #tpu.memory_space<vmem>>, vector<1x2000x128xf32>
    %swap3A_52 = vector.shape_cast %swap3A_51 : vector<1x2000x128xf32> to vector<2000x128xf32>
    %swap3A_53 = vector.shape_cast %dot_general3A_47 : vector<2000x128xf32> to vector<1x2000x128xf32>
    tpu.vector_store %arg9[%swap3A_48, %swap3A_49, %swap3A_50], %swap3A_53 {strides = array<i32>} : memref<4x2000x128xf32, #tpu.memory_space<vmem>>, vector<1x2000x128xf32>,
    %get3A_54 = arith.constant 0 : index
    %get3A_55 = arith.constant 384 : index
    %get3A_56 = vector.load %arg6[%get3A_54, %get3A_55] : memref<64x512xf32, #tpu.memory_space<vmem>>, vector<64x128xf32>
    %dot_general3A_57 = arith.constant dense<0.000000e+00> : vector<2000x128xf32>
    %dot_general3A_58 = tpu.matmul %max3A_22, %get3A_56, %dot_general3A_57 {dimension_numbers = #tpu.dot_dimension_numbers<[1], [0], [0], [1], [0, 0, 1, 1], [], []>, transpose_lhs_hint = false} : vector<2000x64xf32>, vector<64x128xf32>, vector<2000x128xf32> -> vector<2000x128xf32>
    %swap3A_59 = arith.constant 3 : index
    %swap3A_60 = arith.constant 0 : index
    %swap3A_61 = arith.constant 0 : index
    %swap3A_62 = vector.load %arg9[%swap3A_59, %swap3A_60, %swap3A_61] : memref<4x2000x128xf32, #tpu.memory_space<vmem>>, vector<1x2000x128xf32>
    %swap3A_63 = vector.shape_cast %swap3A_62 : vector<1x2000x128xf32> to vector<2000x128xf32>
    %swap3A_64 = vector.shape_cast %dot_general3A_58 : vector<2000x128xf32> to vector<1x2000x128xf32>
    tpu.vector_store %arg9[%swap3A_59, %swap3A_60, %swap3A_61], %swap3A_64 {strides = array<i32>} : memref<4x2000x128xf32, #tpu.memory_space<vmem>>, vector<1x2000x128xf32>,
    %get3A_65 = arith.constant 0 : index
    %get3A_66 = arith.constant 0 : index
    %get3A_67 = vector.load %arg7[%get3A_65, %get3A_66] : memref<64x64xf32, #tpu.memory_space<vmem>>, vector<64x64xf32>
    %dot_general3A_68 = arith.constant dense<0.000000e+00> : vector<2000x64xf32>
    %dot_general3A_69 = tpu.matmul %max3A_22, %get3A_67, %dot_general3A_68 {dimension_numbers = #tpu.dot_dimension_numbers<[1], [0], [0], [1], [0, 0, 1, 1], [], []>, transpose_lhs_hint = false} : vector<2000x64xf32>, vector<64x64xf32>, vector<2000x64xf32> -> vector<2000x64xf32>
    %get3A_70 = arith.constant 0 : index
    %get3A_71 = arith.constant 0 : index
    %get3A_72 = vector.load %arg8[%get3A_70, %get3A_71] : memref<1x64xf32, #tpu.memory_space<vmem>>, vector<1x64xf32>
    %add3A_73 = vector.broadcast %get3A_72 : vector<1x64xf32> to vector<2000x64xf32>
    %add3A_74 = arith.addf %dot_general3A_69, %add3A_73 : vector<2000x64xf32>
    %swap3A_75 = arith.constant 0 : index
    %swap3A_76 = arith.constant 0 : index
    %swap3A_77 = vector.load %arg10[%swap3A_75, %swap3A_76] : memref<2000x64xf32, #tpu.memory_space<vmem>>, vector<2000x64xf32>
    tpu.vector_store %arg10[%swap3A_75, %swap3A_76], %add3A_74 {strides = array<i32>} : memref<2000x64xf32, #tpu.memory_space<vmem>>, vector<2000x64xf32>,
    return
  }
  func.func @transform_0(%arg0: i32) -> (i32, i32) {
    %c0_i32 = arith.constant 0 : i32
    %c0_i32_0 = arith.constant 0 : i32
    return %arg0, %c0_i32 : i32, i32
  }
  func.func @transform_1(%arg0: i32) -> (i32, i32) {
    %c0_i32 = arith.constant 0 : i32
    %c0_i32_0 = arith.constant 0 : i32
    return %arg0, %c0_i32 : i32, i32
  }
  func.func @transform_2(%arg0: i32) -> (i32, i32) {
    %add3A = arith.constant 26 : i32
    %add3A_0 = arith.addi %arg0, %add3A : i32
    %c0_i32 = arith.constant 0 : i32
    %c0_i32_1 = arith.constant 0 : i32
    return %add3A_0, %c0_i32 : i32, i32
  }
  func.func @transform_3(%arg0: i32) -> (i32, i32) {
    %c0_i32 = arith.constant 0 : i32
    %c0_i32_0 = arith.constant 0 : i32
    return %arg0, %c0_i32 : i32, i32
  }
  func.func @transform_4(%arg0: i32) -> (i32, i32) {
    %add3A = arith.constant 26 : i32
    %add3A_0 = arith.addi %arg0, %add3A : i32
    %c0_i32 = arith.constant 0 : i32
    %c0_i32_1 = arith.constant 0 : i32
    return %add3A_0, %c0_i32 : i32, i32
  }
  func.func @transform_5(%arg0: i32) -> (i32, i32) {
    %c0_i32 = arith.constant 0 : i32
    %c0_i32_0 = arith.constant 0 : i32
    %c0_i32_1 = arith.constant 0 : i32
    return %c0_i32, %c0_i32_0 : i32, i32
  }
  func.func @transform_6(%arg0: i32) -> (i32, i32) {
    %c0_i32 = arith.constant 0 : i32
    %c0_i32_0 = arith.constant 0 : i32
    %c0_i32_1 = arith.constant 0 : i32
    return %c0_i32, %c0_i32_0 : i32, i32
  }
  func.func @transform_7(%arg0: i32) -> (i32, i32) {
    %c0_i32 = arith.constant 0 : i32
    %c0_i32_0 = arith.constant 0 : i32
    %c0_i32_1 = arith.constant 0 : i32
    return %c0_i32, %c0_i32_0 : i32, i32
  }
  func.func @transform_8(%arg0: i32) -> (i32, i32, i32) {
    %c0_i32 = arith.constant 0 : i32
    %c0_i32_0 = arith.constant 0 : i32
    %c0_i32_1 = arith.constant 0 : i32
    return %c0_i32, %arg0, %c0_i32_0 : i32, i32, i32
  }
  func.func @transform_9(%arg0: i32) -> (i32, i32) {
    %c0_i32 = arith.constant 0 : i32
    %c0_i32_0 = arith.constant 0 : i32
    return %arg0, %c0_i32 : i32, i32
  }
}

module attributes {stable_mosaic.version = 14 : i64} {
  func.func @_comb2_body(%arg0: i32, %arg1: memref<2000x64xf32, #tpu.memory_space<vmem>>, %arg2: memref<2000x128xf32, #tpu.memory_space<vmem>>, %arg3: memref<2000x128xf32, #tpu.memory_space<vmem>>, %arg4: memref<2000x128xf32, #tpu.memory_space<vmem>>, %arg5: memref<2000x128xf32, #tpu.memory_space<vmem>>, %arg6: memref<2000x128xf32, #tpu.memory_space<vmem>>) attributes {dimension_semantics = [#tpu.dimension_semantics<arbitrary>], iteration_bounds = array<i64: 25>, scalar_prefetch = 0 : i64, scratch_operands = 0 : i64, tpu.core_type = #tpu.core_type<tc>, window_params = [{transform_indices = @transform_0, window_bounds = array<i64: 2000, 64>}, {transform_indices = @transform_1, window_bounds = array<i64: 2000, 128>}, {transform_indices = @transform_2, window_bounds = array<i64: 2000, 128>}, {transform_indices = @transform_3, window_bounds = array<i64: 2000, 128>}, {transform_indices = @transform_4, window_bounds = array<i64: 2000, 128>}, {transform_indices = @transform_5, window_bounds = array<i64: 2000, 128>}]} {
    %get3A = arith.constant 0 : index
    %get3A_0 = arith.constant 0 : index
    %get3A_1 = vector.load %arg4[%get3A, %get3A_0] : memref<2000x128xf32, #tpu.memory_space<vmem>>, vector<2000x1xf32>
    %get3A_2 = arith.constant 0 : index
    %get3A_3 = arith.constant 0 : index
    %get3A_4 = vector.load %arg5[%get3A_2, %get3A_3] : memref<2000x128xf32, #tpu.memory_space<vmem>>, vector<2000x1xf32>
    %add3A = arith.addf %get3A_1, %get3A_4 : vector<2000x1xf32>
    %max3A = arith.constant 1.000000e+00 : f32
    %max3A_5 = vector.broadcast %max3A : f32 to vector<2000x1xf32>
    %max3A_6 = arith.maximumf %add3A, %max3A_5 : vector<2000x1xf32>
    %div3A = arith.constant 1.000000e+00 : f32
    %div3A_7 = vector.broadcast %div3A : f32 to vector<2000x1xf32>
    %div3A_8 = arith.divf %div3A_7, %max3A_6 : vector<2000x1xf32>
    %get3A_9 = arith.constant 0 : index
    %get3A_10 = arith.constant 0 : index
    %get3A_11 = vector.load %arg2[%get3A_9, %get3A_10] : memref<2000x128xf32, #tpu.memory_space<vmem>>, vector<2000x32xf32>
    %get3A_12 = arith.constant 0 : index
    %get3A_13 = arith.constant 0 : index
    %get3A_14 = vector.load %arg3[%get3A_12, %get3A_13] : memref<2000x128xf32, #tpu.memory_space<vmem>>, vector<2000x32xf32>
    %concatenate3A = tpu.concatenate %get3A_11, %get3A_14 in 1 : vector<2000x32xf32>, vector<2000x32xf32> -> vector<2000x64xf32>
    %get3A_15 = arith.constant 0 : index
    %get3A_16 = arith.constant 0 : index
    %get3A_17 = vector.load %arg1[%get3A_15, %get3A_16] : memref<2000x64xf32, #tpu.memory_space<vmem>>, vector<2000x64xf32>
    %mul3A = vector.broadcast %div3A_8 : vector<2000x1xf32> to vector<2000x64xf32>
    %mul3A_18 = arith.mulf %concatenate3A, %mul3A : vector<2000x64xf32>
    %add3A_19 = arith.addf %get3A_17, %mul3A_18 : vector<2000x64xf32>
    %max3A_20 = arith.constant 0.000000e+00 : f32
    %max3A_21 = vector.broadcast %max3A_20 : f32 to vector<2000x64xf32>
    %max3A_22 = arith.maximumf %add3A_19, %max3A_21 : vector<2000x64xf32>
    %broadcast_in_dim3A = arith.constant 0.000000e+00 : f32
    %broadcast_in_dim3A_23 = vector.broadcast %broadcast_in_dim3A : f32 to vector<2000x64xf32>
    %concatenate3A_24 = tpu.concatenate %max3A_22, %broadcast_in_dim3A_23 in 1 : vector<2000x64xf32>, vector<2000x64xf32> -> vector<2000x128xf32>
    %swap3A = arith.constant 0 : index
    %swap3A_25 = arith.constant 0 : index
    %swap3A_26 = vector.load %arg6[%swap3A, %swap3A_25] : memref<2000x128xf32, #tpu.memory_space<vmem>>, vector<2000x128xf32>
    tpu.vector_store %arg6[%swap3A, %swap3A_25], %concatenate3A_24 {strides = array<i32>} : memref<2000x128xf32, #tpu.memory_space<vmem>>, vector<2000x128xf32>,
    return
  }
  func.func @transform_0(%arg0: i32) -> (i32, i32) {
    %c0_i32 = arith.constant 0 : i32
    %c0_i32_0 = arith.constant 0 : i32
    return %arg0, %c0_i32 : i32, i32
  }
  func.func @transform_1(%arg0: i32) -> (i32, i32) {
    %c0_i32 = arith.constant 0 : i32
    %c0_i32_0 = arith.constant 0 : i32
    return %arg0, %c0_i32 : i32, i32
  }
  func.func @transform_2(%arg0: i32) -> (i32, i32) {
    %add3A = arith.constant 26 : i32
    %add3A_0 = arith.addi %arg0, %add3A : i32
    %c0_i32 = arith.constant 0 : i32
    %c0_i32_1 = arith.constant 0 : i32
    return %add3A_0, %c0_i32 : i32, i32
  }
  func.func @transform_3(%arg0: i32) -> (i32, i32) {
    %c0_i32 = arith.constant 0 : i32
    %c0_i32_0 = arith.constant 0 : i32
    return %arg0, %c0_i32 : i32, i32
  }
  func.func @transform_4(%arg0: i32) -> (i32, i32) {
    %add3A = arith.constant 26 : i32
    %add3A_0 = arith.addi %arg0, %add3A : i32
    %c0_i32 = arith.constant 0 : i32
    %c0_i32_1 = arith.constant 0 : i32
    return %add3A_0, %c0_i32 : i32, i32
  }
  func.func @transform_5(%arg0: i32) -> (i32, i32) {
    %c0_i32 = arith.constant 0 : i32
    %c0_i32_0 = arith.constant 0 : i32
    return %arg0, %c0_i32 : i32, i32
  }
}

module attributes {stable_mosaic.version = 14 : i64} {
  func.func @_scorer_body(%arg0: i32, %arg1: memref<512x128xf32, #tpu.memory_space<vmem>>, %arg2: memref<512x128xf32, #tpu.memory_space<vmem>>, %arg3: memref<1x1x512xi32, #tpu.memory_space<vmem>>, %arg4: memref<8x64xf32, #tpu.memory_space<vmem>>, %arg5: memref<192x64xf32, #tpu.memory_space<vmem>>, %arg6: memref<1x64xf32, #tpu.memory_space<vmem>>, %arg7: memref<1x64xf32, #tpu.memory_space<vmem>>, %arg8: memref<1x1xf32, #tpu.memory_space<vmem>>, %arg9: memref<512x1xf32, #tpu.memory_space<vmem>>) attributes {dimension_semantics = [#tpu.dimension_semantics<arbitrary>], iteration_bounds = array<i64: 8>, scalar_prefetch = 0 : i64, scratch_operands = 0 : i64, tpu.core_type = #tpu.core_type<tc>, window_params = [{transform_indices = @transform_0, window_bounds = array<i64: 512, 128>}, {transform_indices = @transform_1, window_bounds = array<i64: 512, 128>}, {transform_indices = @transform_2, window_bounds = array<i64: 1, 1, 512>}, {pipeline_mode = #tpu.pipeline_mode<synchronous>, transform_indices = @transform_3, window_bounds = array<i64: 8, 64>}, {pipeline_mode = #tpu.pipeline_mode<synchronous>, transform_indices = @transform_4, window_bounds = array<i64: 192, 64>}, {pipeline_mode = #tpu.pipeline_mode<synchronous>, transform_indices = @transform_5, window_bounds = array<i64: 1, 64>}, {pipeline_mode = #tpu.pipeline_mode<synchronous>, transform_indices = @transform_6, window_bounds = array<i64: 1, 64>}, {pipeline_mode = #tpu.pipeline_mode<synchronous>, transform_indices = @transform_7, window_bounds = array<i64: 1, 1>}, {transform_indices = @transform_8, window_bounds = array<i64: 512, 1>}]} {
    %get3A = arith.constant 0 : index
    %get3A_0 = arith.constant 0 : index
    %get3A_1 = arith.constant 0 : index
    %get3A_2 = vector.load %arg3[%get3A, %get3A_0, %get3A_1] : memref<1x1x512xi32, #tpu.memory_space<vmem>>, vector<1x1x512xi32>
    %get3A_3 = vector.shape_cast %get3A_2 : vector<1x1x512xi32> to vector<512xi32>
    %iota3A = tpu.iota {dimensions = array<i32: 1>} : vector<512x8xi32>
    %broadcast_in_dim3A = vector.shape_cast %get3A_3 : vector<512xi32> to vector<512x1xi32>
    %eq3A = vector.broadcast %broadcast_in_dim3A : vector<512x1xi32> to vector<512x8xi32>
    %eq3A_4 = arith.cmpi eq, %iota3A, %eq3A : vector<512x8xi32>
    %convert_element_type3A = arith.extui %eq3A_4 : vector<512x8xi1> to vector<512x8xi32>
    %convert_element_type3A_5 = arith.sitofp %convert_element_type3A : vector<512x8xi32> to vector<512x8xf32>
    %get3A_6 = arith.constant 0 : index
    %get3A_7 = arith.constant 0 : index
    %get3A_8 = vector.load %arg4[%get3A_6, %get3A_7] : memref<8x64xf32, #tpu.memory_space<vmem>>, vector<8x64xf32>
    %dot_general3A = arith.constant dense<0.000000e+00> : vector<512x64xf32>
    %dot_general3A_9 = tpu.matmul %convert_element_type3A_5, %get3A_8, %dot_general3A {dimension_numbers = #tpu.dot_dimension_numbers<[1], [0], [0], [1], [0, 0, 1, 1], [], []>, transpose_lhs_hint = false} : vector<512x8xf32>, vector<8x64xf32>, vector<512x64xf32> -> vector<512x64xf32>
    %get3A_10 = arith.constant 0 : index
    %get3A_11 = arith.constant 0 : index
    %get3A_12 = vector.load %arg5[%get3A_10, %get3A_11] : memref<192x64xf32, #tpu.memory_space<vmem>>, vector<192x64xf32>
    %get3A_13 = arith.constant 0 : index
    %get3A_14 = arith.constant 0 : index
    %get3A_15 = vector.load %arg1[%get3A_13, %get3A_14] : memref<512x128xf32, #tpu.memory_space<vmem>>, vector<512x64xf32>
    %slice3A = vector.extract_strided_slice %get3A_12 {offsets = [0, 0], sizes = [64, 64], strides = [1, 1]} : vector<192x64xf32> to vector<64x64xf32>
    %dot_general3A_16 = arith.constant dense<0.000000e+00> : vector<512x64xf32>
    %dot_general3A_17 = tpu.matmul %get3A_15, %slice3A, %dot_general3A_16 {dimension_numbers = #tpu.dot_dimension_numbers<[1], [0], [0], [1], [0, 0, 1, 1], [], []>, transpose_lhs_hint = false} : vector<512x64xf32>, vector<64x64xf32>, vector<512x64xf32> -> vector<512x64xf32>
    %get3A_18 = arith.constant 0 : index
    %get3A_19 = arith.constant 0 : index
    %get3A_20 = vector.load %arg2[%get3A_18, %get3A_19] : memref<512x128xf32, #tpu.memory_space<vmem>>, vector<512x64xf32>
    %slice3A_21 = vector.extract_strided_slice %get3A_12 {offsets = [64, 0], sizes = [64, 64], strides = [1, 1]} : vector<192x64xf32> to vector<64x64xf32>
    %dot_general3A_22 = arith.constant dense<0.000000e+00> : vector<512x64xf32>
    %dot_general3A_23 = tpu.matmul %get3A_20, %slice3A_21, %dot_general3A_22 {dimension_numbers = #tpu.dot_dimension_numbers<[1], [0], [0], [1], [0, 0, 1, 1], [], []>, transpose_lhs_hint = false} : vector<512x64xf32>, vector<64x64xf32>, vector<512x64xf32> -> vector<512x64xf32>
    %add3A = arith.addf %dot_general3A_17, %dot_general3A_23 : vector<512x64xf32>
    %slice3A_24 = vector.extract_strided_slice %get3A_12 {offsets = [128, 0], sizes = [64, 64], strides = [1, 1]} : vector<192x64xf32> to vector<64x64xf32>
    %dot_general3A_25 = arith.constant dense<0.000000e+00> : vector<512x64xf32>
    %dot_general3A_26 = tpu.matmul %dot_general3A_9, %slice3A_24, %dot_general3A_25 {dimension_numbers = #tpu.dot_dimension_numbers<[1], [0], [0], [1], [0, 0, 1, 1], [], []>, transpose_lhs_hint = false} : vector<512x64xf32>, vector<64x64xf32>, vector<512x64xf32> -> vector<512x64xf32>
    %add3A_27 = arith.addf %add3A, %dot_general3A_26 : vector<512x64xf32>
    %get3A_28 = arith.constant 0 : index
    %get3A_29 = arith.constant 0 : index
    %get3A_30 = vector.load %arg6[%get3A_28, %get3A_29] : memref<1x64xf32, #tpu.memory_space<vmem>>, vector<1x64xf32>
    %add3A_31 = vector.broadcast %get3A_30 : vector<1x64xf32> to vector<512x64xf32>
    %add3A_32 = arith.addf %add3A_27, %add3A_31 : vector<512x64xf32>
    %max3A = arith.constant 0.000000e+00 : f32
    %max3A_33 = vector.broadcast %max3A : f32 to vector<512x64xf32>
    %max3A_34 = arith.maximumf %add3A_32, %max3A_33 : vector<512x64xf32>
    %get3A_35 = arith.constant 0 : index
    %get3A_36 = arith.constant 0 : index
    %get3A_37 = vector.load %arg7[%get3A_35, %get3A_36] : memref<1x64xf32, #tpu.memory_space<vmem>>, vector<1x64xf32>
    %mul3A = vector.broadcast %get3A_37 : vector<1x64xf32> to vector<512x64xf32>
    %mul3A_38 = arith.mulf %max3A_34, %mul3A : vector<512x64xf32>
    %reduce_sum3A = arith.constant dense<0.000000e+00> : vector<512xf32>
    %reduce_sum3A_39 = vector.multi_reduction <add>, %mul3A_38, %reduce_sum3A [1] : vector<512x64xf32> to vector<512xf32>
    %broadcast_in_dim3A_40 = vector.shape_cast %reduce_sum3A_39 : vector<512xf32> to vector<512x1xf32>
    %get3A_41 = arith.constant 0 : index
    %get3A_42 = arith.constant 0 : index
    %get3A_43 = vector.load %arg8[%get3A_41, %get3A_42] : memref<1x1xf32, #tpu.memory_space<vmem>>, vector<1x1xf32>
    %add3A_44 = vector.broadcast %get3A_43 : vector<1x1xf32> to vector<512x1xf32>
    %add3A_45 = arith.addf %broadcast_in_dim3A_40, %add3A_44 : vector<512x1xf32>
    %swap3A = arith.constant 0 : index
    %swap3A_46 = arith.constant 0 : index
    %swap3A_47 = vector.load %arg9[%swap3A, %swap3A_46] : memref<512x1xf32, #tpu.memory_space<vmem>>, vector<512x1xf32>
    tpu.vector_store %arg9[%swap3A, %swap3A_46], %add3A_45 {strides = array<i32>} : memref<512x1xf32, #tpu.memory_space<vmem>>, vector<512x1xf32>,
    return
  }
  func.func @transform_0(%arg0: i32) -> (i32, i32) {
    %c0_i32 = arith.constant 0 : i32
    %c0_i32_0 = arith.constant 0 : i32
    return %arg0, %c0_i32 : i32, i32
  }
  func.func @transform_1(%arg0: i32) -> (i32, i32) {
    %c0_i32 = arith.constant 0 : i32
    %c0_i32_0 = arith.constant 0 : i32
    return %arg0, %c0_i32 : i32, i32
  }
  func.func @transform_2(%arg0: i32) -> (i32, i32, i32) {
    %c0_i32 = arith.constant 0 : i32
    %c0_i32_0 = arith.constant 0 : i32
    %c0_i32_1 = arith.constant 0 : i32
    return %arg0, %c0_i32, %c0_i32_0 : i32, i32, i32
  }
  func.func @transform_3(%arg0: i32) -> (i32, i32) {
    %c0_i32 = arith.constant 0 : i32
    %c0_i32_0 = arith.constant 0 : i32
    %c0_i32_1 = arith.constant 0 : i32
    return %c0_i32, %c0_i32_0 : i32, i32
  }
  func.func @transform_4(%arg0: i32) -> (i32, i32) {
    %c0_i32 = arith.constant 0 : i32
    %c0_i32_0 = arith.constant 0 : i32
    %c0_i32_1 = arith.constant 0 : i32
    return %c0_i32, %c0_i32_0 : i32, i32
  }
  func.func @transform_5(%arg0: i32) -> (i32, i32) {
    %c0_i32 = arith.constant 0 : i32
    %c0_i32_0 = arith.constant 0 : i32
    %c0_i32_1 = arith.constant 0 : i32
    return %c0_i32, %c0_i32_0 : i32, i32
  }
  func.func @transform_6(%arg0: i32) -> (i32, i32) {
    %c0_i32 = arith.constant 0 : i32
    %c0_i32_0 = arith.constant 0 : i32
    %c0_i32_1 = arith.constant 0 : i32
    return %c0_i32, %c0_i32_0 : i32, i32
  }
  func.func @transform_7(%arg0: i32) -> (i32, i32) {
    %c0_i32 = arith.constant 0 : i32
    %c0_i32_0 = arith.constant 0 : i32
    %c0_i32_1 = arith.constant 0 : i32
    return %c0_i32, %c0_i32_0 : i32, i32
  }
  func.func @transform_8(%arg0: i32) -> (i32, i32) {
    %c0_i32 = arith.constant 0 : i32
    %c0_i32_0 = arith.constant 0 : i32
    return %arg0, %c0_i32 : i32, i32
  }
}

</mosaic_0001>

<sc_bundles>
// kernel: kernel.10.cloned.1.call-start
scs
__scs_entry_jumppad:
0x0: {  	(pc) =	sbr.rel $0x88, $3  }
0x1: {  	(tag) =	ssettag $0x0;
	lr =	simm.s32 $0x1  }
0x2: {  	[smem:$0x3F8E] =	sst lr;
	_ =	strace $0xD0000000  }
0x3: {  	_ = 	snop  }
0x4: {  	_ = 	snop  }
0x5: {  	_ = 	snop  }
0x6: {  	_ = 	snop  }
0x7: {  	_ = 	snop  }
__scs_overlays_trampoline_lowered:
0x8: {  	[smem:$0x3F9D] =	sst s0  }
0x9: {  	[smem:$0x3F9E] =	sst s1  }
0xa: {  	[smem:$0x3F9F] =	sst s2  }
0xb: {  	[smem:$0x3FA0] =	sst s3  }
0xc: {  	[smem:$0x3FA1] =	sst s4  }
0xd: {  	[smem:$0x3FA2] =	sst s5  }
0xe: {  	[smem:$0x3FA3] =	sst s6  }
0xf: {  	[smem:$0x3FA4] =	sst s7  }
0x10: {  	[smem:$0x3FA5] =	sst s8  }
0x11: {  	[smem:$0x3FA6] =	sst s9;
	s0 =	simm.s32 @!p0 $0x0  }
0x12: {  	s1 =	sld [smem:$0x3F8C];
	s0 =	simm.s32 @p0 $0x1  }
0x13: {  	[smem:$0x3FA7] =	sst s0;
	s0 =	simm.s32 @!p1 $0x0  }
0x14: {  	s2 =	sld [smem:$0x3F8B];
	s0 =	simm.s32 @p1 $0x1  }
0x15: {  	[smem:$0x3FA8] =	sst s0;
	s0 =	simm.s32 @!p2 $0x0  }
0x16: {  	s3 =	sld [smem:$0x3FDB];
	s0 =	simm.s32 @p2 $0x1  }
0x17: {  	s4 =	simm.s32 $0x1BF5;
	[smem:$0x3FAA] =	sst s0  }
0x18: {  	s0 =	sld [smem:$0x3F8D];
	_ =	swait.ge [sflag:s4], $0x0  }
0x19: {  	s7 =	sld [smem:$0x3F8E]  }
0x1a: {  	s8 =	sadd.s32 $0xFFFFE003, lr  }
0x1b: {  	s9 =	sadd.s32 $0xFFFFFEF7, lr;
	s5 =	simm.s32 $0xFFFFFFFF;
	p2 =	slt.u32 s8, $0xFFFFF086  }
0x1c: {  	p1 =	slt.u32 s9, $0xF7A;
	s5 =	simm.s32 @!p2 $0x0  }
0x1d: {  	s5 =	simm.s32 @p1 $0x1;
	p0 =	seq.s32 s7, s2  }
0x1e: {  	s7 =	smul.u32 @!p0 $0xF7A, s2;
	p2 =	seq.s32 @!p0 s5, $0x0  }
0x1f: {  	s9 =	smul.u32 $0xF7A, s1;
	s8 =	simm.s32 @!p0 $0x1BF5;
	p2 =	por !p2, p0  }
0x20: {  	[sflag:s8] =	ssyncset.s32 @!p0 $0xFFFFF086;
	s6 =	sadd.s32 @!p0 s3, s7;
	s7 =	simm.s32 @!p0 $0x108  }
0x21: {  	s3 =	sadd.s32 s3, s9;
	s6 =	sadd.s32 @!p0 $0x88, s6;
	s7 =	simm.s32 @p2 $0x1082  }
0x22: {  	[simem:s7], [sflag:s8] =	dma.local @!p0 [hbm:s6], $0xF7A  }
0x23: {  	s9 =	sor.u32 $0xD0000000, s2;
	s6 =	simm.s32 $0x108;
	_ =	swait.ge @!p0 [sflag:s8], $0x0  }
0x24: {  	s3 =	sadd.s32 $0x88, s3;
	s6 =	simm.s32 @!p1 $0x1082;
	[sflag:s4] =	ssyncset.s32 $0xFFFFF086  }
0x25: {  	[simem:s6], [sflag:s4] =	dma.local [hbm:s3], $0xF7A  }
0x26: {  	[smem:$0x3F8E] =	sst s1;
	(tag) =	ssettag s2;
	_ =	strace s9  }
0x27: {  	s1 =	sld [smem:$0x3F9E]  }
0x28: {  	s2 =	sld [smem:$0x3F9F]  }
0x29: {  	s4 =	sld [smem:$0x3FA1]  }
0x2a: {  	p0 =	seq.s32 s5, $0x0;
	s5 =	sld [smem:$0x3FA2]  }
0x2b: {  	s6 =	sld [smem:$0x3FA3]  }
0x2c: {  	s7 =	sld [smem:$0x3FA4]  }
0x2d: {  	s3 =	simm.s32 $0x108;
	s8 =	sld [smem:$0x3FA5]  }
0x2e: {  	s3 =	simm.s32 @!p0 $0x1082;
	s9 =	sld [smem:$0x3FA6]  }
0x2f: {  	lr =	sadd.s32 s0, s3;
	s0 =	sld [smem:$0x3F9D]  }
0x30: {  	s3 =	sld [smem:$0x3FA0]  }
0x31: {  	[smem:$0x3FA9] =	sst s10  }
0x32: {  	s10 =	sld [smem:$0x3FA7];
	_ =	sdelay $0x3  }
0x33: {  	p0 =	seq.s32 s10, $0x1;
	s10 =	sld [smem:$0x3FA9];
	_ =	sdelay $0x3  }
0x34: {  	[smem:$0x3FA9] =	sst s10  }
0x35: {  	s10 =	sld [smem:$0x3FA8];
	_ =	sdelay $0x3  }
0x36: {  	p1 =	seq.s32 s10, $0x1;
	s10 =	sld [smem:$0x3FA9];
	_ =	sdelay $0x3  }
0x37: {  	[smem:$0x3FA9] =	sst s10  }
0x38: {  	s10 =	sld [smem:$0x3FAA]  }
0x39: {  	_ = 	snop;
	(pc) =	sbr.ind lr, $3  }
0x3a: {  	_ = 	snop  }
0x3b: {  	_ = 	snop  }
0x3c: {  	p2 =	seq.s32 s10, $0x1;
	s10 =	sld [smem:$0x3FA9]  }
0x3d: {  	_ =	shalt  }
0x3e: {  	_ =	shalt  }
0x3f: {  	_ =	shalt  }
0x40: {  	_ =	shalt  }
0x41: {  	_ =	shalt  }
0x42: {  	_ =	shalt  }
0x43: {  	_ =	shalt  }
0x44: {  	_ =	shalt  }
0x45: {  	_ =	shalt  }
0x46: {  	_ =	shalt  }
0x47: {  	_ =	shalt  }
0x48: {  	_ =	shalt  }
0x49: {  	_ =	shalt  }
0x4a: {  	_ =	shalt  }
0x4b: {  	_ =	shalt  }
0x4c: {  	_ =	shalt  }
0x4d: {  	_ =	shalt  }
0x4e: {  	_ =	shalt  }
0x4f: {  	_ =	shalt  }
0x50: {  	_ =	shalt  }
0x51: {  	_ =	shalt  }
0x52: {  	_ =	shalt  }
0x53: {  	_ =	shalt  }
0x54: {  	_ =	shalt  }
0x55: {  	_ =	shalt  }
0x56: {  	_ =	shalt  }
0x57: {  	_ =	shalt  }
0x58: {  	_ =	shalt  }
0x59: {  	_ =	shalt  }
0x5a: {  	_ =	shalt  }
0x5b: {  	_ =	shalt  }
0x5c: {  	_ =	shalt  }
0x5d: {  	_ =	shalt  }
0x5e: {  	_ =	shalt  }
0x5f: {  	_ =	shalt  }
0x60: {  	_ =	shalt  }
0x61: {  	_ =	shalt  }
0x62: {  	_ =	shalt  }
0x63: {  	_ =	shalt  }
0x64: {  	_ =	shalt  }
0x65: {  	_ =	shalt  }
0x66: {  	_ =	shalt  }
0x67: {  	_ =	shalt  }
0x68: {  	_ =	shalt  }
0x69: {  	_ =	shalt  }
0x6a: {  	_ =	shalt  }
0x6b: {  	_ =	shalt  }
0x6c: {  	_ =	shalt  }
0x6d: {  	_ =	shalt  }
0x6e: {  	_ =	shalt  }
0x6f: {  	_ =	shalt  }
0x70: {  	_ =	shalt  }
0x71: {  	_ =	shalt  }
0x72: {  	_ =	shalt  }
0x73: {  	_ =	shalt  }
0x74: {  	_ =	shalt  }
0x75: {  	_ =	shalt  }
0x76: {  	_ =	shalt  }
0x77: {  	_ =	shalt  }
0x78: {  	_ =	shalt  }
0x79: {  	_ =	shalt  }
0x7a: {  	_ =	shalt  }
0x7b: {  	_ =	shalt  }
0x7c: {  	_ =	shalt  }
0x7d: {  	_ =	shalt  }
0x7e: {  	_ =	shalt  }
0x7f: {  	_ =	shalt  }
0x80: {  	_ =	shalt  }
0x81: {  	_ =	shalt  }
0x82: {  	_ =	shalt  }
0x83: {  	_ =	shalt  }
0x84: {  	_ =	shalt  }
0x85: {  	_ =	shalt  }
0x86: {  	_ =	shalt  }
0x87: {  	_ =	shalt  }
.Lfunc_end0:
.L_simem_size_0:
called_computation_lowered:
.L_overlay_start_0:
0x88: {  	s2 =	sld [smem:$0x3FD9]  }
0x89: {  	s3 =	sld [smem:$0x3FFE];
	_ =	sdelay $0x1  }
0x8a: {  	s1 =	srdreg.scid  }
0x8b: {  	s0 =	sand.u32 $0x1, s1  }
0x8c: {  	s16 =	sshll.u32 s0, $0xA;
	s2 =	sadd.s32 s3, s2  }
0x8d: {  	s2 =	sadd.s32 s2, s16  }
0x8e: {  	[smem:$0x3FB5] =	sst s2  }
0x8f: {  	_ = 	snop  }
0x90: {  	(tm) =	ssettm $0x1  }
0x91: {  	s17 =	sld [smem:$0x3FFB];
	_ =	sdelay $0x3  }
0x92: {  	_ =	strace s17  }
0x93: {  	s2 =	sld [smem:$0x3FFC];
	_ =	sdelay $0x3  }
0x94: {  	_ =	strace s2  }
0x95: {  	s2 =	sld [smem:$0x3FFD];
	_ =	sdelay $0x3  }
0x96: {  	_ =	strace s2  }
0x97: {  	_ =	strace $0x8FFFFFFF  }
0x98: {  	s18 =	sld [smem:$0x3FDB];
	_ =	sdelay $0x1  }
0x99: {  	s19 =	simm.s32 $_scs_section_size  }
0x9a: {  	s4 =	simm.s32 $_size__tile_overlayer_lowered;
	s5 =	simm.s32 $_tile_overlayer_lowered  }
0x9b: {  	s22 =	simm.s32 $0x1BFF;
	s21 =	sshll.u32 s5, $0x1;
	s2 =	sadd.s32 s19, s18  }
0x9c: {  	s6 =	simm.s32 $0x0;
	s20 =	sshll.u32 s4, $0x1;
	s4 =	sadd.s32 s21, s2  }
0x9d: {  	[timem:s6], [sflag:s22] =	dma.local [hbm:s4], s20  }
0x9e: {  	_ =	swait.ge [sflag:s22], s20  }
0x9f: {  	s3 =	ssub.s32 $0x0, s20;
	[sflag:s22] =	ssyncset.done $0x0  }
0xa0: {  	[sflag:s22] =	ssyncadd.s32 s3;
	_ =	sdelay $0x1  }
0xa1: {  	s23 =	simm.s32 $0x1B8B  }
0xa2: {  	_ =	swait.ge [sflag:s23], $0x1  }
0xa3: {  	[sflag:s23] =	ssyncset.done $0x0  }
0xa4: {  	s25 =	simm.s32 $0x1B8E;
	s24 =	sld [smem:$0x3FFE];
	[sflag:s23] =	ssyncadd.s32 $0xFFFFFFFF  }
0xa5: {  	s26 =	simm.s32 $execute0_lowered;
	[smem:$0x3FD2] =	sst s25  }
0xa6: {  	s4 =	sshll.u32 s26, $0x1;
	_ =	strace $0x80000046;
	[dreg:$0x1] =	wrdreg $0xFFFFFFFF  }
0xa7: {  	s28 =	simm.s32 $_size_execute0_lowered;
	s2 =	sadd.s32 s2, s4;
	[dreg:$0x0] =	wrdreg $0x0  }
0xa8: {  	s4 =	sshll.u32 s28, $0x1;
	[dreg:$0x2] =	wrdreg s2  }
0xa9: {  	[dreg:$0x3] =	wrdreg s4  }
0xaa: {  	[dreg:$0x4] =	wrdreg $0xC0  }
0xab: {  	_ =	task [dreg:s6], $0x5FFFF  }
0xac: {  	[dreg:$0x1] =	wrdreg $0xFFFFFFFF  }
0xad: {  	[dreg:$0x0] =	wrdreg $0x60  }
0xae: {  	[dreg:$0x2] =	wrdreg s24  }
0xaf: {  	[dreg:$0x3] =	wrdreg $0x0  }
0xb0: {  	[dreg:$0x4] =	wrdreg $0x9  }
0xb1: {  	_ =	task.clear_ibuf [dreg:s6], $0x5FFFF;
	_ =	strace $0x90000046  }
0xb2: {  	s29 =	simm.s32 $0x9;
	_ =	strace $0x80000048  }
0xb3: {  	_ =	swait.ge [sflag:s29], $0x1  }
0xb4: {  	[sflag:s29] =	ssyncadd.s32 $0xFFFFFFFF  }
0xb5: {  	_ =	strace $0x90000048  }
0xb6: {  	_ =	sfence  }
0xb7: {  	s30 =	sld [smem:$0x0];
	_ =	sdelay $0x2  }
0xb8: {  	s31 =	sshll.u32 s1, $0xD;
	s1 =	sshrl.u32 s1, $0x2  }
0xb9: {  	s3 =	sand.u32 $0x4000, s31;
	s1 =	sadd.s32 s1, s30  }
0xba: {  	s0 =	sor.u32 s3, s0;
	s1 =	sshll.u32 s1, $0x11  }
0xbb: {  	s0 =	sor.u32 s1, s0  }
0xbc: {  	s0 =	sadd.s32 $0x8F2B, s0  }
0xbd: {  	[sflag:s0] =	ssyncadd.remote.s32 $0x1  }
0xbe: {  	_ =	sfence.sel $0xFFFF  }
0xbf: {  	[dreg:$0x0] =	wrdreg $0xFFFFFFFF;
	(pc) =	sbr.abs _section_cstart, $3  }
0xc0: {  	[dreg:$0x1] =	wrdreg $0xFFFFFFFF  }
0xc1: {  	_ =	task.clear_ibuf [dreg:s6], $0x2FFFF;
	_ =	strace $0x9FFFFFFF  }
0xc2: {  	(tm) =	ssettm $0x7FFFFFFF  }
0xc3: {  	_ =	shalt  }
tec
execute0_lowered:
.L_overlay_start_1:
0x0: {  	(tag) =	ssettag $0x1  }
0x1: {  	s5 =	rddreg [dreg:$0x0];
	s0 =	srdreg.scid  }
0x2: {  	s2 =	rddreg [dreg:$0x1];
	s1 =	stileid.u32  }
0x3: {  	s3 =	simm.s32 $0x0;
	s10 =	simm.s32 $0x1;
	s11 =	simm.s32 $0xCB20  }
0x4: {  	s12 =	simm.s32 $0x80;
	s13 =	simm.s32 $0xCF20;
	s14 =	simm.s32 $0xD320  }
0x5: {  	s15 =	simm.s32 $0xCFA0;
	s16 =	simm.s32 $0xD020;
	s17 =	simm.s32 $0xD0A0  }
0x6: {  	s18 =	simm.s32 $0xD120;
	s19 =	simm.s32 $0xD1A0;
	s20 =	simm.s32 $0xD220  }
0x7: {  	s21 =	simm.s32 $0xD2A0;
	s22 =	simm.s32 $0x10;
	s23 =	simm.s32 $0x2  }
0x8: {  	s6 =	sand.u32 $0x1, s0;
	s0 =	rddreg [dreg:$0x2];
	s8 =	smul.u32 $0xCB20, s1  }
0x9: {  	[smem:$0x7FF] =	sst s3;
	s4 =	sadd.s32 $0x3000, s5;
	s9 =	smul.u32 $0x32C80, s1  }
0xa: {  	s7 =	smul.u32 $0xCB200, s6;
	s30 =	ssub.s32 $0x2, s6;
	s6 =	sshll.u32 s6, $0x4  }
0xb: {  	_ =	strace $0x80000047;
	s31 =	sshrl.u32 s30, $0x1;
	s6 =	sor.u32 s1, s6  }
0xc: {  	s9 =	sshrl.u32 s9, $0x2;
	s7 =	sadd.s32 s8, s7;
	s8 =	ssub.s32 s30, s31  }
0xd: {  	v0 =	vimm.f32 $0.0e+00;
	vm0 =	vcmask $0x300;
	s7 =	sadd.s32 s7, s5;
	s5 =	smul.u32 $0x6400, s6;
	s8 =	smax.u32 s8, $0x1  }
0xe: {  	v1 =	vsel vm0, $0x3F800000, v0;
	s6 =	sadd.s32 $0x1C000, s7;
	s7 =	sadd.s32 s9, s2;
	s9 =	simm.s32 $0xDB20  }
.LBB2_1:
0xf: {  	s24 =	simm.s32 $0x40;
	s25 =	simm.s32 $0x0  }
.LBB2_2:
0x10: {  	p0 =	sne.s32 s24, $0x2040;
	[tilespmem:s25+$0xDB20] =	vst v0;
	s25 =	smov.u32 s24;
	s24 =	sadd.s32 $0x40, s24  }
.Ltmp0:
0x11: {  	(pc) =	sbr.rel @p0 .LBB2_2-.Ltmp0, $2  }
0x12: {  	_ =	sdelay $0x2  }
0x13: {  	s25 =	sshra.s32 s25, $0x2  }
0x14: {  	[tilespmem:s25+$0xDB20] =	vst v0;
	s24 =	simm.s32 $0x40;
	s25 =	simm.s32 $0x0  }
.LBB2_4:
0x15: {  	p0 =	sne.s32 s24, $0x1FC0;
	[tilespmem:s25+$0xD320] =	vst v1;
	s25 =	smov.u32 s24;
	s24 =	sadd.s32 $0x40, s24  }
.Ltmp1:
0x16: {  	(pc) =	sbr.rel @p0 .LBB2_4-.Ltmp1, $2  }
0x17: {  	_ =	sdelay $0x2  }
0x18: {  	s25 =	sshra.s32 s25, $0x2  }
0x19: {  	[tilespmem:s25+$0xD320] =	vst v1;
	s24 =	sadd.s32 $0x0, s7  }
0x1a: {  	[spmem:s24] =	stream.linear.scatter [tilespmem:s9], [sflag:$0x1], $0x820, $0x38;
	[tilespmem:$0xE340] =	vst v63  }
0x1b: {  	s24 =	simm.s32 $0x2080;
	_ =	swait.ge [sflag:s10], $0x820  }
.LBB2_6:
0x1c: {  	s25 =	sshra.s32 s24, $0x2;
	[sflag:s10] =	ssyncset.done $0x0;
	p0 =	sne.s32 s24, $0x30C00  }
.Ltmp2:
0x1d: {  	s25 =	sadd.s32 s25, s7;
	[sflag:s10] =	ssyncadd.s32 $0xFFFFF7E0;
	(pc) =	sbr.rel @p0 .LBB2_6-.Ltmp2, $3  }
0x1e: {  	[spmem:s25] =	stream.linear.scatter [tilespmem:s9], [sflag:$0x1], $0x820, $0x38;
	[tilespmem:$0xE340] =	vst v63  }
0x1f: {  	s24 =	sadd.s32 $0x2080, s24;
	_ =	sdelay $0x1  }
0x20: {  	_ =	swait.ge [sflag:s10], $0x820  }
0x21: {  	[sflag:s10] =	ssyncset.done $0x0  }
0x22: {  	[sflag:s10] =	ssyncadd.s32 $0xFFFFF7E0  }
0x23: {  	s24 =	simm.s32 $0x0;
	s25 =	simm.s32 $0x0;
	[bflag:$0x0] =	sbarrier.arrive $0xFFFF  }
.LBB2_8:
0x24: {  	s26 =	sshll.u32 s25, $0xA  }
0x25: {  	s26 =	sadd.s32 s5, s26  }
0x26: {  	s26 =	sshrl.u32 s26, $0x3  }
0x27: {  	s26 =	sadd.s32 s4, s26  }
0x28: {  	[tilespmem:s11], [sflag:$0x1] =	stream.linear.gather [hbm4b:s26+s24], $0x400, $0x38;
	[tilespmem:$0xE340] =	vst v63  }
0x29: {  	_ =	swait.ge [sflag:s10], $0x400  }
0x2a: {  	[sflag:s10] =	ssyncset.done $0x0  }
0x2b: {  	s28 =	simm.s32 $0x0;
	[sflag:s10] =	ssyncadd.s32 $0xFFFFFC00  }
0x2c: {  	v4 =	vld [tilespmem:s28+$0xCB90]  }
0x2d: {  	v8 =	vld [tilespmem:s28+$0xCB20]  }
0x2e: {  	v7 =	vld [tilespmem:s28+$0xCB30]  }
0x2f: {  	v6 =	vld [tilespmem:s28+$0xCB40]  }
0x30: {  	v5 =	vld [tilespmem:s28+$0xCB50]  }
0x31: {  	v3 =	vld [tilespmem:s28+$0xCB60];
	vm0 =	vlt.s32 v4, $0xC3B4  }
0x32: {  	v2 =	vld [tilespmem:s28+$0xCB70];
	vm1 =	vlt.s32 v8, $0xC3B4;
	v9 =	vnsel vm0, $0xC3B4, v4  }
0x33: {  	s29 =	simm.s32 $0x400;
	s26 =	simm.s32 $0x80;
	v4 =	vld [tilespmem:s28+$0xCB80];
	v8 =	vnsel vm1, $0xC3B4, v8;
	vm0 =	vlt.s32 v7, $0xC3B4;
	[tilespmem:s28+$0xCF90] =	vst v9  }
.LBB2_9:
0x34: {  	p0 =	sne.s32 s29, $0xE00;
	v9 =	vld [tilespmem:s26+$0xCB90];
	[tilespmem:s28+$0xCF20] =	vst v8;
	v7 =	vnsel vm0, $0xC3B4, v7;
	vm0 =	vlt.s32 v6, $0xC3B4  }
0x35: {  	v8 =	vld [tilespmem:s26+$0xCB20];
	[tilespmem:s28+$0xCF30] =	vst v7;
	v6 =	vnsel vm0, $0xC3B4, v6;
	vm0 =	vlt.s32 v5, $0xC3B4  }
0x36: {  	v7 =	vld [tilespmem:s26+$0xCB30];
	[tilespmem:s28+$0xCF40] =	vst v6;
	v5 =	vnsel vm0, $0xC3B4, v5;
	vm0 =	vlt.s32 v3, $0xC3B4  }
.Ltmp3:
0x37: {  	v6 =	vld [tilespmem:s26+$0xCB40];
	[tilespmem:s28+$0xCF50] =	vst v5;
	v3 =	vnsel vm0, $0xC3B4, v3;
	vm0 =	vlt.s32 v2, $0xC3B4;
	(pc) =	sbr.rel @p0 .LBB2_9-.Ltmp3, $4  }
0x38: {  	v5 =	vld [tilespmem:s26+$0xCB50];
	[tilespmem:s28+$0xCF60] =	vst v3;
	v2 =	vnsel vm0, $0xC3B4, v2;
	vm0 =	vlt.s32 v4, $0xC3B4  }
0x39: {  	v3 =	vld [tilespmem:s26+$0xCB60];
	vm1 =	vlt.s32 v9, $0xC3B4;
	[tilespmem:s28+$0xCF70] =	vst v2;
	v4 =	vnsel vm0, $0xC3B4, v4  }
0x3a: {  	vm0 =	vlt.s32 v8, $0xC3B4;
	v2 =	vld [tilespmem:s26+$0xCB70];
	v9 =	vnsel vm1, $0xC3B4, v9;
	[tilespmem:s28+$0xCF80] =	vst v4;
	s28 =	smov.u32 s26  }
0x3b: {  	s26 =	sshra.s32 s29, $0x2;
	s29 =	sadd.s32 $0x200, s29;
	v8 =	vnsel vm0, $0xC3B4, v8;
	vm0 =	vlt.s32 v7, $0xC3B4;
	v4 =	vld [tilespmem:s28+$0xCB80];
	[tilespmem:s28+$0xCF90] =	vst v9  }
0x3c: {  	v9 =	vld [tilespmem:s26+$0xCB90];
	[tilespmem:s28+$0xCF20] =	vst v8;
	v7 =	vnsel vm0, $0xC3B4, v7;
	vm4 =	vlt.s32 v6, $0xC3B4  }
0x3d: {  	v8 =	vld [tilespmem:s26+$0xCB20];
	[tilespmem:s28+$0xCF30] =	vst v7;
	v6 =	vnsel vm4, $0xC3B4, v6;
	vm5 =	vlt.s32 v5, $0xC3B4  }
0x3e: {  	v7 =	vld [tilespmem:s26+$0xCB30];
	[tilespmem:s28+$0xCF40] =	vst v6;
	v5 =	vnsel vm5, $0xC3B4, v5;
	vm6 =	vlt.s32 v3, $0xC3B4  }
0x3f: {  	v6 =	vld [tilespmem:s26+$0xCB40];
	[tilespmem:s28+$0xCF50] =	vst v5;
	v3 =	vnsel vm6, $0xC3B4, v3;
	vm7 =	vlt.s32 v2, $0xC3B4  }
0x40: {  	v5 =	vld [tilespmem:s26+$0xCB50];
	[tilespmem:s28+$0xCF60] =	vst v3;
	v2 =	vnsel vm7, $0xC3B4, v2;
	vm8 =	vlt.s32 v4, $0xC3B4  }
0x41: {  	v3 =	vld [tilespmem:s26+$0xCB60];
	[tilespmem:s28+$0xCF70] =	vst v2;
	v2 =	vnsel vm8, $0xC3B4, v4;
	vm9 =	vlt.s32 v9, $0xC3B4  }
0x42: {  	v62 =	vld [tilespmem:s26+$0xCB70];
	[tilespmem:s28+$0xCF80] =	vst v2;
	vm1 =	vlt.s32 v8, $0xC3B4;
	v2 =	vnsel vm9, $0xC3B4, v9  }
0x43: {  	v63 =	vld [tilespmem:s26+$0xCB80];
	v8 =	vnsel vm1, $0xC3B4, v8;
	vm10 =	vlt.s32 v7, $0xC3B4;
	[tilespmem:s26+$0xCF90] =	vst v2  }
0x44: {  	[tilespmem:s26+$0xCF20] =	vst v8;
	v2 =	vnsel vm10, $0xC3B4, v7;
	vm11 =	vlt.s32 v6, $0xC3B4  }
0x45: {  	[tilespmem:s26+$0xCF30] =	vst v2;
	v2 =	vnsel vm11, $0xC3B4, v6;
	vm12 =	vlt.s32 v5, $0xC3B4  }
0x46: {  	[tilespmem:s26+$0xCF40] =	vst v2;
	v2 =	vnsel vm12, $0xC3B4, v5;
	vm13 =	vlt.s32 v3, $0xC3B4  }
0x47: {  	[tilespmem:s26+$0xCF50] =	vst v2;
	v2 =	vnsel vm13, $0xC3B4, v3;
	vm14 =	vlt.s32 v62, $0xC3B4  }
0x48: {  	[tilespmem:s26+$0xCF60] =	vst v2;
	v2 =	vnsel vm14, $0xC3B4, v62;
	vm15 =	vlt.s32 v63, $0xC3B4  }
0x49: {  	[tilespmem:s26+$0xCF70] =	vst v2;
	v2 =	vnsel vm15, $0xC3B4, v63  }
0x4a: {  	[tilespmem:s26+$0xCF80] =	vst v2  }
0x4b: {  	[spmem:s2] =	stream.indirect.scatter.add.f32 [tilespmem:s14], [sflag:$0x1], $0x10, s13, s12, $0xb8;
	[tilespmem:$0xE340] =	vst v63  }
0x4c: {  	_ =	swait.ge [sflag:s10], $0x800  }
0x4d: {  	[sflag:s10] =	ssyncset.done $0x0  }
0x4e: {  	[sflag:s10] =	ssyncadd.s32 $0xFFFFF800  }
0x4f: {  	[spmem:s2] =	stream.indirect.scatter.add.f32 [tilespmem:s14], [sflag:$0x1], $0x10, s15, s12, $0xb8;
	[tilespmem:$0xE340] =	vst v63  }
0x50: {  	_ =	swait.ge [sflag:s10], $0x800  }
0x51: {  	[sflag:s10] =	ssyncset.done $0x0  }
0x52: {  	[sflag:s10] =	ssyncadd.s32 $0xFFFFF800  }
0x53: {  	[spmem:s2] =	stream.indirect.scatter.add.f32 [tilespmem:s14], [sflag:$0x1], $0x10, s16, s12, $0xb8;
	[tilespmem:$0xE340] =	vst v63  }
0x54: {  	_ =	swait.ge [sflag:s10], $0x800  }
0x55: {  	[sflag:s10] =	ssyncset.done $0x0  }
0x56: {  	[sflag:s10] =	ssyncadd.s32 $0xFFFFF800  }
0x57: {  	[spmem:s2] =	stream.indirect.scatter.add.f32 [tilespmem:s14], [sflag:$0x1], $0x10, s17, s12, $0xb8;
	[tilespmem:$0xE340] =	vst v63  }
0x58: {  	_ =	swait.ge [sflag:s10], $0x800  }
0x59: {  	[sflag:s10] =	ssyncset.done $0x0  }
0x5a: {  	[sflag:s10] =	ssyncadd.s32 $0xFFFFF800  }
0x5b: {  	[spmem:s2] =	stream.indirect.scatter.add.f32 [tilespmem:s14], [sflag:$0x1], $0x10, s18, s12, $0xb8;
	[tilespmem:$0xE340] =	vst v63  }
0x5c: {  	_ =	swait.ge [sflag:s10], $0x800  }
0x5d: {  	[sflag:s10] =	ssyncset.done $0x0  }
0x5e: {  	[sflag:s10] =	ssyncadd.s32 $0xFFFFF800  }
0x5f: {  	[spmem:s2] =	stream.indirect.scatter.add.f32 [tilespmem:s14], [sflag:$0x1], $0x10, s19, s12, $0xb8;
	[tilespmem:$0xE340] =	vst v63  }
0x60: {  	_ =	swait.ge [sflag:s10], $0x800  }
0x61: {  	[sflag:s10] =	ssyncset.done $0x0  }
0x62: {  	[sflag:s10] =	ssyncadd.s32 $0xFFFFF800  }
0x63: {  	[spmem:s2] =	stream.indirect.scatter.add.f32 [tilespmem:s14], [sflag:$0x1], $0x10, s20, s12, $0xb8;
	[tilespmem:$0xE340] =	vst v63  }
0x64: {  	s25 =	sadd.s32 $0x1, s25;
	_ =	swait.ge [sflag:s10], $0x800  }
0x65: {  	p0 =	sne.s32 s25, $0x19;
	[sflag:s10] =	ssyncset.done $0x0  }
.Ltmp4:
0x66: {  	[sflag:s10] =	ssyncadd.s32 $0xFFFFF800;
	(pc) =	sbr.rel @p0 .LBB2_8-.Ltmp4, $4  }
0x67: {  	[spmem:s2] =	stream.indirect.scatter.add.f32 [tilespmem:s14], [sflag:$0x1], $0x10, s21, s12, $0xb8;
	[tilespmem:$0xE340] =	vst v63  }
0x68: {  	_ =	swait.ge [sflag:s10], $0x800  }
0x69: {  	[sflag:s10] =	ssyncset.done $0x0  }
0x6a: {  	[sflag:s10] =	ssyncadd.s32 $0xFFFFF800  }
0x6b: {  	s3 =	sadd.s32 $0x1, s3  }
0x6c: {  	s24 =	sshll.u32 s1, $0x6;
	[bflag:$0x0] =	sbarrier.arrive $0xFFFF;
	p0 =	sne.s32 s3, s8  }
.Ltmp5:
0x6d: {  	s25 =	sshrl.u32 s7, $0x3;
	s24 =	sor.u32 $0x1C01, s24;
	(pc) =	sbr.rel @p0 .LBB2_1-.Ltmp5, $4  }
0x6e: {  	[hbm:s6@s22], [sflag:s24] =	dma.strided [spmem:s25@s23], $0x1964, s10, $0x2   }
0x6f: {  	_ =	swait.ge [sflag:s10], $0x1964  }
0x70: {  	[sflag:s10] =	ssyncset.done $0x0  }
0x71: {  	[sflag:s10] =	ssyncadd.s32 $0xFFFFE69C  }
0x72: {  	_ =	sfence.sel $0x180000  }
0x73: {  	[bflag:$0x0] =	sbarrier.arrive $0xFFFF  }
0x74: {  	p0 =	sne.s32 s1, $0x0;
	_ =	strace $0x90000047  }
0x75: {  	s0 =	sadd.s32 @!p0 $0x100000, s0;
	[bflag:$0x2] =	sbarrier.arrive $0xFFFF  }
0x76: {  	[sflag:s0] =	ssyncadd.tile.s32 @!p0 $0x1;
	_ =	shalt  }
.Lfunc_end2:
_tile_overlayer_lowered:
.L_overlay_start_2:
0x77: {  	(tag) =	ssettag $0x2  }
0x78: {  	s0 =	rddreg [dreg:$0x0];
	s2 =	stileid.u32  }
0x79: {  	s1 =	rddreg [dreg:$0x1];
	p0 =	sne.s32 s2, $0x0  }
0x7a: {  	s3 =	rddreg [dreg:$0x2];
	[bflag:$0x3] =	sbarrier.arrive $0xFFFF;
	s2 =	simm.s32 @!p0 $0x1C01  }
0x7b: {  	[timem:s3], [sflag:s2] =	dma.local @!p0 [hbm:s0], s1  }
0x7c: {  	s0 =	simm.s32 @!p0 $0x1  }
0x7d: {  	_ =	swait.ge @!p0 [sflag:s0], s1  }
0x7e: {  	s1 =	ssub.s32 @!p0 $0x0, s1;
	[sflag:s0] =	ssyncset.done @!p0 $0x0  }
0x7f: {  	[sflag:s0] =	ssyncadd.s32 @!p0 s1  }
0x80: {  	[bflag:$0x3] =	sbarrier.arrive $0xFFFF  }
0x81: {  	_ =	shalt  }

// kernel: kernel.13.cloned.1.call-start
scs
__scs_entry_jumppad:
0x0: {  	(pc) =	sbr.rel $0x88, $3  }
0x1: {  	(tag) =	ssettag $0x0;
	lr =	simm.s32 $0x1  }
0x2: {  	[smem:$0x3F8E] =	sst lr;
	_ =	strace $0xD0000000  }
0x3: {  	_ = 	snop  }
0x4: {  	_ = 	snop  }
0x5: {  	_ = 	snop  }
0x6: {  	_ = 	snop  }
0x7: {  	_ = 	snop  }
__scs_overlays_trampoline_lowered:
0x8: {  	[smem:$0x3F9D] =	sst s0  }
0x9: {  	[smem:$0x3F9E] =	sst s1  }
0xa: {  	[smem:$0x3F9F] =	sst s2  }
0xb: {  	[smem:$0x3FA0] =	sst s3  }
0xc: {  	[smem:$0x3FA1] =	sst s4  }
0xd: {  	[smem:$0x3FA2] =	sst s5  }
0xe: {  	[smem:$0x3FA3] =	sst s6  }
0xf: {  	[smem:$0x3FA4] =	sst s7  }
0x10: {  	[smem:$0x3FA5] =	sst s8  }
0x11: {  	[smem:$0x3FA6] =	sst s9;
	s0 =	simm.s32 @!p0 $0x0  }
0x12: {  	s1 =	sld [smem:$0x3F8C];
	s0 =	simm.s32 @p0 $0x1  }
0x13: {  	[smem:$0x3FA7] =	sst s0;
	s0 =	simm.s32 @!p1 $0x0  }
0x14: {  	s2 =	sld [smem:$0x3F8B];
	s0 =	simm.s32 @p1 $0x1  }
0x15: {  	[smem:$0x3FA8] =	sst s0;
	s0 =	simm.s32 @!p2 $0x0  }
0x16: {  	s3 =	sld [smem:$0x3FDB];
	s0 =	simm.s32 @p2 $0x1  }
0x17: {  	s4 =	simm.s32 $0x1BF5;
	[smem:$0x3FAA] =	sst s0  }
0x18: {  	s0 =	sld [smem:$0x3F8D];
	_ =	swait.ge [sflag:s4], $0x0  }
0x19: {  	s7 =	sld [smem:$0x3F8E]  }
0x1a: {  	s8 =	sadd.s32 $0xFFFFE003, lr  }
0x1b: {  	s9 =	sadd.s32 $0xFFFFFEF7, lr;
	s5 =	simm.s32 $0xFFFFFFFF;
	p2 =	slt.u32 s8, $0xFFFFF086  }
0x1c: {  	p1 =	slt.u32 s9, $0xF7A;
	s5 =	simm.s32 @!p2 $0x0  }
0x1d: {  	s5 =	simm.s32 @p1 $0x1;
	p0 =	seq.s32 s7, s2  }
0x1e: {  	s7 =	smul.u32 @!p0 $0xF7A, s2;
	p2 =	seq.s32 @!p0 s5, $0x0  }
0x1f: {  	s9 =	smul.u32 $0xF7A, s1;
	s8 =	simm.s32 @!p0 $0x1BF5;
	p2 =	por !p2, p0  }
0x20: {  	[sflag:s8] =	ssyncset.s32 @!p0 $0xFFFFF086;
	s6 =	sadd.s32 @!p0 s3, s7;
	s7 =	simm.s32 @!p0 $0x108  }
0x21: {  	s3 =	sadd.s32 s3, s9;
	s6 =	sadd.s32 @!p0 $0x88, s6;
	s7 =	simm.s32 @p2 $0x1082  }
0x22: {  	[simem:s7], [sflag:s8] =	dma.local @!p0 [hbm:s6], $0xF7A  }
0x23: {  	s9 =	sor.u32 $0xD0000000, s2;
	s6 =	simm.s32 $0x108;
	_ =	swait.ge @!p0 [sflag:s8], $0x0  }
0x24: {  	s3 =	sadd.s32 $0x88, s3;
	s6 =	simm.s32 @!p1 $0x1082;
	[sflag:s4] =	ssyncset.s32 $0xFFFFF086  }
0x25: {  	[simem:s6], [sflag:s4] =	dma.local [hbm:s3], $0xF7A  }
0x26: {  	[smem:$0x3F8E] =	sst s1;
	(tag) =	ssettag s2;
	_ =	strace s9  }
0x27: {  	s1 =	sld [smem:$0x3F9E]  }
0x28: {  	s2 =	sld [smem:$0x3F9F]  }
0x29: {  	s4 =	sld [smem:$0x3FA1]  }
0x2a: {  	p0 =	seq.s32 s5, $0x0;
	s5 =	sld [smem:$0x3FA2]  }
0x2b: {  	s6 =	sld [smem:$0x3FA3]  }
0x2c: {  	s7 =	sld [smem:$0x3FA4]  }
0x2d: {  	s3 =	simm.s32 $0x108;
	s8 =	sld [smem:$0x3FA5]  }
0x2e: {  	s3 =	simm.s32 @!p0 $0x1082;
	s9 =	sld [smem:$0x3FA6]  }
0x2f: {  	lr =	sadd.s32 s0, s3;
	s0 =	sld [smem:$0x3F9D]  }
0x30: {  	s3 =	sld [smem:$0x3FA0]  }
0x31: {  	[smem:$0x3FA9] =	sst s10  }
0x32: {  	s10 =	sld [smem:$0x3FA7];
	_ =	sdelay $0x3  }
0x33: {  	p0 =	seq.s32 s10, $0x1;
	s10 =	sld [smem:$0x3FA9];
	_ =	sdelay $0x3  }
0x34: {  	[smem:$0x3FA9] =	sst s10  }
0x35: {  	s10 =	sld [smem:$0x3FA8];
	_ =	sdelay $0x3  }
0x36: {  	p1 =	seq.s32 s10, $0x1;
	s10 =	sld [smem:$0x3FA9];
	_ =	sdelay $0x3  }
0x37: {  	[smem:$0x3FA9] =	sst s10  }
0x38: {  	s10 =	sld [smem:$0x3FAA]  }
0x39: {  	_ = 	snop;
	(pc) =	sbr.ind lr, $3  }
0x3a: {  	_ = 	snop  }
0x3b: {  	_ = 	snop  }
0x3c: {  	p2 =	seq.s32 s10, $0x1;
	s10 =	sld [smem:$0x3FA9]  }
0x3d: {  	_ =	shalt  }
0x3e: {  	_ =	shalt  }
0x3f: {  	_ =	shalt  }
0x40: {  	_ =	shalt  }
0x41: {  	_ =	shalt  }
0x42: {  	_ =	shalt  }
0x43: {  	_ =	shalt  }
0x44: {  	_ =	shalt  }
0x45: {  	_ =	shalt  }
0x46: {  	_ =	shalt  }
0x47: {  	_ =	shalt  }
0x48: {  	_ =	shalt  }
0x49: {  	_ =	shalt  }
0x4a: {  	_ =	shalt  }
0x4b: {  	_ =	shalt  }
0x4c: {  	_ =	shalt  }
0x4d: {  	_ =	shalt  }
0x4e: {  	_ =	shalt  }
0x4f: {  	_ =	shalt  }
0x50: {  	_ =	shalt  }
0x51: {  	_ =	shalt  }
0x52: {  	_ =	shalt  }
0x53: {  	_ =	shalt  }
0x54: {  	_ =	shalt  }
0x55: {  	_ =	shalt  }
0x56: {  	_ =	shalt  }
0x57: {  	_ =	shalt  }
0x58: {  	_ =	shalt  }
0x59: {  	_ =	shalt  }
0x5a: {  	_ =	shalt  }
0x5b: {  	_ =	shalt  }
0x5c: {  	_ =	shalt  }
0x5d: {  	_ =	shalt  }
0x5e: {  	_ =	shalt  }
0x5f: {  	_ =	shalt  }
0x60: {  	_ =	shalt  }
0x61: {  	_ =	shalt  }
0x62: {  	_ =	shalt  }
0x63: {  	_ =	shalt  }
0x64: {  	_ =	shalt  }
0x65: {  	_ =	shalt  }
0x66: {  	_ =	shalt  }
0x67: {  	_ =	shalt  }
0x68: {  	_ =	shalt  }
0x69: {  	_ =	shalt  }
0x6a: {  	_ =	shalt  }
0x6b: {  	_ =	shalt  }
0x6c: {  	_ =	shalt  }
0x6d: {  	_ =	shalt  }
0x6e: {  	_ =	shalt  }
0x6f: {  	_ =	shalt  }
0x70: {  	_ =	shalt  }
0x71: {  	_ =	shalt  }
0x72: {  	_ =	shalt  }
0x73: {  	_ =	shalt  }
0x74: {  	_ =	shalt  }
0x75: {  	_ =	shalt  }
0x76: {  	_ =	shalt  }
0x77: {  	_ =	shalt  }
0x78: {  	_ =	shalt  }
0x79: {  	_ =	shalt  }
0x7a: {  	_ =	shalt  }
0x7b: {  	_ =	shalt  }
0x7c: {  	_ =	shalt  }
0x7d: {  	_ =	shalt  }
0x7e: {  	_ =	shalt  }
0x7f: {  	_ =	shalt  }
0x80: {  	_ =	shalt  }
0x81: {  	_ =	shalt  }
0x82: {  	_ =	shalt  }
0x83: {  	_ =	shalt  }
0x84: {  	_ =	shalt  }
0x85: {  	_ =	shalt  }
0x86: {  	_ =	shalt  }
0x87: {  	_ =	shalt  }
.Lfunc_end0:
.L_simem_size_0:
called_computation.1_lowered:
.L_overlay_start_0:
0x88: {  	s2 =	sld [smem:$0x3FD9]  }
0x89: {  	s3 =	sld [smem:$0x3FFE];
	_ =	sdelay $0x1  }
0x8a: {  	s1 =	srdreg.scid  }
0x8b: {  	s0 =	sand.u32 $0x1, s1  }
0x8c: {  	s16 =	sshll.u32 s0, $0xA;
	s2 =	sadd.s32 s3, s2  }
0x8d: {  	s2 =	sadd.s32 s2, s16  }
0x8e: {  	[smem:$0x3FB5] =	sst s2  }
0x8f: {  	_ = 	snop  }
0x90: {  	(tm) =	ssettm $0x1  }
0x91: {  	s17 =	sld [smem:$0x3FFB];
	_ =	sdelay $0x3  }
0x92: {  	_ =	strace s17  }
0x93: {  	s2 =	sld [smem:$0x3FFC];
	_ =	sdelay $0x3  }
0x94: {  	_ =	strace s2  }
0x95: {  	s2 =	sld [smem:$0x3FFD];
	_ =	sdelay $0x3  }
0x96: {  	_ =	strace s2  }
0x97: {  	_ =	strace $0x8FFFFFFF  }
0x98: {  	s18 =	sld [smem:$0x3FDB];
	_ =	sdelay $0x1  }
0x99: {  	s19 =	simm.s32 $_scs_section_size  }
0x9a: {  	s4 =	simm.s32 $_size__tile_overlayer_lowered;
	s5 =	simm.s32 $_tile_overlayer_lowered  }
0x9b: {  	s22 =	simm.s32 $0x1BFF;
	s21 =	sshll.u32 s5, $0x1;
	s2 =	sadd.s32 s19, s18  }
0x9c: {  	s6 =	simm.s32 $0x0;
	s20 =	sshll.u32 s4, $0x1;
	s4 =	sadd.s32 s21, s2  }
0x9d: {  	[timem:s6], [sflag:s22] =	dma.local [hbm:s4], s20  }
0x9e: {  	_ =	swait.ge [sflag:s22], s20  }
0x9f: {  	s3 =	ssub.s32 $0x0, s20;
	[sflag:s22] =	ssyncset.done $0x0  }
0xa0: {  	[sflag:s22] =	ssyncadd.s32 s3;
	_ =	sdelay $0x1  }
0xa1: {  	s23 =	simm.s32 $0x1B8B  }
0xa2: {  	_ =	swait.ge [sflag:s23], $0x1  }
0xa3: {  	[sflag:s23] =	ssyncset.done $0x0  }
0xa4: {  	s25 =	simm.s32 $0x1B8E;
	s24 =	sld [smem:$0x3FFE];
	[sflag:s23] =	ssyncadd.s32 $0xFFFFFFFF  }
0xa5: {  	s26 =	simm.s32 $execute0_lowered;
	[smem:$0x3FD2] =	sst s25  }
0xa6: {  	s4 =	sshll.u32 s26, $0x1;
	_ =	strace $0x80000049;
	[dreg:$0x1] =	wrdreg $0xFFFFFFFF  }
0xa7: {  	s28 =	simm.s32 $_size_execute0_lowered;
	s2 =	sadd.s32 s2, s4;
	[dreg:$0x0] =	wrdreg $0x0  }
0xa8: {  	s4 =	sshll.u32 s28, $0x1;
	[dreg:$0x2] =	wrdreg s2  }
0xa9: {  	[dreg:$0x3] =	wrdreg s4  }
0xaa: {  	[dreg:$0x4] =	wrdreg $0xC0  }
0xab: {  	_ =	task [dreg:s6], $0x5FFFF  }
0xac: {  	[dreg:$0x1] =	wrdreg $0xFFFFFFFF  }
0xad: {  	[dreg:$0x0] =	wrdreg $0x60  }
0xae: {  	[dreg:$0x2] =	wrdreg s24  }
0xaf: {  	[dreg:$0x3] =	wrdreg $0x0  }
0xb0: {  	[dreg:$0x4] =	wrdreg $0x9  }
0xb1: {  	_ =	task.clear_ibuf [dreg:s6], $0x5FFFF;
	_ =	strace $0x90000049  }
0xb2: {  	s29 =	simm.s32 $0x9;
	_ =	strace $0x8000004B  }
0xb3: {  	_ =	swait.ge [sflag:s29], $0x1  }
0xb4: {  	[sflag:s29] =	ssyncadd.s32 $0xFFFFFFFF  }
0xb5: {  	_ =	strace $0x9000004B  }
0xb6: {  	_ =	sfence  }
0xb7: {  	s30 =	sld [smem:$0x0];
	_ =	sdelay $0x2  }
0xb8: {  	s31 =	sshll.u32 s1, $0xD;
	s1 =	sshrl.u32 s1, $0x2  }
0xb9: {  	s3 =	sand.u32 $0x4000, s31;
	s1 =	sadd.s32 s1, s30  }
0xba: {  	s0 =	sor.u32 s3, s0;
	s1 =	sshll.u32 s1, $0x11  }
0xbb: {  	s0 =	sor.u32 s1, s0  }
0xbc: {  	s0 =	sadd.s32 $0x8F2B, s0  }
0xbd: {  	[sflag:s0] =	ssyncadd.remote.s32 $0x1  }
0xbe: {  	_ =	sfence.sel $0xFFFF  }
0xbf: {  	[dreg:$0x0] =	wrdreg $0xFFFFFFFF;
	(pc) =	sbr.abs _section_cstart, $3  }
0xc0: {  	[dreg:$0x1] =	wrdreg $0xFFFFFFFF  }
0xc1: {  	_ =	task.clear_ibuf [dreg:s6], $0x2FFFF;
	_ =	strace $0x9FFFFFFF  }
0xc2: {  	(tm) =	ssettm $0x7FFFFFFF  }
0xc3: {  	_ =	shalt  }
tec
execute0_lowered:
.L_overlay_start_1:
0x0: {  	(tag) =	ssettag $0x1  }
0x1: {  	s0 =	rddreg [dreg:$0x0]  }
0x2: {  	s1 =	rddreg [dreg:$0x1];
	s2 =	srdreg.scid;
	s18 =	simm.s32 $0x0  }
0x3: {  	s6 =	stileid.u32;
	s10 =	simm.s32 $0x1BE40;
	s11 =	simm.s32 $0x7  }
0x4: {  	s13 =	simm.s32 $0x80;
	s16 =	simm.s32 $0x1CE40;
	s17 =	simm.s32 $0x1  }
0x5: {  	s20 =	simm.s32 $0x1DE40;
	s21 =	simm.s32 $0x2;
	s28 =	simm.s32 $0x5  }
0x6: {  	s31 =	simm.s32 $0x6;
	s29 =	simm.s32 $0x1BB40;
	s30 =	simm.s32 $0x1B440  }
0x7: {  	s9 =	simm.s32 $0x1B540;
	s12 =	simm.s32 $0x1B5C0;
	s3 =	smul.u32 $0xCB20, s6  }
0x8: {  	s15 =	simm.s32 $0x1BDC0;
	s14 =	sand.u32 $0x1, s2;
	s7 =	smul.u32 $0x65900, s6  }
0x9: {  	[smem:$0x7FF] =	sst s18;
	s4 =	sadd.s32 $0x2C0A00, s0;
	s6 =	smul.u32 $0x19, s6  }
0xa: {  	s5 =	sadd.s32 $0x1FD400, s0;
	s2 =	smul.u32 $0xCB200, s14;
	s23 =	ssub.s32 $0x2, s14  }
0xb: {  	_ =	strace $0x8000004A;
	v0 =	vmov s14;
	s14 =	simm.s32 $0x1BD40;
	s24 =	sshrl.u32 s23, $0x1  }
0xc: {  	s25 =	sshrl.u32 s7, $0x2;
	s7 =	simm.s32 $0x1BC40;
	s2 =	sadd.s32 s3, s2  }
0xd: {  	s8 =	sadd.s32 s25, s1;
	s25 =	simm.s32 $0x3;
	s0 =	sadd.s32 s2, s0  }
0xe: {  	s3 =	simm.s32 $0x1BCC0;
	s2 =	ssub.s32 s23, s24;
	s0 =	sadd.s32 $0x691400, s0  }
0xf: {  	s23 =	simm.s32 $0x4;
	s26 =	smax.u32 s2, $0x1;
	[dreg:$0x4] =	wrdreg s0  }
0x10: {  	v1 =	vimm.f32 $0.0e+00;
	s2 =	simm.s32 $0x1B4C0;
	[dreg:$0x5] =	wrdreg s26;
	s0 =	simm.s32 $0x1BBC0  }
.LBB2_1:
0x11: {  	[dreg:$0x3] =	wrdreg s18;
	s18 =	simm.s32 $0x0  }
.LBB2_2:
0x12: {  	p0 =	sne.s32 s18, $0x3F80  }
.Ltmp0:
0x13: {  	_ = 	snop;
	(pc) =	sbr.rel @p0 .LBB2_2-.Ltmp0, $4  }
0x14: {  	_ = 	snop  }
0x15: {  	s19 =	sshra.s32 s18, $0x2  }
0x16: {  	[tilespmem:s19+$0x1BE40] =	vst v1  }
0x17: {  	s18 =	sadd.s32 $0x80, s18;
	[tilespmem:s19+$0x1BE50] =	vst v1  }
0x18: {  	s18 =	sadd.s32 $0x0, s8  }
0x19: {  	[spmem:s18] =	stream.linear.scatter [tilespmem:s10], [sflag:$0x7], $0xFA0, $0x38;
	[tilespmem:$0x1EE40] =	vst v63  }
0x1a: {  	s18 =	simm.s32 $0x3E80;
	_ =	swait.ge [sflag:s11], $0xFA0  }
.LBB2_4:
0x1b: {  	s19 =	sshra.s32 s18, $0x2;
	[sflag:s11] =	ssyncset.done $0x0;
	p0 =	sne.s32 s18, $0x61A80  }
.Ltmp1:
0x1c: {  	s19 =	sadd.s32 s19, s8;
	[sflag:s11] =	ssyncadd.s32 $0xFFFFF060;
	(pc) =	sbr.rel @p0 .LBB2_4-.Ltmp1, $3  }
0x1d: {  	[spmem:s19] =	stream.linear.scatter [tilespmem:s10], [sflag:$0x7], $0xFA0, $0x38;
	[tilespmem:$0x1EE40] =	vst v63  }
0x1e: {  	s18 =	sadd.s32 $0x3E80, s18;
	_ =	sdelay $0x1  }
0x1f: {  	_ =	swait.ge [sflag:s11], $0xFA0  }
0x20: {  	[sflag:s11] =	ssyncset.done $0x0  }
0x21: {  	[sflag:s11] =	ssyncadd.s32 $0xFFFFF060  }
0x22: {  	s18 =	simm.s32 $0x0;
	s19 =	simm.s32 $0x0;
	[bflag:$0x0] =	sbarrier.arrive $0xFFFF  }
.LBB2_6:
0x23: {  	s22 =	sadd.s32 s6, s19  }
0x24: {  	s22 =	smul.u32 $0x300, s22;
	_ =	sdelay $0x1  }
0x25: {  	s24 =	simm.s32 $0x19640;
	s22 =	sadd.s32 s5, s22  }
0x26: {  	[tilespmem:s24], [sflag:$0x7] =	stream.linear.gather [hbm4b:s22+s18], $0x1800, $0x38;
	[tilespmem:$0x1EE40] =	vst v63  }
0x27: {  	_ =	swait.ge [sflag:s11], $0x1800  }
0x28: {  	[sflag:s11] =	ssyncset.done $0x0  }
0x29: {  	s22 =	simm.s32 $0x0;
	[sflag:s11] =	ssyncadd.s32 $0xFFFFE800  }
0x2a: {  	v2 =	vld [tilespmem:s22+$0x1A6B0]  }
0x2b: {  	v3 =	vld [tilespmem:s22+$0x1A640]  }
0x2c: {  	v4 =	vld [tilespmem:s22+$0x196B0]  }
0x2d: {  	v5 =	vld [tilespmem:s22+$0x1A650]  }
0x2e: {  	v6 =	vld [tilespmem:s22+$0x1A660]  }
0x2f: {  	v7 =	vld [tilespmem:s22+$0x1A670]  }
0x30: {  	v9 =	vld [tilespmem:s22+$0x1A680]  }
0x31: {  	v8 =	vshrl.u32 v2, $0x1  }
0x32: {  	v23 =	vld [tilespmem:s22+$0x196A0];
	v10 =	vshll.u32 v3, $0x1;
	v3 =	vshrl.u32 v3, $0x1;
	v2 =	vshll.u32 v2, $0x1  }
0x33: {  	v4 =	vshll.u32 v4, $0x2;
	v13 =	vshrl.u32 v5, $0x1;
	v14 =	vshrl.u32 v6, $0x1  }
0x34: {  	v11 =	vld [tilespmem:s22+$0x1A690];
	v15 =	vshrl.u32 v7, $0x1;
	v5 =	vshll.u32 v5, $0x1;
	v8 =	vmul.u32 $0x30D40, v8  }
0x35: {  	v12 =	vld [tilespmem:s22+$0x1A6A0];
	v17 =	vshrl.u32 v9, $0x1;
	v6 =	vshll.u32 v6, $0x1;
	v7 =	vshll.u32 v7, $0x1  }
0x36: {  	v9 =	vshll.u32 v9, $0x1;
	v2 =	vand.u32 $0x2, v2;
	v4 =	vadd.s32 v4, v8;
	v8 =	vld [tilespmem:s22+$0x19640]  }
0x37: {  	v62 =	vshll.u32 v23, $0x2;
	v3 =	vmul.u32 $0x30D40, v3;
	v2 =	vor.u32 v4, v2;
	v4 =	vld [tilespmem:s22+$0x19650]  }
0x38: {  	v16 =	vld [tilespmem:s22+$0x19660];
	v13 =	vmul.u32 $0x30D40, v13;
	v14 =	vmul.u32 $0x30D40, v14;
	v15 =	vmul.u32 $0x30D40, v15  }
0x39: {  	v18 =	vld [tilespmem:s22+$0x19670];
	v17 =	vmul.u32 $0x30D40, v17;
	v10 =	vand.u32 $0x2, v10;
	v2 =	vor.u32 v0, v2  }
0x3a: {  	v19 =	vld [tilespmem:s22+$0x19680];
	v61 =	vand.u32 $0x2, v7;
	v9 =	vand.u32 $0x2, v9;
	[tilespmem:s22+$0x1AEB0] =	vst v2;
	v2 =	vshrl.u32 v11, $0x1  }
0x3b: {  	v21 =	vld [tilespmem:s22+$0x19690];
	v20 =	vmul.u32 $0x30D40, v2;
	v2 =	vshrl.u32 v12, $0x1;
	v12 =	vshll.u32 v12, $0x1  }
0x3c: {  	v7 =	vld [tilespmem:s22+$0x19E90];
	v8 =	vshll.u32 v8, $0x2;
	v22 =	vmul.u32 $0x30D40, v2;
	v4 =	vshll.u32 v4, $0x2  }
0x3d: {  	v2 =	vld [tilespmem:s22+$0x19E40];
	v8 =	vadd.s32 v8, v3;
	v13 =	vadd.s32 v4, v13;
	v4 =	vshll.u32 v16, $0x2  }
0x3e: {  	v3 =	vld [tilespmem:s22+$0x19E50];
	v63 =	vor.u32 v8, v10;
	v16 =	vadd.s32 v4, v14;
	v4 =	vshll.u32 v18, $0x2  }
0x3f: {  	v8 =	vand.u32 $0x2, v12;
	v14 =	vand.u32 $0x2, v5;
	v5 =	vld [tilespmem:s22+$0x19E60];
	v18 =	vadd.s32 v4, v15  }
0x40: {  	v4 =	vshll.u32 v19, $0x2;
	v15 =	vand.u32 $0x2, v6;
	v6 =	vld [tilespmem:s22+$0x19E70];
	v19 =	vshll.u32 v21, $0x2  }
0x41: {  	v17 =	vadd.s32 v4, v17;
	v4 =	vld [tilespmem:s22+$0x19E80];
	v19 =	vadd.s32 v19, v20;
	v20 =	vadd.s32 v62, v22  }
0x42: {  	v11 =	vshll.u32 v11, $0x1;
	vm0 =	vlt.s32 v7, $0xC3B4;
	v10 =	vor.u32 v20, v8;
	v8 =	vld [tilespmem:s22+$0x19EA0]  }
0x43: {  	v11 =	vand.u32 $0x2, v11;
	v14 =	vor.u32 v13, v14;
	v12 =	vor.u32 v17, v9;
	v9 =	vld [tilespmem:s22+$0x19EB0]  }
0x44: {  	v15 =	vor.u32 v16, v15;
	v13 =	vor.u32 v18, v61;
	vm5 =	vlt.s32 v2, $0xC3B4  }
0x45: {  	v16 =	vor.u32 v0, v63;
	v11 =	vor.u32 v19, v11;
	vm4 =	vlt.s32 v3, $0xC3B4  }
0x46: {  	s26 =	simm.s32 $0x400;
	s24 =	simm.s32 $0x80;
	vm3 =	vlt.s32 v5, $0xC3B4;
	vm2 =	vlt.s32 v6, $0xC3B4;
	vm1 =	vlt.s32 v4, $0xC3B4  }
.LBB2_7:
0x47: {  	p0 =	sne.s32 s26, $0x1E00;
	v17 =	vld [tilespmem:s24+$0x1A6B0];
	[tilespmem:s22+$0x1AE40] =	vst v16;
	v14 =	vor.u32 v0, v14;
	v15 =	vor.u32 v0, v15;
	vm6 =	vlt.s32 v8, $0xC3B4  }
0x48: {  	v13 =	vor.u32 v0, v13;
	v12 =	vor.u32 v0, v12;
	v16 =	vld [tilespmem:s24+$0x1A640];
	[tilespmem:s22+$0x1AE50] =	vst v14;
	vm7 =	vlt.s32 v9, $0xC3B4  }
0x49: {  	v2 =	vnsel vm5, $0xC3B4, v2;
	v11 =	vor.u32 v0, v11;
	v10 =	vor.u32 v0, v10;
	v14 =	vld [tilespmem:s24+$0x196B0];
	[tilespmem:s22+$0x1AE60] =	vst v15  }
0x4a: {  	v3 =	vnsel vm4, $0xC3B4, v3;
	v5 =	vnsel vm3, $0xC3B4, v5;
	v6 =	vnsel vm2, $0xC3B4, v6;
	v15 =	vld [tilespmem:s24+$0x1A650];
	[tilespmem:s22+$0x1AE70] =	vst v13  }
0x4b: {  	v4 =	vnsel vm1, $0xC3B4, v4;
	v7 =	vnsel vm0, $0xC3B4, v7;
	v8 =	vnsel vm6, $0xC3B4, v8;
	v13 =	vld [tilespmem:s24+$0x1A660];
	[tilespmem:s22+$0x1AE80] =	vst v12  }
0x4c: {  	v9 =	vnsel vm7, $0xC3B4, v9;
	v12 =	vld [tilespmem:s24+$0x1A670];
	v18 =	vshrl.u32 v17, $0x1;
	[tilespmem:s22+$0x1AE90] =	vst v11  }
0x4d: {  	v11 =	vshll.u32 v16, $0x1;
	v16 =	vshrl.u32 v16, $0x1;
	v19 =	vld [tilespmem:s24+$0x1A680];
	v18 =	vmul.u32 $0x30D40, v18;
	[tilespmem:s22+$0x1AEA0] =	vst v10  }
0x4e: {  	v17 =	vshll.u32 v17, $0x1;
	v10 =	vmul.u32 $0x30D40, v16;
	v16 =	vld [tilespmem:s24+$0x1A690];
	v14 =	vshll.u32 v14, $0x2;
	[tilespmem:s22+$0x1B640] =	vst v2  }
0x4f: {  	v17 =	vand.u32 $0x2, v17;
	v2 =	vshrl.u32 v15, $0x1;
	v20 =	vld [tilespmem:s24+$0x1A6A0];
	v14 =	vadd.s32 v14, v18;
	[tilespmem:s22+$0x1B650] =	vst v3  }
0x50: {  	v3 =	vld [tilespmem:s24+$0x19640];
	v18 =	vmul.u32 $0x30D40, v2;
	v2 =	vshrl.u32 v13, $0x1;
	v14 =	vor.u32 v14, v17;
	[tilespmem:s22+$0x1B660] =	vst v5  }
0x51: {  	v5 =	vld [tilespmem:s24+$0x19650];
	v17 =	vmul.u32 $0x30D40, v2;
	v2 =	vshrl.u32 v12, $0x1;
	v14 =	vor.u32 v0, v14;
	[tilespmem:s22+$0x1B670] =	vst v6  }
0x52: {  	v6 =	vshll.u32 v15, $0x1;
	v15 =	vld [tilespmem:s24+$0x19660];
	v21 =	vmul.u32 $0x30D40, v2;
	v2 =	vshrl.u32 v19, $0x1;
	[tilespmem:s24+$0x1AEB0] =	vst v14  }
0x53: {  	v13 =	vshll.u32 v13, $0x1;
	v14 =	vld [tilespmem:s24+$0x19670];
	v22 =	vmul.u32 $0x30D40, v2;
	v2 =	vshrl.u32 v16, $0x1;
	[tilespmem:s22+$0x1B680] =	vst v4  }
0x54: {  	v4 =	vshll.u32 v12, $0x1;
	v12 =	vld [tilespmem:s24+$0x19680];
	v23 =	vmul.u32 $0x30D40, v2;
	v2 =	vshrl.u32 v20, $0x1;
	[tilespmem:s22+$0x1B690] =	vst v7  }
0x55: {  	v7 =	vshll.u32 v19, $0x1;
	v3 =	vshll.u32 v3, $0x2;
	v19 =	vld [tilespmem:s24+$0x19690];
	v24 =	vmul.u32 $0x30D40, v2;
	[tilespmem:s22+$0x1B6A0] =	vst v8  }
0x56: {  	v20 =	vshll.u32 v20, $0x1;
	v8 =	vshll.u32 v16, $0x1;
	v5 =	vshll.u32 v5, $0x2;
	v16 =	vld [tilespmem:s24+$0x196A0];
	[tilespmem:s22+$0x1B6B0] =	vst v9;
	s22 =	smov.u32 s24  }
0x57: {  	v9 =	vadd.s32 v3, v10;
	v2 =	vld [tilespmem:s22+$0x19E40];
	v10 =	vadd.s32 v5, v18;
	v5 =	vshll.u32 v15, $0x2  }
0x58: {  	v11 =	vand.u32 $0x2, v11;
	v3 =	vld [tilespmem:s22+$0x19E50];
	v15 =	vadd.s32 v5, v17;
	v14 =	vshll.u32 v14, $0x2  }
0x59: {  	v17 =	vand.u32 $0x2, v6;
	v5 =	vld [tilespmem:s22+$0x19E60];
	v18 =	vadd.s32 v14, v21;
	v12 =	vshll.u32 v12, $0x2  }
0x5a: {  	v13 =	vand.u32 $0x2, v13;
	v6 =	vld [tilespmem:s22+$0x19E70];
	v12 =	vadd.s32 v12, v22;
	v14 =	vshll.u32 v19, $0x2  }
0x5b: {  	v19 =	vand.u32 $0x2, v4;
	v4 =	vld [tilespmem:s22+$0x19E80];
	v21 =	vadd.s32 v14, v23;
	v14 =	vshll.u32 v16, $0x2  }
0x5c: {  	v22 =	vand.u32 $0x2, v8;
	v16 =	vand.u32 $0x2, v7;
	v7 =	vld [tilespmem:s22+$0x19E90];
	v23 =	vadd.s32 v14, v24  }
.Ltmp2:
0x5d: {  	v24 =	vor.u32 v9, v11;
	v14 =	vor.u32 v10, v17;
	v10 =	vand.u32 $0x2, v20;
	v8 =	vld [tilespmem:s22+$0x19EA0];
	(pc) =	sbr.rel @p0 .LBB2_7-.Ltmp2, $4  }
0x5e: {  	v15 =	vor.u32 v15, v13;
	v13 =	vor.u32 v18, v19;
	v12 =	vor.u32 v12, v16;
	v9 =	vld [tilespmem:s22+$0x19EB0]  }
0x5f: {  	vm5 =	vlt.s32 v2, $0xC3B4;
	v11 =	vor.u32 v21, v22;
	v10 =	vor.u32 v23, v10  }
0x60: {  	vm4 =	vlt.s32 v3, $0xC3B4;
	vm3 =	vlt.s32 v5, $0xC3B4;
	vm2 =	vlt.s32 v6, $0xC3B4  }
0x61: {  	s24 =	sshra.s32 s26, $0x2;
	s26 =	sadd.s32 $0x200, s26;
	v16 =	vor.u32 v0, v24;
	vm1 =	vlt.s32 v4, $0xC3B4;
	vm0 =	vlt.s32 v7, $0xC3B4  }
0x62: {  	v17 =	vld [tilespmem:s24+$0x1A6B0]  }
0x63: {  	[tilespmem:s22+$0x1AE40] =	vst v16;
	v14 =	vor.u32 v0, v14  }
0x64: {  	v28 =	vor.u32 v0, v15;
	v16 =	vld [tilespmem:s24+$0x1A640];
	[tilespmem:s22+$0x1AE50] =	vst v14  }
0x65: {  	v13 =	vor.u32 v0, v13;
	v12 =	vor.u32 v0, v12;
	v11 =	vor.u32 v0, v11;
	v29 =	vld [tilespmem:s24+$0x196B0];
	[tilespmem:s22+$0x1AE60] =	vst v28  }
0x66: {  	v10 =	vor.u32 v0, v10;
	v2 =	vnsel vm5, $0xC3B4, v2;
	vm6 =	vlt.s32 v8, $0xC3B4;
	v14 =	vld [tilespmem:s24+$0x1A650];
	[tilespmem:s22+$0x1AE70] =	vst v13  }
0x67: {  	v36 =	vnsel vm0, $0xC3B4, v7;
	vm7 =	vlt.s32 v9, $0xC3B4;
	v13 =	vld [tilespmem:s24+$0x1A660];
	[tilespmem:s22+$0x1AE80] =	vst v12;
	v18 =	vshrl.u32 v17, $0x1  }
0x68: {  	v37 =	vnsel vm6, $0xC3B4, v8;
	v12 =	vld [tilespmem:s24+$0x1A670];
	[tilespmem:s22+$0x1AE90] =	vst v11;
	v17 =	vshll.u32 v17, $0x1;
	v30 =	vmul.u32 $0x30D40, v18  }
0x69: {  	v11 =	vld [tilespmem:s24+$0x1A680];
	[tilespmem:s22+$0x1AEA0] =	vst v10;
	v32 =	vand.u32 $0x2, v17;
	v38 =	vshll.u32 v16, $0x1;
	v39 =	vshrl.u32 v16, $0x1  }
0x6a: {  	v10 =	vld [tilespmem:s24+$0x1A690];
	[tilespmem:s22+$0x1B640] =	vst v2;
	v2 =	vnsel vm4, $0xC3B4, v3;
	v15 =	vshll.u32 v29, $0x2;
	v8 =	vand.u32 $0x2, v38  }
0x6b: {  	v3 =	vld [tilespmem:s24+$0x1A6A0];
	[tilespmem:s22+$0x1B650] =	vst v2;
	v2 =	vnsel vm3, $0xC3B4, v5;
	v5 =	vadd.s32 v15, v30;
	v41 =	vshrl.u32 v14, $0x1  }
0x6c: {  	v14 =	vshll.u32 v14, $0x1;
	v31 =	vld [tilespmem:s24+$0x19640];
	[tilespmem:s22+$0x1B660] =	vst v2;
	v2 =	vnsel vm2, $0xC3B4, v6;
	v5 =	vor.u32 v5, v32  }
0x6d: {  	v19 =	vshrl.u32 v13, $0x1;
	v42 =	vmul.u32 $0x30D40, v41;
	v45 =	vshll.u32 v13, $0x1  }
0x6e: {  	v14 =	vand.u32 $0x2, v14;
	v33 =	vld [tilespmem:s24+$0x19650];
	[tilespmem:s22+$0x1B670] =	vst v2;
	v2 =	vor.u32 v0, v5;
	v43 =	vmul.u32 $0x30D40, v19  }
0x6f: {  	v44 =	vshrl.u32 v12, $0x1;
	v7 =	vand.u32 $0x2, v45;
	[tilespmem:s24+$0x1AEB0] =	vst v2;
	v2 =	vnsel vm1, $0xC3B4, v4  }
0x70: {  	v34 =	vld [tilespmem:s24+$0x19660];
	v19 =	vmul.u32 $0x30D40, v44;
	v21 =	vshrl.u32 v11, $0x1;
	v11 =	vshll.u32 v11, $0x1  }
0x71: {  	v35 =	vld [tilespmem:s24+$0x19670];
	[tilespmem:s22+$0x1B680] =	vst v2;
	v2 =	vnsel vm7, $0xC3B4, v9;
	v9 =	vmul.u32 $0x30D40, v39;
	v46 =	vmul.u32 $0x30D40, v21  }
0x72: {  	v47 =	vshrl.u32 v10, $0x1;
	v10 =	vshll.u32 v10, $0x1;
	v11 =	vand.u32 $0x2, v11  }
0x73: {  	v40 =	vld [tilespmem:s24+$0x19680];
	[tilespmem:s22+$0x1B690] =	vst v36;
	v48 =	vmul.u32 $0x30D40, v47;
	v49 =	vshrl.u32 v3, $0x1;
	v3 =	vshll.u32 v3, $0x1  }
0x74: {  	v59 =	vand.u32 $0x2, v10;
	v20 =	vld [tilespmem:s24+$0x19690];
	[tilespmem:s22+$0x1B6A0] =	vst v37;
	v18 =	vshll.u32 v31, $0x2;
	v21 =	vmul.u32 $0x30D40, v49  }
0x75: {  	v3 =	vand.u32 $0x2, v3;
	v22 =	vld [tilespmem:s24+$0x196A0];
	[tilespmem:s22+$0x1B6B0] =	vst v2;
	v2 =	vshll.u32 v12, $0x1;
	v15 =	vshll.u32 v33, $0x2  }
0x76: {  	v9 =	vadd.s32 v18, v9;
	v6 =	vadd.s32 v15, v42;
	v5 =	vshll.u32 v34, $0x2  }
0x77: {  	v4 =	vshll.u32 v35, $0x2;
	v2 =	vand.u32 $0x2, v2;
	v8 =	vor.u32 v9, v8  }
0x78: {  	v5 =	vadd.s32 v5, v43;
	v4 =	vadd.s32 v4, v19;
	v6 =	vor.u32 v6, v14  }
0x79: {  	v8 =	vor.u32 v0, v8;
	v16 =	vshll.u32 v40, $0x2;
	v5 =	vor.u32 v5, v7  }
0x7a: {  	v23 =	vld [tilespmem:s24+$0x19E40];
	[tilespmem:s24+$0x1AE40] =	vst v8;
	v6 =	vor.u32 v0, v6;
	v2 =	vor.u32 v4, v2;
	v13 =	vadd.s32 v16, v46  }
0x7b: {  	v50 =	vld [tilespmem:s24+$0x19E50];
	v54 =	vshll.u32 v20, $0x2;
	v60 =	vor.u32 v0, v5;
	[tilespmem:s24+$0x1AE50] =	vst v6;
	v2 =	vor.u32 v0, v2  }
0x7c: {  	v51 =	vld [tilespmem:s24+$0x19E60];
	v12 =	vadd.s32 v54, v48;
	v57 =	vshll.u32 v22, $0x2;
	v62 =	vor.u32 v13, v11;
	[tilespmem:s24+$0x1AE60] =	vst v60  }
0x7d: {  	v52 =	vld [tilespmem:s24+$0x19E70];
	[tilespmem:s24+$0x1AE70] =	vst v2;
	v61 =	vadd.s32 v57, v21;
	v63 =	vor.u32 v12, v59;
	v6 =	vor.u32 v0, v62  }
0x7e: {  	v53 =	vld [tilespmem:s24+$0x19E80];
	v2 =	vor.u32 v61, v3;
	v3 =	vor.u32 v0, v63;
	[tilespmem:s24+$0x1AE80] =	vst v6  }
0x7f: {  	v55 =	vld [tilespmem:s24+$0x19E90];
	vm8 =	vlt.s32 v23, $0xC3B4;
	v2 =	vor.u32 v0, v2;
	[tilespmem:s24+$0x1AE90] =	vst v3  }
0x80: {  	v56 =	vld [tilespmem:s24+$0x19EA0];
	vm9 =	vlt.s32 v50, $0xC3B4;
	v3 =	vnsel vm8, $0xC3B4, v23;
	[tilespmem:s24+$0x1AEA0] =	vst v2  }
0x81: {  	v58 =	vld [tilespmem:s24+$0x19EB0];
	vm10 =	vlt.s32 v51, $0xC3B4;
	v2 =	vnsel vm9, $0xC3B4, v50;
	[tilespmem:s24+$0x1B640] =	vst v3  }
0x82: {  	vm11 =	vlt.s32 v52, $0xC3B4;
	v3 =	vnsel vm10, $0xC3B4, v51;
	[tilespmem:s24+$0x1B650] =	vst v2  }
0x83: {  	vm12 =	vlt.s32 v53, $0xC3B4;
	v2 =	vnsel vm11, $0xC3B4, v52;
	[tilespmem:s24+$0x1B660] =	vst v3  }
0x84: {  	vm13 =	vlt.s32 v55, $0xC3B4;
	v3 =	vnsel vm12, $0xC3B4, v53;
	[tilespmem:s24+$0x1B670] =	vst v2  }
0x85: {  	vm14 =	vlt.s32 v56, $0xC3B4;
	v2 =	vnsel vm13, $0xC3B4, v55;
	[tilespmem:s24+$0x1B680] =	vst v3  }
0x86: {  	vm15 =	vlt.s32 v58, $0xC3B4;
	v3 =	vnsel vm14, $0xC3B4, v56;
	[tilespmem:s24+$0x1B690] =	vst v2  }
0x87: {  	v2 =	vnsel vm15, $0xC3B4, v58;
	[tilespmem:s24+$0x1B6A0] =	vst v3  }
0x88: {  	[tilespmem:s24+$0x1B6B0] =	vst v2;
	s24 =	simm.s32 $0x1AE40  }
0x89: {  	[tilespmem:s10], [sflag:$0x1] =	stream.indirect.gather [hbm4b:s4+s13], $0x20, s24, s13, $0xb8;
	[tilespmem:$0x1EE40] =	vst v63  }
0x8a: {  	s26 =	simm.s32 $0x1AEC0  }
0x8b: {  	[tilespmem:s16], [sflag:$0x2] =	stream.indirect.gather [hbm4b:s4+s13], $0x20, s26, s13, $0xb8;
	[tilespmem:$0x1EE40] =	vst v63  }
0x8c: {  	_ =	swait.ge [sflag:s17], $0x1000  }
0x8d: {  	[sflag:s17] =	ssyncset.done $0x0  }
0x8e: {  	s24 =	simm.s32 $0x1B640;
	[sflag:s17] =	ssyncadd.s32 $0xFFFFF000  }
0x8f: {  	[spmem:s1] =	stream.indirect.scatter.add.f32 [tilespmem:s10], [sflag:$0x4], $0x20, s24, s13, $0xb8;
	[tilespmem:$0x1EE40] =	vst v63  }
0x90: {  	s26 =	simm.s32 $0x1AF40  }
0x91: {  	[tilespmem:s20], [sflag:$0x3] =	stream.indirect.gather [hbm4b:s4+s13], $0x20, s26, s13, $0xb8;
	[tilespmem:$0x1EE40] =	vst v63  }
0x92: {  	_ =	swait.ge [sflag:s21], $0x1000  }
0x93: {  	[sflag:s21] =	ssyncset.done $0x0  }
0x94: {  	s24 =	simm.s32 $0x1B6C0;
	[sflag:s21] =	ssyncadd.s32 $0xFFFFF000  }
0x95: {  	[spmem:s1] =	stream.indirect.scatter.add.f32 [tilespmem:s16], [sflag:$0x5], $0x20, s24, s13, $0xb8;
	[tilespmem:$0x1EE40] =	vst v63  }
0x96: {  	_ =	swait.ge [sflag:s23], $0x1000  }
0x97: {  	[sflag:s23] =	ssyncset.done $0x0  }
0x98: {  	s26 =	simm.s32 $0x1AFC0;
	[sflag:s23] =	ssyncadd.s32 $0xFFFFF000  }
0x99: {  	[tilespmem:s10], [sflag:$0x1] =	stream.indirect.gather [hbm4b:s4+s13], $0x20, s26, s13, $0xb8;
	[tilespmem:$0x1EE40] =	vst v63  }
0x9a: {  	_ =	swait.ge [sflag:s25], $0x1000  }
0x9b: {  	[sflag:s25] =	ssyncset.done $0x0  }
0x9c: {  	s24 =	simm.s32 $0x1B740;
	[sflag:s25] =	ssyncadd.s32 $0xFFFFF000  }
0x9d: {  	[spmem:s1] =	stream.indirect.scatter.add.f32 [tilespmem:s20], [sflag:$0x6], $0x20, s24, s13, $0xb8;
	[tilespmem:$0x1EE40] =	vst v63  }
0x9e: {  	_ =	swait.ge [sflag:s28], $0x1000  }
0x9f: {  	[sflag:s28] =	ssyncset.done $0x0  }
0xa0: {  	s26 =	simm.s32 $0x1B040;
	[sflag:s28] =	ssyncadd.s32 $0xFFFFF000  }
0xa1: {  	[tilespmem:s16], [sflag:$0x2] =	stream.indirect.gather [hbm4b:s4+s13], $0x20, s26, s13, $0xb8;
	[tilespmem:$0x1EE40] =	vst v63  }
0xa2: {  	_ =	swait.ge [sflag:s17], $0x1000  }
0xa3: {  	[sflag:s17] =	ssyncset.done $0x0  }
0xa4: {  	s24 =	simm.s32 $0x1B7C0;
	[sflag:s17] =	ssyncadd.s32 $0xFFFFF000  }
0xa5: {  	[spmem:s1] =	stream.indirect.scatter.add.f32 [tilespmem:s10], [sflag:$0x4], $0x20, s24, s13, $0xb8;
	[tilespmem:$0x1EE40] =	vst v63  }
0xa6: {  	_ =	swait.ge [sflag:s31], $0x1000  }
0xa7: {  	[sflag:s31] =	ssyncset.done $0x0  }
0xa8: {  	s26 =	simm.s32 $0x1B0C0;
	[sflag:s31] =	ssyncadd.s32 $0xFFFFF000  }
0xa9: {  	[tilespmem:s20], [sflag:$0x3] =	stream.indirect.gather [hbm4b:s4+s13], $0x20, s26, s13, $0xb8;
	[tilespmem:$0x1EE40] =	vst v63  }
0xaa: {  	_ =	swait.ge [sflag:s21], $0x1000  }
0xab: {  	[sflag:s21] =	ssyncset.done $0x0  }
0xac: {  	s24 =	simm.s32 $0x1B840;
	[sflag:s21] =	ssyncadd.s32 $0xFFFFF000  }
0xad: {  	[spmem:s1] =	stream.indirect.scatter.add.f32 [tilespmem:s16], [sflag:$0x5], $0x20, s24, s13, $0xb8;
	[tilespmem:$0x1EE40] =	vst v63  }
0xae: {  	_ =	swait.ge [sflag:s23], $0x1000  }
0xaf: {  	[sflag:s23] =	ssyncset.done $0x0  }
0xb0: {  	s26 =	simm.s32 $0x1B140;
	[sflag:s23] =	ssyncadd.s32 $0xFFFFF000  }
0xb1: {  	[tilespmem:s10], [sflag:$0x1] =	stream.indirect.gather [hbm4b:s4+s13], $0x20, s26, s13, $0xb8;
	[tilespmem:$0x1EE40] =	vst v63  }
0xb2: {  	_ =	swait.ge [sflag:s25], $0x1000  }
0xb3: {  	[sflag:s25] =	ssyncset.done $0x0  }
0xb4: {  	s24 =	simm.s32 $0x1B8C0;
	[sflag:s25] =	ssyncadd.s32 $0xFFFFF000  }
0xb5: {  	[spmem:s1] =	stream.indirect.scatter.add.f32 [tilespmem:s20], [sflag:$0x6], $0x20, s24, s13, $0xb8;
	[tilespmem:$0x1EE40] =	vst v63  }
0xb6: {  	_ =	swait.ge [sflag:s28], $0x1000  }
0xb7: {  	[sflag:s28] =	ssyncset.done $0x0  }
0xb8: {  	s26 =	simm.s32 $0x1B1C0;
	[sflag:s28] =	ssyncadd.s32 $0xFFFFF000  }
0xb9: {  	[tilespmem:s16], [sflag:$0x2] =	stream.indirect.gather [hbm4b:s4+s13], $0x20, s26, s13, $0xb8;
	[tilespmem:$0x1EE40] =	vst v63  }
0xba: {  	_ =	swait.ge [sflag:s17], $0x1000  }
0xbb: {  	[sflag:s17] =	ssyncset.done $0x0  }
0xbc: {  	s24 =	simm.s32 $0x1B940;
	[sflag:s17] =	ssyncadd.s32 $0xFFFFF000  }
0xbd: {  	[spmem:s1] =	stream.indirect.scatter.add.f32 [tilespmem:s10], [sflag:$0x4], $0x20, s24, s13, $0xb8;
	[tilespmem:$0x1EE40] =	vst v63  }
0xbe: {  	_ =	swait.ge [sflag:s31], $0x1000  }
0xbf: {  	[sflag:s31] =	ssyncset.done $0x0  }
0xc0: {  	s26 =	simm.s32 $0x1B240;
	[sflag:s31] =	ssyncadd.s32 $0xFFFFF000  }
0xc1: {  	[tilespmem:s20], [sflag:$0x3] =	stream.indirect.gather [hbm4b:s4+s13], $0x20, s26, s13, $0xb8;
	[tilespmem:$0x1EE40] =	vst v63  }
0xc2: {  	_ =	swait.ge [sflag:s21], $0x1000  }
0xc3: {  	[sflag:s21] =	ssyncset.done $0x0  }
0xc4: {  	s24 =	simm.s32 $0x1B9C0;
	[sflag:s21] =	ssyncadd.s32 $0xFFFFF000  }
0xc5: {  	[spmem:s1] =	stream.indirect.scatter.add.f32 [tilespmem:s16], [sflag:$0x5], $0x20, s24, s13, $0xb8;
	[tilespmem:$0x1EE40] =	vst v63  }
0xc6: {  	_ =	swait.ge [sflag:s23], $0x1000  }
0xc7: {  	[sflag:s23] =	ssyncset.done $0x0  }
0xc8: {  	s26 =	simm.s32 $0x1B2C0;
	[sflag:s23] =	ssyncadd.s32 $0xFFFFF000  }
0xc9: {  	[tilespmem:s10], [sflag:$0x1] =	stream.indirect.gather [hbm4b:s4+s13], $0x20, s26, s13, $0xb8;
	[tilespmem:$0x1EE40] =	vst v63  }
0xca: {  	_ =	swait.ge [sflag:s25], $0x1000  }
0xcb: {  	[sflag:s25] =	ssyncset.done $0x0  }
0xcc: {  	s24 =	simm.s32 $0x1BA40;
	[sflag:s25] =	ssyncadd.s32 $0xFFFFF000  }
0xcd: {  	[spmem:s1] =	stream.indirect.scatter.add.f32 [tilespmem:s20], [sflag:$0x6], $0x20, s24, s13, $0xb8;
	[tilespmem:$0x1EE40] =	vst v63  }
0xce: {  	_ =	swait.ge [sflag:s28], $0x1000  }
0xcf: {  	[sflag:s28] =	ssyncset.done $0x0  }
0xd0: {  	s26 =	simm.s32 $0x1B340;
	[sflag:s28] =	ssyncadd.s32 $0xFFFFF000  }
0xd1: {  	[tilespmem:s16], [sflag:$0x2] =	stream.indirect.gather [hbm4b:s4+s13], $0x20, s26, s13, $0xb8;
	[tilespmem:$0x1EE40] =	vst v63  }
0xd2: {  	_ =	swait.ge [sflag:s17], $0x1000  }
0xd3: {  	[sflag:s17] =	ssyncset.done $0x0  }
0xd4: {  	s24 =	simm.s32 $0x1BAC0;
	[sflag:s17] =	ssyncadd.s32 $0xFFFFF000  }
0xd5: {  	[spmem:s1] =	stream.indirect.scatter.add.f32 [tilespmem:s10], [sflag:$0x4], $0x20, s24, s13, $0xb8;
	[tilespmem:$0x1EE40] =	vst v63  }
0xd6: {  	_ =	swait.ge [sflag:s31], $0x1000  }
0xd7: {  	[sflag:s31] =	ssyncset.done $0x0  }
0xd8: {  	s26 =	simm.s32 $0x1B3C0;
	[sflag:s31] =	ssyncadd.s32 $0xFFFFF000  }
0xd9: {  	[tilespmem:s20], [sflag:$0x3] =	stream.indirect.gather [hbm4b:s4+s13], $0x20, s26, s13, $0xb8;
	[tilespmem:$0x1EE40] =	vst v63  }
0xda: {  	_ =	swait.ge [sflag:s21], $0x1000  }
0xdb: {  	[sflag:s21] =	ssyncset.done $0x0  }
0xdc: {  	[sflag:s21] =	ssyncadd.s32 $0xFFFFF000  }
0xdd: {  	[spmem:s1] =	stream.indirect.scatter.add.f32 [tilespmem:s16], [sflag:$0x5], $0x20, s29, s13, $0xb8;
	[tilespmem:$0x1EE40] =	vst v63  }
0xde: {  	_ =	swait.ge [sflag:s23], $0x1000  }
0xdf: {  	[sflag:s23] =	ssyncset.done $0x0  }
0xe0: {  	[sflag:s23] =	ssyncadd.s32 $0xFFFFF000  }
0xe1: {  	[tilespmem:s10], [sflag:$0x1] =	stream.indirect.gather [hbm4b:s4+s13], $0x20, s30, s13, $0xb8;
	[tilespmem:$0x1EE40] =	vst v63  }
0xe2: {  	_ =	swait.ge [sflag:s25], $0x1000  }
0xe3: {  	[sflag:s25] =	ssyncset.done $0x0  }
0xe4: {  	[sflag:s25] =	ssyncadd.s32 $0xFFFFF000  }
0xe5: {  	[spmem:s1] =	stream.indirect.scatter.add.f32 [tilespmem:s20], [sflag:$0x6], $0x20, s0, s13, $0xb8;
	[tilespmem:$0x1EE40] =	vst v63  }
0xe6: {  	_ =	swait.ge [sflag:s28], $0x1000  }
0xe7: {  	[sflag:s28] =	ssyncset.done $0x0  }
0xe8: {  	[sflag:s28] =	ssyncadd.s32 $0xFFFFF000  }
0xe9: {  	[tilespmem:s16], [sflag:$0x2] =	stream.indirect.gather [hbm4b:s4+s13], $0x20, s2, s13, $0xb8;
	[tilespmem:$0x1EE40] =	vst v63  }
0xea: {  	_ =	swait.ge [sflag:s17], $0x1000  }
0xeb: {  	[sflag:s17] =	ssyncset.done $0x0  }
0xec: {  	[sflag:s17] =	ssyncadd.s32 $0xFFFFF000  }
0xed: {  	[spmem:s1] =	stream.indirect.scatter.add.f32 [tilespmem:s10], [sflag:$0x4], $0x20, s7, s13, $0xb8;
	[tilespmem:$0x1EE40] =	vst v63  }
0xee: {  	_ =	swait.ge [sflag:s31], $0x1000  }
0xef: {  	[sflag:s31] =	ssyncset.done $0x0  }
0xf0: {  	[sflag:s31] =	ssyncadd.s32 $0xFFFFF000  }
0xf1: {  	[tilespmem:s20], [sflag:$0x3] =	stream.indirect.gather [hbm4b:s4+s13], $0x20, s9, s13, $0xb8;
	[tilespmem:$0x1EE40] =	vst v63  }
0xf2: {  	_ =	swait.ge [sflag:s21], $0x1000  }
0xf3: {  	[sflag:s21] =	ssyncset.done $0x0  }
0xf4: {  	[sflag:s21] =	ssyncadd.s32 $0xFFFFF000  }
0xf5: {  	[spmem:s1] =	stream.indirect.scatter.add.f32 [tilespmem:s16], [sflag:$0x5], $0x20, s3, s13, $0xb8;
	[tilespmem:$0x1EE40] =	vst v63  }
0xf6: {  	_ =	swait.ge [sflag:s23], $0x1000  }
0xf7: {  	[sflag:s23] =	ssyncset.done $0x0  }
0xf8: {  	[sflag:s23] =	ssyncadd.s32 $0xFFFFF000  }
0xf9: {  	[tilespmem:s10], [sflag:$0x1] =	stream.indirect.gather [hbm4b:s4+s13], $0x20, s12, s13, $0xb8;
	[tilespmem:$0x1EE40] =	vst v63  }
0xfa: {  	_ =	swait.ge [sflag:s25], $0x1000  }
0xfb: {  	[sflag:s25] =	ssyncset.done $0x0  }
0xfc: {  	[sflag:s25] =	ssyncadd.s32 $0xFFFFF000  }
0xfd: {  	[spmem:s1] =	stream.indirect.scatter.add.f32 [tilespmem:s20], [sflag:$0x6], $0x20, s14, s13, $0xb8;
	[tilespmem:$0x1EE40] =	vst v63  }
0xfe: {  	_ =	swait.ge [sflag:s17], $0x1000  }
0xff: {  	[sflag:s17] =	ssyncset.done $0x0  }
0x100: {  	[sflag:s17] =	ssyncadd.s32 $0xFFFFF000  }
0x101: {  	[spmem:s1] =	stream.indirect.scatter.add.f32 [tilespmem:s10], [sflag:$0x4], $0x20, s15, s13, $0xb8;
	[tilespmem:$0x1EE40] =	vst v63  }
0x102: {  	_ =	swait.ge [sflag:s23], $0x1000  }
0x103: {  	[sflag:s23] =	ssyncset.done $0x0  }
0x104: {  	s19 =	sadd.s32 $0x1, s19;
	[sflag:s23] =	ssyncadd.s32 $0xFFFFF000  }
0x105: {  	p0 =	sne.s32 s19, $0x19;
	_ =	swait.ge [sflag:s28], $0x1000  }
.Ltmp3:
0x106: {  	[sflag:s28] =	ssyncset.done $0x0;
	(pc) =	sbr.rel @p0 .LBB2_6-.Ltmp3, $4  }
0x107: {  	[sflag:s28] =	ssyncadd.s32 $0xFFFFF000  }
0x108: {  	_ =	swait.ge [sflag:s31], $0x1000  }
0x109: {  	[sflag:s31] =	ssyncset.done $0x0  }
0x10a: {  	[sflag:s31] =	ssyncadd.s32 $0xFFFFF000  }
0x10b: {  	s18 =	stileid.u32  }
0x10c: {  	[bflag:$0x0] =	sbarrier.arrive $0xFFFF;
	s19 =	sshrl.u32 s8, $0x3;
	s18 =	sshll.u32 s18, $0x6  }
0x10d: {  	s24 =	simm.s32 $0x10;
	s22 =	rddreg [dreg:$0x4];
	s18 =	sor.u32 $0x1C07, s18  }
0x10e: {  	[hbm:s22@s24], [sflag:s18] =	dma.strided [spmem:s19@s23], $0x32C8, s17, $0x4   }
0x10f: {  	_ =	swait.ge [sflag:s11], $0x32C8  }
0x110: {  	s24 =	rddreg [dreg:$0x3]  }
0x111: {  	s26 =	rddreg [dreg:$0x5];
	s18 =	sadd.s32 $0x1, s24  }
0x112: {  	p0 =	sne.s32 s18, s26  }
.Ltmp4:
0x113: {  	_ = 	snop;
	(pc) =	sbr.rel @p0 .LBB2_1-.Ltmp4, $3  }
0x114: {  	_ =	sdelay $0x1  }
0x115: {  	[sflag:s11] =	ssyncset.done $0x0  }
0x116: {  	[sflag:s11] =	ssyncadd.s32 $0xFFFFCD38  }
0x117: {  	_ =	sfence.sel $0x180000  }
0x118: {  	[bflag:$0x0] =	sbarrier.arrive $0xFFFF  }
0x119: {  	_ =	strace $0x9000004A  }
0x11a: {  	s0 =	stileid.u32;
	[bflag:$0x2] =	sbarrier.arrive $0xFFFF  }
0x11b: {  	p0 =	sne.s32 s0, $0x0;
	s0 =	rddreg [dreg:$0x2]  }
0x11c: {  	s0 =	sadd.s32 @!p0 $0x100000, s0  }
0x11d: {  	[sflag:s0] =	ssyncadd.tile.s32 @!p0 $0x1;
	_ =	shalt  }
.Lfunc_end2:
_tile_overlayer_lowered:
.L_overlay_start_2:
0x11e: {  	(tag) =	ssettag $0x2  }
0x11f: {  	s0 =	rddreg [dreg:$0x0];
	s2 =	stileid.u32  }
0x120: {  	s1 =	rddreg [dreg:$0x1];
	p0 =	sne.s32 s2, $0x0  }
0x121: {  	s3 =	rddreg [dreg:$0x2];
	[bflag:$0x3] =	sbarrier.arrive $0xFFFF;
	s2 =	simm.s32 @!p0 $0x1C07  }
0x122: {  	[timem:s3], [sflag:s2] =	dma.local @!p0 [hbm:s0], s1  }
0x123: {  	s0 =	simm.s32 @!p0 $0x7  }
0x124: {  	_ =	swait.ge @!p0 [sflag:s0], s1  }
0x125: {  	s1 =	ssub.s32 @!p0 $0x0, s1;
	[sflag:s0] =	ssyncset.done @!p0 $0x0  }
0x126: {  	[sflag:s0] =	ssyncadd.s32 @!p0 s1  }
0x127: {  	[bflag:$0x3] =	sbarrier.arrive $0xFFFF  }
0x128: {  	_ =	shalt  }

// kernel: kernel.16.cloned.1.call-start
scs
__scs_entry_jumppad:
0x0: {  	(pc) =	sbr.rel $0x88, $3  }
0x1: {  	(tag) =	ssettag $0x0;
	lr =	simm.s32 $0x1  }
0x2: {  	[smem:$0x3F8E] =	sst lr;
	_ =	strace $0xD0000000  }
0x3: {  	_ = 	snop  }
0x4: {  	_ = 	snop  }
0x5: {  	_ = 	snop  }
0x6: {  	_ = 	snop  }
0x7: {  	_ = 	snop  }
__scs_overlays_trampoline_lowered:
0x8: {  	[smem:$0x3F9D] =	sst s0  }
0x9: {  	[smem:$0x3F9E] =	sst s1  }
0xa: {  	[smem:$0x3F9F] =	sst s2  }
0xb: {  	[smem:$0x3FA0] =	sst s3  }
0xc: {  	[smem:$0x3FA1] =	sst s4  }
0xd: {  	[smem:$0x3FA2] =	sst s5  }
0xe: {  	[smem:$0x3FA3] =	sst s6  }
0xf: {  	[smem:$0x3FA4] =	sst s7  }
0x10: {  	[smem:$0x3FA5] =	sst s8  }
0x11: {  	[smem:$0x3FA6] =	sst s9;
	s0 =	simm.s32 @!p0 $0x0  }
0x12: {  	s1 =	sld [smem:$0x3F8C];
	s0 =	simm.s32 @p0 $0x1  }
0x13: {  	[smem:$0x3FA7] =	sst s0;
	s0 =	simm.s32 @!p1 $0x0  }
0x14: {  	s2 =	sld [smem:$0x3F8B];
	s0 =	simm.s32 @p1 $0x1  }
0x15: {  	[smem:$0x3FA8] =	sst s0;
	s0 =	simm.s32 @!p2 $0x0  }
0x16: {  	s3 =	sld [smem:$0x3FDB];
	s0 =	simm.s32 @p2 $0x1  }
0x17: {  	s4 =	simm.s32 $0x1BF5;
	[smem:$0x3FAA] =	sst s0  }
0x18: {  	s0 =	sld [smem:$0x3F8D];
	_ =	swait.ge [sflag:s4], $0x0  }
0x19: {  	s7 =	sld [smem:$0x3F8E]  }
0x1a: {  	s8 =	sadd.s32 $0xFFFFE003, lr  }
0x1b: {  	s9 =	sadd.s32 $0xFFFFFEF7, lr;
	s5 =	simm.s32 $0xFFFFFFFF;
	p2 =	slt.u32 s8, $0xFFFFF086  }
0x1c: {  	p1 =	slt.u32 s9, $0xF7A;
	s5 =	simm.s32 @!p2 $0x0  }
0x1d: {  	s5 =	simm.s32 @p1 $0x1;
	p0 =	seq.s32 s7, s2  }
0x1e: {  	s7 =	smul.u32 @!p0 $0xF7A, s2;
	p2 =	seq.s32 @!p0 s5, $0x0  }
0x1f: {  	s9 =	smul.u32 $0xF7A, s1;
	s8 =	simm.s32 @!p0 $0x1BF5;
	p2 =	por !p2, p0  }
0x20: {  	[sflag:s8] =	ssyncset.s32 @!p0 $0xFFFFF086;
	s6 =	sadd.s32 @!p0 s3, s7;
	s7 =	simm.s32 @!p0 $0x108  }
0x21: {  	s3 =	sadd.s32 s3, s9;
	s6 =	sadd.s32 @!p0 $0x88, s6;
	s7 =	simm.s32 @p2 $0x1082  }
0x22: {  	[simem:s7], [sflag:s8] =	dma.local @!p0 [hbm:s6], $0xF7A  }
0x23: {  	s9 =	sor.u32 $0xD0000000, s2;
	s6 =	simm.s32 $0x108;
	_ =	swait.ge @!p0 [sflag:s8], $0x0  }
0x24: {  	s3 =	sadd.s32 $0x88, s3;
	s6 =	simm.s32 @!p1 $0x1082;
	[sflag:s4] =	ssyncset.s32 $0xFFFFF086  }
0x25: {  	[simem:s6], [sflag:s4] =	dma.local [hbm:s3], $0xF7A  }
0x26: {  	[smem:$0x3F8E] =	sst s1;
	(tag) =	ssettag s2;
	_ =	strace s9  }
0x27: {  	s1 =	sld [smem:$0x3F9E]  }
0x28: {  	s2 =	sld [smem:$0x3F9F]  }
0x29: {  	s4 =	sld [smem:$0x3FA1]  }
0x2a: {  	p0 =	seq.s32 s5, $0x0;
	s5 =	sld [smem:$0x3FA2]  }
0x2b: {  	s6 =	sld [smem:$0x3FA3]  }
0x2c: {  	s7 =	sld [smem:$0x3FA4]  }
0x2d: {  	s3 =	simm.s32 $0x108;
	s8 =	sld [smem:$0x3FA5]  }
0x2e: {  	s3 =	simm.s32 @!p0 $0x1082;
	s9 =	sld [smem:$0x3FA6]  }
0x2f: {  	lr =	sadd.s32 s0, s3;
	s0 =	sld [smem:$0x3F9D]  }
0x30: {  	s3 =	sld [smem:$0x3FA0]  }
0x31: {  	[smem:$0x3FA9] =	sst s10  }
0x32: {  	s10 =	sld [smem:$0x3FA7];
	_ =	sdelay $0x3  }
0x33: {  	p0 =	seq.s32 s10, $0x1;
	s10 =	sld [smem:$0x3FA9];
	_ =	sdelay $0x3  }
0x34: {  	[smem:$0x3FA9] =	sst s10  }
0x35: {  	s10 =	sld [smem:$0x3FA8];
	_ =	sdelay $0x3  }
0x36: {  	p1 =	seq.s32 s10, $0x1;
	s10 =	sld [smem:$0x3FA9];
	_ =	sdelay $0x3  }
0x37: {  	[smem:$0x3FA9] =	sst s10  }
0x38: {  	s10 =	sld [smem:$0x3FAA]  }
0x39: {  	_ = 	snop;
	(pc) =	sbr.ind lr, $3  }
0x3a: {  	_ = 	snop  }
0x3b: {  	_ = 	snop  }
0x3c: {  	p2 =	seq.s32 s10, $0x1;
	s10 =	sld [smem:$0x3FA9]  }
0x3d: {  	_ =	shalt  }
0x3e: {  	_ =	shalt  }
0x3f: {  	_ =	shalt  }
0x40: {  	_ =	shalt  }
0x41: {  	_ =	shalt  }
0x42: {  	_ =	shalt  }
0x43: {  	_ =	shalt  }
0x44: {  	_ =	shalt  }
0x45: {  	_ =	shalt  }
0x46: {  	_ =	shalt  }
0x47: {  	_ =	shalt  }
0x48: {  	_ =	shalt  }
0x49: {  	_ =	shalt  }
0x4a: {  	_ =	shalt  }
0x4b: {  	_ =	shalt  }
0x4c: {  	_ =	shalt  }
0x4d: {  	_ =	shalt  }
0x4e: {  	_ =	shalt  }
0x4f: {  	_ =	shalt  }
0x50: {  	_ =	shalt  }
0x51: {  	_ =	shalt  }
0x52: {  	_ =	shalt  }
0x53: {  	_ =	shalt  }
0x54: {  	_ =	shalt  }
0x55: {  	_ =	shalt  }
0x56: {  	_ =	shalt  }
0x57: {  	_ =	shalt  }
0x58: {  	_ =	shalt  }
0x59: {  	_ =	shalt  }
0x5a: {  	_ =	shalt  }
0x5b: {  	_ =	shalt  }
0x5c: {  	_ =	shalt  }
0x5d: {  	_ =	shalt  }
0x5e: {  	_ =	shalt  }
0x5f: {  	_ =	shalt  }
0x60: {  	_ =	shalt  }
0x61: {  	_ =	shalt  }
0x62: {  	_ =	shalt  }
0x63: {  	_ =	shalt  }
0x64: {  	_ =	shalt  }
0x65: {  	_ =	shalt  }
0x66: {  	_ =	shalt  }
0x67: {  	_ =	shalt  }
0x68: {  	_ =	shalt  }
0x69: {  	_ =	shalt  }
0x6a: {  	_ =	shalt  }
0x6b: {  	_ =	shalt  }
0x6c: {  	_ =	shalt  }
0x6d: {  	_ =	shalt  }
0x6e: {  	_ =	shalt  }
0x6f: {  	_ =	shalt  }
0x70: {  	_ =	shalt  }
0x71: {  	_ =	shalt  }
0x72: {  	_ =	shalt  }
0x73: {  	_ =	shalt  }
0x74: {  	_ =	shalt  }
0x75: {  	_ =	shalt  }
0x76: {  	_ =	shalt  }
0x77: {  	_ =	shalt  }
0x78: {  	_ =	shalt  }
0x79: {  	_ =	shalt  }
0x7a: {  	_ =	shalt  }
0x7b: {  	_ =	shalt  }
0x7c: {  	_ =	shalt  }
0x7d: {  	_ =	shalt  }
0x7e: {  	_ =	shalt  }
0x7f: {  	_ =	shalt  }
0x80: {  	_ =	shalt  }
0x81: {  	_ =	shalt  }
0x82: {  	_ =	shalt  }
0x83: {  	_ =	shalt  }
0x84: {  	_ =	shalt  }
0x85: {  	_ =	shalt  }
0x86: {  	_ =	shalt  }
0x87: {  	_ =	shalt  }
.Lfunc_end0:
.L_simem_size_0:
called_computation.2_lowered:
.L_overlay_start_0:
0x88: {  	s2 =	sld [smem:$0x3FD9]  }
0x89: {  	s3 =	sld [smem:$0x3FFE];
	_ =	sdelay $0x1  }
0x8a: {  	s1 =	srdreg.scid  }
0x8b: {  	s0 =	sand.u32 $0x1, s1  }
0x8c: {  	s16 =	sshll.u32 s0, $0xA;
	s2 =	sadd.s32 s3, s2  }
0x8d: {  	s2 =	sadd.s32 s2, s16  }
0x8e: {  	[smem:$0x3FB5] =	sst s2  }
0x8f: {  	_ = 	snop  }
0x90: {  	(tm) =	ssettm $0x1  }
0x91: {  	s17 =	sld [smem:$0x3FFB];
	_ =	sdelay $0x3  }
0x92: {  	_ =	strace s17  }
0x93: {  	s2 =	sld [smem:$0x3FFC];
	_ =	sdelay $0x3  }
0x94: {  	_ =	strace s2  }
0x95: {  	s2 =	sld [smem:$0x3FFD];
	_ =	sdelay $0x3  }
0x96: {  	_ =	strace s2  }
0x97: {  	_ =	strace $0x8FFFFFFF  }
0x98: {  	s18 =	sld [smem:$0x3FDB];
	_ =	sdelay $0x1  }
0x99: {  	s19 =	simm.s32 $_scs_section_size  }
0x9a: {  	s4 =	simm.s32 $_size__tile_overlayer_lowered;
	s5 =	simm.s32 $_tile_overlayer_lowered  }
0x9b: {  	s22 =	simm.s32 $0x1BFF;
	s21 =	sshll.u32 s5, $0x1;
	s2 =	sadd.s32 s19, s18  }
0x9c: {  	s6 =	simm.s32 $0x0;
	s20 =	sshll.u32 s4, $0x1;
	s4 =	sadd.s32 s21, s2  }
0x9d: {  	[timem:s6], [sflag:s22] =	dma.local [hbm:s4], s20  }
0x9e: {  	_ =	swait.ge [sflag:s22], s20  }
0x9f: {  	s3 =	ssub.s32 $0x0, s20;
	[sflag:s22] =	ssyncset.done $0x0  }
0xa0: {  	[sflag:s22] =	ssyncadd.s32 s3;
	_ =	sdelay $0x1  }
0xa1: {  	s23 =	simm.s32 $0x1B8B  }
0xa2: {  	_ =	swait.ge [sflag:s23], $0x1  }
0xa3: {  	[sflag:s23] =	ssyncset.done $0x0  }
0xa4: {  	s25 =	simm.s32 $0x1B8E;
	s24 =	sld [smem:$0x3FFE];
	[sflag:s23] =	ssyncadd.s32 $0xFFFFFFFF  }
0xa5: {  	s26 =	simm.s32 $execute0_lowered;
	[smem:$0x3FD2] =	sst s25  }
0xa6: {  	s4 =	sshll.u32 s26, $0x1;
	_ =	strace $0x8000004C;
	[dreg:$0x1] =	wrdreg $0xFFFFFFFF  }
0xa7: {  	s28 =	simm.s32 $_size_execute0_lowered;
	s2 =	sadd.s32 s2, s4;
	[dreg:$0x0] =	wrdreg $0x0  }
0xa8: {  	s4 =	sshll.u32 s28, $0x1;
	[dreg:$0x2] =	wrdreg s2  }
0xa9: {  	[dreg:$0x3] =	wrdreg s4  }
0xaa: {  	[dreg:$0x4] =	wrdreg $0xC0  }
0xab: {  	_ =	task [dreg:s6], $0x5FFFF  }
0xac: {  	[dreg:$0x1] =	wrdreg $0xFFFFFFFF  }
0xad: {  	[dreg:$0x0] =	wrdreg $0x60  }
0xae: {  	[dreg:$0x2] =	wrdreg s24  }
0xaf: {  	[dreg:$0x3] =	wrdreg $0x0  }
0xb0: {  	[dreg:$0x4] =	wrdreg $0x9  }
0xb1: {  	_ =	task.clear_ibuf [dreg:s6], $0x5FFFF;
	_ =	strace $0x9000004C  }
0xb2: {  	s29 =	simm.s32 $0x9;
	_ =	strace $0x8000004E  }
0xb3: {  	_ =	swait.ge [sflag:s29], $0x1  }
0xb4: {  	[sflag:s29] =	ssyncadd.s32 $0xFFFFFFFF  }
0xb5: {  	_ =	strace $0x9000004E  }
0xb6: {  	_ =	sfence  }
0xb7: {  	s30 =	sld [smem:$0x0];
	_ =	sdelay $0x2  }
0xb8: {  	s31 =	sshll.u32 s1, $0xD;
	s1 =	sshrl.u32 s1, $0x2  }
0xb9: {  	s3 =	sand.u32 $0x4000, s31;
	s1 =	sadd.s32 s1, s30  }
0xba: {  	s0 =	sor.u32 s3, s0;
	s1 =	sshll.u32 s1, $0x11  }
0xbb: {  	s0 =	sor.u32 s1, s0  }
0xbc: {  	s0 =	sadd.s32 $0x8F2B, s0  }
0xbd: {  	[sflag:s0] =	ssyncadd.remote.s32 $0x1  }
0xbe: {  	_ =	sfence.sel $0xFFFF  }
0xbf: {  	[dreg:$0x0] =	wrdreg $0xFFFFFFFF;
	(pc) =	sbr.abs _section_cstart, $3  }
0xc0: {  	[dreg:$0x1] =	wrdreg $0xFFFFFFFF  }
0xc1: {  	_ =	task.clear_ibuf [dreg:s6], $0x2FFFF;
	_ =	strace $0x9FFFFFFF  }
0xc2: {  	(tm) =	ssettm $0x7FFFFFFF  }
0xc3: {  	_ =	shalt  }
tec
execute0_lowered:
.L_overlay_start_1:
0x0: {  	(tag) =	ssettag $0x1  }
0x1: {  	s0 =	rddreg [dreg:$0x0]  }
0x2: {  	s1 =	rddreg [dreg:$0x1];
	s2 =	srdreg.scid;
	s18 =	simm.s32 $0x0  }
0x3: {  	s6 =	stileid.u32;
	s10 =	simm.s32 $0x1BE40;
	s11 =	simm.s32 $0x7  }
0x4: {  	s13 =	simm.s32 $0x80;
	s16 =	simm.s32 $0x1CE40;
	s17 =	simm.s32 $0x1  }
0x5: {  	s20 =	simm.s32 $0x1DE40;
	s21 =	simm.s32 $0x2;
	s28 =	simm.s32 $0x5  }
0x6: {  	s31 =	simm.s32 $0x6;
	s29 =	simm.s32 $0x1BB40;
	s30 =	simm.s32 $0x1B440  }
0x7: {  	s9 =	simm.s32 $0x1B540;
	s12 =	simm.s32 $0x1B5C0;
	s3 =	smul.u32 $0xCB20, s6  }
0x8: {  	s15 =	simm.s32 $0x1BDC0;
	s14 =	sand.u32 $0x1, s2;
	s7 =	smul.u32 $0x65900, s6  }
0x9: {  	[smem:$0x7FF] =	sst s18;
	s4 =	sadd.s32 $0x1FD400, s0;
	s6 =	smul.u32 $0x19, s6  }
0xa: {  	s5 =	sadd.s32 $0x1B2400, s0;
	s2 =	smul.u32 $0xCB200, s14;
	s23 =	ssub.s32 $0x2, s14  }
0xb: {  	_ =	strace $0x8000004D;
	v0 =	vmov s14;
	s14 =	simm.s32 $0x1BD40;
	s24 =	sshrl.u32 s23, $0x1  }
0xc: {  	s25 =	sshrl.u32 s7, $0x2;
	s7 =	simm.s32 $0x1BC40;
	s2 =	sadd.s32 s3, s2  }
0xd: {  	s8 =	sadd.s32 s25, s1;
	s25 =	simm.s32 $0x3;
	s0 =	sadd.s32 s2, s0  }
0xe: {  	s3 =	simm.s32 $0x1BCC0;
	s2 =	ssub.s32 s23, s24;
	s0 =	sadd.s32 $0x5CDE00, s0  }
0xf: {  	s23 =	simm.s32 $0x4;
	s26 =	smax.u32 s2, $0x1;
	[dreg:$0x4] =	wrdreg s0  }
0x10: {  	v1 =	vimm.f32 $0.0e+00;
	s2 =	simm.s32 $0x1B4C0;
	[dreg:$0x5] =	wrdreg s26;
	s0 =	simm.s32 $0x1BBC0  }
.LBB2_1:
0x11: {  	[dreg:$0x3] =	wrdreg s18;
	s18 =	simm.s32 $0x0  }
.LBB2_2:
0x12: {  	p0 =	sne.s32 s18, $0x3F80  }
.Ltmp0:
0x13: {  	_ = 	snop;
	(pc) =	sbr.rel @p0 .LBB2_2-.Ltmp0, $4  }
0x14: {  	_ = 	snop  }
0x15: {  	s19 =	sshra.s32 s18, $0x2  }
0x16: {  	[tilespmem:s19+$0x1BE40] =	vst v1  }
0x17: {  	s18 =	sadd.s32 $0x80, s18;
	[tilespmem:s19+$0x1BE50] =	vst v1  }
0x18: {  	s18 =	sadd.s32 $0x0, s8  }
0x19: {  	[spmem:s18] =	stream.linear.scatter [tilespmem:s10], [sflag:$0x7], $0xFA0, $0x38;
	[tilespmem:$0x1EE40] =	vst v63  }
0x1a: {  	s18 =	simm.s32 $0x3E80;
	_ =	swait.ge [sflag:s11], $0xFA0  }
.LBB2_4:
0x1b: {  	s19 =	sshra.s32 s18, $0x2;
	[sflag:s11] =	ssyncset.done $0x0;
	p0 =	sne.s32 s18, $0x61A80  }
.Ltmp1:
0x1c: {  	s19 =	sadd.s32 s19, s8;
	[sflag:s11] =	ssyncadd.s32 $0xFFFFF060;
	(pc) =	sbr.rel @p0 .LBB2_4-.Ltmp1, $3  }
0x1d: {  	[spmem:s19] =	stream.linear.scatter [tilespmem:s10], [sflag:$0x7], $0xFA0, $0x38;
	[tilespmem:$0x1EE40] =	vst v63  }
0x1e: {  	s18 =	sadd.s32 $0x3E80, s18;
	_ =	sdelay $0x1  }
0x1f: {  	_ =	swait.ge [sflag:s11], $0xFA0  }
0x20: {  	[sflag:s11] =	ssyncset.done $0x0  }
0x21: {  	[sflag:s11] =	ssyncadd.s32 $0xFFFFF060  }
0x22: {  	s18 =	simm.s32 $0x0;
	s19 =	simm.s32 $0x0;
	[bflag:$0x0] =	sbarrier.arrive $0xFFFF  }
.LBB2_6:
0x23: {  	s22 =	sadd.s32 s6, s19  }
0x24: {  	s22 =	smul.u32 $0x300, s22;
	_ =	sdelay $0x1  }
0x25: {  	s24 =	simm.s32 $0x19640;
	s22 =	sadd.s32 s5, s22  }
0x26: {  	[tilespmem:s24], [sflag:$0x7] =	stream.linear.gather [hbm4b:s22+s18], $0x1800, $0x38;
	[tilespmem:$0x1EE40] =	vst v63  }
0x27: {  	_ =	swait.ge [sflag:s11], $0x1800  }
0x28: {  	[sflag:s11] =	ssyncset.done $0x0  }
0x29: {  	s22 =	simm.s32 $0x0;
	[sflag:s11] =	ssyncadd.s32 $0xFFFFE800  }
0x2a: {  	v2 =	vld [tilespmem:s22+$0x1A6B0]  }
0x2b: {  	v3 =	vld [tilespmem:s22+$0x1A640]  }
0x2c: {  	v4 =	vld [tilespmem:s22+$0x196B0]  }
0x2d: {  	v5 =	vld [tilespmem:s22+$0x1A650]  }
0x2e: {  	v6 =	vld [tilespmem:s22+$0x1A660]  }
0x2f: {  	v7 =	vld [tilespmem:s22+$0x1A670]  }
0x30: {  	v9 =	vld [tilespmem:s22+$0x1A680]  }
0x31: {  	v8 =	vshrl.u32 v2, $0x1  }
0x32: {  	v23 =	vld [tilespmem:s22+$0x196A0];
	v10 =	vshll.u32 v3, $0x1;
	v3 =	vshrl.u32 v3, $0x1;
	v2 =	vshll.u32 v2, $0x1  }
0x33: {  	v4 =	vshll.u32 v4, $0x2;
	v13 =	vshrl.u32 v5, $0x1;
	v14 =	vshrl.u32 v6, $0x1  }
0x34: {  	v11 =	vld [tilespmem:s22+$0x1A690];
	v15 =	vshrl.u32 v7, $0x1;
	v5 =	vshll.u32 v5, $0x1;
	v8 =	vmul.u32 $0x30D40, v8  }
0x35: {  	v12 =	vld [tilespmem:s22+$0x1A6A0];
	v17 =	vshrl.u32 v9, $0x1;
	v6 =	vshll.u32 v6, $0x1;
	v7 =	vshll.u32 v7, $0x1  }
0x36: {  	v9 =	vshll.u32 v9, $0x1;
	v2 =	vand.u32 $0x2, v2;
	v4 =	vadd.s32 v4, v8;
	v8 =	vld [tilespmem:s22+$0x19640]  }
0x37: {  	v62 =	vshll.u32 v23, $0x2;
	v3 =	vmul.u32 $0x30D40, v3;
	v2 =	vor.u32 v4, v2;
	v4 =	vld [tilespmem:s22+$0x19650]  }
0x38: {  	v16 =	vld [tilespmem:s22+$0x19660];
	v13 =	vmul.u32 $0x30D40, v13;
	v14 =	vmul.u32 $0x30D40, v14;
	v15 =	vmul.u32 $0x30D40, v15  }
0x39: {  	v18 =	vld [tilespmem:s22+$0x19670];
	v17 =	vmul.u32 $0x30D40, v17;
	v10 =	vand.u32 $0x2, v10;
	v2 =	vor.u32 v0, v2  }
0x3a: {  	v19 =	vld [tilespmem:s22+$0x19680];
	v61 =	vand.u32 $0x2, v7;
	v9 =	vand.u32 $0x2, v9;
	[tilespmem:s22+$0x1AEB0] =	vst v2;
	v2 =	vshrl.u32 v11, $0x1  }
0x3b: {  	v21 =	vld [tilespmem:s22+$0x19690];
	v20 =	vmul.u32 $0x30D40, v2;
	v2 =	vshrl.u32 v12, $0x1;
	v12 =	vshll.u32 v12, $0x1  }
0x3c: {  	v7 =	vld [tilespmem:s22+$0x19E90];
	v8 =	vshll.u32 v8, $0x2;
	v22 =	vmul.u32 $0x30D40, v2;
	v4 =	vshll.u32 v4, $0x2  }
0x3d: {  	v2 =	vld [tilespmem:s22+$0x19E40];
	v8 =	vadd.s32 v8, v3;
	v13 =	vadd.s32 v4, v13;
	v4 =	vshll.u32 v16, $0x2  }
0x3e: {  	v3 =	vld [tilespmem:s22+$0x19E50];
	v63 =	vor.u32 v8, v10;
	v16 =	vadd.s32 v4, v14;
	v4 =	vshll.u32 v18, $0x2  }
0x3f: {  	v8 =	vand.u32 $0x2, v12;
	v14 =	vand.u32 $0x2, v5;
	v5 =	vld [tilespmem:s22+$0x19E60];
	v18 =	vadd.s32 v4, v15  }
0x40: {  	v4 =	vshll.u32 v19, $0x2;
	v15 =	vand.u32 $0x2, v6;
	v6 =	vld [tilespmem:s22+$0x19E70];
	v19 =	vshll.u32 v21, $0x2  }
0x41: {  	v17 =	vadd.s32 v4, v17;
	v4 =	vld [tilespmem:s22+$0x19E80];
	v19 =	vadd.s32 v19, v20;
	v20 =	vadd.s32 v62, v22  }
0x42: {  	v11 =	vshll.u32 v11, $0x1;
	vm0 =	vlt.s32 v7, $0xC3B4;
	v10 =	vor.u32 v20, v8;
	v8 =	vld [tilespmem:s22+$0x19EA0]  }
0x43: {  	v11 =	vand.u32 $0x2, v11;
	v14 =	vor.u32 v13, v14;
	v12 =	vor.u32 v17, v9;
	v9 =	vld [tilespmem:s22+$0x19EB0]  }
0x44: {  	v15 =	vor.u32 v16, v15;
	v13 =	vor.u32 v18, v61;
	vm5 =	vlt.s32 v2, $0xC3B4  }
0x45: {  	v16 =	vor.u32 v0, v63;
	v11 =	vor.u32 v19, v11;
	vm4 =	vlt.s32 v3, $0xC3B4  }
0x46: {  	s26 =	simm.s32 $0x400;
	s24 =	simm.s32 $0x80;
	vm3 =	vlt.s32 v5, $0xC3B4;
	vm2 =	vlt.s32 v6, $0xC3B4;
	vm1 =	vlt.s32 v4, $0xC3B4  }
.LBB2_7:
0x47: {  	p0 =	sne.s32 s26, $0x1E00;
	v17 =	vld [tilespmem:s24+$0x1A6B0];
	[tilespmem:s22+$0x1AE40] =	vst v16;
	v14 =	vor.u32 v0, v14;
	v15 =	vor.u32 v0, v15;
	vm6 =	vlt.s32 v8, $0xC3B4  }
0x48: {  	v13 =	vor.u32 v0, v13;
	v12 =	vor.u32 v0, v12;
	v16 =	vld [tilespmem:s24+$0x1A640];
	[tilespmem:s22+$0x1AE50] =	vst v14;
	vm7 =	vlt.s32 v9, $0xC3B4  }
0x49: {  	v2 =	vnsel vm5, $0xC3B4, v2;
	v11 =	vor.u32 v0, v11;
	v10 =	vor.u32 v0, v10;
	v14 =	vld [tilespmem:s24+$0x196B0];
	[tilespmem:s22+$0x1AE60] =	vst v15  }
0x4a: {  	v3 =	vnsel vm4, $0xC3B4, v3;
	v5 =	vnsel vm3, $0xC3B4, v5;
	v6 =	vnsel vm2, $0xC3B4, v6;
	v15 =	vld [tilespmem:s24+$0x1A650];
	[tilespmem:s22+$0x1AE70] =	vst v13  }
0x4b: {  	v4 =	vnsel vm1, $0xC3B4, v4;
	v7 =	vnsel vm0, $0xC3B4, v7;
	v8 =	vnsel vm6, $0xC3B4, v8;
	v13 =	vld [tilespmem:s24+$0x1A660];
	[tilespmem:s22+$0x1AE80] =	vst v12  }
0x4c: {  	v9 =	vnsel vm7, $0xC3B4, v9;
	v12 =	vld [tilespmem:s24+$0x1A670];
	v18 =	vshrl.u32 v17, $0x1;
	[tilespmem:s22+$0x1AE90] =	vst v11  }
0x4d: {  	v11 =	vshll.u32 v16, $0x1;
	v16 =	vshrl.u32 v16, $0x1;
	v19 =	vld [tilespmem:s24+$0x1A680];
	v18 =	vmul.u32 $0x30D40, v18;
	[tilespmem:s22+$0x1AEA0] =	vst v10  }
0x4e: {  	v17 =	vshll.u32 v17, $0x1;
	v10 =	vmul.u32 $0x30D40, v16;
	v16 =	vld [tilespmem:s24+$0x1A690];
	v14 =	vshll.u32 v14, $0x2;
	[tilespmem:s22+$0x1B640] =	vst v2  }
0x4f: {  	v17 =	vand.u32 $0x2, v17;
	v2 =	vshrl.u32 v15, $0x1;
	v20 =	vld [tilespmem:s24+$0x1A6A0];
	v14 =	vadd.s32 v14, v18;
	[tilespmem:s22+$0x1B650] =	vst v3  }
0x50: {  	v3 =	vld [tilespmem:s24+$0x19640];
	v18 =	vmul.u32 $0x30D40, v2;
	v2 =	vshrl.u32 v13, $0x1;
	v14 =	vor.u32 v14, v17;
	[tilespmem:s22+$0x1B660] =	vst v5  }
0x51: {  	v5 =	vld [tilespmem:s24+$0x19650];
	v17 =	vmul.u32 $0x30D40, v2;
	v2 =	vshrl.u32 v12, $0x1;
	v14 =	vor.u32 v0, v14;
	[tilespmem:s22+$0x1B670] =	vst v6  }
0x52: {  	v6 =	vshll.u32 v15, $0x1;
	v15 =	vld [tilespmem:s24+$0x19660];
	v21 =	vmul.u32 $0x30D40, v2;
	v2 =	vshrl.u32 v19, $0x1;
	[tilespmem:s24+$0x1AEB0] =	vst v14  }
0x53: {  	v13 =	vshll.u32 v13, $0x1;
	v14 =	vld [tilespmem:s24+$0x19670];
	v22 =	vmul.u32 $0x30D40, v2;
	v2 =	vshrl.u32 v16, $0x1;
	[tilespmem:s22+$0x1B680] =	vst v4  }
0x54: {  	v4 =	vshll.u32 v12, $0x1;
	v12 =	vld [tilespmem:s24+$0x19680];
	v23 =	vmul.u32 $0x30D40, v2;
	v2 =	vshrl.u32 v20, $0x1;
	[tilespmem:s22+$0x1B690] =	vst v7  }
0x55: {  	v7 =	vshll.u32 v19, $0x1;
	v3 =	vshll.u32 v3, $0x2;
	v19 =	vld [tilespmem:s24+$0x19690];
	v24 =	vmul.u32 $0x30D40, v2;
	[tilespmem:s22+$0x1B6A0] =	vst v8  }
0x56: {  	v20 =	vshll.u32 v20, $0x1;
	v8 =	vshll.u32 v16, $0x1;
	v5 =	vshll.u32 v5, $0x2;
	v16 =	vld [tilespmem:s24+$0x196A0];
	[tilespmem:s22+$0x1B6B0] =	vst v9;
	s22 =	smov.u32 s24  }
0x57: {  	v9 =	vadd.s32 v3, v10;
	v2 =	vld [tilespmem:s22+$0x19E40];
	v10 =	vadd.s32 v5, v18;
	v5 =	vshll.u32 v15, $0x2  }
0x58: {  	v11 =	vand.u32 $0x2, v11;
	v3 =	vld [tilespmem:s22+$0x19E50];
	v15 =	vadd.s32 v5, v17;
	v14 =	vshll.u32 v14, $0x2  }
0x59: {  	v17 =	vand.u32 $0x2, v6;
	v5 =	vld [tilespmem:s22+$0x19E60];
	v18 =	vadd.s32 v14, v21;
	v12 =	vshll.u32 v12, $0x2  }
0x5a: {  	v13 =	vand.u32 $0x2, v13;
	v6 =	vld [tilespmem:s22+$0x19E70];
	v12 =	vadd.s32 v12, v22;
	v14 =	vshll.u32 v19, $0x2  }
0x5b: {  	v19 =	vand.u32 $0x2, v4;
	v4 =	vld [tilespmem:s22+$0x19E80];
	v21 =	vadd.s32 v14, v23;
	v14 =	vshll.u32 v16, $0x2  }
0x5c: {  	v22 =	vand.u32 $0x2, v8;
	v16 =	vand.u32 $0x2, v7;
	v7 =	vld [tilespmem:s22+$0x19E90];
	v23 =	vadd.s32 v14, v24  }
.Ltmp2:
0x5d: {  	v24 =	vor.u32 v9, v11;
	v14 =	vor.u32 v10, v17;
	v10 =	vand.u32 $0x2, v20;
	v8 =	vld [tilespmem:s22+$0x19EA0];
	(pc) =	sbr.rel @p0 .LBB2_7-.Ltmp2, $4  }
0x5e: {  	v15 =	vor.u32 v15, v13;
	v13 =	vor.u32 v18, v19;
	v12 =	vor.u32 v12, v16;
	v9 =	vld [tilespmem:s22+$0x19EB0]  }
0x5f: {  	vm5 =	vlt.s32 v2, $0xC3B4;
	v11 =	vor.u32 v21, v22;
	v10 =	vor.u32 v23, v10  }
0x60: {  	vm4 =	vlt.s32 v3, $0xC3B4;
	vm3 =	vlt.s32 v5, $0xC3B4;
	vm2 =	vlt.s32 v6, $0xC3B4  }
0x61: {  	s24 =	sshra.s32 s26, $0x2;
	s26 =	sadd.s32 $0x200, s26;
	v16 =	vor.u32 v0, v24;
	vm1 =	vlt.s32 v4, $0xC3B4;
	vm0 =	vlt.s32 v7, $0xC3B4  }
0x62: {  	v17 =	vld [tilespmem:s24+$0x1A6B0]  }
0x63: {  	[tilespmem:s22+$0x1AE40] =	vst v16;
	v14 =	vor.u32 v0, v14  }
0x64: {  	v28 =	vor.u32 v0, v15;
	v16 =	vld [tilespmem:s24+$0x1A640];
	[tilespmem:s22+$0x1AE50] =	vst v14  }
0x65: {  	v13 =	vor.u32 v0, v13;
	v12 =	vor.u32 v0, v12;
	v11 =	vor.u32 v0, v11;
	v29 =	vld [tilespmem:s24+$0x196B0];
	[tilespmem:s22+$0x1AE60] =	vst v28  }
0x66: {  	v10 =	vor.u32 v0, v10;
	v2 =	vnsel vm5, $0xC3B4, v2;
	vm6 =	vlt.s32 v8, $0xC3B4;
	v14 =	vld [tilespmem:s24+$0x1A650];
	[tilespmem:s22+$0x1AE70] =	vst v13  }
0x67: {  	v36 =	vnsel vm0, $0xC3B4, v7;
	vm7 =	vlt.s32 v9, $0xC3B4;
	v13 =	vld [tilespmem:s24+$0x1A660];
	[tilespmem:s22+$0x1AE80] =	vst v12;
	v18 =	vshrl.u32 v17, $0x1  }
0x68: {  	v37 =	vnsel vm6, $0xC3B4, v8;
	v12 =	vld [tilespmem:s24+$0x1A670];
	[tilespmem:s22+$0x1AE90] =	vst v11;
	v17 =	vshll.u32 v17, $0x1;
	v30 =	vmul.u32 $0x30D40, v18  }
0x69: {  	v11 =	vld [tilespmem:s24+$0x1A680];
	[tilespmem:s22+$0x1AEA0] =	vst v10;
	v32 =	vand.u32 $0x2, v17;
	v38 =	vshll.u32 v16, $0x1;
	v39 =	vshrl.u32 v16, $0x1  }
0x6a: {  	v10 =	vld [tilespmem:s24+$0x1A690];
	[tilespmem:s22+$0x1B640] =	vst v2;
	v2 =	vnsel vm4, $0xC3B4, v3;
	v15 =	vshll.u32 v29, $0x2;
	v8 =	vand.u32 $0x2, v38  }
0x6b: {  	v3 =	vld [tilespmem:s24+$0x1A6A0];
	[tilespmem:s22+$0x1B650] =	vst v2;
	v2 =	vnsel vm3, $0xC3B4, v5;
	v5 =	vadd.s32 v15, v30;
	v41 =	vshrl.u32 v14, $0x1  }
0x6c: {  	v14 =	vshll.u32 v14, $0x1;
	v31 =	vld [tilespmem:s24+$0x19640];
	[tilespmem:s22+$0x1B660] =	vst v2;
	v2 =	vnsel vm2, $0xC3B4, v6;
	v5 =	vor.u32 v5, v32  }
0x6d: {  	v19 =	vshrl.u32 v13, $0x1;
	v42 =	vmul.u32 $0x30D40, v41;
	v45 =	vshll.u32 v13, $0x1  }
0x6e: {  	v14 =	vand.u32 $0x2, v14;
	v33 =	vld [tilespmem:s24+$0x19650];
	[tilespmem:s22+$0x1B670] =	vst v2;
	v2 =	vor.u32 v0, v5;
	v43 =	vmul.u32 $0x30D40, v19  }
0x6f: {  	v44 =	vshrl.u32 v12, $0x1;
	v7 =	vand.u32 $0x2, v45;
	[tilespmem:s24+$0x1AEB0] =	vst v2;
	v2 =	vnsel vm1, $0xC3B4, v4  }
0x70: {  	v34 =	vld [tilespmem:s24+$0x19660];
	v19 =	vmul.u32 $0x30D40, v44;
	v21 =	vshrl.u32 v11, $0x1;
	v11 =	vshll.u32 v11, $0x1  }
0x71: {  	v35 =	vld [tilespmem:s24+$0x19670];
	[tilespmem:s22+$0x1B680] =	vst v2;
	v2 =	vnsel vm7, $0xC3B4, v9;
	v9 =	vmul.u32 $0x30D40, v39;
	v46 =	vmul.u32 $0x30D40, v21  }
0x72: {  	v47 =	vshrl.u32 v10, $0x1;
	v10 =	vshll.u32 v10, $0x1;
	v11 =	vand.u32 $0x2, v11  }
0x73: {  	v40 =	vld [tilespmem:s24+$0x19680];
	[tilespmem:s22+$0x1B690] =	vst v36;
	v48 =	vmul.u32 $0x30D40, v47;
	v49 =	vshrl.u32 v3, $0x1;
	v3 =	vshll.u32 v3, $0x1  }
0x74: {  	v59 =	vand.u32 $0x2, v10;
	v20 =	vld [tilespmem:s24+$0x19690];
	[tilespmem:s22+$0x1B6A0] =	vst v37;
	v18 =	vshll.u32 v31, $0x2;
	v21 =	vmul.u32 $0x30D40, v49  }
0x75: {  	v3 =	vand.u32 $0x2, v3;
	v22 =	vld [tilespmem:s24+$0x196A0];
	[tilespmem:s22+$0x1B6B0] =	vst v2;
	v2 =	vshll.u32 v12, $0x1;
	v15 =	vshll.u32 v33, $0x2  }
0x76: {  	v9 =	vadd.s32 v18, v9;
	v6 =	vadd.s32 v15, v42;
	v5 =	vshll.u32 v34, $0x2  }
0x77: {  	v4 =	vshll.u32 v35, $0x2;
	v2 =	vand.u32 $0x2, v2;
	v8 =	vor.u32 v9, v8  }
0x78: {  	v5 =	vadd.s32 v5, v43;
	v4 =	vadd.s32 v4, v19;
	v6 =	vor.u32 v6, v14  }
0x79: {  	v8 =	vor.u32 v0, v8;
	v16 =	vshll.u32 v40, $0x2;
	v5 =	vor.u32 v5, v7  }
0x7a: {  	v23 =	vld [tilespmem:s24+$0x19E40];
	[tilespmem:s24+$0x1AE40] =	vst v8;
	v6 =	vor.u32 v0, v6;
	v2 =	vor.u32 v4, v2;
	v13 =	vadd.s32 v16, v46  }
0x7b: {  	v50 =	vld [tilespmem:s24+$0x19E50];
	v54 =	vshll.u32 v20, $0x2;
	v60 =	vor.u32 v0, v5;
	[tilespmem:s24+$0x1AE50] =	vst v6;
	v2 =	vor.u32 v0, v2  }
0x7c: {  	v51 =	vld [tilespmem:s24+$0x19E60];
	v12 =	vadd.s32 v54, v48;
	v57 =	vshll.u32 v22, $0x2;
	v62 =	vor.u32 v13, v11;
	[tilespmem:s24+$0x1AE60] =	vst v60  }
0x7d: {  	v52 =	vld [tilespmem:s24+$0x19E70];
	[tilespmem:s24+$0x1AE70] =	vst v2;
	v61 =	vadd.s32 v57, v21;
	v63 =	vor.u32 v12, v59;
	v6 =	vor.u32 v0, v62  }
0x7e: {  	v53 =	vld [tilespmem:s24+$0x19E80];
	v2 =	vor.u32 v61, v3;
	v3 =	vor.u32 v0, v63;
	[tilespmem:s24+$0x1AE80] =	vst v6  }
0x7f: {  	v55 =	vld [tilespmem:s24+$0x19E90];
	vm8 =	vlt.s32 v23, $0xC3B4;
	v2 =	vor.u32 v0, v2;
	[tilespmem:s24+$0x1AE90] =	vst v3  }
0x80: {  	v56 =	vld [tilespmem:s24+$0x19EA0];
	vm9 =	vlt.s32 v50, $0xC3B4;
	v3 =	vnsel vm8, $0xC3B4, v23;
	[tilespmem:s24+$0x1AEA0] =	vst v2  }
0x81: {  	v58 =	vld [tilespmem:s24+$0x19EB0];
	vm10 =	vlt.s32 v51, $0xC3B4;
	v2 =	vnsel vm9, $0xC3B4, v50;
	[tilespmem:s24+$0x1B640] =	vst v3  }
0x82: {  	vm11 =	vlt.s32 v52, $0xC3B4;
	v3 =	vnsel vm10, $0xC3B4, v51;
	[tilespmem:s24+$0x1B650] =	vst v2  }
0x83: {  	vm12 =	vlt.s32 v53, $0xC3B4;
	v2 =	vnsel vm11, $0xC3B4, v52;
	[tilespmem:s24+$0x1B660] =	vst v3  }
0x84: {  	vm13 =	vlt.s32 v55, $0xC3B4;
	v3 =	vnsel vm12, $0xC3B4, v53;
	[tilespmem:s24+$0x1B670] =	vst v2  }
0x85: {  	vm14 =	vlt.s32 v56, $0xC3B4;
	v2 =	vnsel vm13, $0xC3B4, v55;
	[tilespmem:s24+$0x1B680] =	vst v3  }
0x86: {  	vm15 =	vlt.s32 v58, $0xC3B4;
	v3 =	vnsel vm14, $0xC3B4, v56;
	[tilespmem:s24+$0x1B690] =	vst v2  }
0x87: {  	v2 =	vnsel vm15, $0xC3B4, v58;
	[tilespmem:s24+$0x1B6A0] =	vst v3  }
0x88: {  	[tilespmem:s24+$0x1B6B0] =	vst v2;
	s24 =	simm.s32 $0x1AE40  }
0x89: {  	[tilespmem:s10], [sflag:$0x1] =	stream.indirect.gather [hbm4b:s4+s13], $0x20, s24, s13, $0xb8;
	[tilespmem:$0x1EE40] =	vst v63  }
0x8a: {  	s26 =	simm.s32 $0x1AEC0  }
0x8b: {  	[tilespmem:s16], [sflag:$0x2] =	stream.indirect.gather [hbm4b:s4+s13], $0x20, s26, s13, $0xb8;
	[tilespmem:$0x1EE40] =	vst v63  }
0x8c: {  	_ =	swait.ge [sflag:s17], $0x1000  }
0x8d: {  	[sflag:s17] =	ssyncset.done $0x0  }
0x8e: {  	s24 =	simm.s32 $0x1B640;
	[sflag:s17] =	ssyncadd.s32 $0xFFFFF000  }
0x8f: {  	[spmem:s1] =	stream.indirect.scatter.add.f32 [tilespmem:s10], [sflag:$0x4], $0x20, s24, s13, $0xb8;
	[tilespmem:$0x1EE40] =	vst v63  }
0x90: {  	s26 =	simm.s32 $0x1AF40  }
0x91: {  	[tilespmem:s20], [sflag:$0x3] =	stream.indirect.gather [hbm4b:s4+s13], $0x20, s26, s13, $0xb8;
	[tilespmem:$0x1EE40] =	vst v63  }
0x92: {  	_ =	swait.ge [sflag:s21], $0x1000  }
0x93: {  	[sflag:s21] =	ssyncset.done $0x0  }
0x94: {  	s24 =	simm.s32 $0x1B6C0;
	[sflag:s21] =	ssyncadd.s32 $0xFFFFF000  }
0x95: {  	[spmem:s1] =	stream.indirect.scatter.add.f32 [tilespmem:s16], [sflag:$0x5], $0x20, s24, s13, $0xb8;
	[tilespmem:$0x1EE40] =	vst v63  }
0x96: {  	_ =	swait.ge [sflag:s23], $0x1000  }
0x97: {  	[sflag:s23] =	ssyncset.done $0x0  }
0x98: {  	s26 =	simm.s32 $0x1AFC0;
	[sflag:s23] =	ssyncadd.s32 $0xFFFFF000  }
0x99: {  	[tilespmem:s10], [sflag:$0x1] =	stream.indirect.gather [hbm4b:s4+s13], $0x20, s26, s13, $0xb8;
	[tilespmem:$0x1EE40] =	vst v63  }
0x9a: {  	_ =	swait.ge [sflag:s25], $0x1000  }
0x9b: {  	[sflag:s25] =	ssyncset.done $0x0  }
0x9c: {  	s24 =	simm.s32 $0x1B740;
	[sflag:s25] =	ssyncadd.s32 $0xFFFFF000  }
0x9d: {  	[spmem:s1] =	stream.indirect.scatter.add.f32 [tilespmem:s20], [sflag:$0x6], $0x20, s24, s13, $0xb8;
	[tilespmem:$0x1EE40] =	vst v63  }
0x9e: {  	_ =	swait.ge [sflag:s28], $0x1000  }
0x9f: {  	[sflag:s28] =	ssyncset.done $0x0  }
0xa0: {  	s26 =	simm.s32 $0x1B040;
	[sflag:s28] =	ssyncadd.s32 $0xFFFFF000  }
0xa1: {  	[tilespmem:s16], [sflag:$0x2] =	stream.indirect.gather [hbm4b:s4+s13], $0x20, s26, s13, $0xb8;
	[tilespmem:$0x1EE40] =	vst v63  }
0xa2: {  	_ =	swait.ge [sflag:s17], $0x1000  }
0xa3: {  	[sflag:s17] =	ssyncset.done $0x0  }
0xa4: {  	s24 =	simm.s32 $0x1B7C0;
	[sflag:s17] =	ssyncadd.s32 $0xFFFFF000  }
0xa5: {  	[spmem:s1] =	stream.indirect.scatter.add.f32 [tilespmem:s10], [sflag:$0x4], $0x20, s24, s13, $0xb8;
	[tilespmem:$0x1EE40] =	vst v63  }
0xa6: {  	_ =	swait.ge [sflag:s31], $0x1000  }
0xa7: {  	[sflag:s31] =	ssyncset.done $0x0  }
0xa8: {  	s26 =	simm.s32 $0x1B0C0;
	[sflag:s31] =	ssyncadd.s32 $0xFFFFF000  }
0xa9: {  	[tilespmem:s20], [sflag:$0x3] =	stream.indirect.gather [hbm4b:s4+s13], $0x20, s26, s13, $0xb8;
	[tilespmem:$0x1EE40] =	vst v63  }
0xaa: {  	_ =	swait.ge [sflag:s21], $0x1000  }
0xab: {  	[sflag:s21] =	ssyncset.done $0x0  }
0xac: {  	s24 =	simm.s32 $0x1B840;
	[sflag:s21] =	ssyncadd.s32 $0xFFFFF000  }
0xad: {  	[spmem:s1] =	stream.indirect.scatter.add.f32 [tilespmem:s16], [sflag:$0x5], $0x20, s24, s13, $0xb8;
	[tilespmem:$0x1EE40] =	vst v63  }
0xae: {  	_ =	swait.ge [sflag:s23], $0x1000  }
0xaf: {  	[sflag:s23] =	ssyncset.done $0x0  }
0xb0: {  	s26 =	simm.s32 $0x1B140;
	[sflag:s23] =	ssyncadd.s32 $0xFFFFF000  }
0xb1: {  	[tilespmem:s10], [sflag:$0x1] =	stream.indirect.gather [hbm4b:s4+s13], $0x20, s26, s13, $0xb8;
	[tilespmem:$0x1EE40] =	vst v63  }
0xb2: {  	_ =	swait.ge [sflag:s25], $0x1000  }
0xb3: {  	[sflag:s25] =	ssyncset.done $0x0  }
0xb4: {  	s24 =	simm.s32 $0x1B8C0;
	[sflag:s25] =	ssyncadd.s32 $0xFFFFF000  }
0xb5: {  	[spmem:s1] =	stream.indirect.scatter.add.f32 [tilespmem:s20], [sflag:$0x6], $0x20, s24, s13, $0xb8;
	[tilespmem:$0x1EE40] =	vst v63  }
0xb6: {  	_ =	swait.ge [sflag:s28], $0x1000  }
0xb7: {  	[sflag:s28] =	ssyncset.done $0x0  }
0xb8: {  	s26 =	simm.s32 $0x1B1C0;
	[sflag:s28] =	ssyncadd.s32 $0xFFFFF000  }
0xb9: {  	[tilespmem:s16], [sflag:$0x2] =	stream.indirect.gather [hbm4b:s4+s13], $0x20, s26, s13, $0xb8;
	[tilespmem:$0x1EE40] =	vst v63  }
0xba: {  	_ =	swait.ge [sflag:s17], $0x1000  }
0xbb: {  	[sflag:s17] =	ssyncset.done $0x0  }
0xbc: {  	s24 =	simm.s32 $0x1B940;
	[sflag:s17] =	ssyncadd.s32 $0xFFFFF000  }
0xbd: {  	[spmem:s1] =	stream.indirect.scatter.add.f32 [tilespmem:s10], [sflag:$0x4], $0x20, s24, s13, $0xb8;
	[tilespmem:$0x1EE40] =	vst v63  }
0xbe: {  	_ =	swait.ge [sflag:s31], $0x1000  }
0xbf: {  	[sflag:s31] =	ssyncset.done $0x0  }
0xc0: {  	s26 =	simm.s32 $0x1B240;
	[sflag:s31] =	ssyncadd.s32 $0xFFFFF000  }
0xc1: {  	[tilespmem:s20], [sflag:$0x3] =	stream.indirect.gather [hbm4b:s4+s13], $0x20, s26, s13, $0xb8;
	[tilespmem:$0x1EE40] =	vst v63  }
0xc2: {  	_ =	swait.ge [sflag:s21], $0x1000  }
0xc3: {  	[sflag:s21] =	ssyncset.done $0x0  }
0xc4: {  	s24 =	simm.s32 $0x1B9C0;
	[sflag:s21] =	ssyncadd.s32 $0xFFFFF000  }
0xc5: {  	[spmem:s1] =	stream.indirect.scatter.add.f32 [tilespmem:s16], [sflag:$0x5], $0x20, s24, s13, $0xb8;
	[tilespmem:$0x1EE40] =	vst v63  }
0xc6: {  	_ =	swait.ge [sflag:s23], $0x1000  }
0xc7: {  	[sflag:s23] =	ssyncset.done $0x0  }
0xc8: {  	s26 =	simm.s32 $0x1B2C0;
	[sflag:s23] =	ssyncadd.s32 $0xFFFFF000  }
0xc9: {  	[tilespmem:s10], [sflag:$0x1] =	stream.indirect.gather [hbm4b:s4+s13], $0x20, s26, s13, $0xb8;
	[tilespmem:$0x1EE40] =	vst v63  }
0xca: {  	_ =	swait.ge [sflag:s25], $0x1000  }
0xcb: {  	[sflag:s25] =	ssyncset.done $0x0  }
0xcc: {  	s24 =	simm.s32 $0x1BA40;
	[sflag:s25] =	ssyncadd.s32 $0xFFFFF000  }
0xcd: {  	[spmem:s1] =	stream.indirect.scatter.add.f32 [tilespmem:s20], [sflag:$0x6], $0x20, s24, s13, $0xb8;
	[tilespmem:$0x1EE40] =	vst v63  }
0xce: {  	_ =	swait.ge [sflag:s28], $0x1000  }
0xcf: {  	[sflag:s28] =	ssyncset.done $0x0  }
0xd0: {  	s26 =	simm.s32 $0x1B340;
	[sflag:s28] =	ssyncadd.s32 $0xFFFFF000  }
0xd1: {  	[tilespmem:s16], [sflag:$0x2] =	stream.indirect.gather [hbm4b:s4+s13], $0x20, s26, s13, $0xb8;
	[tilespmem:$0x1EE40] =	vst v63  }
0xd2: {  	_ =	swait.ge [sflag:s17], $0x1000  }
0xd3: {  	[sflag:s17] =	ssyncset.done $0x0  }
0xd4: {  	s24 =	simm.s32 $0x1BAC0;
	[sflag:s17] =	ssyncadd.s32 $0xFFFFF000  }
0xd5: {  	[spmem:s1] =	stream.indirect.scatter.add.f32 [tilespmem:s10], [sflag:$0x4], $0x20, s24, s13, $0xb8;
	[tilespmem:$0x1EE40] =	vst v63  }
0xd6: {  	_ =	swait.ge [sflag:s31], $0x1000  }
0xd7: {  	[sflag:s31] =	ssyncset.done $0x0  }
0xd8: {  	s26 =	simm.s32 $0x1B3C0;
	[sflag:s31] =	ssyncadd.s32 $0xFFFFF000  }
0xd9: {  	[tilespmem:s20], [sflag:$0x3] =	stream.indirect.gather [hbm4b:s4+s13], $0x20, s26, s13, $0xb8;
	[tilespmem:$0x1EE40] =	vst v63  }
0xda: {  	_ =	swait.ge [sflag:s21], $0x1000  }
0xdb: {  	[sflag:s21] =	ssyncset.done $0x0  }
0xdc: {  	[sflag:s21] =	ssyncadd.s32 $0xFFFFF000  }
0xdd: {  	[spmem:s1] =	stream.indirect.scatter.add.f32 [tilespmem:s16], [sflag:$0x5], $0x20, s29, s13, $0xb8;
	[tilespmem:$0x1EE40] =	vst v63  }
0xde: {  	_ =	swait.ge [sflag:s23], $0x1000  }
0xdf: {  	[sflag:s23] =	ssyncset.done $0x0  }
0xe0: {  	[sflag:s23] =	ssyncadd.s32 $0xFFFFF000  }
0xe1: {  	[tilespmem:s10], [sflag:$0x1] =	stream.indirect.gather [hbm4b:s4+s13], $0x20, s30, s13, $0xb8;
	[tilespmem:$0x1EE40] =	vst v63  }
0xe2: {  	_ =	swait.ge [sflag:s25], $0x1000  }
0xe3: {  	[sflag:s25] =	ssyncset.done $0x0  }
0xe4: {  	[sflag:s25] =	ssyncadd.s32 $0xFFFFF000  }
0xe5: {  	[spmem:s1] =	stream.indirect.scatter.add.f32 [tilespmem:s20], [sflag:$0x6], $0x20, s0, s13, $0xb8;
	[tilespmem:$0x1EE40] =	vst v63  }
0xe6: {  	_ =	swait.ge [sflag:s28], $0x1000  }
0xe7: {  	[sflag:s28] =	ssyncset.done $0x0  }
0xe8: {  	[sflag:s28] =	ssyncadd.s32 $0xFFFFF000  }
0xe9: {  	[tilespmem:s16], [sflag:$0x2] =	stream.indirect.gather [hbm4b:s4+s13], $0x20, s2, s13, $0xb8;
	[tilespmem:$0x1EE40] =	vst v63  }
0xea: {  	_ =	swait.ge [sflag:s17], $0x1000  }
0xeb: {  	[sflag:s17] =	ssyncset.done $0x0  }
0xec: {  	[sflag:s17] =	ssyncadd.s32 $0xFFFFF000  }
0xed: {  	[spmem:s1] =	stream.indirect.scatter.add.f32 [tilespmem:s10], [sflag:$0x4], $0x20, s7, s13, $0xb8;
	[tilespmem:$0x1EE40] =	vst v63  }
0xee: {  	_ =	swait.ge [sflag:s31], $0x1000  }
0xef: {  	[sflag:s31] =	ssyncset.done $0x0  }
0xf0: {  	[sflag:s31] =	ssyncadd.s32 $0xFFFFF000  }
0xf1: {  	[tilespmem:s20], [sflag:$0x3] =	stream.indirect.gather [hbm4b:s4+s13], $0x20, s9, s13, $0xb8;
	[tilespmem:$0x1EE40] =	vst v63  }
0xf2: {  	_ =	swait.ge [sflag:s21], $0x1000  }
0xf3: {  	[sflag:s21] =	ssyncset.done $0x0  }
0xf4: {  	[sflag:s21] =	ssyncadd.s32 $0xFFFFF000  }
0xf5: {  	[spmem:s1] =	stream.indirect.scatter.add.f32 [tilespmem:s16], [sflag:$0x5], $0x20, s3, s13, $0xb8;
	[tilespmem:$0x1EE40] =	vst v63  }
0xf6: {  	_ =	swait.ge [sflag:s23], $0x1000  }
0xf7: {  	[sflag:s23] =	ssyncset.done $0x0  }
0xf8: {  	[sflag:s23] =	ssyncadd.s32 $0xFFFFF000  }
0xf9: {  	[tilespmem:s10], [sflag:$0x1] =	stream.indirect.gather [hbm4b:s4+s13], $0x20, s12, s13, $0xb8;
	[tilespmem:$0x1EE40] =	vst v63  }
0xfa: {  	_ =	swait.ge [sflag:s25], $0x1000  }
0xfb: {  	[sflag:s25] =	ssyncset.done $0x0  }
0xfc: {  	[sflag:s25] =	ssyncadd.s32 $0xFFFFF000  }
0xfd: {  	[spmem:s1] =	stream.indirect.scatter.add.f32 [tilespmem:s20], [sflag:$0x6], $0x20, s14, s13, $0xb8;
	[tilespmem:$0x1EE40] =	vst v63  }
0xfe: {  	_ =	swait.ge [sflag:s17], $0x1000  }
0xff: {  	[sflag:s17] =	ssyncset.done $0x0  }
0x100: {  	[sflag:s17] =	ssyncadd.s32 $0xFFFFF000  }
0x101: {  	[spmem:s1] =	stream.indirect.scatter.add.f32 [tilespmem:s10], [sflag:$0x4], $0x20, s15, s13, $0xb8;
	[tilespmem:$0x1EE40] =	vst v63  }
0x102: {  	_ =	swait.ge [sflag:s23], $0x1000  }
0x103: {  	[sflag:s23] =	ssyncset.done $0x0  }
0x104: {  	s19 =	sadd.s32 $0x1, s19;
	[sflag:s23] =	ssyncadd.s32 $0xFFFFF000  }
0x105: {  	p0 =	sne.s32 s19, $0x19;
	_ =	swait.ge [sflag:s28], $0x1000  }
.Ltmp3:
0x106: {  	[sflag:s28] =	ssyncset.done $0x0;
	(pc) =	sbr.rel @p0 .LBB2_6-.Ltmp3, $4  }
0x107: {  	[sflag:s28] =	ssyncadd.s32 $0xFFFFF000  }
0x108: {  	_ =	swait.ge [sflag:s31], $0x1000  }
0x109: {  	[sflag:s31] =	ssyncset.done $0x0  }
0x10a: {  	[sflag:s31] =	ssyncadd.s32 $0xFFFFF000  }
0x10b: {  	s18 =	stileid.u32  }
0x10c: {  	[bflag:$0x0] =	sbarrier.arrive $0xFFFF;
	s19 =	sshrl.u32 s8, $0x3;
	s18 =	sshll.u32 s18, $0x6  }
0x10d: {  	s24 =	simm.s32 $0x10;
	s22 =	rddreg [dreg:$0x4];
	s18 =	sor.u32 $0x1C07, s18  }
0x10e: {  	[hbm:s22@s24], [sflag:s18] =	dma.strided [spmem:s19@s23], $0x32C8, s17, $0x4   }
0x10f: {  	_ =	swait.ge [sflag:s11], $0x32C8  }
0x110: {  	s24 =	rddreg [dreg:$0x3]  }
0x111: {  	s26 =	rddreg [dreg:$0x5];
	s18 =	sadd.s32 $0x1, s24  }
0x112: {  	p0 =	sne.s32 s18, s26  }
.Ltmp4:
0x113: {  	_ = 	snop;
	(pc) =	sbr.rel @p0 .LBB2_1-.Ltmp4, $3  }
0x114: {  	_ =	sdelay $0x1  }
0x115: {  	[sflag:s11] =	ssyncset.done $0x0  }
0x116: {  	[sflag:s11] =	ssyncadd.s32 $0xFFFFCD38  }
0x117: {  	_ =	sfence.sel $0x180000  }
0x118: {  	[bflag:$0x0] =	sbarrier.arrive $0xFFFF  }
0x119: {  	_ =	strace $0x9000004D  }
0x11a: {  	s0 =	stileid.u32;
	[bflag:$0x2] =	sbarrier.arrive $0xFFFF  }
0x11b: {  	p0 =	sne.s32 s0, $0x0;
	s0 =	rddreg [dreg:$0x2]  }
0x11c: {  	s0 =	sadd.s32 @!p0 $0x100000, s0  }
0x11d: {  	[sflag:s0] =	ssyncadd.tile.s32 @!p0 $0x1;
	_ =	shalt  }
.Lfunc_end2:
_tile_overlayer_lowered:
.L_overlay_start_2:
0x11e: {  	(tag) =	ssettag $0x2  }
0x11f: {  	s0 =	rddreg [dreg:$0x0];
	s2 =	stileid.u32  }
0x120: {  	s1 =	rddreg [dreg:$0x1];
	p0 =	sne.s32 s2, $0x0  }
0x121: {  	s3 =	rddreg [dreg:$0x2];
	[bflag:$0x3] =	sbarrier.arrive $0xFFFF;
	s2 =	simm.s32 @!p0 $0x1C07  }
0x122: {  	[timem:s3], [sflag:s2] =	dma.local @!p0 [hbm:s0], s1  }
0x123: {  	s0 =	simm.s32 @!p0 $0x7  }
0x124: {  	_ =	swait.ge @!p0 [sflag:s0], s1  }
0x125: {  	s1 =	ssub.s32 @!p0 $0x0, s1;
	[sflag:s0] =	ssyncset.done @!p0 $0x0  }
0x126: {  	[sflag:s0] =	ssyncadd.s32 @!p0 s1  }
0x127: {  	[bflag:$0x3] =	sbarrier.arrive $0xFFFF  }
0x128: {  	_ =	shalt  }

// kernel: kernel.19.cloned.1.call-start
scs
__scs_entry_jumppad:
0x0: {  	(pc) =	sbr.rel $0x88, $3  }
0x1: {  	(tag) =	ssettag $0x0;
	lr =	simm.s32 $0x1  }
0x2: {  	[smem:$0x3F8E] =	sst lr;
	_ =	strace $0xD0000000  }
0x3: {  	_ = 	snop  }
0x4: {  	_ = 	snop  }
0x5: {  	_ = 	snop  }
0x6: {  	_ = 	snop  }
0x7: {  	_ = 	snop  }
__scs_overlays_trampoline_lowered:
0x8: {  	[smem:$0x3F9D] =	sst s0  }
0x9: {  	[smem:$0x3F9E] =	sst s1  }
0xa: {  	[smem:$0x3F9F] =	sst s2  }
0xb: {  	[smem:$0x3FA0] =	sst s3  }
0xc: {  	[smem:$0x3FA1] =	sst s4  }
0xd: {  	[smem:$0x3FA2] =	sst s5  }
0xe: {  	[smem:$0x3FA3] =	sst s6  }
0xf: {  	[smem:$0x3FA4] =	sst s7  }
0x10: {  	[smem:$0x3FA5] =	sst s8  }
0x11: {  	[smem:$0x3FA6] =	sst s9;
	s0 =	simm.s32 @!p0 $0x0  }
0x12: {  	s1 =	sld [smem:$0x3F8C];
	s0 =	simm.s32 @p0 $0x1  }
0x13: {  	[smem:$0x3FA7] =	sst s0;
	s0 =	simm.s32 @!p1 $0x0  }
0x14: {  	s2 =	sld [smem:$0x3F8B];
	s0 =	simm.s32 @p1 $0x1  }
0x15: {  	[smem:$0x3FA8] =	sst s0;
	s0 =	simm.s32 @!p2 $0x0  }
0x16: {  	s3 =	sld [smem:$0x3FDB];
	s0 =	simm.s32 @p2 $0x1  }
0x17: {  	s4 =	simm.s32 $0x1BF5;
	[smem:$0x3FAA] =	sst s0  }
0x18: {  	s0 =	sld [smem:$0x3F8D];
	_ =	swait.ge [sflag:s4], $0x0  }
0x19: {  	s7 =	sld [smem:$0x3F8E]  }
0x1a: {  	s8 =	sadd.s32 $0xFFFFE003, lr  }
0x1b: {  	s9 =	sadd.s32 $0xFFFFFEF7, lr;
	s5 =	simm.s32 $0xFFFFFFFF;
	p2 =	slt.u32 s8, $0xFFFFF086  }
0x1c: {  	p1 =	slt.u32 s9, $0xF7A;
	s5 =	simm.s32 @!p2 $0x0  }
0x1d: {  	s5 =	simm.s32 @p1 $0x1;
	p0 =	seq.s32 s7, s2  }
0x1e: {  	s7 =	smul.u32 @!p0 $0xF7A, s2;
	p2 =	seq.s32 @!p0 s5, $0x0  }
0x1f: {  	s9 =	smul.u32 $0xF7A, s1;
	s8 =	simm.s32 @!p0 $0x1BF5;
	p2 =	por !p2, p0  }
0x20: {  	[sflag:s8] =	ssyncset.s32 @!p0 $0xFFFFF086;
	s6 =	sadd.s32 @!p0 s3, s7;
	s7 =	simm.s32 @!p0 $0x108  }
0x21: {  	s3 =	sadd.s32 s3, s9;
	s6 =	sadd.s32 @!p0 $0x88, s6;
	s7 =	simm.s32 @p2 $0x1082  }
0x22: {  	[simem:s7], [sflag:s8] =	dma.local @!p0 [hbm:s6], $0xF7A  }
0x23: {  	s9 =	sor.u32 $0xD0000000, s2;
	s6 =	simm.s32 $0x108;
	_ =	swait.ge @!p0 [sflag:s8], $0x0  }
0x24: {  	s3 =	sadd.s32 $0x88, s3;
	s6 =	simm.s32 @!p1 $0x1082;
	[sflag:s4] =	ssyncset.s32 $0xFFFFF086  }
0x25: {  	[simem:s6], [sflag:s4] =	dma.local [hbm:s3], $0xF7A  }
0x26: {  	[smem:$0x3F8E] =	sst s1;
	(tag) =	ssettag s2;
	_ =	strace s9  }
0x27: {  	s1 =	sld [smem:$0x3F9E]  }
0x28: {  	s2 =	sld [smem:$0x3F9F]  }
0x29: {  	s4 =	sld [smem:$0x3FA1]  }
0x2a: {  	p0 =	seq.s32 s5, $0x0;
	s5 =	sld [smem:$0x3FA2]  }
0x2b: {  	s6 =	sld [smem:$0x3FA3]  }
0x2c: {  	s7 =	sld [smem:$0x3FA4]  }
0x2d: {  	s3 =	simm.s32 $0x108;
	s8 =	sld [smem:$0x3FA5]  }
0x2e: {  	s3 =	simm.s32 @!p0 $0x1082;
	s9 =	sld [smem:$0x3FA6]  }
0x2f: {  	lr =	sadd.s32 s0, s3;
	s0 =	sld [smem:$0x3F9D]  }
0x30: {  	s3 =	sld [smem:$0x3FA0]  }
0x31: {  	[smem:$0x3FA9] =	sst s10  }
0x32: {  	s10 =	sld [smem:$0x3FA7];
	_ =	sdelay $0x3  }
0x33: {  	p0 =	seq.s32 s10, $0x1;
	s10 =	sld [smem:$0x3FA9];
	_ =	sdelay $0x3  }
0x34: {  	[smem:$0x3FA9] =	sst s10  }
0x35: {  	s10 =	sld [smem:$0x3FA8];
	_ =	sdelay $0x3  }
0x36: {  	p1 =	seq.s32 s10, $0x1;
	s10 =	sld [smem:$0x3FA9];
	_ =	sdelay $0x3  }
0x37: {  	[smem:$0x3FA9] =	sst s10  }
0x38: {  	s10 =	sld [smem:$0x3FAA]  }
0x39: {  	_ = 	snop;
	(pc) =	sbr.ind lr, $3  }
0x3a: {  	_ = 	snop  }
0x3b: {  	_ = 	snop  }
0x3c: {  	p2 =	seq.s32 s10, $0x1;
	s10 =	sld [smem:$0x3FA9]  }
0x3d: {  	_ =	shalt  }
0x3e: {  	_ =	shalt  }
0x3f: {  	_ =	shalt  }
0x40: {  	_ =	shalt  }
0x41: {  	_ =	shalt  }
0x42: {  	_ =	shalt  }
0x43: {  	_ =	shalt  }
0x44: {  	_ =	shalt  }
0x45: {  	_ =	shalt  }
0x46: {  	_ =	shalt  }
0x47: {  	_ =	shalt  }
0x48: {  	_ =	shalt  }
0x49: {  	_ =	shalt  }
0x4a: {  	_ =	shalt  }
0x4b: {  	_ =	shalt  }
0x4c: {  	_ =	shalt  }
0x4d: {  	_ =	shalt  }
0x4e: {  	_ =	shalt  }
0x4f: {  	_ =	shalt  }
0x50: {  	_ =	shalt  }
0x51: {  	_ =	shalt  }
0x52: {  	_ =	shalt  }
0x53: {  	_ =	shalt  }
0x54: {  	_ =	shalt  }
0x55: {  	_ =	shalt  }
0x56: {  	_ =	shalt  }
0x57: {  	_ =	shalt  }
0x58: {  	_ =	shalt  }
0x59: {  	_ =	shalt  }
0x5a: {  	_ =	shalt  }
0x5b: {  	_ =	shalt  }
0x5c: {  	_ =	shalt  }
0x5d: {  	_ =	shalt  }
0x5e: {  	_ =	shalt  }
0x5f: {  	_ =	shalt  }
0x60: {  	_ =	shalt  }
0x61: {  	_ =	shalt  }
0x62: {  	_ =	shalt  }
0x63: {  	_ =	shalt  }
0x64: {  	_ =	shalt  }
0x65: {  	_ =	shalt  }
0x66: {  	_ =	shalt  }
0x67: {  	_ =	shalt  }
0x68: {  	_ =	shalt  }
0x69: {  	_ =	shalt  }
0x6a: {  	_ =	shalt  }
0x6b: {  	_ =	shalt  }
0x6c: {  	_ =	shalt  }
0x6d: {  	_ =	shalt  }
0x6e: {  	_ =	shalt  }
0x6f: {  	_ =	shalt  }
0x70: {  	_ =	shalt  }
0x71: {  	_ =	shalt  }
0x72: {  	_ =	shalt  }
0x73: {  	_ =	shalt  }
0x74: {  	_ =	shalt  }
0x75: {  	_ =	shalt  }
0x76: {  	_ =	shalt  }
0x77: {  	_ =	shalt  }
0x78: {  	_ =	shalt  }
0x79: {  	_ =	shalt  }
0x7a: {  	_ =	shalt  }
0x7b: {  	_ =	shalt  }
0x7c: {  	_ =	shalt  }
0x7d: {  	_ =	shalt  }
0x7e: {  	_ =	shalt  }
0x7f: {  	_ =	shalt  }
0x80: {  	_ =	shalt  }
0x81: {  	_ =	shalt  }
0x82: {  	_ =	shalt  }
0x83: {  	_ =	shalt  }
0x84: {  	_ =	shalt  }
0x85: {  	_ =	shalt  }
0x86: {  	_ =	shalt  }
0x87: {  	_ =	shalt  }
.Lfunc_end0:
.L_simem_size_0:
called_computation.3_lowered:
.L_overlay_start_0:
0x88: {  	s2 =	sld [smem:$0x3FD9]  }
0x89: {  	s3 =	sld [smem:$0x3FFE];
	_ =	sdelay $0x1  }
0x8a: {  	s1 =	srdreg.scid  }
0x8b: {  	s0 =	sand.u32 $0x1, s1  }
0x8c: {  	s17 =	sshll.u32 s0, $0xA;
	s2 =	sadd.s32 s3, s2  }
0x8d: {  	s2 =	sadd.s32 s2, s17  }
0x8e: {  	[smem:$0x3FB5] =	sst s2  }
0x8f: {  	_ = 	snop  }
0x90: {  	s2 =	sld [smem:$0x3FC6]  }
0x91: {  	s18 =	sld [smem:$0x3FC4];
	(tm) =	ssettm $0x1  }
0x92: {  	s4 =	sld [smem:$0x3FFB];
	_ =	sdelay $0x3  }
0x93: {  	_ =	strace s4  }
0x94: {  	s4 =	sld [smem:$0x3FFC];
	_ =	sdelay $0x3  }
0x95: {  	_ =	strace s4  }
0x96: {  	s4 =	sld [smem:$0x3FFD];
	_ =	sdelay $0x3  }
0x97: {  	_ =	strace s4  }
0x98: {  	_ =	strace $0x8FFFFFFF  }
0x99: {  	s19 =	sld [smem:$0x3FDB];
	_ =	sdelay $0x1  }
0x9a: {  	s5 =	simm.s32 $_scs_section_size  }
0x9b: {  	s6 =	simm.s32 $_size__tile_overlayer_lowered;
	s7 =	simm.s32 $_tile_overlayer_lowered  }
0x9c: {  	s22 =	simm.s32 $0x1BFF;
	s21 =	sshll.u32 s7, $0x1;
	s4 =	sadd.s32 s5, s19  }
0x9d: {  	s8 =	simm.s32 $0x0;
	s20 =	sshll.u32 s6, $0x1;
	s6 =	sadd.s32 s21, s4  }
0x9e: {  	[timem:s8], [sflag:s22] =	dma.local [hbm:s6], s20  }
0x9f: {  	_ =	swait.ge [sflag:s22], s20  }
0xa0: {  	s5 =	ssub.s32 $0x0, s20;
	[sflag:s22] =	ssyncset.done $0x0  }
0xa1: {  	[sflag:s22] =	ssyncadd.s32 s5;
	_ =	sdelay $0x1  }
0xa2: {  	s23 =	simm.s32 $0x1B8B  }
0xa3: {  	_ =	swait.ge [sflag:s23], $0x1  }
0xa4: {  	[sflag:s23] =	ssyncset.done $0x0  }
0xa5: {  	s25 =	simm.s32 $0x1B8E;
	s24 =	sld [smem:$0x3FFE];
	[sflag:s23] =	ssyncadd.s32 $0xFFFFFFFF  }
0xa6: {  	s26 =	simm.s32 $execute0_lowered;
	[smem:$0x3FD2] =	sst s25  }
0xa7: {  	s6 =	sshll.u32 s26, $0x1;
	_ =	strace $0x8000004F;
	[dreg:$0x1] =	wrdreg $0xFFFFFFFF  }
0xa8: {  	s28 =	simm.s32 $_size_execute0_lowered;
	s4 =	sadd.s32 s4, s6;
	[dreg:$0x0] =	wrdreg $0x0  }
0xa9: {  	s6 =	sshll.u32 s28, $0x1;
	[dreg:$0x2] =	wrdreg s4  }
0xaa: {  	[dreg:$0x3] =	wrdreg s6  }
0xab: {  	[dreg:$0x4] =	wrdreg $0xC0  }
0xac: {  	_ =	task [dreg:s8], $0x5FFFF  }
0xad: {  	[dreg:$0x1] =	wrdreg $0xFFFFFFFF  }
0xae: {  	[dreg:$0x0] =	wrdreg $0x60  }
0xaf: {  	[dreg:$0x2] =	wrdreg s24  }
0xb0: {  	[dreg:$0x3] =	wrdreg s2  }
0xb1: {  	[dreg:$0x4] =	wrdreg s18  }
0xb2: {  	[dreg:$0x5] =	wrdreg $0x9  }
0xb3: {  	_ =	task.clear_ibuf [dreg:s8], $0x6FFFF;
	_ =	strace $0x9000004F  }
0xb4: {  	s29 =	simm.s32 $0x9;
	_ =	strace $0x80000051  }
0xb5: {  	_ =	swait.ge [sflag:s29], $0x1  }
0xb6: {  	[sflag:s29] =	ssyncadd.s32 $0xFFFFFFFF  }
0xb7: {  	_ =	strace $0x90000051  }
0xb8: {  	_ =	sfence  }
0xb9: {  	s30 =	sld [smem:$0x0];
	_ =	sdelay $0x2  }
0xba: {  	s31 =	sshll.u32 s1, $0xD;
	s1 =	sshrl.u32 s1, $0x2  }
0xbb: {  	s3 =	sand.u32 $0x4000, s31;
	s1 =	sadd.s32 s1, s30  }
0xbc: {  	s0 =	sor.u32 s3, s0;
	s1 =	sshll.u32 s1, $0x11  }
0xbd: {  	s0 =	sor.u32 s1, s0  }
0xbe: {  	s0 =	sadd.s32 $0x8F2B, s0  }
0xbf: {  	[sflag:s0] =	ssyncadd.remote.s32 $0x1  }
0xc0: {  	_ =	sfence.sel $0xFFFF  }
0xc1: {  	[dreg:$0x0] =	wrdreg $0xFFFFFFFF;
	(pc) =	sbr.abs _section_cstart, $3  }
0xc2: {  	[dreg:$0x1] =	wrdreg $0xFFFFFFFF  }
0xc3: {  	_ =	task.clear_ibuf [dreg:s8], $0x2FFFF;
	_ =	strace $0x9FFFFFFF  }
0xc4: {  	(tm) =	ssettm $0x7FFFFFFF  }
0xc5: {  	_ =	shalt  }
tec
execute0_lowered:
.L_overlay_start_1:
0x0: {  	(tag) =	ssettag $0x1  }
0x1: {  	s8 =	rddreg [dreg:$0x0];
	s1 =	srdreg.scid  }
0x2: {  	s3 =	rddreg [dreg:$0x1];
	s0 =	stileid.u32;
	s10 =	sand.u32 $0x1, s1  }
0x3: {  	s9 =	rddreg [dreg:$0x2];
	s4 =	sshll.u32 s0, $0x8;
	s5 =	sshll.u32 s10, $0x7  }
0x4: {  	s2 =	simm.s32 $0x0;
	s1 =	rddreg [dreg:$0x3];
	s11 =	sor.u32 s5, s4  }
0x5: {  	[smem:$0x7FF] =	sst s2;
	s12 =	sshrl.u32 s11, $0x3  }
0x6: {  	_ =	strace $0x80000050;
	s4 =	sadd.s32 s3, s12;
	s3 =	simm.s32 $0x2  }
0x7: {  	[tilespmem:s2], [sflag:$0x2] =	stream.linear.gather [hbm4b:s4+s2], $0x80, $0x38;
	[tilespmem:$0x4080] =	vst v63  }
0x8: {  	_ =	swait.ge [sflag:s3], $0x80  }
0x9: {  	s6 =	simm.s32 $0x80;
	[sflag:s3] =	ssyncset.done $0x0  }
0xa: {  	s7 =	simm.s32 $0x1;
	s5 =	sadd.s32 $0x1B2400, s8;
	[sflag:s3] =	ssyncadd.s32 $0xFFFFFF80  }
0xb: {  	[tilespmem:s6], [sflag:$0x1] =	stream.indirect.gather [hbm4b:s5+s6], $0x80, s2, s6, $0xb8;
	[tilespmem:$0x4080] =	vst v63  }
0xc: {  	s11 =	sshll.u32 s11, $0x4;
	_ =	swait.ge [sflag:s7], $0x4000  }
0xd: {  	s11 =	sadd.s32 s11, s8;
	[sflag:s7] =	ssyncset.done $0x0  }
0xe: {  	s8 =	sadd.s32 $0x3000, s11;
	[sflag:s7] =	ssyncadd.s32 $0xFFFFC000  }
0xf: {  	[hbm4b:s8+s2] =	stream.linear.scatter [tilespmem:s6], [sflag:$0x2], $0x4000, $0x38;
	[tilespmem:$0x4080] =	vst v63  }
0x10: {  	_ =	swait.ge [sflag:s3], $0x4000  }
0x11: {  	[sflag:s3] =	ssyncset.done $0x0  }
0x12: {  	s10 =	ssub.s32 $0x2, s10;
	s9 =	sadd.s32 s9, s12;
	[sflag:s3] =	ssyncadd.s32 $0xFFFFC000  }
0x13: {  	[tilespmem:s2], [sflag:$0x2] =	stream.linear.gather [hbm4b:s9+s2], $0x80, $0x38;
	[tilespmem:$0x4080] =	vst v63  }
0x14: {  	s30 =	sshrl.u32 s10, $0x1;
	_ =	swait.ge [sflag:s3], $0x80  }
0x15: {  	s12 =	ssub.s32 s10, s30;
	[sflag:s3] =	ssyncset.done $0x0  }
0x16: {  	s31 =	smax.u32 s12, $0x1;
	[sflag:s3] =	ssyncadd.s32 $0xFFFFFF80  }
0x17: {  	[tilespmem:s6], [sflag:$0x1] =	stream.indirect.gather [hbm4b:s5+s6], $0x80, s2, s6, $0xb8;
	[tilespmem:$0x4080] =	vst v63  }
0x18: {  	p0 =	sne.s32 s31, $0x1;
	_ =	swait.ge [sflag:s7], $0x4000  }
.Ltmp0:
0x19: {  	[sflag:s7] =	ssyncset.done $0x0;
	(pc) =	sbr.rel @!p0 .LBB2_2-.Ltmp0, $4  }
0x1a: {  	s10 =	sadd.s32 $0x13000, s11;
	[sflag:s7] =	ssyncadd.s32 $0xFFFFC000  }
0x1b: {  	[hbm4b:s10+s2] =	stream.linear.scatter [tilespmem:s6], [sflag:$0x2], $0x4000, $0x38;
	[tilespmem:$0x4080] =	vst v63  }
0x1c: {  	_ =	swait.ge [sflag:s3], $0x4000  }
0x1d: {  	s11 =	sadd.s32 $0xFFFFFFFF, s31;
	[sflag:s3] =	ssyncset.done $0x0  }
.LBB2_1:
0x1e: {  	p0 =	sne.s32 s11, $0x1;
	s11 =	sadd.s32 $0xFFFFFFFF, s11;
	[sflag:s3] =	ssyncadd.s32 $0xFFFFC000  }
0x1f: {  	[tilespmem:s2], [sflag:$0x2] =	stream.linear.gather [hbm4b:s4+s2], $0x80, $0x38;
	[tilespmem:$0x4080] =	vst v63  }
0x20: {  	_ =	swait.ge [sflag:s3], $0x80  }
0x21: {  	[sflag:s3] =	ssyncset.done $0x0  }
0x22: {  	[sflag:s3] =	ssyncadd.s32 $0xFFFFFF80  }
0x23: {  	[tilespmem:s6], [sflag:$0x1] =	stream.indirect.gather [hbm4b:s5+s6], $0x80, s2, s6, $0xb8;
	[tilespmem:$0x4080] =	vst v63  }
0x24: {  	_ =	swait.ge [sflag:s7], $0x4000  }
0x25: {  	[sflag:s7] =	ssyncset.done $0x0  }
0x26: {  	[sflag:s7] =	ssyncadd.s32 $0xFFFFC000  }
0x27: {  	[hbm4b:s8+s2] =	stream.linear.scatter [tilespmem:s6], [sflag:$0x2], $0x4000, $0x38;
	[tilespmem:$0x4080] =	vst v63  }
0x28: {  	_ =	swait.ge [sflag:s3], $0x4000  }
0x29: {  	[sflag:s3] =	ssyncset.done $0x0  }
0x2a: {  	[sflag:s3] =	ssyncadd.s32 $0xFFFFC000  }
0x2b: {  	[tilespmem:s2], [sflag:$0x2] =	stream.linear.gather [hbm4b:s9+s2], $0x80, $0x38;
	[tilespmem:$0x4080] =	vst v63  }
0x2c: {  	_ =	swait.ge [sflag:s3], $0x80  }
0x2d: {  	[sflag:s3] =	ssyncset.done $0x0  }
0x2e: {  	[sflag:s3] =	ssyncadd.s32 $0xFFFFFF80  }
0x2f: {  	[tilespmem:s6], [sflag:$0x1] =	stream.indirect.gather [hbm4b:s5+s6], $0x80, s2, s6, $0xb8;
	[tilespmem:$0x4080] =	vst v63  }
0x30: {  	_ =	swait.ge [sflag:s7], $0x4000  }
.Ltmp1:
0x31: {  	[sflag:s7] =	ssyncset.done $0x0;
	(pc) =	sbr.rel @p0 .LBB2_1-.Ltmp1, $4  }
0x32: {  	[sflag:s7] =	ssyncadd.s32 $0xFFFFC000  }
0x33: {  	[hbm4b:s10+s2] =	stream.linear.scatter [tilespmem:s6], [sflag:$0x2], $0x4000, $0x38;
	[tilespmem:$0x4080] =	vst v63  }
0x34: {  	_ =	swait.ge [sflag:s3], $0x4000  }
0x35: {  	[sflag:s3] =	ssyncset.done $0x0  }
.LBB2_2:
0x36: {  	[sflag:s3] =	ssyncadd.s32 $0xFFFFC000  }
0x37: {  	_ =	sfence.sel $0x180000  }
0x38: {  	[bflag:$0x0] =	sbarrier.arrive $0xFFFF  }
0x39: {  	p0 =	sne.s32 s0, $0x0;
	_ =	strace $0x90000050  }
0x3a: {  	s0 =	sadd.s32 @!p0 $0x100000, s1;
	[bflag:$0x2] =	sbarrier.arrive $0xFFFF  }
0x3b: {  	[sflag:s0] =	ssyncadd.tile.s32 @!p0 $0x1;
	_ =	shalt  }
.Lfunc_end2:
_tile_overlayer_lowered:
.L_overlay_start_2:
0x3c: {  	(tag) =	ssettag $0x2  }
0x3d: {  	s0 =	rddreg [dreg:$0x0];
	s2 =	stileid.u32  }
0x3e: {  	s1 =	rddreg [dreg:$0x1];
	p0 =	sne.s32 s2, $0x0  }
0x3f: {  	s3 =	rddreg [dreg:$0x2];
	[bflag:$0x3] =	sbarrier.arrive $0xFFFF;
	s2 =	simm.s32 @!p0 $0x1C02  }
0x40: {  	[timem:s3], [sflag:s2] =	dma.local @!p0 [hbm:s0], s1  }
0x41: {  	s0 =	simm.s32 @!p0 $0x2  }
0x42: {  	_ =	swait.ge @!p0 [sflag:s0], s1  }
0x43: {  	s1 =	ssub.s32 @!p0 $0x0, s1;
	[sflag:s0] =	ssyncset.done @!p0 $0x0  }
0x44: {  	[sflag:s0] =	ssyncadd.s32 @!p0 s1  }
0x45: {  	[bflag:$0x3] =	sbarrier.arrive $0xFFFF  }
0x46: {  	_ =	shalt  }

</sc_bundles>
